<compile_context>
chip_gen: v7x
topology: tpu7x:2x2x1
jax: 0.10.2.dev20260603
libtpu: 0.0.44.dev20260713+nightly
codegen_flags: <defaults>
</compile_context>

<pallas_src>
import functools

import jax
import jax.numpy as jnp
from jax import lax
from jax.experimental import pallas as pl
from jax.experimental.pallas import tpu as pltpu
from jax.experimental.pallas import tpu_sc as plsc

NC = 2
NS = 16
NW = NC * NS
LANES = 16
EPS = 1e-5
NBUF = 4


@functools.partial(jax.jit, static_argnums=(5, 6))
def _sc_embed_ln(ids3d, tok_table, pos_table, gamma, beta, seq, chunk):
    _, n_chunks, _ = ids3d.shape
    rows = NW * n_chunks * chunk
    hidden = tok_table.shape[1]
    rows_pw = rows // NW
    nslice = hidden // LANES
    mesh = plsc.VectorSubcoreMesh(
        core_axis_name="c", subcore_axis_name="s", num_cores=NC, num_subcores=NS
    )

    @functools.partial(
        pl.kernel,
        out_type=jax.ShapeDtypeStruct((rows, hidden), jnp.float32),
        mesh=mesh,
        compiler_params=pltpu.CompilerParams(needs_layout_passes=False),
        scratch_types=[
            pltpu.VMEM((n_chunks, chunk), jnp.int32),
            pltpu.VMEM((NBUF * chunk, hidden), jnp.float32),
            pltpu.VMEM((NBUF * chunk, hidden), jnp.float32),
            pltpu.VMEM((hidden,), jnp.float32),
            pltpu.VMEM((hidden,), jnp.float32),
            pltpu.VMEM((chunk, LANES), jnp.float32),
            pltpu.VMEM((chunk, LANES), jnp.float32),
            pltpu.SemaphoreType.DMA((NBUF,)),
            pltpu.SemaphoreType.DMA((NBUF,)),
            pltpu.SemaphoreType.DMA((NBUF,)),
        ],
    )
    def run(ids_hbm, tok_hbm, pos_hbm, gamma_hbm, beta_hbm, out_hbm,
            idx_v, buf_v, pos_v, g_v, b_v, sc_v, sh_v, gsem, psem, osem):
        cid = lax.axis_index("c")
        sid = lax.axis_index("s")
        wid = sid * NC + cid
        row0 = wid * rows_pw
        s0 = row0 % seq

        pltpu.sync_copy(ids_hbm.at[wid], idx_v)
        pltpu.sync_copy(gamma_hbm, g_v)
        pltpu.sync_copy(beta_hbm, b_v)

        def issue_in(c):
            q = lax.rem(c, NBUF)
            sl = pl.ds(q * chunk, chunk)
            pltpu.async_copy(tok_hbm.at[idx_v.at[c]], buf_v.at[sl], gsem.at[q])
            pltpu.async_copy(
                pos_hbm.at[pl.ds(s0 + c * chunk, chunk)], pos_v.at[sl], psem.at[q]
            )

        def wait_in(q):
            sl = pl.ds(q * chunk, chunk)
            pltpu.make_async_copy(
                tok_hbm.at[pl.ds(0, chunk)], buf_v.at[sl], gsem.at[q]
            ).wait()
            pltpu.make_async_copy(
                pos_hbm.at[pl.ds(0, chunk)], pos_v.at[sl], psem.at[q]
            ).wait()

        def wait_out(q):
            pltpu.make_async_copy(
                buf_v.at[pl.ds(q * chunk, chunk)],
                out_hbm.at[pl.ds(0, chunk)],
                osem.at[q],
            ).wait()

        nsec = 3
        sec_slices = nslice // nsec

        def compute(base):
            @plsc.parallel_loop(0, chunk, 1, unroll=2)
            def row_body(rr):
                r = base + rr
                acc = jnp.zeros((LANES,), jnp.float32)
                acc2 = jnp.zeros((LANES,), jnp.float32)
                for s in range(nslice):
                    sl = pl.ds(s * LANES, LANES)
                    x = buf_v[r, sl] + pos_v[r, sl]
                    buf_v[r, sl] = x
                    acc = acc + x
                    acc2 = acc2 + x * x
                tot = plsc.cumsum(acc)[LANES - 1]
                tot2 = plsc.cumsum(acc2)[LANES - 1]
                rhidden = jnp.float32(1.0 / hidden)
                mean = tot * rhidden
                var = tot2 * rhidden - mean * mean
                v = var + EPS
                i = lax.bitcast_convert_type(v, jnp.int32)
                y = lax.bitcast_convert_type(
                    jnp.int32(0x5F3759DF) - (i >> 1), jnp.float32
                )
                for _ in range(3):
                    y = y * (1.5 - 0.5 * v * y * y)
                sc_v[rr, :] = jnp.full((LANES,), y)
                sh_v[rr, :] = jnp.full((LANES,), -mean * y)

            for sec in range(nsec):
                gs = [g_v[pl.ds((sec * sec_slices + s) * LANES, LANES)]
                      for s in range(sec_slices)]
                bs = [b_v[pl.ds((sec * sec_slices + s) * LANES, LANES)]
                      for s in range(sec_slices)]

                @plsc.parallel_loop(0, chunk, 1, unroll=2)
                def aff_body(rr):
                    r = base + rr
                    scale = sc_v[rr, :]
                    shift = sh_v[rr, :]
                    for s in range(sec_slices):
                        sl = pl.ds((sec * sec_slices + s) * LANES, LANES)
                        x = buf_v[r, sl]
                        buf_v[r, sl] = (x * scale + shift) * gs[s] + bs[s]

        for c in range(NBUF - 1):
            issue_in(c)

        def chunk_body(c, carry):
            q = lax.rem(c, NBUF)
            wait_in(q)
            compute(q * chunk)
            pltpu.async_copy(
                buf_v.at[pl.ds(q * chunk, chunk)],
                out_hbm.at[pl.ds(row0 + c * chunk, chunk)],
                osem.at[q],
            )
            nxt = c + NBUF - 1
            qn = lax.rem(nxt, NBUF)

            @pl.when(nxt < n_chunks)
            def _():
                @pl.when(c >= 1)
                def _():
                    wait_out(qn)

                issue_in(nxt)

            return carry

        lax.fori_loop(0, n_chunks, chunk_body, 0)

        for q in range(NBUF):
            wait_out(q)

    return run(ids3d, tok_table, pos_table, gamma, beta)


def kernel(token_ids, tok_table, pos_table, gamma, beta):
    batch, seq = token_ids.shape
    hidden = tok_table.shape[1]
    chunk = 16
    rows_pw = batch * seq // NW
    ids3d = token_ids.reshape(NW, rows_pw // chunk, chunk).astype(jnp.int32)
    out = _sc_embed_ln(ids3d, tok_table, pos_table, gamma, beta, seq, chunk)
    return out.reshape(batch, seq, hidden)

# --- scband reference (transcript-rebuilt; emitter-appended) ---
"""Pipeline reference for scband-embeddings-36137854828966 (READ-ONLY COPY).

The authoritative reference and input builder live on the scoring server;
editing this copy changes nothing except your own understanding.
"""

import jax, jax.numpy as jnp
import numpy as np

VOCAB = 100000
HIDDEN = 768
MAX_POS = 8192
BATCH = 4
SEQ = 8192

def setup_inputs(seed: int = 0) -> dict:
    key = jax.random.key(seed)
    k1, k2, k3 = jax.random.split(key, 3)
    token_ids = jax.random.randint(k1, (BATCH, SEQ), 0, VOCAB, dtype=jnp.int64 if jax.config.jax_enable_x64 else jnp.int32)
    tok_table = jax.random.normal(k2, (VOCAB, HIDDEN), dtype=jnp.float32) * 0.02
    pos_table = jax.random.normal(k3, (MAX_POS, HIDDEN), dtype=jnp.float32) * 0.02
    gamma = jnp.ones((HIDDEN,), dtype=jnp.float32)
    beta = jnp.zeros((HIDDEN,), dtype=jnp.float32)
    return {"token_ids": token_ids, "tok_table": tok_table, "pos_table": pos_table, "gamma": gamma, "beta": beta}

def reference(token_ids, tok_table, pos_table, gamma, beta):
    seq_len = token_ids.shape[-1]
    position_ids = jnp.arange(seq_len)[None, :]
    token_embeddings = jnp.take(tok_table, token_ids, axis=0)
    positional_embeddings = jnp.take(pos_table, position_ids, axis=0)
    embeddings = token_embeddings + positional_embeddings
    mean = jnp.mean(embeddings, axis=-1, keepdims=True)
    var = jnp.var(embeddings, axis=-1, keepdims=True)
    normed = (embeddings - mean) / jnp.sqrt(var + 1e-5)
    out = normed * gamma + beta
    # dropout is identity in eval mode
    return out

if __name__ == "__main__":
    import jax
    _d = setup_inputs()
    print(jax.jit(kernel)(*tuple(_d.values())))

</pallas_src>

<mosaic_0001>
#map = affine_map<(d0, d1) -> (0, 0, 0)>
#map1 = affine_map<(d0, d1) -> (0, 0)>
#map2 = affine_map<(d0, d1) -> (0)>
module attributes {stable_mosaic.version = 14 : i64} {
  func.func @run(%arg0: i32, %arg1: i32, %arg2: memref<32x64x16xi32, #tpu.memory_space<hbm>>, %arg3: memref<100000x768xf32, #tpu.memory_space<hbm>>, %arg4: memref<8192x768xf32, #tpu.memory_space<hbm>>, %arg5: memref<768xf32, #tpu.memory_space<hbm>>, %arg6: memref<768xf32, #tpu.memory_space<hbm>>, %arg7: memref<32768x768xf32, #tpu.memory_space<hbm>>, %arg8: memref<64x16xi32, #tpu.memory_space<vmem>>, %arg9: memref<64x768xf32, #tpu.memory_space<vmem>>, %arg10: memref<64x768xf32, #tpu.memory_space<vmem>>, %arg11: memref<768xf32, #tpu.memory_space<vmem>>, %arg12: memref<768xf32, #tpu.memory_space<vmem>>, %arg13: memref<16x16xf32, #tpu.memory_space<vmem>>, %arg14: memref<16x16xf32, #tpu.memory_space<vmem>>, %arg15: memref<4x!tpu.dma_semaphore, #tpu.memory_space<semaphore_mem>>, %arg16: memref<4x!tpu.dma_semaphore, #tpu.memory_space<semaphore_mem>>, %arg17: memref<4x!tpu.dma_semaphore, #tpu.memory_space<semaphore_mem>>) attributes {dimension_semantics = [#tpu.dimension_semantics<core_parallel>, #tpu.dimension_semantics<subcore_parallel>], iteration_bounds = array<i64: 2, 16>, scalar_prefetch = 0 : i64, scratch_operands = 10 : i64, tpu.core_type = #tpu.core_type<sc_vector_subcore>, window_params = [{transform_indices = #map}, {transform_indices = #map1}, {transform_indices = #map1}, {transform_indices = #map2}, {transform_indices = #map2}, {transform_indices = #map1}]} {
    %mul3A = arith.constant 2 : i32
    %mul3A_0 = arith.muli %arg1, %mul3A : i32
    %add3A = arith.addi %mul3A_0, %arg0 : i32
    %mul3A_1 = arith.constant 1024 : i32
    %mul3A_2 = arith.muli %add3A, %mul3A_1 : i32
    %jit3A = arith.constant 8192 : i32
    %eq3A = arith.constant 0 : i32
    %eq3A_3 = arith.cmpi eq, %jit3A, %eq3A : i32
    %jit3A_4 = arith.constant 1 : i32
    %select_n3A = arith.select %eq3A_3, %jit3A_4, %jit3A : i32
    %rem3A = arith.remsi %mul3A_2, %select_n3A : i32
    %ne3A = arith.constant 0 : i32
    %ne3A_5 = arith.cmpi ne, %rem3A, %ne3A : i32
    %lt3A = arith.constant 0 : i32
    %lt3A_6 = arith.cmpi slt, %rem3A, %lt3A : i32
    %lt3A_7 = arith.constant 0 : i32
    %lt3A_8 = arith.cmpi slt, %select_n3A, %lt3A_7 : i32
    %ne3A_9 = arith.xori %lt3A_6, %lt3A_8 : i1
    %and3A = arith.andi %ne3A_9, %ne3A_5 : i1
    %add3A_10 = arith.addi %rem3A, %select_n3A : i32
    %select_n3A_11 = arith.select %and3A, %add3A_10, %rem3A : i32
    "tpu.region"() ({
      %run_scoped3A = tpu.sem_alloc : memref<!tpu.dma_semaphore, #tpu.memory_space<semaphore_mem>>
      %dma_start3A_159 = arith.constant 0 : i32
      %dma_start3A_160 = arith.constant 0 : i32
      %dma_start3A_161 = tpu.memref_slice %arg2[%add3A, %dma_start3A_159, %dma_start3A_160] : memref<32x64x16xi32, #tpu.memory_space<hbm>> -> memref<1x64x16xi32, #tpu.memory_space<hbm>>
      %dma_start3A_162 = tpu.memref_squeeze %dma_start3A_161 : memref<1x64x16xi32, #tpu.memory_space<hbm>> -> memref<64x16xi32, #tpu.memory_space<hbm>>
      %dma_start3A_163 = arith.constant 0 : i32
      %dma_start3A_164 = arith.constant 0 : i32
      %dma_start3A_165 = tpu.memref_slice %arg2[%add3A, %dma_start3A_163, %dma_start3A_164] : memref<32x64x16xi32, #tpu.memory_space<hbm>> -> memref<1x64x16xi32, #tpu.memory_space<hbm>>
      %dma_start3A_166 = tpu.memref_squeeze %dma_start3A_165 : memref<1x64x16xi32, #tpu.memory_space<hbm>> -> memref<64x16xi32, #tpu.memory_space<hbm>>
      tpu.enqueue_dma source(%dma_start3A_166 : memref<64x16xi32, #tpu.memory_space<hbm>>) target(%arg8 : memref<64x16xi32, #tpu.memory_space<vmem>>) target_semaphore(%run_scoped3A : memref<!tpu.dma_semaphore, #tpu.memory_space<semaphore_mem>>)
      %dma_wait3A_167 = arith.constant 0 : i32
      %dma_wait3A_168 = arith.constant 0 : i32
      %dma_wait3A_169 = tpu.memref_slice %arg2[%add3A, %dma_wait3A_167, %dma_wait3A_168] : memref<32x64x16xi32, #tpu.memory_space<hbm>> -> memref<1x64x16xi32, #tpu.memory_space<hbm>>
      %dma_wait3A_170 = tpu.memref_squeeze %dma_wait3A_169 : memref<1x64x16xi32, #tpu.memory_space<hbm>> -> memref<64x16xi32, #tpu.memory_space<hbm>>
      %dma_wait3A_171 = arith.constant 0 : i32
      %dma_wait3A_172 = arith.constant 0 : i32
      %dma_wait3A_173 = tpu.memref_slice %arg2[%add3A, %dma_wait3A_171, %dma_wait3A_172] : memref<32x64x16xi32, #tpu.memory_space<hbm>> -> memref<1x64x16xi32, #tpu.memory_space<hbm>>
      %dma_wait3A_174 = tpu.memref_squeeze %dma_wait3A_173 : memref<1x64x16xi32, #tpu.memory_space<hbm>> -> memref<64x16xi32, #tpu.memory_space<hbm>>
      tpu.wait_dma2 semaphore(%run_scoped3A : memref<!tpu.dma_semaphore, #tpu.memory_space<semaphore_mem>>) src(%dma_wait3A_174 : memref<64x16xi32, #tpu.memory_space<hbm>>) dst(%arg8 : memref<64x16xi32, #tpu.memory_space<vmem>>)
      tpu.yield
    }) : () -> ()
    "tpu.region"() ({
      %run_scoped3A = tpu.sem_alloc : memref<!tpu.dma_semaphore, #tpu.memory_space<semaphore_mem>>
      tpu.enqueue_dma source(%arg5 : memref<768xf32, #tpu.memory_space<hbm>>) target(%arg11 : memref<768xf32, #tpu.memory_space<vmem>>) target_semaphore(%run_scoped3A : memref<!tpu.dma_semaphore, #tpu.memory_space<semaphore_mem>>)
      tpu.wait_dma2 semaphore(%run_scoped3A : memref<!tpu.dma_semaphore, #tpu.memory_space<semaphore_mem>>) src(%arg5 : memref<768xf32, #tpu.memory_space<hbm>>) dst(%arg11 : memref<768xf32, #tpu.memory_space<vmem>>)
      tpu.yield
    }) : () -> ()
    "tpu.region"() ({
      %run_scoped3A = tpu.sem_alloc : memref<!tpu.dma_semaphore, #tpu.memory_space<semaphore_mem>>
      tpu.enqueue_dma source(%arg6 : memref<768xf32, #tpu.memory_space<hbm>>) target(%arg12 : memref<768xf32, #tpu.memory_space<vmem>>) target_semaphore(%run_scoped3A : memref<!tpu.dma_semaphore, #tpu.memory_space<semaphore_mem>>)
      tpu.wait_dma2 semaphore(%run_scoped3A : memref<!tpu.dma_semaphore, #tpu.memory_space<semaphore_mem>>) src(%arg6 : memref<768xf32, #tpu.memory_space<hbm>>) dst(%arg12 : memref<768xf32, #tpu.memory_space<vmem>>)
      tpu.yield
    }) : () -> ()
    %rem3A_12 = arith.constant 0 : i32
    %rem3A_13 = arith.constant 4 : i32
    %rem3A_14 = arith.remsi %rem3A_12, %rem3A_13 : i32
    %mul3A_15 = arith.constant 16 : i32
    %mul3A_16 = arith.muli %rem3A_14, %mul3A_15 : i32
    %dma_start3A = arith.constant 0 : i32
    %dma_start3A_17 = arith.constant 0 : i32
    %dma_start3A_18 = tpu.memref_slice %arg9[%mul3A_16, %dma_start3A_17] : memref<64x768xf32, #tpu.memory_space<vmem>> -> memref<16x768xf32, #tpu.memory_space<vmem>>
    %dma_start3A_19 = arith.constant 0 : i32
    %dma_start3A_20 = tpu.memref_slice %arg8[%dma_start3A, %dma_start3A_19] : memref<64x16xi32, #tpu.memory_space<vmem>> -> memref<1x16xi32, #tpu.memory_space<vmem>>
    %dma_start3A_21 = tpu.memref_squeeze %dma_start3A_20 : memref<1x16xi32, #tpu.memory_space<vmem>> -> memref<16xi32, #tpu.memory_space<vmem>>
    %dma_start3A_22 = arith.constant 0 : i32
    %dma_start3A_23 = arith.constant 0 : i32
    %dma_start3A_24 = tpu.memref_slice %arg3[%dma_start3A_22, %dma_start3A_23] : memref<100000x768xf32, #tpu.memory_space<hbm>> -> memref<100000x768xf32, #tpu.memory_space<hbm>>
    %dma_start3A_25 = tpu.memref_slice %arg15[%rem3A_14] : memref<4x!tpu.dma_semaphore, #tpu.memory_space<semaphore_mem>> -> memref<1x!tpu.dma_semaphore, #tpu.memory_space<semaphore_mem>>
    %dma_start3A_26 = tpu.memref_squeeze %dma_start3A_25 : memref<1x!tpu.dma_semaphore, #tpu.memory_space<semaphore_mem>> -> memref<!tpu.dma_semaphore, #tpu.memory_space<semaphore_mem>>
    tpu.enqueue_indirect_dma source(%dma_start3A_24 : memref<100000x768xf32, #tpu.memory_space<hbm>>) target(%dma_start3A_18 : memref<16x768xf32, #tpu.memory_space<vmem>>) offsets(%dma_start3A_21 : memref<16xi32, #tpu.memory_space<vmem>>) semaphore(%dma_start3A_26 : memref<!tpu.dma_semaphore, #tpu.memory_space<semaphore_mem>>)
    %add3A_27 = arith.constant 0 : i32
    %add3A_28 = arith.addi %select_n3A_11, %add3A_27 : i32
    %dma_start3A_29 = arith.constant 0 : i32
    %dma_start3A_30 = tpu.memref_slice %arg10[%mul3A_16, %dma_start3A_29] : memref<64x768xf32, #tpu.memory_space<vmem>> -> memref<16x768xf32, #tpu.memory_space<vmem>>
    %dma_start3A_31 = arith.constant 0 : i32
    %dma_start3A_32 = tpu.memref_slice %arg4[%add3A_28, %dma_start3A_31] : memref<8192x768xf32, #tpu.memory_space<hbm>> -> memref<16x768xf32, #tpu.memory_space<hbm>>
    %dma_start3A_33 = tpu.memref_slice %arg16[%rem3A_14] : memref<4x!tpu.dma_semaphore, #tpu.memory_space<semaphore_mem>> -> memref<1x!tpu.dma_semaphore, #tpu.memory_space<semaphore_mem>>
    %dma_start3A_34 = tpu.memref_squeeze %dma_start3A_33 : memref<1x!tpu.dma_semaphore, #tpu.memory_space<semaphore_mem>> -> memref<!tpu.dma_semaphore, #tpu.memory_space<semaphore_mem>>
    %dma_start3A_35 = arith.constant 0 : i32
    %dma_start3A_36 = tpu.memref_slice %arg10[%mul3A_16, %dma_start3A_35] : memref<64x768xf32, #tpu.memory_space<vmem>> -> memref<16x768xf32, #tpu.memory_space<vmem>>
    %dma_start3A_37 = arith.constant 0 : i32
    %dma_start3A_38 = tpu.memref_slice %arg4[%add3A_28, %dma_start3A_37] : memref<8192x768xf32, #tpu.memory_space<hbm>> -> memref<16x768xf32, #tpu.memory_space<hbm>>
    tpu.enqueue_dma source(%dma_start3A_38 : memref<16x768xf32, #tpu.memory_space<hbm>>) target(%dma_start3A_36 : memref<16x768xf32, #tpu.memory_space<vmem>>) target_semaphore(%dma_start3A_34 : memref<!tpu.dma_semaphore, #tpu.memory_space<semaphore_mem>>)
    %rem3A_39 = arith.constant 1 : i32
    %rem3A_40 = arith.constant 4 : i32
    %rem3A_41 = arith.remsi %rem3A_39, %rem3A_40 : i32
    %mul3A_42 = arith.constant 16 : i32
    %mul3A_43 = arith.muli %rem3A_41, %mul3A_42 : i32
    %dma_start3A_44 = arith.constant 1 : i32
    %dma_start3A_45 = arith.constant 0 : i32
    %dma_start3A_46 = tpu.memref_slice %arg9[%mul3A_43, %dma_start3A_45] : memref<64x768xf32, #tpu.memory_space<vmem>> -> memref<16x768xf32, #tpu.memory_space<vmem>>
    %dma_start3A_47 = arith.constant 0 : i32
    %dma_start3A_48 = tpu.memref_slice %arg8[%dma_start3A_44, %dma_start3A_47] : memref<64x16xi32, #tpu.memory_space<vmem>> -> memref<1x16xi32, #tpu.memory_space<vmem>>
    %dma_start3A_49 = tpu.memref_squeeze %dma_start3A_48 : memref<1x16xi32, #tpu.memory_space<vmem>> -> memref<16xi32, #tpu.memory_space<vmem>>
    %dma_start3A_50 = arith.constant 0 : i32
    %dma_start3A_51 = arith.constant 0 : i32
    %dma_start3A_52 = tpu.memref_slice %arg3[%dma_start3A_50, %dma_start3A_51] : memref<100000x768xf32, #tpu.memory_space<hbm>> -> memref<100000x768xf32, #tpu.memory_space<hbm>>
    %dma_start3A_53 = tpu.memref_slice %arg15[%rem3A_41] : memref<4x!tpu.dma_semaphore, #tpu.memory_space<semaphore_mem>> -> memref<1x!tpu.dma_semaphore, #tpu.memory_space<semaphore_mem>>
    %dma_start3A_54 = tpu.memref_squeeze %dma_start3A_53 : memref<1x!tpu.dma_semaphore, #tpu.memory_space<semaphore_mem>> -> memref<!tpu.dma_semaphore, #tpu.memory_space<semaphore_mem>>
    tpu.enqueue_indirect_dma source(%dma_start3A_52 : memref<100000x768xf32, #tpu.memory_space<hbm>>) target(%dma_start3A_46 : memref<16x768xf32, #tpu.memory_space<vmem>>) offsets(%dma_start3A_49 : memref<16xi32, #tpu.memory_space<vmem>>) semaphore(%dma_start3A_54 : memref<!tpu.dma_semaphore, #tpu.memory_space<semaphore_mem>>)
    %add3A_55 = arith.constant 16 : i32
    %add3A_56 = arith.addi %select_n3A_11, %add3A_55 : i32
    %dma_start3A_57 = arith.constant 0 : i32
    %dma_start3A_58 = tpu.memref_slice %arg10[%mul3A_43, %dma_start3A_57] : memref<64x768xf32, #tpu.memory_space<vmem>> -> memref<16x768xf32, #tpu.memory_space<vmem>>
    %dma_start3A_59 = arith.constant 0 : i32
    %dma_start3A_60 = tpu.memref_slice %arg4[%add3A_56, %dma_start3A_59] : memref<8192x768xf32, #tpu.memory_space<hbm>> -> memref<16x768xf32, #tpu.memory_space<hbm>>
    %dma_start3A_61 = tpu.memref_slice %arg16[%rem3A_41] : memref<4x!tpu.dma_semaphore, #tpu.memory_space<semaphore_mem>> -> memref<1x!tpu.dma_semaphore, #tpu.memory_space<semaphore_mem>>
    %dma_start3A_62 = tpu.memref_squeeze %dma_start3A_61 : memref<1x!tpu.dma_semaphore, #tpu.memory_space<semaphore_mem>> -> memref<!tpu.dma_semaphore, #tpu.memory_space<semaphore_mem>>
    %dma_start3A_63 = arith.constant 0 : i32
    %dma_start3A_64 = tpu.memref_slice %arg10[%mul3A_43, %dma_start3A_63] : memref<64x768xf32, #tpu.memory_space<vmem>> -> memref<16x768xf32, #tpu.memory_space<vmem>>
    %dma_start3A_65 = arith.constant 0 : i32
    %dma_start3A_66 = tpu.memref_slice %arg4[%add3A_56, %dma_start3A_65] : memref<8192x768xf32, #tpu.memory_space<hbm>> -> memref<16x768xf32, #tpu.memory_space<hbm>>
    tpu.enqueue_dma source(%dma_start3A_66 : memref<16x768xf32, #tpu.memory_space<hbm>>) target(%dma_start3A_64 : memref<16x768xf32, #tpu.memory_space<vmem>>) target_semaphore(%dma_start3A_62 : memref<!tpu.dma_semaphore, #tpu.memory_space<semaphore_mem>>)
    %rem3A_67 = arith.constant 2 : i32
    %rem3A_68 = arith.constant 4 : i32
    %rem3A_69 = arith.remsi %rem3A_67, %rem3A_68 : i32
    %mul3A_70 = arith.constant 16 : i32
    %mul3A_71 = arith.muli %rem3A_69, %mul3A_70 : i32
    %dma_start3A_72 = arith.constant 2 : i32
    %dma_start3A_73 = arith.constant 0 : i32
    %dma_start3A_74 = tpu.memref_slice %arg9[%mul3A_71, %dma_start3A_73] : memref<64x768xf32, #tpu.memory_space<vmem>> -> memref<16x768xf32, #tpu.memory_space<vmem>>
    %dma_start3A_75 = arith.constant 0 : i32
    %dma_start3A_76 = tpu.memref_slice %arg8[%dma_start3A_72, %dma_start3A_75] : memref<64x16xi32, #tpu.memory_space<vmem>> -> memref<1x16xi32, #tpu.memory_space<vmem>>
    %dma_start3A_77 = tpu.memref_squeeze %dma_start3A_76 : memref<1x16xi32, #tpu.memory_space<vmem>> -> memref<16xi32, #tpu.memory_space<vmem>>
    %dma_start3A_78 = arith.constant 0 : i32
    %dma_start3A_79 = arith.constant 0 : i32
    %dma_start3A_80 = tpu.memref_slice %arg3[%dma_start3A_78, %dma_start3A_79] : memref<100000x768xf32, #tpu.memory_space<hbm>> -> memref<100000x768xf32, #tpu.memory_space<hbm>>
    %dma_start3A_81 = tpu.memref_slice %arg15[%rem3A_69] : memref<4x!tpu.dma_semaphore, #tpu.memory_space<semaphore_mem>> -> memref<1x!tpu.dma_semaphore, #tpu.memory_space<semaphore_mem>>
    %dma_start3A_82 = tpu.memref_squeeze %dma_start3A_81 : memref<1x!tpu.dma_semaphore, #tpu.memory_space<semaphore_mem>> -> memref<!tpu.dma_semaphore, #tpu.memory_space<semaphore_mem>>
    tpu.enqueue_indirect_dma source(%dma_start3A_80 : memref<100000x768xf32, #tpu.memory_space<hbm>>) target(%dma_start3A_74 : memref<16x768xf32, #tpu.memory_space<vmem>>) offsets(%dma_start3A_77 : memref<16xi32, #tpu.memory_space<vmem>>) semaphore(%dma_start3A_82 : memref<!tpu.dma_semaphore, #tpu.memory_space<semaphore_mem>>)
    %add3A_83 = arith.constant 32 : i32
    %add3A_84 = arith.addi %select_n3A_11, %add3A_83 : i32
    %dma_start3A_85 = arith.constant 0 : i32
    %dma_start3A_86 = tpu.memref_slice %arg10[%mul3A_71, %dma_start3A_85] : memref<64x768xf32, #tpu.memory_space<vmem>> -> memref<16x768xf32, #tpu.memory_space<vmem>>
    %dma_start3A_87 = arith.constant 0 : i32
    %dma_start3A_88 = tpu.memref_slice %arg4[%add3A_84, %dma_start3A_87] : memref<8192x768xf32, #tpu.memory_space<hbm>> -> memref<16x768xf32, #tpu.memory_space<hbm>>
    %dma_start3A_89 = tpu.memref_slice %arg16[%rem3A_69] : memref<4x!tpu.dma_semaphore, #tpu.memory_space<semaphore_mem>> -> memref<1x!tpu.dma_semaphore, #tpu.memory_space<semaphore_mem>>
    %dma_start3A_90 = tpu.memref_squeeze %dma_start3A_89 : memref<1x!tpu.dma_semaphore, #tpu.memory_space<semaphore_mem>> -> memref<!tpu.dma_semaphore, #tpu.memory_space<semaphore_mem>>
    %dma_start3A_91 = arith.constant 0 : i32
    %dma_start3A_92 = tpu.memref_slice %arg10[%mul3A_71, %dma_start3A_91] : memref<64x768xf32, #tpu.memory_space<vmem>> -> memref<16x768xf32, #tpu.memory_space<vmem>>
    %dma_start3A_93 = arith.constant 0 : i32
    %dma_start3A_94 = tpu.memref_slice %arg4[%add3A_84, %dma_start3A_93] : memref<8192x768xf32, #tpu.memory_space<hbm>> -> memref<16x768xf32, #tpu.memory_space<hbm>>
    tpu.enqueue_dma source(%dma_start3A_94 : memref<16x768xf32, #tpu.memory_space<hbm>>) target(%dma_start3A_92 : memref<16x768xf32, #tpu.memory_space<vmem>>) target_semaphore(%dma_start3A_90 : memref<!tpu.dma_semaphore, #tpu.memory_space<semaphore_mem>>)
    %scan3A = arith.constant 0 : i32
    %scan3A_95 = arith.constant 0 : i32
    %scan3A_96 = arith.constant 64 : i32
    %scan3A_97 = arith.addi %scan3A_95, %scan3A_96 : i32
    %scan3A_98 = arith.constant 1 : i32
    scf.for %scan3A_159 = %scan3A_95 to %scan3A_97 step %scan3A_98  : i32 {
      %rem3A_160 = arith.constant 4 : i32
      %rem3A_161 = arith.remsi %scan3A_159, %rem3A_160 : i32
      %mul3A_162 = arith.constant 16 : i32
      %mul3A_163 = arith.muli %rem3A_161, %mul3A_162 : i32
      %dma_wait3A_164 = arith.constant 0 : i32
      %dma_wait3A_165 = tpu.memref_slice %arg9[%mul3A_163, %dma_wait3A_164] : memref<64x768xf32, #tpu.memory_space<vmem>> -> memref<16x768xf32, #tpu.memory_space<vmem>>
      %dma_wait3A_166 = arith.constant 0 : i32
      %dma_wait3A_167 = arith.constant 0 : i32
      %dma_wait3A_168 = tpu.memref_slice %arg3[%dma_wait3A_166, %dma_wait3A_167] : memref<100000x768xf32, #tpu.memory_space<hbm>> -> memref<16x768xf32, #tpu.memory_space<hbm>>
      %dma_wait3A_169 = tpu.memref_slice %arg15[%rem3A_161] : memref<4x!tpu.dma_semaphore, #tpu.memory_space<semaphore_mem>> -> memref<1x!tpu.dma_semaphore, #tpu.memory_space<semaphore_mem>>
      %dma_wait3A_170 = tpu.memref_squeeze %dma_wait3A_169 : memref<1x!tpu.dma_semaphore, #tpu.memory_space<semaphore_mem>> -> memref<!tpu.dma_semaphore, #tpu.memory_space<semaphore_mem>>
      %dma_wait3A_171 = arith.constant 0 : i32
      %dma_wait3A_172 = tpu.memref_slice %arg9[%mul3A_163, %dma_wait3A_171] : memref<64x768xf32, #tpu.memory_space<vmem>> -> memref<16x768xf32, #tpu.memory_space<vmem>>
      %dma_wait3A_173 = arith.constant 0 : i32
      %dma_wait3A_174 = arith.constant 0 : i32
      %dma_wait3A_175 = tpu.memref_slice %arg3[%dma_wait3A_173, %dma_wait3A_174] : memref<100000x768xf32, #tpu.memory_space<hbm>> -> memref<16x768xf32, #tpu.memory_space<hbm>>
      tpu.wait_dma2 semaphore(%dma_wait3A_170 : memref<!tpu.dma_semaphore, #tpu.memory_space<semaphore_mem>>) src(%dma_wait3A_175 : memref<16x768xf32, #tpu.memory_space<hbm>>) dst(%dma_wait3A_172 : memref<16x768xf32, #tpu.memory_space<vmem>>)
      %dma_wait3A_176 = arith.constant 0 : i32
      %dma_wait3A_177 = tpu.memref_slice %arg10[%mul3A_163, %dma_wait3A_176] : memref<64x768xf32, #tpu.memory_space<vmem>> -> memref<16x768xf32, #tpu.memory_space<vmem>>
      %dma_wait3A_178 = arith.constant 0 : i32
      %dma_wait3A_179 = arith.constant 0 : i32
      %dma_wait3A_180 = tpu.memref_slice %arg4[%dma_wait3A_178, %dma_wait3A_179] : memref<8192x768xf32, #tpu.memory_space<hbm>> -> memref<16x768xf32, #tpu.memory_space<hbm>>
      %dma_wait3A_181 = tpu.memref_slice %arg16[%rem3A_161] : memref<4x!tpu.dma_semaphore, #tpu.memory_space<semaphore_mem>> -> memref<1x!tpu.dma_semaphore, #tpu.memory_space<semaphore_mem>>
      %dma_wait3A_182 = tpu.memref_squeeze %dma_wait3A_181 : memref<1x!tpu.dma_semaphore, #tpu.memory_space<semaphore_mem>> -> memref<!tpu.dma_semaphore, #tpu.memory_space<semaphore_mem>>
      %dma_wait3A_183 = arith.constant 0 : i32
      %dma_wait3A_184 = tpu.memref_slice %arg10[%mul3A_163, %dma_wait3A_183] : memref<64x768xf32, #tpu.memory_space<vmem>> -> memref<16x768xf32, #tpu.memory_space<vmem>>
      %dma_wait3A_185 = arith.constant 0 : i32
      %dma_wait3A_186 = arith.constant 0 : i32
      %dma_wait3A_187 = tpu.memref_slice %arg4[%dma_wait3A_185, %dma_wait3A_186] : memref<8192x768xf32, #tpu.memory_space<hbm>> -> memref<16x768xf32, #tpu.memory_space<hbm>>
      tpu.wait_dma2 semaphore(%dma_wait3A_182 : memref<!tpu.dma_semaphore, #tpu.memory_space<semaphore_mem>>) src(%dma_wait3A_187 : memref<16x768xf32, #tpu.memory_space<hbm>>) dst(%dma_wait3A_184 : memref<16x768xf32, #tpu.memory_space<vmem>>)
      %mul3A_188 = arith.constant 16 : i32
      %mul3A_189 = arith.muli %rem3A_161, %mul3A_188 : i32
      %parallel_loop3A = arith.constant 0 : i32
      %parallel_loop3A_190 = arith.constant 16 : i32
      %parallel_loop3A_191 = arith.constant 1 : i32
      scf.for %parallel_loop3A_415 = %parallel_loop3A to %parallel_loop3A_190 step %parallel_loop3A_191  : i32 {
        %parallel_loop3A_416 = arith.addi %mul3A_189, %parallel_loop3A_415 : i32
        %parallel_loop3A_417 = arith.constant 0.000000e+00 : f32
        %parallel_loop3A_418 = vector.broadcast %parallel_loop3A_417 : f32 to vector<16xf32>
        %parallel_loop3A_419 = arith.constant 0.000000e+00 : f32
        %parallel_loop3A_420 = vector.broadcast %parallel_loop3A_419 : f32 to vector<16xf32>
        %parallel_loop3A_421 = arith.index_cast %parallel_loop3A_416 : i32 to index
        %parallel_loop3A_422 = arith.constant 0 : index
        %parallel_loop3A_423 = tpu.vector_load %arg9[%parallel_loop3A_421, %parallel_loop3A_422] {strides = array<i32>} : memref<64x768xf32, #tpu.memory_space<vmem>>, vector<16xf32>,
        %parallel_loop3A_424 = arith.index_cast %parallel_loop3A_416 : i32 to index
        %parallel_loop3A_425 = arith.constant 0 : index
        %parallel_loop3A_426 = tpu.vector_load %arg10[%parallel_loop3A_424, %parallel_loop3A_425] {strides = array<i32>} : memref<64x768xf32, #tpu.memory_space<vmem>>, vector<16xf32>,
        %parallel_loop3A_427 = arith.addf %parallel_loop3A_423, %parallel_loop3A_426 : vector<16xf32>
        %parallel_loop3A_428 = arith.index_cast %parallel_loop3A_416 : i32 to index
        %parallel_loop3A_429 = arith.constant 0 : index
        %parallel_loop3A_430 = tpu.vector_load %arg9[%parallel_loop3A_428, %parallel_loop3A_429] {strides = array<i32>} : memref<64x768xf32, #tpu.memory_space<vmem>>, vector<16xf32>,
        tpu.vector_store %arg9[%parallel_loop3A_428, %parallel_loop3A_429], %parallel_loop3A_427 {strides = array<i32>} : memref<64x768xf32, #tpu.memory_space<vmem>>, vector<16xf32>,
        %parallel_loop3A_431 = arith.addf %parallel_loop3A_418, %parallel_loop3A_427 : vector<16xf32>
        %parallel_loop3A_432 = arith.mulf %parallel_loop3A_427, %parallel_loop3A_427 : vector<16xf32>
        %parallel_loop3A_433 = arith.addf %parallel_loop3A_420, %parallel_loop3A_432 : vector<16xf32>
        %parallel_loop3A_434 = arith.index_cast %parallel_loop3A_416 : i32 to index
        %parallel_loop3A_435 = arith.constant 16 : index
        %parallel_loop3A_436 = tpu.vector_load %arg9[%parallel_loop3A_434, %parallel_loop3A_435] {strides = array<i32>} : memref<64x768xf32, #tpu.memory_space<vmem>>, vector<16xf32>,
        %parallel_loop3A_437 = arith.index_cast %parallel_loop3A_416 : i32 to index
        %parallel_loop3A_438 = arith.constant 16 : index
        %parallel_loop3A_439 = tpu.vector_load %arg10[%parallel_loop3A_437, %parallel_loop3A_438] {strides = array<i32>} : memref<64x768xf32, #tpu.memory_space<vmem>>, vector<16xf32>,
        %parallel_loop3A_440 = arith.addf %parallel_loop3A_436, %parallel_loop3A_439 : vector<16xf32>
        %parallel_loop3A_441 = arith.index_cast %parallel_loop3A_416 : i32 to index
        %parallel_loop3A_442 = arith.constant 16 : index
        %parallel_loop3A_443 = tpu.vector_load %arg9[%parallel_loop3A_441, %parallel_loop3A_442] {strides = array<i32>} : memref<64x768xf32, #tpu.memory_space<vmem>>, vector<16xf32>,
        tpu.vector_store %arg9[%parallel_loop3A_441, %parallel_loop3A_442], %parallel_loop3A_440 {strides = array<i32>} : memref<64x768xf32, #tpu.memory_space<vmem>>, vector<16xf32>,
        %parallel_loop3A_444 = arith.addf %parallel_loop3A_431, %parallel_loop3A_440 : vector<16xf32>
        %parallel_loop3A_445 = arith.mulf %parallel_loop3A_440, %parallel_loop3A_440 : vector<16xf32>
        %parallel_loop3A_446 = arith.addf %parallel_loop3A_433, %parallel_loop3A_445 : vector<16xf32>
        %parallel_loop3A_447 = arith.index_cast %parallel_loop3A_416 : i32 to index
        %parallel_loop3A_448 = arith.constant 32 : index
        %parallel_loop3A_449 = tpu.vector_load %arg9[%parallel_loop3A_447, %parallel_loop3A_448] {strides = array<i32>} : memref<64x768xf32, #tpu.memory_space<vmem>>, vector<16xf32>,
        %parallel_loop3A_450 = arith.index_cast %parallel_loop3A_416 : i32 to index
        %parallel_loop3A_451 = arith.constant 32 : index
        %parallel_loop3A_452 = tpu.vector_load %arg10[%parallel_loop3A_450, %parallel_loop3A_451] {strides = array<i32>} : memref<64x768xf32, #tpu.memory_space<vmem>>, vector<16xf32>,
        %parallel_loop3A_453 = arith.addf %parallel_loop3A_449, %parallel_loop3A_452 : vector<16xf32>
        %parallel_loop3A_454 = arith.index_cast %parallel_loop3A_416 : i32 to index
        %parallel_loop3A_455 = arith.constant 32 : index
        %parallel_loop3A_456 = tpu.vector_load %arg9[%parallel_loop3A_454, %parallel_loop3A_455] {strides = array<i32>} : memref<64x768xf32, #tpu.memory_space<vmem>>, vector<16xf32>,
        tpu.vector_store %arg9[%parallel_loop3A_454, %parallel_loop3A_455], %parallel_loop3A_453 {strides = array<i32>} : memref<64x768xf32, #tpu.memory_space<vmem>>, vector<16xf32>,
        %parallel_loop3A_457 = arith.addf %parallel_loop3A_444, %parallel_loop3A_453 : vector<16xf32>
        %parallel_loop3A_458 = arith.mulf %parallel_loop3A_453, %parallel_loop3A_453 : vector<16xf32>
        %parallel_loop3A_459 = arith.addf %parallel_loop3A_446, %parallel_loop3A_458 : vector<16xf32>
        %parallel_loop3A_460 = arith.index_cast %parallel_loop3A_416 : i32 to index
        %parallel_loop3A_461 = arith.constant 48 : index
        %parallel_loop3A_462 = tpu.vector_load %arg9[%parallel_loop3A_460, %parallel_loop3A_461] {strides = array<i32>} : memref<64x768xf32, #tpu.memory_space<vmem>>, vector<16xf32>,
        %parallel_loop3A_463 = arith.index_cast %parallel_loop3A_416 : i32 to index
        %parallel_loop3A_464 = arith.constant 48 : index
        %parallel_loop3A_465 = tpu.vector_load %arg10[%parallel_loop3A_463, %parallel_loop3A_464] {strides = array<i32>} : memref<64x768xf32, #tpu.memory_space<vmem>>, vector<16xf32>,
        %parallel_loop3A_466 = arith.addf %parallel_loop3A_462, %parallel_loop3A_465 : vector<16xf32>
        %parallel_loop3A_467 = arith.index_cast %parallel_loop3A_416 : i32 to index
        %parallel_loop3A_468 = arith.constant 48 : index
        %parallel_loop3A_469 = tpu.vector_load %arg9[%parallel_loop3A_467, %parallel_loop3A_468] {strides = array<i32>} : memref<64x768xf32, #tpu.memory_space<vmem>>, vector<16xf32>,
        tpu.vector_store %arg9[%parallel_loop3A_467, %parallel_loop3A_468], %parallel_loop3A_466 {strides = array<i32>} : memref<64x768xf32, #tpu.memory_space<vmem>>, vector<16xf32>,
        %parallel_loop3A_470 = arith.addf %parallel_loop3A_457, %parallel_loop3A_466 : vector<16xf32>
        %parallel_loop3A_471 = arith.mulf %parallel_loop3A_466, %parallel_loop3A_466 : vector<16xf32>
        %parallel_loop3A_472 = arith.addf %parallel_loop3A_459, %parallel_loop3A_471 : vector<16xf32>
        %parallel_loop3A_473 = arith.index_cast %parallel_loop3A_416 : i32 to index
        %parallel_loop3A_474 = arith.constant 64 : index
        %parallel_loop3A_475 = tpu.vector_load %arg9[%parallel_loop3A_473, %parallel_loop3A_474] {strides = array<i32>} : memref<64x768xf32, #tpu.memory_space<vmem>>, vector<16xf32>,
        %parallel_loop3A_476 = arith.index_cast %parallel_loop3A_416 : i32 to index
        %parallel_loop3A_477 = arith.constant 64 : index
        %parallel_loop3A_478 = tpu.vector_load %arg10[%parallel_loop3A_476, %parallel_loop3A_477] {strides = array<i32>} : memref<64x768xf32, #tpu.memory_space<vmem>>, vector<16xf32>,
        %parallel_loop3A_479 = arith.addf %parallel_loop3A_475, %parallel_loop3A_478 : vector<16xf32>
        %parallel_loop3A_480 = arith.index_cast %parallel_loop3A_416 : i32 to index
        %parallel_loop3A_481 = arith.constant 64 : index
        %parallel_loop3A_482 = tpu.vector_load %arg9[%parallel_loop3A_480, %parallel_loop3A_481] {strides = array<i32>} : memref<64x768xf32, #tpu.memory_space<vmem>>, vector<16xf32>,
        tpu.vector_store %arg9[%parallel_loop3A_480, %parallel_loop3A_481], %parallel_loop3A_479 {strides = array<i32>} : memref<64x768xf32, #tpu.memory_space<vmem>>, vector<16xf32>,
        %parallel_loop3A_483 = arith.addf %parallel_loop3A_470, %parallel_loop3A_479 : vector<16xf32>
        %parallel_loop3A_484 = arith.mulf %parallel_loop3A_479, %parallel_loop3A_479 : vector<16xf32>
        %parallel_loop3A_485 = arith.addf %parallel_loop3A_472, %parallel_loop3A_484 : vector<16xf32>
        %parallel_loop3A_486 = arith.index_cast %parallel_loop3A_416 : i32 to index
        %parallel_loop3A_487 = arith.constant 80 : index
        %parallel_loop3A_488 = tpu.vector_load %arg9[%parallel_loop3A_486, %parallel_loop3A_487] {strides = array<i32>} : memref<64x768xf32, #tpu.memory_space<vmem>>, vector<16xf32>,
        %parallel_loop3A_489 = arith.index_cast %parallel_loop3A_416 : i32 to index
        %parallel_loop3A_490 = arith.constant 80 : index
        %parallel_loop3A_491 = tpu.vector_load %arg10[%parallel_loop3A_489, %parallel_loop3A_490] {strides = array<i32>} : memref<64x768xf32, #tpu.memory_space<vmem>>, vector<16xf32>,
        %parallel_loop3A_492 = arith.addf %parallel_loop3A_488, %parallel_loop3A_491 : vector<16xf32>
        %parallel_loop3A_493 = arith.index_cast %parallel_loop3A_416 : i32 to index
        %parallel_loop3A_494 = arith.constant 80 : index
        %parallel_loop3A_495 = tpu.vector_load %arg9[%parallel_loop3A_493, %parallel_loop3A_494] {strides = array<i32>} : memref<64x768xf32, #tpu.memory_space<vmem>>, vector<16xf32>,
        tpu.vector_store %arg9[%parallel_loop3A_493, %parallel_loop3A_494], %parallel_loop3A_492 {strides = array<i32>} : memref<64x768xf32, #tpu.memory_space<vmem>>, vector<16xf32>,
        %parallel_loop3A_496 = arith.addf %parallel_loop3A_483, %parallel_loop3A_492 : vector<16xf32>
        %parallel_loop3A_497 = arith.mulf %parallel_loop3A_492, %parallel_loop3A_492 : vector<16xf32>
        %parallel_loop3A_498 = arith.addf %parallel_loop3A_485, %parallel_loop3A_497 : vector<16xf32>
        %parallel_loop3A_499 = arith.index_cast %parallel_loop3A_416 : i32 to index
        %parallel_loop3A_500 = arith.constant 96 : index
        %parallel_loop3A_501 = tpu.vector_load %arg9[%parallel_loop3A_499, %parallel_loop3A_500] {strides = array<i32>} : memref<64x768xf32, #tpu.memory_space<vmem>>, vector<16xf32>,
        %parallel_loop3A_502 = arith.index_cast %parallel_loop3A_416 : i32 to index
        %parallel_loop3A_503 = arith.constant 96 : index
        %parallel_loop3A_504 = tpu.vector_load %arg10[%parallel_loop3A_502, %parallel_loop3A_503] {strides = array<i32>} : memref<64x768xf32, #tpu.memory_space<vmem>>, vector<16xf32>,
        %parallel_loop3A_505 = arith.addf %parallel_loop3A_501, %parallel_loop3A_504 : vector<16xf32>
        %parallel_loop3A_506 = arith.index_cast %parallel_loop3A_416 : i32 to index
        %parallel_loop3A_507 = arith.constant 96 : index
        %parallel_loop3A_508 = tpu.vector_load %arg9[%parallel_loop3A_506, %parallel_loop3A_507] {strides = array<i32>} : memref<64x768xf32, #tpu.memory_space<vmem>>, vector<16xf32>,
        tpu.vector_store %arg9[%parallel_loop3A_506, %parallel_loop3A_507], %parallel_loop3A_505 {strides = array<i32>} : memref<64x768xf32, #tpu.memory_space<vmem>>, vector<16xf32>,
        %parallel_loop3A_509 = arith.addf %parallel_loop3A_496, %parallel_loop3A_505 : vector<16xf32>
        %parallel_loop3A_510 = arith.mulf %parallel_loop3A_505, %parallel_loop3A_505 : vector<16xf32>
        %parallel_loop3A_511 = arith.addf %parallel_loop3A_498, %parallel_loop3A_510 : vector<16xf32>
        %parallel_loop3A_512 = arith.index_cast %parallel_loop3A_416 : i32 to index
        %parallel_loop3A_513 = arith.constant 112 : index
        %parallel_loop3A_514 = tpu.vector_load %arg9[%parallel_loop3A_512, %parallel_loop3A_513] {strides = array<i32>} : memref<64x768xf32, #tpu.memory_space<vmem>>, vector<16xf32>,
        %parallel_loop3A_515 = arith.index_cast %parallel_loop3A_416 : i32 to index
        %parallel_loop3A_516 = arith.constant 112 : index
        %parallel_loop3A_517 = tpu.vector_load %arg10[%parallel_loop3A_515, %parallel_loop3A_516] {strides = array<i32>} : memref<64x768xf32, #tpu.memory_space<vmem>>, vector<16xf32>,
        %parallel_loop3A_518 = arith.addf %parallel_loop3A_514, %parallel_loop3A_517 : vector<16xf32>
        %parallel_loop3A_519 = arith.index_cast %parallel_loop3A_416 : i32 to index
        %parallel_loop3A_520 = arith.constant 112 : index
        %parallel_loop3A_521 = tpu.vector_load %arg9[%parallel_loop3A_519, %parallel_loop3A_520] {strides = array<i32>} : memref<64x768xf32, #tpu.memory_space<vmem>>, vector<16xf32>,
        tpu.vector_store %arg9[%parallel_loop3A_519, %parallel_loop3A_520], %parallel_loop3A_518 {strides = array<i32>} : memref<64x768xf32, #tpu.memory_space<vmem>>, vector<16xf32>,
        %parallel_loop3A_522 = arith.addf %parallel_loop3A_509, %parallel_loop3A_518 : vector<16xf32>
        %parallel_loop3A_523 = arith.mulf %parallel_loop3A_518, %parallel_loop3A_518 : vector<16xf32>
        %parallel_loop3A_524 = arith.addf %parallel_loop3A_511, %parallel_loop3A_523 : vector<16xf32>
        %parallel_loop3A_525 = arith.index_cast %parallel_loop3A_416 : i32 to index
        %parallel_loop3A_526 = arith.constant 128 : index
        %parallel_loop3A_527 = tpu.vector_load %arg9[%parallel_loop3A_525, %parallel_loop3A_526] {strides = array<i32>} : memref<64x768xf32, #tpu.memory_space<vmem>>, vector<16xf32>,
        %parallel_loop3A_528 = arith.index_cast %parallel_loop3A_416 : i32 to index
        %parallel_loop3A_529 = arith.constant 128 : index
        %parallel_loop3A_530 = tpu.vector_load %arg10[%parallel_loop3A_528, %parallel_loop3A_529] {strides = array<i32>} : memref<64x768xf32, #tpu.memory_space<vmem>>, vector<16xf32>,
        %parallel_loop3A_531 = arith.addf %parallel_loop3A_527, %parallel_loop3A_530 : vector<16xf32>
        %parallel_loop3A_532 = arith.index_cast %parallel_loop3A_416 : i32 to index
        %parallel_loop3A_533 = arith.constant 128 : index
        %parallel_loop3A_534 = tpu.vector_load %arg9[%parallel_loop3A_532, %parallel_loop3A_533] {strides = array<i32>} : memref<64x768xf32, #tpu.memory_space<vmem>>, vector<16xf32>,
        tpu.vector_store %arg9[%parallel_loop3A_532, %parallel_loop3A_533], %parallel_loop3A_531 {strides = array<i32>} : memref<64x768xf32, #tpu.memory_space<vmem>>, vector<16xf32>,
        %parallel_loop3A_535 = arith.addf %parallel_loop3A_522, %parallel_loop3A_531 : vector<16xf32>
        %parallel_loop3A_536 = arith.mulf %parallel_loop3A_531, %parallel_loop3A_531 : vector<16xf32>
        %parallel_loop3A_537 = arith.addf %parallel_loop3A_524, %parallel_loop3A_536 : vector<16xf32>
        %parallel_loop3A_538 = arith.index_cast %parallel_loop3A_416 : i32 to index
        %parallel_loop3A_539 = arith.constant 144 : index
        %parallel_loop3A_540 = tpu.vector_load %arg9[%parallel_loop3A_538, %parallel_loop3A_539] {strides = array<i32>} : memref<64x768xf32, #tpu.memory_space<vmem>>, vector<16xf32>,
        %parallel_loop3A_541 = arith.index_cast %parallel_loop3A_416 : i32 to index
        %parallel_loop3A_542 = arith.constant 144 : index
        %parallel_loop3A_543 = tpu.vector_load %arg10[%parallel_loop3A_541, %parallel_loop3A_542] {strides = array<i32>} : memref<64x768xf32, #tpu.memory_space<vmem>>, vector<16xf32>,
        %parallel_loop3A_544 = arith.addf %parallel_loop3A_540, %parallel_loop3A_543 : vector<16xf32>
        %parallel_loop3A_545 = arith.index_cast %parallel_loop3A_416 : i32 to index
        %parallel_loop3A_546 = arith.constant 144 : index
        %parallel_loop3A_547 = tpu.vector_load %arg9[%parallel_loop3A_545, %parallel_loop3A_546] {strides = array<i32>} : memref<64x768xf32, #tpu.memory_space<vmem>>, vector<16xf32>,
        tpu.vector_store %arg9[%parallel_loop3A_545, %parallel_loop3A_546], %parallel_loop3A_544 {strides = array<i32>} : memref<64x768xf32, #tpu.memory_space<vmem>>, vector<16xf32>,
        %parallel_loop3A_548 = arith.addf %parallel_loop3A_535, %parallel_loop3A_544 : vector<16xf32>
        %parallel_loop3A_549 = arith.mulf %parallel_loop3A_544, %parallel_loop3A_544 : vector<16xf32>
        %parallel_loop3A_550 = arith.addf %parallel_loop3A_537, %parallel_loop3A_549 : vector<16xf32>
        %parallel_loop3A_551 = arith.index_cast %parallel_loop3A_416 : i32 to index
        %parallel_loop3A_552 = arith.constant 160 : index
        %parallel_loop3A_553 = tpu.vector_load %arg9[%parallel_loop3A_551, %parallel_loop3A_552] {strides = array<i32>} : memref<64x768xf32, #tpu.memory_space<vmem>>, vector<16xf32>,
        %parallel_loop3A_554 = arith.index_cast %parallel_loop3A_416 : i32 to index
        %parallel_loop3A_555 = arith.constant 160 : index
        %parallel_loop3A_556 = tpu.vector_load %arg10[%parallel_loop3A_554, %parallel_loop3A_555] {strides = array<i32>} : memref<64x768xf32, #tpu.memory_space<vmem>>, vector<16xf32>,
        %parallel_loop3A_557 = arith.addf %parallel_loop3A_553, %parallel_loop3A_556 : vector<16xf32>
        %parallel_loop3A_558 = arith.index_cast %parallel_loop3A_416 : i32 to index
        %parallel_loop3A_559 = arith.constant 160 : index
        %parallel_loop3A_560 = tpu.vector_load %arg9[%parallel_loop3A_558, %parallel_loop3A_559] {strides = array<i32>} : memref<64x768xf32, #tpu.memory_space<vmem>>, vector<16xf32>,
        tpu.vector_store %arg9[%parallel_loop3A_558, %parallel_loop3A_559], %parallel_loop3A_557 {strides = array<i32>} : memref<64x768xf32, #tpu.memory_space<vmem>>, vector<16xf32>,
        %parallel_loop3A_561 = arith.addf %parallel_loop3A_548, %parallel_loop3A_557 : vector<16xf32>
        %parallel_loop3A_562 = arith.mulf %parallel_loop3A_557, %parallel_loop3A_557 : vector<16xf32>
        %parallel_loop3A_563 = arith.addf %parallel_loop3A_550, %parallel_loop3A_562 : vector<16xf32>
        %parallel_loop3A_564 = arith.index_cast %parallel_loop3A_416 : i32 to index
        %parallel_loop3A_565 = arith.constant 176 : index
        %parallel_loop3A_566 = tpu.vector_load %arg9[%parallel_loop3A_564, %parallel_loop3A_565] {strides = array<i32>} : memref<64x768xf32, #tpu.memory_space<vmem>>, vector<16xf32>,
        %parallel_loop3A_567 = arith.index_cast %parallel_loop3A_416 : i32 to index
        %parallel_loop3A_568 = arith.constant 176 : index
        %parallel_loop3A_569 = tpu.vector_load %arg10[%parallel_loop3A_567, %parallel_loop3A_568] {strides = array<i32>} : memref<64x768xf32, #tpu.memory_space<vmem>>, vector<16xf32>,
        %parallel_loop3A_570 = arith.addf %parallel_loop3A_566, %parallel_loop3A_569 : vector<16xf32>
        %parallel_loop3A_571 = arith.index_cast %parallel_loop3A_416 : i32 to index
        %parallel_loop3A_572 = arith.constant 176 : index
        %parallel_loop3A_573 = tpu.vector_load %arg9[%parallel_loop3A_571, %parallel_loop3A_572] {strides = array<i32>} : memref<64x768xf32, #tpu.memory_space<vmem>>, vector<16xf32>,
        tpu.vector_store %arg9[%parallel_loop3A_571, %parallel_loop3A_572], %parallel_loop3A_570 {strides = array<i32>} : memref<64x768xf32, #tpu.memory_space<vmem>>, vector<16xf32>,
        %parallel_loop3A_574 = arith.addf %parallel_loop3A_561, %parallel_loop3A_570 : vector<16xf32>
        %parallel_loop3A_575 = arith.mulf %parallel_loop3A_570, %parallel_loop3A_570 : vector<16xf32>
        %parallel_loop3A_576 = arith.addf %parallel_loop3A_563, %parallel_loop3A_575 : vector<16xf32>
        %parallel_loop3A_577 = arith.index_cast %parallel_loop3A_416 : i32 to index
        %parallel_loop3A_578 = arith.constant 192 : index
        %parallel_loop3A_579 = tpu.vector_load %arg9[%parallel_loop3A_577, %parallel_loop3A_578] {strides = array<i32>} : memref<64x768xf32, #tpu.memory_space<vmem>>, vector<16xf32>,
        %parallel_loop3A_580 = arith.index_cast %parallel_loop3A_416 : i32 to index
        %parallel_loop3A_581 = arith.constant 192 : index
        %parallel_loop3A_582 = tpu.vector_load %arg10[%parallel_loop3A_580, %parallel_loop3A_581] {strides = array<i32>} : memref<64x768xf32, #tpu.memory_space<vmem>>, vector<16xf32>,
        %parallel_loop3A_583 = arith.addf %parallel_loop3A_579, %parallel_loop3A_582 : vector<16xf32>
        %parallel_loop3A_584 = arith.index_cast %parallel_loop3A_416 : i32 to index
        %parallel_loop3A_585 = arith.constant 192 : index
        %parallel_loop3A_586 = tpu.vector_load %arg9[%parallel_loop3A_584, %parallel_loop3A_585] {strides = array<i32>} : memref<64x768xf32, #tpu.memory_space<vmem>>, vector<16xf32>,
        tpu.vector_store %arg9[%parallel_loop3A_584, %parallel_loop3A_585], %parallel_loop3A_583 {strides = array<i32>} : memref<64x768xf32, #tpu.memory_space<vmem>>, vector<16xf32>,
        %parallel_loop3A_587 = arith.addf %parallel_loop3A_574, %parallel_loop3A_583 : vector<16xf32>
        %parallel_loop3A_588 = arith.mulf %parallel_loop3A_583, %parallel_loop3A_583 : vector<16xf32>
        %parallel_loop3A_589 = arith.addf %parallel_loop3A_576, %parallel_loop3A_588 : vector<16xf32>
        %parallel_loop3A_590 = arith.index_cast %parallel_loop3A_416 : i32 to index
        %parallel_loop3A_591 = arith.constant 208 : index
        %parallel_loop3A_592 = tpu.vector_load %arg9[%parallel_loop3A_590, %parallel_loop3A_591] {strides = array<i32>} : memref<64x768xf32, #tpu.memory_space<vmem>>, vector<16xf32>,
        %parallel_loop3A_593 = arith.index_cast %parallel_loop3A_416 : i32 to index
        %parallel_loop3A_594 = arith.constant 208 : index
        %parallel_loop3A_595 = tpu.vector_load %arg10[%parallel_loop3A_593, %parallel_loop3A_594] {strides = array<i32>} : memref<64x768xf32, #tpu.memory_space<vmem>>, vector<16xf32>,
        %parallel_loop3A_596 = arith.addf %parallel_loop3A_592, %parallel_loop3A_595 : vector<16xf32>
        %parallel_loop3A_597 = arith.index_cast %parallel_loop3A_416 : i32 to index
        %parallel_loop3A_598 = arith.constant 208 : index
        %parallel_loop3A_599 = tpu.vector_load %arg9[%parallel_loop3A_597, %parallel_loop3A_598] {strides = array<i32>} : memref<64x768xf32, #tpu.memory_space<vmem>>, vector<16xf32>,
        tpu.vector_store %arg9[%parallel_loop3A_597, %parallel_loop3A_598], %parallel_loop3A_596 {strides = array<i32>} : memref<64x768xf32, #tpu.memory_space<vmem>>, vector<16xf32>,
        %parallel_loop3A_600 = arith.addf %parallel_loop3A_587, %parallel_loop3A_596 : vector<16xf32>
        %parallel_loop3A_601 = arith.mulf %parallel_loop3A_596, %parallel_loop3A_596 : vector<16xf32>
        %parallel_loop3A_602 = arith.addf %parallel_loop3A_589, %parallel_loop3A_601 : vector<16xf32>
        %parallel_loop3A_603 = arith.index_cast %parallel_loop3A_416 : i32 to index
        %parallel_loop3A_604 = arith.constant 224 : index
        %parallel_loop3A_605 = tpu.vector_load %arg9[%parallel_loop3A_603, %parallel_loop3A_604] {strides = array<i32>} : memref<64x768xf32, #tpu.memory_space<vmem>>, vector<16xf32>,
        %parallel_loop3A_606 = arith.index_cast %parallel_loop3A_416 : i32 to index
        %parallel_loop3A_607 = arith.constant 224 : index
        %parallel_loop3A_608 = tpu.vector_load %arg10[%parallel_loop3A_606, %parallel_loop3A_607] {strides = array<i32>} : memref<64x768xf32, #tpu.memory_space<vmem>>, vector<16xf32>,
        %parallel_loop3A_609 = arith.addf %parallel_loop3A_605, %parallel_loop3A_608 : vector<16xf32>
        %parallel_loop3A_610 = arith.index_cast %parallel_loop3A_416 : i32 to index
        %parallel_loop3A_611 = arith.constant 224 : index
        %parallel_loop3A_612 = tpu.vector_load %arg9[%parallel_loop3A_610, %parallel_loop3A_611] {strides = array<i32>} : memref<64x768xf32, #tpu.memory_space<vmem>>, vector<16xf32>,
        tpu.vector_store %arg9[%parallel_loop3A_610, %parallel_loop3A_611], %parallel_loop3A_609 {strides = array<i32>} : memref<64x768xf32, #tpu.memory_space<vmem>>, vector<16xf32>,
        %parallel_loop3A_613 = arith.addf %parallel_loop3A_600, %parallel_loop3A_609 : vector<16xf32>
        %parallel_loop3A_614 = arith.mulf %parallel_loop3A_609, %parallel_loop3A_609 : vector<16xf32>
        %parallel_loop3A_615 = arith.addf %parallel_loop3A_602, %parallel_loop3A_614 : vector<16xf32>
        %parallel_loop3A_616 = arith.index_cast %parallel_loop3A_416 : i32 to index
        %parallel_loop3A_617 = arith.constant 240 : index
        %parallel_loop3A_618 = tpu.vector_load %arg9[%parallel_loop3A_616, %parallel_loop3A_617] {strides = array<i32>} : memref<64x768xf32, #tpu.memory_space<vmem>>, vector<16xf32>,
        %parallel_loop3A_619 = arith.index_cast %parallel_loop3A_416 : i32 to index
        %parallel_loop3A_620 = arith.constant 240 : index
        %parallel_loop3A_621 = tpu.vector_load %arg10[%parallel_loop3A_619, %parallel_loop3A_620] {strides = array<i32>} : memref<64x768xf32, #tpu.memory_space<vmem>>, vector<16xf32>,
        %parallel_loop3A_622 = arith.addf %parallel_loop3A_618, %parallel_loop3A_621 : vector<16xf32>
        %parallel_loop3A_623 = arith.index_cast %parallel_loop3A_416 : i32 to index
        %parallel_loop3A_624 = arith.constant 240 : index
        %parallel_loop3A_625 = tpu.vector_load %arg9[%parallel_loop3A_623, %parallel_loop3A_624] {strides = array<i32>} : memref<64x768xf32, #tpu.memory_space<vmem>>, vector<16xf32>,
        tpu.vector_store %arg9[%parallel_loop3A_623, %parallel_loop3A_624], %parallel_loop3A_622 {strides = array<i32>} : memref<64x768xf32, #tpu.memory_space<vmem>>, vector<16xf32>,
        %parallel_loop3A_626 = arith.addf %parallel_loop3A_613, %parallel_loop3A_622 : vector<16xf32>
        %parallel_loop3A_627 = arith.mulf %parallel_loop3A_622, %parallel_loop3A_622 : vector<16xf32>
        %parallel_loop3A_628 = arith.addf %parallel_loop3A_615, %parallel_loop3A_627 : vector<16xf32>
        %parallel_loop3A_629 = arith.index_cast %parallel_loop3A_416 : i32 to index
        %parallel_loop3A_630 = arith.constant 256 : index
        %parallel_loop3A_631 = tpu.vector_load %arg9[%parallel_loop3A_629, %parallel_loop3A_630] {strides = array<i32>} : memref<64x768xf32, #tpu.memory_space<vmem>>, vector<16xf32>,
        %parallel_loop3A_632 = arith.index_cast %parallel_loop3A_416 : i32 to index
        %parallel_loop3A_633 = arith.constant 256 : index
        %parallel_loop3A_634 = tpu.vector_load %arg10[%parallel_loop3A_632, %parallel_loop3A_633] {strides = array<i32>} : memref<64x768xf32, #tpu.memory_space<vmem>>, vector<16xf32>,
        %parallel_loop3A_635 = arith.addf %parallel_loop3A_631, %parallel_loop3A_634 : vector<16xf32>
        %parallel_loop3A_636 = arith.index_cast %parallel_loop3A_416 : i32 to index
        %parallel_loop3A_637 = arith.constant 256 : index
        %parallel_loop3A_638 = tpu.vector_load %arg9[%parallel_loop3A_636, %parallel_loop3A_637] {strides = array<i32>} : memref<64x768xf32, #tpu.memory_space<vmem>>, vector<16xf32>,
        tpu.vector_store %arg9[%parallel_loop3A_636, %parallel_loop3A_637], %parallel_loop3A_635 {strides = array<i32>} : memref<64x768xf32, #tpu.memory_space<vmem>>, vector<16xf32>,
        %parallel_loop3A_639 = arith.addf %parallel_loop3A_626, %parallel_loop3A_635 : vector<16xf32>
        %parallel_loop3A_640 = arith.mulf %parallel_loop3A_635, %parallel_loop3A_635 : vector<16xf32>
        %parallel_loop3A_641 = arith.addf %parallel_loop3A_628, %parallel_loop3A_640 : vector<16xf32>
        %parallel_loop3A_642 = arith.index_cast %parallel_loop3A_416 : i32 to index
        %parallel_loop3A_643 = arith.constant 272 : index
        %parallel_loop3A_644 = tpu.vector_load %arg9[%parallel_loop3A_642, %parallel_loop3A_643] {strides = array<i32>} : memref<64x768xf32, #tpu.memory_space<vmem>>, vector<16xf32>,
        %parallel_loop3A_645 = arith.index_cast %parallel_loop3A_416 : i32 to index
        %parallel_loop3A_646 = arith.constant 272 : index
        %parallel_loop3A_647 = tpu.vector_load %arg10[%parallel_loop3A_645, %parallel_loop3A_646] {strides = array<i32>} : memref<64x768xf32, #tpu.memory_space<vmem>>, vector<16xf32>,
        %parallel_loop3A_648 = arith.addf %parallel_loop3A_644, %parallel_loop3A_647 : vector<16xf32>
        %parallel_loop3A_649 = arith.index_cast %parallel_loop3A_416 : i32 to index
        %parallel_loop3A_650 = arith.constant 272 : index
        %parallel_loop3A_651 = tpu.vector_load %arg9[%parallel_loop3A_649, %parallel_loop3A_650] {strides = array<i32>} : memref<64x768xf32, #tpu.memory_space<vmem>>, vector<16xf32>,
        tpu.vector_store %arg9[%parallel_loop3A_649, %parallel_loop3A_650], %parallel_loop3A_648 {strides = array<i32>} : memref<64x768xf32, #tpu.memory_space<vmem>>, vector<16xf32>,
        %parallel_loop3A_652 = arith.addf %parallel_loop3A_639, %parallel_loop3A_648 : vector<16xf32>
        %parallel_loop3A_653 = arith.mulf %parallel_loop3A_648, %parallel_loop3A_648 : vector<16xf32>
        %parallel_loop3A_654 = arith.addf %parallel_loop3A_641, %parallel_loop3A_653 : vector<16xf32>
        %parallel_loop3A_655 = arith.index_cast %parallel_loop3A_416 : i32 to index
        %parallel_loop3A_656 = arith.constant 288 : index
        %parallel_loop3A_657 = tpu.vector_load %arg9[%parallel_loop3A_655, %parallel_loop3A_656] {strides = array<i32>} : memref<64x768xf32, #tpu.memory_space<vmem>>, vector<16xf32>,
        %parallel_loop3A_658 = arith.index_cast %parallel_loop3A_416 : i32 to index
        %parallel_loop3A_659 = arith.constant 288 : index
        %parallel_loop3A_660 = tpu.vector_load %arg10[%parallel_loop3A_658, %parallel_loop3A_659] {strides = array<i32>} : memref<64x768xf32, #tpu.memory_space<vmem>>, vector<16xf32>,
        %parallel_loop3A_661 = arith.addf %parallel_loop3A_657, %parallel_loop3A_660 : vector<16xf32>
        %parallel_loop3A_662 = arith.index_cast %parallel_loop3A_416 : i32 to index
        %parallel_loop3A_663 = arith.constant 288 : index
        %parallel_loop3A_664 = tpu.vector_load %arg9[%parallel_loop3A_662, %parallel_loop3A_663] {strides = array<i32>} : memref<64x768xf32, #tpu.memory_space<vmem>>, vector<16xf32>,
        tpu.vector_store %arg9[%parallel_loop3A_662, %parallel_loop3A_663], %parallel_loop3A_661 {strides = array<i32>} : memref<64x768xf32, #tpu.memory_space<vmem>>, vector<16xf32>,
        %parallel_loop3A_665 = arith.addf %parallel_loop3A_652, %parallel_loop3A_661 : vector<16xf32>
        %parallel_loop3A_666 = arith.mulf %parallel_loop3A_661, %parallel_loop3A_661 : vector<16xf32>
        %parallel_loop3A_667 = arith.addf %parallel_loop3A_654, %parallel_loop3A_666 : vector<16xf32>
        %parallel_loop3A_668 = arith.index_cast %parallel_loop3A_416 : i32 to index
        %parallel_loop3A_669 = arith.constant 304 : index
        %parallel_loop3A_670 = tpu.vector_load %arg9[%parallel_loop3A_668, %parallel_loop3A_669] {strides = array<i32>} : memref<64x768xf32, #tpu.memory_space<vmem>>, vector<16xf32>,
        %parallel_loop3A_671 = arith.index_cast %parallel_loop3A_416 : i32 to index
        %parallel_loop3A_672 = arith.constant 304 : index
        %parallel_loop3A_673 = tpu.vector_load %arg10[%parallel_loop3A_671, %parallel_loop3A_672] {strides = array<i32>} : memref<64x768xf32, #tpu.memory_space<vmem>>, vector<16xf32>,
        %parallel_loop3A_674 = arith.addf %parallel_loop3A_670, %parallel_loop3A_673 : vector<16xf32>
        %parallel_loop3A_675 = arith.index_cast %parallel_loop3A_416 : i32 to index
        %parallel_loop3A_676 = arith.constant 304 : index
        %parallel_loop3A_677 = tpu.vector_load %arg9[%parallel_loop3A_675, %parallel_loop3A_676] {strides = array<i32>} : memref<64x768xf32, #tpu.memory_space<vmem>>, vector<16xf32>,
        tpu.vector_store %arg9[%parallel_loop3A_675, %parallel_loop3A_676], %parallel_loop3A_674 {strides = array<i32>} : memref<64x768xf32, #tpu.memory_space<vmem>>, vector<16xf32>,
        %parallel_loop3A_678 = arith.addf %parallel_loop3A_665, %parallel_loop3A_674 : vector<16xf32>
        %parallel_loop3A_679 = arith.mulf %parallel_loop3A_674, %parallel_loop3A_674 : vector<16xf32>
        %parallel_loop3A_680 = arith.addf %parallel_loop3A_667, %parallel_loop3A_679 : vector<16xf32>
        %parallel_loop3A_681 = arith.index_cast %parallel_loop3A_416 : i32 to index
        %parallel_loop3A_682 = arith.constant 320 : index
        %parallel_loop3A_683 = tpu.vector_load %arg9[%parallel_loop3A_681, %parallel_loop3A_682] {strides = array<i32>} : memref<64x768xf32, #tpu.memory_space<vmem>>, vector<16xf32>,
        %parallel_loop3A_684 = arith.index_cast %parallel_loop3A_416 : i32 to index
        %parallel_loop3A_685 = arith.constant 320 : index
        %parallel_loop3A_686 = tpu.vector_load %arg10[%parallel_loop3A_684, %parallel_loop3A_685] {strides = array<i32>} : memref<64x768xf32, #tpu.memory_space<vmem>>, vector<16xf32>,
        %parallel_loop3A_687 = arith.addf %parallel_loop3A_683, %parallel_loop3A_686 : vector<16xf32>
        %parallel_loop3A_688 = arith.index_cast %parallel_loop3A_416 : i32 to index
        %parallel_loop3A_689 = arith.constant 320 : index
        %parallel_loop3A_690 = tpu.vector_load %arg9[%parallel_loop3A_688, %parallel_loop3A_689] {strides = array<i32>} : memref<64x768xf32, #tpu.memory_space<vmem>>, vector<16xf32>,
        tpu.vector_store %arg9[%parallel_loop3A_688, %parallel_loop3A_689], %parallel_loop3A_687 {strides = array<i32>} : memref<64x768xf32, #tpu.memory_space<vmem>>, vector<16xf32>,
        %parallel_loop3A_691 = arith.addf %parallel_loop3A_678, %parallel_loop3A_687 : vector<16xf32>
        %parallel_loop3A_692 = arith.mulf %parallel_loop3A_687, %parallel_loop3A_687 : vector<16xf32>
        %parallel_loop3A_693 = arith.addf %parallel_loop3A_680, %parallel_loop3A_692 : vector<16xf32>
        %parallel_loop3A_694 = arith.index_cast %parallel_loop3A_416 : i32 to index
        %parallel_loop3A_695 = arith.constant 336 : index
        %parallel_loop3A_696 = tpu.vector_load %arg9[%parallel_loop3A_694, %parallel_loop3A_695] {strides = array<i32>} : memref<64x768xf32, #tpu.memory_space<vmem>>, vector<16xf32>,
        %parallel_loop3A_697 = arith.index_cast %parallel_loop3A_416 : i32 to index
        %parallel_loop3A_698 = arith.constant 336 : index
        %parallel_loop3A_699 = tpu.vector_load %arg10[%parallel_loop3A_697, %parallel_loop3A_698] {strides = array<i32>} : memref<64x768xf32, #tpu.memory_space<vmem>>, vector<16xf32>,
        %parallel_loop3A_700 = arith.addf %parallel_loop3A_696, %parallel_loop3A_699 : vector<16xf32>
        %parallel_loop3A_701 = arith.index_cast %parallel_loop3A_416 : i32 to index
        %parallel_loop3A_702 = arith.constant 336 : index
        %parallel_loop3A_703 = tpu.vector_load %arg9[%parallel_loop3A_701, %parallel_loop3A_702] {strides = array<i32>} : memref<64x768xf32, #tpu.memory_space<vmem>>, vector<16xf32>,
        tpu.vector_store %arg9[%parallel_loop3A_701, %parallel_loop3A_702], %parallel_loop3A_700 {strides = array<i32>} : memref<64x768xf32, #tpu.memory_space<vmem>>, vector<16xf32>,
        %parallel_loop3A_704 = arith.addf %parallel_loop3A_691, %parallel_loop3A_700 : vector<16xf32>
        %parallel_loop3A_705 = arith.mulf %parallel_loop3A_700, %parallel_loop3A_700 : vector<16xf32>
        %parallel_loop3A_706 = arith.addf %parallel_loop3A_693, %parallel_loop3A_705 : vector<16xf32>
        %parallel_loop3A_707 = arith.index_cast %parallel_loop3A_416 : i32 to index
        %parallel_loop3A_708 = arith.constant 352 : index
        %parallel_loop3A_709 = tpu.vector_load %arg9[%parallel_loop3A_707, %parallel_loop3A_708] {strides = array<i32>} : memref<64x768xf32, #tpu.memory_space<vmem>>, vector<16xf32>,
        %parallel_loop3A_710 = arith.index_cast %parallel_loop3A_416 : i32 to index
        %parallel_loop3A_711 = arith.constant 352 : index
        %parallel_loop3A_712 = tpu.vector_load %arg10[%parallel_loop3A_710, %parallel_loop3A_711] {strides = array<i32>} : memref<64x768xf32, #tpu.memory_space<vmem>>, vector<16xf32>,
        %parallel_loop3A_713 = arith.addf %parallel_loop3A_709, %parallel_loop3A_712 : vector<16xf32>
        %parallel_loop3A_714 = arith.index_cast %parallel_loop3A_416 : i32 to index
        %parallel_loop3A_715 = arith.constant 352 : index
        %parallel_loop3A_716 = tpu.vector_load %arg9[%parallel_loop3A_714, %parallel_loop3A_715] {strides = array<i32>} : memref<64x768xf32, #tpu.memory_space<vmem>>, vector<16xf32>,
        tpu.vector_store %arg9[%parallel_loop3A_714, %parallel_loop3A_715], %parallel_loop3A_713 {strides = array<i32>} : memref<64x768xf32, #tpu.memory_space<vmem>>, vector<16xf32>,
        %parallel_loop3A_717 = arith.addf %parallel_loop3A_704, %parallel_loop3A_713 : vector<16xf32>
        %parallel_loop3A_718 = arith.mulf %parallel_loop3A_713, %parallel_loop3A_713 : vector<16xf32>
        %parallel_loop3A_719 = arith.addf %parallel_loop3A_706, %parallel_loop3A_718 : vector<16xf32>
        %parallel_loop3A_720 = arith.index_cast %parallel_loop3A_416 : i32 to index
        %parallel_loop3A_721 = arith.constant 368 : index
        %parallel_loop3A_722 = tpu.vector_load %arg9[%parallel_loop3A_720, %parallel_loop3A_721] {strides = array<i32>} : memref<64x768xf32, #tpu.memory_space<vmem>>, vector<16xf32>,
        %parallel_loop3A_723 = arith.index_cast %parallel_loop3A_416 : i32 to index
        %parallel_loop3A_724 = arith.constant 368 : index
        %parallel_loop3A_725 = tpu.vector_load %arg10[%parallel_loop3A_723, %parallel_loop3A_724] {strides = array<i32>} : memref<64x768xf32, #tpu.memory_space<vmem>>, vector<16xf32>,
        %parallel_loop3A_726 = arith.addf %parallel_loop3A_722, %parallel_loop3A_725 : vector<16xf32>
        %parallel_loop3A_727 = arith.index_cast %parallel_loop3A_416 : i32 to index
        %parallel_loop3A_728 = arith.constant 368 : index
        %parallel_loop3A_729 = tpu.vector_load %arg9[%parallel_loop3A_727, %parallel_loop3A_728] {strides = array<i32>} : memref<64x768xf32, #tpu.memory_space<vmem>>, vector<16xf32>,
        tpu.vector_store %arg9[%parallel_loop3A_727, %parallel_loop3A_728], %parallel_loop3A_726 {strides = array<i32>} : memref<64x768xf32, #tpu.memory_space<vmem>>, vector<16xf32>,
        %parallel_loop3A_730 = arith.addf %parallel_loop3A_717, %parallel_loop3A_726 : vector<16xf32>
        %parallel_loop3A_731 = arith.mulf %parallel_loop3A_726, %parallel_loop3A_726 : vector<16xf32>
        %parallel_loop3A_732 = arith.addf %parallel_loop3A_719, %parallel_loop3A_731 : vector<16xf32>
        %parallel_loop3A_733 = arith.index_cast %parallel_loop3A_416 : i32 to index
        %parallel_loop3A_734 = arith.constant 384 : index
        %parallel_loop3A_735 = tpu.vector_load %arg9[%parallel_loop3A_733, %parallel_loop3A_734] {strides = array<i32>} : memref<64x768xf32, #tpu.memory_space<vmem>>, vector<16xf32>,
        %parallel_loop3A_736 = arith.index_cast %parallel_loop3A_416 : i32 to index
        %parallel_loop3A_737 = arith.constant 384 : index
        %parallel_loop3A_738 = tpu.vector_load %arg10[%parallel_loop3A_736, %parallel_loop3A_737] {strides = array<i32>} : memref<64x768xf32, #tpu.memory_space<vmem>>, vector<16xf32>,
        %parallel_loop3A_739 = arith.addf %parallel_loop3A_735, %parallel_loop3A_738 : vector<16xf32>
        %parallel_loop3A_740 = arith.index_cast %parallel_loop3A_416 : i32 to index
        %parallel_loop3A_741 = arith.constant 384 : index
        %parallel_loop3A_742 = tpu.vector_load %arg9[%parallel_loop3A_740, %parallel_loop3A_741] {strides = array<i32>} : memref<64x768xf32, #tpu.memory_space<vmem>>, vector<16xf32>,
        tpu.vector_store %arg9[%parallel_loop3A_740, %parallel_loop3A_741], %parallel_loop3A_739 {strides = array<i32>} : memref<64x768xf32, #tpu.memory_space<vmem>>, vector<16xf32>,
        %parallel_loop3A_743 = arith.addf %parallel_loop3A_730, %parallel_loop3A_739 : vector<16xf32>
        %parallel_loop3A_744 = arith.mulf %parallel_loop3A_739, %parallel_loop3A_739 : vector<16xf32>
        %parallel_loop3A_745 = arith.addf %parallel_loop3A_732, %parallel_loop3A_744 : vector<16xf32>
        %parallel_loop3A_746 = arith.index_cast %parallel_loop3A_416 : i32 to index
        %parallel_loop3A_747 = arith.constant 400 : index
        %parallel_loop3A_748 = tpu.vector_load %arg9[%parallel_loop3A_746, %parallel_loop3A_747] {strides = array<i32>} : memref<64x768xf32, #tpu.memory_space<vmem>>, vector<16xf32>,
        %parallel_loop3A_749 = arith.index_cast %parallel_loop3A_416 : i32 to index
        %parallel_loop3A_750 = arith.constant 400 : index
        %parallel_loop3A_751 = tpu.vector_load %arg10[%parallel_loop3A_749, %parallel_loop3A_750] {strides = array<i32>} : memref<64x768xf32, #tpu.memory_space<vmem>>, vector<16xf32>,
        %parallel_loop3A_752 = arith.addf %parallel_loop3A_748, %parallel_loop3A_751 : vector<16xf32>
        %parallel_loop3A_753 = arith.index_cast %parallel_loop3A_416 : i32 to index
        %parallel_loop3A_754 = arith.constant 400 : index
        %parallel_loop3A_755 = tpu.vector_load %arg9[%parallel_loop3A_753, %parallel_loop3A_754] {strides = array<i32>} : memref<64x768xf32, #tpu.memory_space<vmem>>, vector<16xf32>,
        tpu.vector_store %arg9[%parallel_loop3A_753, %parallel_loop3A_754], %parallel_loop3A_752 {strides = array<i32>} : memref<64x768xf32, #tpu.memory_space<vmem>>, vector<16xf32>,
        %parallel_loop3A_756 = arith.addf %parallel_loop3A_743, %parallel_loop3A_752 : vector<16xf32>
        %parallel_loop3A_757 = arith.mulf %parallel_loop3A_752, %parallel_loop3A_752 : vector<16xf32>
        %parallel_loop3A_758 = arith.addf %parallel_loop3A_745, %parallel_loop3A_757 : vector<16xf32>
        %parallel_loop3A_759 = arith.index_cast %parallel_loop3A_416 : i32 to index
        %parallel_loop3A_760 = arith.constant 416 : index
        %parallel_loop3A_761 = tpu.vector_load %arg9[%parallel_loop3A_759, %parallel_loop3A_760] {strides = array<i32>} : memref<64x768xf32, #tpu.memory_space<vmem>>, vector<16xf32>,
        %parallel_loop3A_762 = arith.index_cast %parallel_loop3A_416 : i32 to index
        %parallel_loop3A_763 = arith.constant 416 : index
        %parallel_loop3A_764 = tpu.vector_load %arg10[%parallel_loop3A_762, %parallel_loop3A_763] {strides = array<i32>} : memref<64x768xf32, #tpu.memory_space<vmem>>, vector<16xf32>,
        %parallel_loop3A_765 = arith.addf %parallel_loop3A_761, %parallel_loop3A_764 : vector<16xf32>
        %parallel_loop3A_766 = arith.index_cast %parallel_loop3A_416 : i32 to index
        %parallel_loop3A_767 = arith.constant 416 : index
        %parallel_loop3A_768 = tpu.vector_load %arg9[%parallel_loop3A_766, %parallel_loop3A_767] {strides = array<i32>} : memref<64x768xf32, #tpu.memory_space<vmem>>, vector<16xf32>,
        tpu.vector_store %arg9[%parallel_loop3A_766, %parallel_loop3A_767], %parallel_loop3A_765 {strides = array<i32>} : memref<64x768xf32, #tpu.memory_space<vmem>>, vector<16xf32>,
        %parallel_loop3A_769 = arith.addf %parallel_loop3A_756, %parallel_loop3A_765 : vector<16xf32>
        %parallel_loop3A_770 = arith.mulf %parallel_loop3A_765, %parallel_loop3A_765 : vector<16xf32>
        %parallel_loop3A_771 = arith.addf %parallel_loop3A_758, %parallel_loop3A_770 : vector<16xf32>
        %parallel_loop3A_772 = arith.index_cast %parallel_loop3A_416 : i32 to index
        %parallel_loop3A_773 = arith.constant 432 : index
        %parallel_loop3A_774 = tpu.vector_load %arg9[%parallel_loop3A_772, %parallel_loop3A_773] {strides = array<i32>} : memref<64x768xf32, #tpu.memory_space<vmem>>, vector<16xf32>,
        %parallel_loop3A_775 = arith.index_cast %parallel_loop3A_416 : i32 to index
        %parallel_loop3A_776 = arith.constant 432 : index
        %parallel_loop3A_777 = tpu.vector_load %arg10[%parallel_loop3A_775, %parallel_loop3A_776] {strides = array<i32>} : memref<64x768xf32, #tpu.memory_space<vmem>>, vector<16xf32>,
        %parallel_loop3A_778 = arith.addf %parallel_loop3A_774, %parallel_loop3A_777 : vector<16xf32>
        %parallel_loop3A_779 = arith.index_cast %parallel_loop3A_416 : i32 to index
        %parallel_loop3A_780 = arith.constant 432 : index
        %parallel_loop3A_781 = tpu.vector_load %arg9[%parallel_loop3A_779, %parallel_loop3A_780] {strides = array<i32>} : memref<64x768xf32, #tpu.memory_space<vmem>>, vector<16xf32>,
        tpu.vector_store %arg9[%parallel_loop3A_779, %parallel_loop3A_780], %parallel_loop3A_778 {strides = array<i32>} : memref<64x768xf32, #tpu.memory_space<vmem>>, vector<16xf32>,
        %parallel_loop3A_782 = arith.addf %parallel_loop3A_769, %parallel_loop3A_778 : vector<16xf32>
        %parallel_loop3A_783 = arith.mulf %parallel_loop3A_778, %parallel_loop3A_778 : vector<16xf32>
        %parallel_loop3A_784 = arith.addf %parallel_loop3A_771, %parallel_loop3A_783 : vector<16xf32>
        %parallel_loop3A_785 = arith.index_cast %parallel_loop3A_416 : i32 to index
        %parallel_loop3A_786 = arith.constant 448 : index
        %parallel_loop3A_787 = tpu.vector_load %arg9[%parallel_loop3A_785, %parallel_loop3A_786] {strides = array<i32>} : memref<64x768xf32, #tpu.memory_space<vmem>>, vector<16xf32>,
        %parallel_loop3A_788 = arith.index_cast %parallel_loop3A_416 : i32 to index
        %parallel_loop3A_789 = arith.constant 448 : index
        %parallel_loop3A_790 = tpu.vector_load %arg10[%parallel_loop3A_788, %parallel_loop3A_789] {strides = array<i32>} : memref<64x768xf32, #tpu.memory_space<vmem>>, vector<16xf32>,
        %parallel_loop3A_791 = arith.addf %parallel_loop3A_787, %parallel_loop3A_790 : vector<16xf32>
        %parallel_loop3A_792 = arith.index_cast %parallel_loop3A_416 : i32 to index
        %parallel_loop3A_793 = arith.constant 448 : index
        %parallel_loop3A_794 = tpu.vector_load %arg9[%parallel_loop3A_792, %parallel_loop3A_793] {strides = array<i32>} : memref<64x768xf32, #tpu.memory_space<vmem>>, vector<16xf32>,
        tpu.vector_store %arg9[%parallel_loop3A_792, %parallel_loop3A_793], %parallel_loop3A_791 {strides = array<i32>} : memref<64x768xf32, #tpu.memory_space<vmem>>, vector<16xf32>,
        %parallel_loop3A_795 = arith.addf %parallel_loop3A_782, %parallel_loop3A_791 : vector<16xf32>
        %parallel_loop3A_796 = arith.mulf %parallel_loop3A_791, %parallel_loop3A_791 : vector<16xf32>
        %parallel_loop3A_797 = arith.addf %parallel_loop3A_784, %parallel_loop3A_796 : vector<16xf32>
        %parallel_loop3A_798 = arith.index_cast %parallel_loop3A_416 : i32 to index
        %parallel_loop3A_799 = arith.constant 464 : index
        %parallel_loop3A_800 = tpu.vector_load %arg9[%parallel_loop3A_798, %parallel_loop3A_799] {strides = array<i32>} : memref<64x768xf32, #tpu.memory_space<vmem>>, vector<16xf32>,
        %parallel_loop3A_801 = arith.index_cast %parallel_loop3A_416 : i32 to index
        %parallel_loop3A_802 = arith.constant 464 : index
        %parallel_loop3A_803 = tpu.vector_load %arg10[%parallel_loop3A_801, %parallel_loop3A_802] {strides = array<i32>} : memref<64x768xf32, #tpu.memory_space<vmem>>, vector<16xf32>,
        %parallel_loop3A_804 = arith.addf %parallel_loop3A_800, %parallel_loop3A_803 : vector<16xf32>
        %parallel_loop3A_805 = arith.index_cast %parallel_loop3A_416 : i32 to index
        %parallel_loop3A_806 = arith.constant 464 : index
        %parallel_loop3A_807 = tpu.vector_load %arg9[%parallel_loop3A_805, %parallel_loop3A_806] {strides = array<i32>} : memref<64x768xf32, #tpu.memory_space<vmem>>, vector<16xf32>,
        tpu.vector_store %arg9[%parallel_loop3A_805, %parallel_loop3A_806], %parallel_loop3A_804 {strides = array<i32>} : memref<64x768xf32, #tpu.memory_space<vmem>>, vector<16xf32>,
        %parallel_loop3A_808 = arith.addf %parallel_loop3A_795, %parallel_loop3A_804 : vector<16xf32>
        %parallel_loop3A_809 = arith.mulf %parallel_loop3A_804, %parallel_loop3A_804 : vector<16xf32>
        %parallel_loop3A_810 = arith.addf %parallel_loop3A_797, %parallel_loop3A_809 : vector<16xf32>
        %parallel_loop3A_811 = arith.index_cast %parallel_loop3A_416 : i32 to index
        %parallel_loop3A_812 = arith.constant 480 : index
        %parallel_loop3A_813 = tpu.vector_load %arg9[%parallel_loop3A_811, %parallel_loop3A_812] {strides = array<i32>} : memref<64x768xf32, #tpu.memory_space<vmem>>, vector<16xf32>,
        %parallel_loop3A_814 = arith.index_cast %parallel_loop3A_416 : i32 to index
        %parallel_loop3A_815 = arith.constant 480 : index
        %parallel_loop3A_816 = tpu.vector_load %arg10[%parallel_loop3A_814, %parallel_loop3A_815] {strides = array<i32>} : memref<64x768xf32, #tpu.memory_space<vmem>>, vector<16xf32>,
        %parallel_loop3A_817 = arith.addf %parallel_loop3A_813, %parallel_loop3A_816 : vector<16xf32>
        %parallel_loop3A_818 = arith.index_cast %parallel_loop3A_416 : i32 to index
        %parallel_loop3A_819 = arith.constant 480 : index
        %parallel_loop3A_820 = tpu.vector_load %arg9[%parallel_loop3A_818, %parallel_loop3A_819] {strides = array<i32>} : memref<64x768xf32, #tpu.memory_space<vmem>>, vector<16xf32>,
        tpu.vector_store %arg9[%parallel_loop3A_818, %parallel_loop3A_819], %parallel_loop3A_817 {strides = array<i32>} : memref<64x768xf32, #tpu.memory_space<vmem>>, vector<16xf32>,
        %parallel_loop3A_821 = arith.addf %parallel_loop3A_808, %parallel_loop3A_817 : vector<16xf32>
        %parallel_loop3A_822 = arith.mulf %parallel_loop3A_817, %parallel_loop3A_817 : vector<16xf32>
        %parallel_loop3A_823 = arith.addf %parallel_loop3A_810, %parallel_loop3A_822 : vector<16xf32>
        %parallel_loop3A_824 = arith.index_cast %parallel_loop3A_416 : i32 to index
        %parallel_loop3A_825 = arith.constant 496 : index
        %parallel_loop3A_826 = tpu.vector_load %arg9[%parallel_loop3A_824, %parallel_loop3A_825] {strides = array<i32>} : memref<64x768xf32, #tpu.memory_space<vmem>>, vector<16xf32>,
        %parallel_loop3A_827 = arith.index_cast %parallel_loop3A_416 : i32 to index
        %parallel_loop3A_828 = arith.constant 496 : index
        %parallel_loop3A_829 = tpu.vector_load %arg10[%parallel_loop3A_827, %parallel_loop3A_828] {strides = array<i32>} : memref<64x768xf32, #tpu.memory_space<vmem>>, vector<16xf32>,
        %parallel_loop3A_830 = arith.addf %parallel_loop3A_826, %parallel_loop3A_829 : vector<16xf32>
        %parallel_loop3A_831 = arith.index_cast %parallel_loop3A_416 : i32 to index
        %parallel_loop3A_832 = arith.constant 496 : index
        %parallel_loop3A_833 = tpu.vector_load %arg9[%parallel_loop3A_831, %parallel_loop3A_832] {strides = array<i32>} : memref<64x768xf32, #tpu.memory_space<vmem>>, vector<16xf32>,
        tpu.vector_store %arg9[%parallel_loop3A_831, %parallel_loop3A_832], %parallel_loop3A_830 {strides = array<i32>} : memref<64x768xf32, #tpu.memory_space<vmem>>, vector<16xf32>,
        %parallel_loop3A_834 = arith.addf %parallel_loop3A_821, %parallel_loop3A_830 : vector<16xf32>
        %parallel_loop3A_835 = arith.mulf %parallel_loop3A_830, %parallel_loop3A_830 : vector<16xf32>
        %parallel_loop3A_836 = arith.addf %parallel_loop3A_823, %parallel_loop3A_835 : vector<16xf32>
        %parallel_loop3A_837 = arith.index_cast %parallel_loop3A_416 : i32 to index
        %parallel_loop3A_838 = arith.constant 512 : index
        %parallel_loop3A_839 = tpu.vector_load %arg9[%parallel_loop3A_837, %parallel_loop3A_838] {strides = array<i32>} : memref<64x768xf32, #tpu.memory_space<vmem>>, vector<16xf32>,
        %parallel_loop3A_840 = arith.index_cast %parallel_loop3A_416 : i32 to index
        %parallel_loop3A_841 = arith.constant 512 : index
        %parallel_loop3A_842 = tpu.vector_load %arg10[%parallel_loop3A_840, %parallel_loop3A_841] {strides = array<i32>} : memref<64x768xf32, #tpu.memory_space<vmem>>, vector<16xf32>,
        %parallel_loop3A_843 = arith.addf %parallel_loop3A_839, %parallel_loop3A_842 : vector<16xf32>
        %parallel_loop3A_844 = arith.index_cast %parallel_loop3A_416 : i32 to index
        %parallel_loop3A_845 = arith.constant 512 : index
        %parallel_loop3A_846 = tpu.vector_load %arg9[%parallel_loop3A_844, %parallel_loop3A_845] {strides = array<i32>} : memref<64x768xf32, #tpu.memory_space<vmem>>, vector<16xf32>,
        tpu.vector_store %arg9[%parallel_loop3A_844, %parallel_loop3A_845], %parallel_loop3A_843 {strides = array<i32>} : memref<64x768xf32, #tpu.memory_space<vmem>>, vector<16xf32>,
        %parallel_loop3A_847 = arith.addf %parallel_loop3A_834, %parallel_loop3A_843 : vector<16xf32>
        %parallel_loop3A_848 = arith.mulf %parallel_loop3A_843, %parallel_loop3A_843 : vector<16xf32>
        %parallel_loop3A_849 = arith.addf %parallel_loop3A_836, %parallel_loop3A_848 : vector<16xf32>
        %parallel_loop3A_850 = arith.index_cast %parallel_loop3A_416 : i32 to index
        %parallel_loop3A_851 = arith.constant 528 : index
        %parallel_loop3A_852 = tpu.vector_load %arg9[%parallel_loop3A_850, %parallel_loop3A_851] {strides = array<i32>} : memref<64x768xf32, #tpu.memory_space<vmem>>, vector<16xf32>,
        %parallel_loop3A_853 = arith.index_cast %parallel_loop3A_416 : i32 to index
        %parallel_loop3A_854 = arith.constant 528 : index
        %parallel_loop3A_855 = tpu.vector_load %arg10[%parallel_loop3A_853, %parallel_loop3A_854] {strides = array<i32>} : memref<64x768xf32, #tpu.memory_space<vmem>>, vector<16xf32>,
        %parallel_loop3A_856 = arith.addf %parallel_loop3A_852, %parallel_loop3A_855 : vector<16xf32>
        %parallel_loop3A_857 = arith.index_cast %parallel_loop3A_416 : i32 to index
        %parallel_loop3A_858 = arith.constant 528 : index
        %parallel_loop3A_859 = tpu.vector_load %arg9[%parallel_loop3A_857, %parallel_loop3A_858] {strides = array<i32>} : memref<64x768xf32, #tpu.memory_space<vmem>>, vector<16xf32>,
        tpu.vector_store %arg9[%parallel_loop3A_857, %parallel_loop3A_858], %parallel_loop3A_856 {strides = array<i32>} : memref<64x768xf32, #tpu.memory_space<vmem>>, vector<16xf32>,
        %parallel_loop3A_860 = arith.addf %parallel_loop3A_847, %parallel_loop3A_856 : vector<16xf32>
        %parallel_loop3A_861 = arith.mulf %parallel_loop3A_856, %parallel_loop3A_856 : vector<16xf32>
        %parallel_loop3A_862 = arith.addf %parallel_loop3A_849, %parallel_loop3A_861 : vector<16xf32>
        %parallel_loop3A_863 = arith.index_cast %parallel_loop3A_416 : i32 to index
        %parallel_loop3A_864 = arith.constant 544 : index
        %parallel_loop3A_865 = tpu.vector_load %arg9[%parallel_loop3A_863, %parallel_loop3A_864] {strides = array<i32>} : memref<64x768xf32, #tpu.memory_space<vmem>>, vector<16xf32>,
        %parallel_loop3A_866 = arith.index_cast %parallel_loop3A_416 : i32 to index
        %parallel_loop3A_867 = arith.constant 544 : index
        %parallel_loop3A_868 = tpu.vector_load %arg10[%parallel_loop3A_866, %parallel_loop3A_867] {strides = array<i32>} : memref<64x768xf32, #tpu.memory_space<vmem>>, vector<16xf32>,
        %parallel_loop3A_869 = arith.addf %parallel_loop3A_865, %parallel_loop3A_868 : vector<16xf32>
        %parallel_loop3A_870 = arith.index_cast %parallel_loop3A_416 : i32 to index
        %parallel_loop3A_871 = arith.constant 544 : index
        %parallel_loop3A_872 = tpu.vector_load %arg9[%parallel_loop3A_870, %parallel_loop3A_871] {strides = array<i32>} : memref<64x768xf32, #tpu.memory_space<vmem>>, vector<16xf32>,
        tpu.vector_store %arg9[%parallel_loop3A_870, %parallel_loop3A_871], %parallel_loop3A_869 {strides = array<i32>} : memref<64x768xf32, #tpu.memory_space<vmem>>, vector<16xf32>,
        %parallel_loop3A_873 = arith.addf %parallel_loop3A_860, %parallel_loop3A_869 : vector<16xf32>
        %parallel_loop3A_874 = arith.mulf %parallel_loop3A_869, %parallel_loop3A_869 : vector<16xf32>
        %parallel_loop3A_875 = arith.addf %parallel_loop3A_862, %parallel_loop3A_874 : vector<16xf32>
        %parallel_loop3A_876 = arith.index_cast %parallel_loop3A_416 : i32 to index
        %parallel_loop3A_877 = arith.constant 560 : index
        %parallel_loop3A_878 = tpu.vector_load %arg9[%parallel_loop3A_876, %parallel_loop3A_877] {strides = array<i32>} : memref<64x768xf32, #tpu.memory_space<vmem>>, vector<16xf32>,
        %parallel_loop3A_879 = arith.index_cast %parallel_loop3A_416 : i32 to index
        %parallel_loop3A_880 = arith.constant 560 : index
        %parallel_loop3A_881 = tpu.vector_load %arg10[%parallel_loop3A_879, %parallel_loop3A_880] {strides = array<i32>} : memref<64x768xf32, #tpu.memory_space<vmem>>, vector<16xf32>,
        %parallel_loop3A_882 = arith.addf %parallel_loop3A_878, %parallel_loop3A_881 : vector<16xf32>
        %parallel_loop3A_883 = arith.index_cast %parallel_loop3A_416 : i32 to index
        %parallel_loop3A_884 = arith.constant 560 : index
        %parallel_loop3A_885 = tpu.vector_load %arg9[%parallel_loop3A_883, %parallel_loop3A_884] {strides = array<i32>} : memref<64x768xf32, #tpu.memory_space<vmem>>, vector<16xf32>,
        tpu.vector_store %arg9[%parallel_loop3A_883, %parallel_loop3A_884], %parallel_loop3A_882 {strides = array<i32>} : memref<64x768xf32, #tpu.memory_space<vmem>>, vector<16xf32>,
        %parallel_loop3A_886 = arith.addf %parallel_loop3A_873, %parallel_loop3A_882 : vector<16xf32>
        %parallel_loop3A_887 = arith.mulf %parallel_loop3A_882, %parallel_loop3A_882 : vector<16xf32>
        %parallel_loop3A_888 = arith.addf %parallel_loop3A_875, %parallel_loop3A_887 : vector<16xf32>
        %parallel_loop3A_889 = arith.index_cast %parallel_loop3A_416 : i32 to index
        %parallel_loop3A_890 = arith.constant 576 : index
        %parallel_loop3A_891 = tpu.vector_load %arg9[%parallel_loop3A_889, %parallel_loop3A_890] {strides = array<i32>} : memref<64x768xf32, #tpu.memory_space<vmem>>, vector<16xf32>,
        %parallel_loop3A_892 = arith.index_cast %parallel_loop3A_416 : i32 to index
        %parallel_loop3A_893 = arith.constant 576 : index
        %parallel_loop3A_894 = tpu.vector_load %arg10[%parallel_loop3A_892, %parallel_loop3A_893] {strides = array<i32>} : memref<64x768xf32, #tpu.memory_space<vmem>>, vector<16xf32>,
        %parallel_loop3A_895 = arith.addf %parallel_loop3A_891, %parallel_loop3A_894 : vector<16xf32>
        %parallel_loop3A_896 = arith.index_cast %parallel_loop3A_416 : i32 to index
        %parallel_loop3A_897 = arith.constant 576 : index
        %parallel_loop3A_898 = tpu.vector_load %arg9[%parallel_loop3A_896, %parallel_loop3A_897] {strides = array<i32>} : memref<64x768xf32, #tpu.memory_space<vmem>>, vector<16xf32>,
        tpu.vector_store %arg9[%parallel_loop3A_896, %parallel_loop3A_897], %parallel_loop3A_895 {strides = array<i32>} : memref<64x768xf32, #tpu.memory_space<vmem>>, vector<16xf32>,
        %parallel_loop3A_899 = arith.addf %parallel_loop3A_886, %parallel_loop3A_895 : vector<16xf32>
        %parallel_loop3A_900 = arith.mulf %parallel_loop3A_895, %parallel_loop3A_895 : vector<16xf32>
        %parallel_loop3A_901 = arith.addf %parallel_loop3A_888, %parallel_loop3A_900 : vector<16xf32>
        %parallel_loop3A_902 = arith.index_cast %parallel_loop3A_416 : i32 to index
        %parallel_loop3A_903 = arith.constant 592 : index
        %parallel_loop3A_904 = tpu.vector_load %arg9[%parallel_loop3A_902, %parallel_loop3A_903] {strides = array<i32>} : memref<64x768xf32, #tpu.memory_space<vmem>>, vector<16xf32>,
        %parallel_loop3A_905 = arith.index_cast %parallel_loop3A_416 : i32 to index
        %parallel_loop3A_906 = arith.constant 592 : index
        %parallel_loop3A_907 = tpu.vector_load %arg10[%parallel_loop3A_905, %parallel_loop3A_906] {strides = array<i32>} : memref<64x768xf32, #tpu.memory_space<vmem>>, vector<16xf32>,
        %parallel_loop3A_908 = arith.addf %parallel_loop3A_904, %parallel_loop3A_907 : vector<16xf32>
        %parallel_loop3A_909 = arith.index_cast %parallel_loop3A_416 : i32 to index
        %parallel_loop3A_910 = arith.constant 592 : index
        %parallel_loop3A_911 = tpu.vector_load %arg9[%parallel_loop3A_909, %parallel_loop3A_910] {strides = array<i32>} : memref<64x768xf32, #tpu.memory_space<vmem>>, vector<16xf32>,
        tpu.vector_store %arg9[%parallel_loop3A_909, %parallel_loop3A_910], %parallel_loop3A_908 {strides = array<i32>} : memref<64x768xf32, #tpu.memory_space<vmem>>, vector<16xf32>,
        %parallel_loop3A_912 = arith.addf %parallel_loop3A_899, %parallel_loop3A_908 : vector<16xf32>
        %parallel_loop3A_913 = arith.mulf %parallel_loop3A_908, %parallel_loop3A_908 : vector<16xf32>
        %parallel_loop3A_914 = arith.addf %parallel_loop3A_901, %parallel_loop3A_913 : vector<16xf32>
        %parallel_loop3A_915 = arith.index_cast %parallel_loop3A_416 : i32 to index
        %parallel_loop3A_916 = arith.constant 608 : index
        %parallel_loop3A_917 = tpu.vector_load %arg9[%parallel_loop3A_915, %parallel_loop3A_916] {strides = array<i32>} : memref<64x768xf32, #tpu.memory_space<vmem>>, vector<16xf32>,
        %parallel_loop3A_918 = arith.index_cast %parallel_loop3A_416 : i32 to index
        %parallel_loop3A_919 = arith.constant 608 : index
        %parallel_loop3A_920 = tpu.vector_load %arg10[%parallel_loop3A_918, %parallel_loop3A_919] {strides = array<i32>} : memref<64x768xf32, #tpu.memory_space<vmem>>, vector<16xf32>,
        %parallel_loop3A_921 = arith.addf %parallel_loop3A_917, %parallel_loop3A_920 : vector<16xf32>
        %parallel_loop3A_922 = arith.index_cast %parallel_loop3A_416 : i32 to index
        %parallel_loop3A_923 = arith.constant 608 : index
        %parallel_loop3A_924 = tpu.vector_load %arg9[%parallel_loop3A_922, %parallel_loop3A_923] {strides = array<i32>} : memref<64x768xf32, #tpu.memory_space<vmem>>, vector<16xf32>,
        tpu.vector_store %arg9[%parallel_loop3A_922, %parallel_loop3A_923], %parallel_loop3A_921 {strides = array<i32>} : memref<64x768xf32, #tpu.memory_space<vmem>>, vector<16xf32>,
        %parallel_loop3A_925 = arith.addf %parallel_loop3A_912, %parallel_loop3A_921 : vector<16xf32>
        %parallel_loop3A_926 = arith.mulf %parallel_loop3A_921, %parallel_loop3A_921 : vector<16xf32>
        %parallel_loop3A_927 = arith.addf %parallel_loop3A_914, %parallel_loop3A_926 : vector<16xf32>
        %parallel_loop3A_928 = arith.index_cast %parallel_loop3A_416 : i32 to index
        %parallel_loop3A_929 = arith.constant 624 : index
        %parallel_loop3A_930 = tpu.vector_load %arg9[%parallel_loop3A_928, %parallel_loop3A_929] {strides = array<i32>} : memref<64x768xf32, #tpu.memory_space<vmem>>, vector<16xf32>,
        %parallel_loop3A_931 = arith.index_cast %parallel_loop3A_416 : i32 to index
        %parallel_loop3A_932 = arith.constant 624 : index
        %parallel_loop3A_933 = tpu.vector_load %arg10[%parallel_loop3A_931, %parallel_loop3A_932] {strides = array<i32>} : memref<64x768xf32, #tpu.memory_space<vmem>>, vector<16xf32>,
        %parallel_loop3A_934 = arith.addf %parallel_loop3A_930, %parallel_loop3A_933 : vector<16xf32>
        %parallel_loop3A_935 = arith.index_cast %parallel_loop3A_416 : i32 to index
        %parallel_loop3A_936 = arith.constant 624 : index
        %parallel_loop3A_937 = tpu.vector_load %arg9[%parallel_loop3A_935, %parallel_loop3A_936] {strides = array<i32>} : memref<64x768xf32, #tpu.memory_space<vmem>>, vector<16xf32>,
        tpu.vector_store %arg9[%parallel_loop3A_935, %parallel_loop3A_936], %parallel_loop3A_934 {strides = array<i32>} : memref<64x768xf32, #tpu.memory_space<vmem>>, vector<16xf32>,
        %parallel_loop3A_938 = arith.addf %parallel_loop3A_925, %parallel_loop3A_934 : vector<16xf32>
        %parallel_loop3A_939 = arith.mulf %parallel_loop3A_934, %parallel_loop3A_934 : vector<16xf32>
        %parallel_loop3A_940 = arith.addf %parallel_loop3A_927, %parallel_loop3A_939 : vector<16xf32>
        %parallel_loop3A_941 = arith.index_cast %parallel_loop3A_416 : i32 to index
        %parallel_loop3A_942 = arith.constant 640 : index
        %parallel_loop3A_943 = tpu.vector_load %arg9[%parallel_loop3A_941, %parallel_loop3A_942] {strides = array<i32>} : memref<64x768xf32, #tpu.memory_space<vmem>>, vector<16xf32>,
        %parallel_loop3A_944 = arith.index_cast %parallel_loop3A_416 : i32 to index
        %parallel_loop3A_945 = arith.constant 640 : index
        %parallel_loop3A_946 = tpu.vector_load %arg10[%parallel_loop3A_944, %parallel_loop3A_945] {strides = array<i32>} : memref<64x768xf32, #tpu.memory_space<vmem>>, vector<16xf32>,
        %parallel_loop3A_947 = arith.addf %parallel_loop3A_943, %parallel_loop3A_946 : vector<16xf32>
        %parallel_loop3A_948 = arith.index_cast %parallel_loop3A_416 : i32 to index
        %parallel_loop3A_949 = arith.constant 640 : index
        %parallel_loop3A_950 = tpu.vector_load %arg9[%parallel_loop3A_948, %parallel_loop3A_949] {strides = array<i32>} : memref<64x768xf32, #tpu.memory_space<vmem>>, vector<16xf32>,
        tpu.vector_store %arg9[%parallel_loop3A_948, %parallel_loop3A_949], %parallel_loop3A_947 {strides = array<i32>} : memref<64x768xf32, #tpu.memory_space<vmem>>, vector<16xf32>,
        %parallel_loop3A_951 = arith.addf %parallel_loop3A_938, %parallel_loop3A_947 : vector<16xf32>
        %parallel_loop3A_952 = arith.mulf %parallel_loop3A_947, %parallel_loop3A_947 : vector<16xf32>
        %parallel_loop3A_953 = arith.addf %parallel_loop3A_940, %parallel_loop3A_952 : vector<16xf32>
        %parallel_loop3A_954 = arith.index_cast %parallel_loop3A_416 : i32 to index
        %parallel_loop3A_955 = arith.constant 656 : index
        %parallel_loop3A_956 = tpu.vector_load %arg9[%parallel_loop3A_954, %parallel_loop3A_955] {strides = array<i32>} : memref<64x768xf32, #tpu.memory_space<vmem>>, vector<16xf32>,
        %parallel_loop3A_957 = arith.index_cast %parallel_loop3A_416 : i32 to index
        %parallel_loop3A_958 = arith.constant 656 : index
        %parallel_loop3A_959 = tpu.vector_load %arg10[%parallel_loop3A_957, %parallel_loop3A_958] {strides = array<i32>} : memref<64x768xf32, #tpu.memory_space<vmem>>, vector<16xf32>,
        %parallel_loop3A_960 = arith.addf %parallel_loop3A_956, %parallel_loop3A_959 : vector<16xf32>
        %parallel_loop3A_961 = arith.index_cast %parallel_loop3A_416 : i32 to index
        %parallel_loop3A_962 = arith.constant 656 : index
        %parallel_loop3A_963 = tpu.vector_load %arg9[%parallel_loop3A_961, %parallel_loop3A_962] {strides = array<i32>} : memref<64x768xf32, #tpu.memory_space<vmem>>, vector<16xf32>,
        tpu.vector_store %arg9[%parallel_loop3A_961, %parallel_loop3A_962], %parallel_loop3A_960 {strides = array<i32>} : memref<64x768xf32, #tpu.memory_space<vmem>>, vector<16xf32>,
        %parallel_loop3A_964 = arith.addf %parallel_loop3A_951, %parallel_loop3A_960 : vector<16xf32>
        %parallel_loop3A_965 = arith.mulf %parallel_loop3A_960, %parallel_loop3A_960 : vector<16xf32>
        %parallel_loop3A_966 = arith.addf %parallel_loop3A_953, %parallel_loop3A_965 : vector<16xf32>
        %parallel_loop3A_967 = arith.index_cast %parallel_loop3A_416 : i32 to index
        %parallel_loop3A_968 = arith.constant 672 : index
        %parallel_loop3A_969 = tpu.vector_load %arg9[%parallel_loop3A_967, %parallel_loop3A_968] {strides = array<i32>} : memref<64x768xf32, #tpu.memory_space<vmem>>, vector<16xf32>,
        %parallel_loop3A_970 = arith.index_cast %parallel_loop3A_416 : i32 to index
        %parallel_loop3A_971 = arith.constant 672 : index
        %parallel_loop3A_972 = tpu.vector_load %arg10[%parallel_loop3A_970, %parallel_loop3A_971] {strides = array<i32>} : memref<64x768xf32, #tpu.memory_space<vmem>>, vector<16xf32>,
        %parallel_loop3A_973 = arith.addf %parallel_loop3A_969, %parallel_loop3A_972 : vector<16xf32>
        %parallel_loop3A_974 = arith.index_cast %parallel_loop3A_416 : i32 to index
        %parallel_loop3A_975 = arith.constant 672 : index
        %parallel_loop3A_976 = tpu.vector_load %arg9[%parallel_loop3A_974, %parallel_loop3A_975] {strides = array<i32>} : memref<64x768xf32, #tpu.memory_space<vmem>>, vector<16xf32>,
        tpu.vector_store %arg9[%parallel_loop3A_974, %parallel_loop3A_975], %parallel_loop3A_973 {strides = array<i32>} : memref<64x768xf32, #tpu.memory_space<vmem>>, vector<16xf32>,
        %parallel_loop3A_977 = arith.addf %parallel_loop3A_964, %parallel_loop3A_973 : vector<16xf32>
        %parallel_loop3A_978 = arith.mulf %parallel_loop3A_973, %parallel_loop3A_973 : vector<16xf32>
        %parallel_loop3A_979 = arith.addf %parallel_loop3A_966, %parallel_loop3A_978 : vector<16xf32>
        %parallel_loop3A_980 = arith.index_cast %parallel_loop3A_416 : i32 to index
        %parallel_loop3A_981 = arith.constant 688 : index
        %parallel_loop3A_982 = tpu.vector_load %arg9[%parallel_loop3A_980, %parallel_loop3A_981] {strides = array<i32>} : memref<64x768xf32, #tpu.memory_space<vmem>>, vector<16xf32>,
        %parallel_loop3A_983 = arith.index_cast %parallel_loop3A_416 : i32 to index
        %parallel_loop3A_984 = arith.constant 688 : index
        %parallel_loop3A_985 = tpu.vector_load %arg10[%parallel_loop3A_983, %parallel_loop3A_984] {strides = array<i32>} : memref<64x768xf32, #tpu.memory_space<vmem>>, vector<16xf32>,
        %parallel_loop3A_986 = arith.addf %parallel_loop3A_982, %parallel_loop3A_985 : vector<16xf32>
        %parallel_loop3A_987 = arith.index_cast %parallel_loop3A_416 : i32 to index
        %parallel_loop3A_988 = arith.constant 688 : index
        %parallel_loop3A_989 = tpu.vector_load %arg9[%parallel_loop3A_987, %parallel_loop3A_988] {strides = array<i32>} : memref<64x768xf32, #tpu.memory_space<vmem>>, vector<16xf32>,
        tpu.vector_store %arg9[%parallel_loop3A_987, %parallel_loop3A_988], %parallel_loop3A_986 {strides = array<i32>} : memref<64x768xf32, #tpu.memory_space<vmem>>, vector<16xf32>,
        %parallel_loop3A_990 = arith.addf %parallel_loop3A_977, %parallel_loop3A_986 : vector<16xf32>
        %parallel_loop3A_991 = arith.mulf %parallel_loop3A_986, %parallel_loop3A_986 : vector<16xf32>
        %parallel_loop3A_992 = arith.addf %parallel_loop3A_979, %parallel_loop3A_991 : vector<16xf32>
        %parallel_loop3A_993 = arith.index_cast %parallel_loop3A_416 : i32 to index
        %parallel_loop3A_994 = arith.constant 704 : index
        %parallel_loop3A_995 = tpu.vector_load %arg9[%parallel_loop3A_993, %parallel_loop3A_994] {strides = array<i32>} : memref<64x768xf32, #tpu.memory_space<vmem>>, vector<16xf32>,
        %parallel_loop3A_996 = arith.index_cast %parallel_loop3A_416 : i32 to index
        %parallel_loop3A_997 = arith.constant 704 : index
        %parallel_loop3A_998 = tpu.vector_load %arg10[%parallel_loop3A_996, %parallel_loop3A_997] {strides = array<i32>} : memref<64x768xf32, #tpu.memory_space<vmem>>, vector<16xf32>,
        %parallel_loop3A_999 = arith.addf %parallel_loop3A_995, %parallel_loop3A_998 : vector<16xf32>
        %parallel_loop3A_1000 = arith.index_cast %parallel_loop3A_416 : i32 to index
        %parallel_loop3A_1001 = arith.constant 704 : index
        %parallel_loop3A_1002 = tpu.vector_load %arg9[%parallel_loop3A_1000, %parallel_loop3A_1001] {strides = array<i32>} : memref<64x768xf32, #tpu.memory_space<vmem>>, vector<16xf32>,
        tpu.vector_store %arg9[%parallel_loop3A_1000, %parallel_loop3A_1001], %parallel_loop3A_999 {strides = array<i32>} : memref<64x768xf32, #tpu.memory_space<vmem>>, vector<16xf32>,
        %parallel_loop3A_1003 = arith.addf %parallel_loop3A_990, %parallel_loop3A_999 : vector<16xf32>
        %parallel_loop3A_1004 = arith.mulf %parallel_loop3A_999, %parallel_loop3A_999 : vector<16xf32>
        %parallel_loop3A_1005 = arith.addf %parallel_loop3A_992, %parallel_loop3A_1004 : vector<16xf32>
        %parallel_loop3A_1006 = arith.index_cast %parallel_loop3A_416 : i32 to index
        %parallel_loop3A_1007 = arith.constant 720 : index
        %parallel_loop3A_1008 = tpu.vector_load %arg9[%parallel_loop3A_1006, %parallel_loop3A_1007] {strides = array<i32>} : memref<64x768xf32, #tpu.memory_space<vmem>>, vector<16xf32>,
        %parallel_loop3A_1009 = arith.index_cast %parallel_loop3A_416 : i32 to index
        %parallel_loop3A_1010 = arith.constant 720 : index
        %parallel_loop3A_1011 = tpu.vector_load %arg10[%parallel_loop3A_1009, %parallel_loop3A_1010] {strides = array<i32>} : memref<64x768xf32, #tpu.memory_space<vmem>>, vector<16xf32>,
        %parallel_loop3A_1012 = arith.addf %parallel_loop3A_1008, %parallel_loop3A_1011 : vector<16xf32>
        %parallel_loop3A_1013 = arith.index_cast %parallel_loop3A_416 : i32 to index
        %parallel_loop3A_1014 = arith.constant 720 : index
        %parallel_loop3A_1015 = tpu.vector_load %arg9[%parallel_loop3A_1013, %parallel_loop3A_1014] {strides = array<i32>} : memref<64x768xf32, #tpu.memory_space<vmem>>, vector<16xf32>,
        tpu.vector_store %arg9[%parallel_loop3A_1013, %parallel_loop3A_1014], %parallel_loop3A_1012 {strides = array<i32>} : memref<64x768xf32, #tpu.memory_space<vmem>>, vector<16xf32>,
        %parallel_loop3A_1016 = arith.addf %parallel_loop3A_1003, %parallel_loop3A_1012 : vector<16xf32>
        %parallel_loop3A_1017 = arith.mulf %parallel_loop3A_1012, %parallel_loop3A_1012 : vector<16xf32>
        %parallel_loop3A_1018 = arith.addf %parallel_loop3A_1005, %parallel_loop3A_1017 : vector<16xf32>
        %parallel_loop3A_1019 = arith.index_cast %parallel_loop3A_416 : i32 to index
        %parallel_loop3A_1020 = arith.constant 736 : index
        %parallel_loop3A_1021 = tpu.vector_load %arg9[%parallel_loop3A_1019, %parallel_loop3A_1020] {strides = array<i32>} : memref<64x768xf32, #tpu.memory_space<vmem>>, vector<16xf32>,
        %parallel_loop3A_1022 = arith.index_cast %parallel_loop3A_416 : i32 to index
        %parallel_loop3A_1023 = arith.constant 736 : index
        %parallel_loop3A_1024 = tpu.vector_load %arg10[%parallel_loop3A_1022, %parallel_loop3A_1023] {strides = array<i32>} : memref<64x768xf32, #tpu.memory_space<vmem>>, vector<16xf32>,
        %parallel_loop3A_1025 = arith.addf %parallel_loop3A_1021, %parallel_loop3A_1024 : vector<16xf32>
        %parallel_loop3A_1026 = arith.index_cast %parallel_loop3A_416 : i32 to index
        %parallel_loop3A_1027 = arith.constant 736 : index
        %parallel_loop3A_1028 = tpu.vector_load %arg9[%parallel_loop3A_1026, %parallel_loop3A_1027] {strides = array<i32>} : memref<64x768xf32, #tpu.memory_space<vmem>>, vector<16xf32>,
        tpu.vector_store %arg9[%parallel_loop3A_1026, %parallel_loop3A_1027], %parallel_loop3A_1025 {strides = array<i32>} : memref<64x768xf32, #tpu.memory_space<vmem>>, vector<16xf32>,
        %parallel_loop3A_1029 = arith.addf %parallel_loop3A_1016, %parallel_loop3A_1025 : vector<16xf32>
        %parallel_loop3A_1030 = arith.mulf %parallel_loop3A_1025, %parallel_loop3A_1025 : vector<16xf32>
        %parallel_loop3A_1031 = arith.addf %parallel_loop3A_1018, %parallel_loop3A_1030 : vector<16xf32>
        %parallel_loop3A_1032 = arith.index_cast %parallel_loop3A_416 : i32 to index
        %parallel_loop3A_1033 = arith.constant 752 : index
        %parallel_loop3A_1034 = tpu.vector_load %arg9[%parallel_loop3A_1032, %parallel_loop3A_1033] {strides = array<i32>} : memref<64x768xf32, #tpu.memory_space<vmem>>, vector<16xf32>,
        %parallel_loop3A_1035 = arith.index_cast %parallel_loop3A_416 : i32 to index
        %parallel_loop3A_1036 = arith.constant 752 : index
        %parallel_loop3A_1037 = tpu.vector_load %arg10[%parallel_loop3A_1035, %parallel_loop3A_1036] {strides = array<i32>} : memref<64x768xf32, #tpu.memory_space<vmem>>, vector<16xf32>,
        %parallel_loop3A_1038 = arith.addf %parallel_loop3A_1034, %parallel_loop3A_1037 : vector<16xf32>
        %parallel_loop3A_1039 = arith.index_cast %parallel_loop3A_416 : i32 to index
        %parallel_loop3A_1040 = arith.constant 752 : index
        %parallel_loop3A_1041 = tpu.vector_load %arg9[%parallel_loop3A_1039, %parallel_loop3A_1040] {strides = array<i32>} : memref<64x768xf32, #tpu.memory_space<vmem>>, vector<16xf32>,
        tpu.vector_store %arg9[%parallel_loop3A_1039, %parallel_loop3A_1040], %parallel_loop3A_1038 {strides = array<i32>} : memref<64x768xf32, #tpu.memory_space<vmem>>, vector<16xf32>,
        %parallel_loop3A_1042 = arith.addf %parallel_loop3A_1029, %parallel_loop3A_1038 : vector<16xf32>
        %parallel_loop3A_1043 = arith.mulf %parallel_loop3A_1038, %parallel_loop3A_1038 : vector<16xf32>
        %parallel_loop3A_1044 = arith.addf %parallel_loop3A_1031, %parallel_loop3A_1043 : vector<16xf32>
        %parallel_loop3A_1045 = arith.constant true
        %parallel_loop3A_1046 = vector.broadcast %parallel_loop3A_1045 : i1 to vector<16xi1>
        %parallel_loop3A_1047 = tpu.scan <sum>, %parallel_loop3A_1042 masked %parallel_loop3A_1046 : vector<16xf32>, vector<16xi1> -> vector<16xf32>
        %parallel_loop3A_1048 = vector.extract_strided_slice %parallel_loop3A_1047 {offsets = [15], sizes = [1], strides = [1]} : vector<16xf32> to vector<1xf32>
        %parallel_loop3A_1049 = vector.extract %parallel_loop3A_1048[0] : f32 from vector<1xf32>
        %parallel_loop3A_1050 = arith.constant true
        %parallel_loop3A_1051 = vector.broadcast %parallel_loop3A_1050 : i1 to vector<16xi1>
        %parallel_loop3A_1052 = tpu.scan <sum>, %parallel_loop3A_1044 masked %parallel_loop3A_1051 : vector<16xf32>, vector<16xi1> -> vector<16xf32>
        %parallel_loop3A_1053 = vector.extract_strided_slice %parallel_loop3A_1052 {offsets = [15], sizes = [1], strides = [1]} : vector<16xf32> to vector<1xf32>
        %parallel_loop3A_1054 = vector.extract %parallel_loop3A_1053[0] : f32 from vector<1xf32>
        %parallel_loop3A_1055 = arith.constant 0.00130208337 : f32
        %parallel_loop3A_1056 = arith.mulf %parallel_loop3A_1049, %parallel_loop3A_1055 : f32
        %parallel_loop3A_1057 = arith.constant 0.00130208337 : f32
        %parallel_loop3A_1058 = arith.mulf %parallel_loop3A_1054, %parallel_loop3A_1057 : f32
        %parallel_loop3A_1059 = arith.mulf %parallel_loop3A_1056, %parallel_loop3A_1056 : f32
        %parallel_loop3A_1060 = arith.subf %parallel_loop3A_1058, %parallel_loop3A_1059 : f32
        %parallel_loop3A_1061 = arith.constant 9.99999974E-6 : f32
        %parallel_loop3A_1062 = arith.addf %parallel_loop3A_1060, %parallel_loop3A_1061 : f32
        %parallel_loop3A_1063 = arith.bitcast %parallel_loop3A_1062 : f32 to i32
        %parallel_loop3A_1064 = arith.constant 1 : i32
        %parallel_loop3A_1065 = arith.shrsi %parallel_loop3A_1063, %parallel_loop3A_1064 : i32
        %parallel_loop3A_1066 = arith.constant 1597463007 : i32
        %parallel_loop3A_1067 = arith.subi %parallel_loop3A_1066, %parallel_loop3A_1065 : i32
        %parallel_loop3A_1068 = arith.bitcast %parallel_loop3A_1067 : i32 to f32
        %parallel_loop3A_1069 = arith.constant 5.000000e-01 : f32
        %parallel_loop3A_1070 = arith.mulf %parallel_loop3A_1069, %parallel_loop3A_1062 : f32
        %parallel_loop3A_1071 = arith.mulf %parallel_loop3A_1070, %parallel_loop3A_1068 : f32
        %parallel_loop3A_1072 = arith.mulf %parallel_loop3A_1071, %parallel_loop3A_1068 : f32
        %parallel_loop3A_1073 = arith.constant 1.500000e+00 : f32
        %parallel_loop3A_1074 = arith.subf %parallel_loop3A_1073, %parallel_loop3A_1072 : f32
        %parallel_loop3A_1075 = arith.mulf %parallel_loop3A_1068, %parallel_loop3A_1074 : f32
        %parallel_loop3A_1076 = arith.constant 5.000000e-01 : f32
        %parallel_loop3A_1077 = arith.mulf %parallel_loop3A_1076, %parallel_loop3A_1062 : f32
        %parallel_loop3A_1078 = arith.mulf %parallel_loop3A_1077, %parallel_loop3A_1075 : f32
        %parallel_loop3A_1079 = arith.mulf %parallel_loop3A_1078, %parallel_loop3A_1075 : f32
        %parallel_loop3A_1080 = arith.constant 1.500000e+00 : f32
        %parallel_loop3A_1081 = arith.subf %parallel_loop3A_1080, %parallel_loop3A_1079 : f32
        %parallel_loop3A_1082 = arith.mulf %parallel_loop3A_1075, %parallel_loop3A_1081 : f32
        %parallel_loop3A_1083 = arith.constant 5.000000e-01 : f32
        %parallel_loop3A_1084 = arith.mulf %parallel_loop3A_1083, %parallel_loop3A_1062 : f32
        %parallel_loop3A_1085 = arith.mulf %parallel_loop3A_1084, %parallel_loop3A_1082 : f32
        %parallel_loop3A_1086 = arith.mulf %parallel_loop3A_1085, %parallel_loop3A_1082 : f32
        %parallel_loop3A_1087 = arith.constant 1.500000e+00 : f32
        %parallel_loop3A_1088 = arith.subf %parallel_loop3A_1087, %parallel_loop3A_1086 : f32
        %parallel_loop3A_1089 = arith.mulf %parallel_loop3A_1082, %parallel_loop3A_1088 : f32
        %parallel_loop3A_1090 = vector.broadcast %parallel_loop3A_1089 : f32 to vector<16xf32>
        %parallel_loop3A_1091 = arith.index_cast %parallel_loop3A_415 : i32 to index
        %parallel_loop3A_1092 = arith.constant 0 : index
        %parallel_loop3A_1093 = tpu.vector_load %arg13[%parallel_loop3A_1091, %parallel_loop3A_1092] {strides = array<i32>} : memref<16x16xf32, #tpu.memory_space<vmem>>, vector<16xf32>,
        tpu.vector_store %arg13[%parallel_loop3A_1091, %parallel_loop3A_1092], %parallel_loop3A_1090 {strides = array<i32>} : memref<16x16xf32, #tpu.memory_space<vmem>>, vector<16xf32>,
        %parallel_loop3A_1094 = arith.constant 0.000000e+00 : f32
        %parallel_loop3A_1095 = arith.subf %parallel_loop3A_1094, %parallel_loop3A_1056 : f32
        %parallel_loop3A_1096 = arith.mulf %parallel_loop3A_1095, %parallel_loop3A_1089 : f32
        %parallel_loop3A_1097 = vector.broadcast %parallel_loop3A_1096 : f32 to vector<16xf32>
        %parallel_loop3A_1098 = arith.index_cast %parallel_loop3A_415 : i32 to index
        %parallel_loop3A_1099 = arith.constant 0 : index
        %parallel_loop3A_1100 = tpu.vector_load %arg14[%parallel_loop3A_1098, %parallel_loop3A_1099] {strides = array<i32>} : memref<16x16xf32, #tpu.memory_space<vmem>>, vector<16xf32>,
        tpu.vector_store %arg14[%parallel_loop3A_1098, %parallel_loop3A_1099], %parallel_loop3A_1097 {strides = array<i32>} : memref<16x16xf32, #tpu.memory_space<vmem>>, vector<16xf32>,
      } {sc.loop_unroll_factor = 2 : i64, sc.parallel_access}
      %get3A = arith.constant 0 : index
      %get3A_192 = tpu.vector_load %arg11[%get3A] {strides = array<i32>} : memref<768xf32, #tpu.memory_space<vmem>>, vector<16xf32>,
      %get3A_193 = arith.constant 16 : index
      %get3A_194 = tpu.vector_load %arg11[%get3A_193] {strides = array<i32>} : memref<768xf32, #tpu.memory_space<vmem>>, vector<16xf32>,
      %get3A_195 = arith.constant 32 : index
      %get3A_196 = tpu.vector_load %arg11[%get3A_195] {strides = array<i32>} : memref<768xf32, #tpu.memory_space<vmem>>, vector<16xf32>,
      %get3A_197 = arith.constant 48 : index
      %get3A_198 = tpu.vector_load %arg11[%get3A_197] {strides = array<i32>} : memref<768xf32, #tpu.memory_space<vmem>>, vector<16xf32>,
      %get3A_199 = arith.constant 64 : index
      %get3A_200 = tpu.vector_load %arg11[%get3A_199] {strides = array<i32>} : memref<768xf32, #tpu.memory_space<vmem>>, vector<16xf32>,
      %get3A_201 = arith.constant 80 : index
      %get3A_202 = tpu.vector_load %arg11[%get3A_201] {strides = array<i32>} : memref<768xf32, #tpu.memory_space<vmem>>, vector<16xf32>,
      %get3A_203 = arith.constant 96 : index
      %get3A_204 = tpu.vector_load %arg11[%get3A_203] {strides = array<i32>} : memref<768xf32, #tpu.memory_space<vmem>>, vector<16xf32>,
      %get3A_205 = arith.constant 112 : index
      %get3A_206 = tpu.vector_load %arg11[%get3A_205] {strides = array<i32>} : memref<768xf32, #tpu.memory_space<vmem>>, vector<16xf32>,
      %get3A_207 = arith.constant 128 : index
      %get3A_208 = tpu.vector_load %arg11[%get3A_207] {strides = array<i32>} : memref<768xf32, #tpu.memory_space<vmem>>, vector<16xf32>,
      %get3A_209 = arith.constant 144 : index
      %get3A_210 = tpu.vector_load %arg11[%get3A_209] {strides = array<i32>} : memref<768xf32, #tpu.memory_space<vmem>>, vector<16xf32>,
      %get3A_211 = arith.constant 160 : index
      %get3A_212 = tpu.vector_load %arg11[%get3A_211] {strides = array<i32>} : memref<768xf32, #tpu.memory_space<vmem>>, vector<16xf32>,
      %get3A_213 = arith.constant 176 : index
      %get3A_214 = tpu.vector_load %arg11[%get3A_213] {strides = array<i32>} : memref<768xf32, #tpu.memory_space<vmem>>, vector<16xf32>,
      %get3A_215 = arith.constant 192 : index
      %get3A_216 = tpu.vector_load %arg11[%get3A_215] {strides = array<i32>} : memref<768xf32, #tpu.memory_space<vmem>>, vector<16xf32>,
      %get3A_217 = arith.constant 208 : index
      %get3A_218 = tpu.vector_load %arg11[%get3A_217] {strides = array<i32>} : memref<768xf32, #tpu.memory_space<vmem>>, vector<16xf32>,
      %get3A_219 = arith.constant 224 : index
      %get3A_220 = tpu.vector_load %arg11[%get3A_219] {strides = array<i32>} : memref<768xf32, #tpu.memory_space<vmem>>, vector<16xf32>,
      %get3A_221 = arith.constant 240 : index
      %get3A_222 = tpu.vector_load %arg11[%get3A_221] {strides = array<i32>} : memref<768xf32, #tpu.memory_space<vmem>>, vector<16xf32>,
      %get3A_223 = arith.constant 0 : index
      %get3A_224 = tpu.vector_load %arg12[%get3A_223] {strides = array<i32>} : memref<768xf32, #tpu.memory_space<vmem>>, vector<16xf32>,
      %get3A_225 = arith.constant 16 : index
      %get3A_226 = tpu.vector_load %arg12[%get3A_225] {strides = array<i32>} : memref<768xf32, #tpu.memory_space<vmem>>, vector<16xf32>,
      %get3A_227 = arith.constant 32 : index
      %get3A_228 = tpu.vector_load %arg12[%get3A_227] {strides = array<i32>} : memref<768xf32, #tpu.memory_space<vmem>>, vector<16xf32>,
      %get3A_229 = arith.constant 48 : index
      %get3A_230 = tpu.vector_load %arg12[%get3A_229] {strides = array<i32>} : memref<768xf32, #tpu.memory_space<vmem>>, vector<16xf32>,
      %get3A_231 = arith.constant 64 : index
      %get3A_232 = tpu.vector_load %arg12[%get3A_231] {strides = array<i32>} : memref<768xf32, #tpu.memory_space<vmem>>, vector<16xf32>,
      %get3A_233 = arith.constant 80 : index
      %get3A_234 = tpu.vector_load %arg12[%get3A_233] {strides = array<i32>} : memref<768xf32, #tpu.memory_space<vmem>>, vector<16xf32>,
      %get3A_235 = arith.constant 96 : index
      %get3A_236 = tpu.vector_load %arg12[%get3A_235] {strides = array<i32>} : memref<768xf32, #tpu.memory_space<vmem>>, vector<16xf32>,
      %get3A_237 = arith.constant 112 : index
      %get3A_238 = tpu.vector_load %arg12[%get3A_237] {strides = array<i32>} : memref<768xf32, #tpu.memory_space<vmem>>, vector<16xf32>,
      %get3A_239 = arith.constant 128 : index
      %get3A_240 = tpu.vector_load %arg12[%get3A_239] {strides = array<i32>} : memref<768xf32, #tpu.memory_space<vmem>>, vector<16xf32>,
      %get3A_241 = arith.constant 144 : index
      %get3A_242 = tpu.vector_load %arg12[%get3A_241] {strides = array<i32>} : memref<768xf32, #tpu.memory_space<vmem>>, vector<16xf32>,
      %get3A_243 = arith.constant 160 : index
      %get3A_244 = tpu.vector_load %arg12[%get3A_243] {strides = array<i32>} : memref<768xf32, #tpu.memory_space<vmem>>, vector<16xf32>,
      %get3A_245 = arith.constant 176 : index
      %get3A_246 = tpu.vector_load %arg12[%get3A_245] {strides = array<i32>} : memref<768xf32, #tpu.memory_space<vmem>>, vector<16xf32>,
      %get3A_247 = arith.constant 192 : index
      %get3A_248 = tpu.vector_load %arg12[%get3A_247] {strides = array<i32>} : memref<768xf32, #tpu.memory_space<vmem>>, vector<16xf32>,
      %get3A_249 = arith.constant 208 : index
      %get3A_250 = tpu.vector_load %arg12[%get3A_249] {strides = array<i32>} : memref<768xf32, #tpu.memory_space<vmem>>, vector<16xf32>,
      %get3A_251 = arith.constant 224 : index
      %get3A_252 = tpu.vector_load %arg12[%get3A_251] {strides = array<i32>} : memref<768xf32, #tpu.memory_space<vmem>>, vector<16xf32>,
      %get3A_253 = arith.constant 240 : index
      %get3A_254 = tpu.vector_load %arg12[%get3A_253] {strides = array<i32>} : memref<768xf32, #tpu.memory_space<vmem>>, vector<16xf32>,
      %parallel_loop3A_255 = arith.constant 0 : i32
      %parallel_loop3A_256 = arith.constant 16 : i32
      %parallel_loop3A_257 = arith.constant 1 : i32
      scf.for %parallel_loop3A_415 = %parallel_loop3A_255 to %parallel_loop3A_256 step %parallel_loop3A_257  : i32 {
        %parallel_loop3A_416 = arith.addi %mul3A_189, %parallel_loop3A_415 : i32
        %parallel_loop3A_417 = arith.index_cast %parallel_loop3A_415 : i32 to index
        %parallel_loop3A_418 = arith.constant 0 : index
        %parallel_loop3A_419 = tpu.vector_load %arg13[%parallel_loop3A_417, %parallel_loop3A_418] {strides = array<i32>} : memref<16x16xf32, #tpu.memory_space<vmem>>, vector<16xf32>,
        %parallel_loop3A_420 = arith.index_cast %parallel_loop3A_415 : i32 to index
        %parallel_loop3A_421 = arith.constant 0 : index
        %parallel_loop3A_422 = tpu.vector_load %arg14[%parallel_loop3A_420, %parallel_loop3A_421] {strides = array<i32>} : memref<16x16xf32, #tpu.memory_space<vmem>>, vector<16xf32>,
        %parallel_loop3A_423 = arith.index_cast %parallel_loop3A_416 : i32 to index
        %parallel_loop3A_424 = arith.constant 0 : index
        %parallel_loop3A_425 = tpu.vector_load %arg9[%parallel_loop3A_423, %parallel_loop3A_424] {strides = array<i32>} : memref<64x768xf32, #tpu.memory_space<vmem>>, vector<16xf32>,
        %parallel_loop3A_426 = arith.mulf %parallel_loop3A_425, %parallel_loop3A_419 : vector<16xf32>
        %parallel_loop3A_427 = arith.addf %parallel_loop3A_426, %parallel_loop3A_422 : vector<16xf32>
        %parallel_loop3A_428 = arith.mulf %parallel_loop3A_427, %get3A_192 : vector<16xf32>
        %parallel_loop3A_429 = arith.addf %parallel_loop3A_428, %get3A_224 : vector<16xf32>
        %parallel_loop3A_430 = arith.index_cast %parallel_loop3A_416 : i32 to index
        %parallel_loop3A_431 = arith.constant 0 : index
        %parallel_loop3A_432 = tpu.vector_load %arg9[%parallel_loop3A_430, %parallel_loop3A_431] {strides = array<i32>} : memref<64x768xf32, #tpu.memory_space<vmem>>, vector<16xf32>,
        tpu.vector_store %arg9[%parallel_loop3A_430, %parallel_loop3A_431], %parallel_loop3A_429 {strides = array<i32>} : memref<64x768xf32, #tpu.memory_space<vmem>>, vector<16xf32>,
        %parallel_loop3A_433 = arith.index_cast %parallel_loop3A_416 : i32 to index
        %parallel_loop3A_434 = arith.constant 16 : index
        %parallel_loop3A_435 = tpu.vector_load %arg9[%parallel_loop3A_433, %parallel_loop3A_434] {strides = array<i32>} : memref<64x768xf32, #tpu.memory_space<vmem>>, vector<16xf32>,
        %parallel_loop3A_436 = arith.mulf %parallel_loop3A_435, %parallel_loop3A_419 : vector<16xf32>
        %parallel_loop3A_437 = arith.addf %parallel_loop3A_436, %parallel_loop3A_422 : vector<16xf32>
        %parallel_loop3A_438 = arith.mulf %parallel_loop3A_437, %get3A_194 : vector<16xf32>
        %parallel_loop3A_439 = arith.addf %parallel_loop3A_438, %get3A_226 : vector<16xf32>
        %parallel_loop3A_440 = arith.index_cast %parallel_loop3A_416 : i32 to index
        %parallel_loop3A_441 = arith.constant 16 : index
        %parallel_loop3A_442 = tpu.vector_load %arg9[%parallel_loop3A_440, %parallel_loop3A_441] {strides = array<i32>} : memref<64x768xf32, #tpu.memory_space<vmem>>, vector<16xf32>,
        tpu.vector_store %arg9[%parallel_loop3A_440, %parallel_loop3A_441], %parallel_loop3A_439 {strides = array<i32>} : memref<64x768xf32, #tpu.memory_space<vmem>>, vector<16xf32>,
        %parallel_loop3A_443 = arith.index_cast %parallel_loop3A_416 : i32 to index
        %parallel_loop3A_444 = arith.constant 32 : index
        %parallel_loop3A_445 = tpu.vector_load %arg9[%parallel_loop3A_443, %parallel_loop3A_444] {strides = array<i32>} : memref<64x768xf32, #tpu.memory_space<vmem>>, vector<16xf32>,
        %parallel_loop3A_446 = arith.mulf %parallel_loop3A_445, %parallel_loop3A_419 : vector<16xf32>
        %parallel_loop3A_447 = arith.addf %parallel_loop3A_446, %parallel_loop3A_422 : vector<16xf32>
        %parallel_loop3A_448 = arith.mulf %parallel_loop3A_447, %get3A_196 : vector<16xf32>
        %parallel_loop3A_449 = arith.addf %parallel_loop3A_448, %get3A_228 : vector<16xf32>
        %parallel_loop3A_450 = arith.index_cast %parallel_loop3A_416 : i32 to index
        %parallel_loop3A_451 = arith.constant 32 : index
        %parallel_loop3A_452 = tpu.vector_load %arg9[%parallel_loop3A_450, %parallel_loop3A_451] {strides = array<i32>} : memref<64x768xf32, #tpu.memory_space<vmem>>, vector<16xf32>,
        tpu.vector_store %arg9[%parallel_loop3A_450, %parallel_loop3A_451], %parallel_loop3A_449 {strides = array<i32>} : memref<64x768xf32, #tpu.memory_space<vmem>>, vector<16xf32>,
        %parallel_loop3A_453 = arith.index_cast %parallel_loop3A_416 : i32 to index
        %parallel_loop3A_454 = arith.constant 48 : index
        %parallel_loop3A_455 = tpu.vector_load %arg9[%parallel_loop3A_453, %parallel_loop3A_454] {strides = array<i32>} : memref<64x768xf32, #tpu.memory_space<vmem>>, vector<16xf32>,
        %parallel_loop3A_456 = arith.mulf %parallel_loop3A_455, %parallel_loop3A_419 : vector<16xf32>
        %parallel_loop3A_457 = arith.addf %parallel_loop3A_456, %parallel_loop3A_422 : vector<16xf32>
        %parallel_loop3A_458 = arith.mulf %parallel_loop3A_457, %get3A_198 : vector<16xf32>
        %parallel_loop3A_459 = arith.addf %parallel_loop3A_458, %get3A_230 : vector<16xf32>
        %parallel_loop3A_460 = arith.index_cast %parallel_loop3A_416 : i32 to index
        %parallel_loop3A_461 = arith.constant 48 : index
        %parallel_loop3A_462 = tpu.vector_load %arg9[%parallel_loop3A_460, %parallel_loop3A_461] {strides = array<i32>} : memref<64x768xf32, #tpu.memory_space<vmem>>, vector<16xf32>,
        tpu.vector_store %arg9[%parallel_loop3A_460, %parallel_loop3A_461], %parallel_loop3A_459 {strides = array<i32>} : memref<64x768xf32, #tpu.memory_space<vmem>>, vector<16xf32>,
        %parallel_loop3A_463 = arith.index_cast %parallel_loop3A_416 : i32 to index
        %parallel_loop3A_464 = arith.constant 64 : index
        %parallel_loop3A_465 = tpu.vector_load %arg9[%parallel_loop3A_463, %parallel_loop3A_464] {strides = array<i32>} : memref<64x768xf32, #tpu.memory_space<vmem>>, vector<16xf32>,
        %parallel_loop3A_466 = arith.mulf %parallel_loop3A_465, %parallel_loop3A_419 : vector<16xf32>
        %parallel_loop3A_467 = arith.addf %parallel_loop3A_466, %parallel_loop3A_422 : vector<16xf32>
        %parallel_loop3A_468 = arith.mulf %parallel_loop3A_467, %get3A_200 : vector<16xf32>
        %parallel_loop3A_469 = arith.addf %parallel_loop3A_468, %get3A_232 : vector<16xf32>
        %parallel_loop3A_470 = arith.index_cast %parallel_loop3A_416 : i32 to index
        %parallel_loop3A_471 = arith.constant 64 : index
        %parallel_loop3A_472 = tpu.vector_load %arg9[%parallel_loop3A_470, %parallel_loop3A_471] {strides = array<i32>} : memref<64x768xf32, #tpu.memory_space<vmem>>, vector<16xf32>,
        tpu.vector_store %arg9[%parallel_loop3A_470, %parallel_loop3A_471], %parallel_loop3A_469 {strides = array<i32>} : memref<64x768xf32, #tpu.memory_space<vmem>>, vector<16xf32>,
        %parallel_loop3A_473 = arith.index_cast %parallel_loop3A_416 : i32 to index
        %parallel_loop3A_474 = arith.constant 80 : index
        %parallel_loop3A_475 = tpu.vector_load %arg9[%parallel_loop3A_473, %parallel_loop3A_474] {strides = array<i32>} : memref<64x768xf32, #tpu.memory_space<vmem>>, vector<16xf32>,
        %parallel_loop3A_476 = arith.mulf %parallel_loop3A_475, %parallel_loop3A_419 : vector<16xf32>
        %parallel_loop3A_477 = arith.addf %parallel_loop3A_476, %parallel_loop3A_422 : vector<16xf32>
        %parallel_loop3A_478 = arith.mulf %parallel_loop3A_477, %get3A_202 : vector<16xf32>
        %parallel_loop3A_479 = arith.addf %parallel_loop3A_478, %get3A_234 : vector<16xf32>
        %parallel_loop3A_480 = arith.index_cast %parallel_loop3A_416 : i32 to index
        %parallel_loop3A_481 = arith.constant 80 : index
        %parallel_loop3A_482 = tpu.vector_load %arg9[%parallel_loop3A_480, %parallel_loop3A_481] {strides = array<i32>} : memref<64x768xf32, #tpu.memory_space<vmem>>, vector<16xf32>,
        tpu.vector_store %arg9[%parallel_loop3A_480, %parallel_loop3A_481], %parallel_loop3A_479 {strides = array<i32>} : memref<64x768xf32, #tpu.memory_space<vmem>>, vector<16xf32>,
        %parallel_loop3A_483 = arith.index_cast %parallel_loop3A_416 : i32 to index
        %parallel_loop3A_484 = arith.constant 96 : index
        %parallel_loop3A_485 = tpu.vector_load %arg9[%parallel_loop3A_483, %parallel_loop3A_484] {strides = array<i32>} : memref<64x768xf32, #tpu.memory_space<vmem>>, vector<16xf32>,
        %parallel_loop3A_486 = arith.mulf %parallel_loop3A_485, %parallel_loop3A_419 : vector<16xf32>
        %parallel_loop3A_487 = arith.addf %parallel_loop3A_486, %parallel_loop3A_422 : vector<16xf32>
        %parallel_loop3A_488 = arith.mulf %parallel_loop3A_487, %get3A_204 : vector<16xf32>
        %parallel_loop3A_489 = arith.addf %parallel_loop3A_488, %get3A_236 : vector<16xf32>
        %parallel_loop3A_490 = arith.index_cast %parallel_loop3A_416 : i32 to index
        %parallel_loop3A_491 = arith.constant 96 : index
        %parallel_loop3A_492 = tpu.vector_load %arg9[%parallel_loop3A_490, %parallel_loop3A_491] {strides = array<i32>} : memref<64x768xf32, #tpu.memory_space<vmem>>, vector<16xf32>,
        tpu.vector_store %arg9[%parallel_loop3A_490, %parallel_loop3A_491], %parallel_loop3A_489 {strides = array<i32>} : memref<64x768xf32, #tpu.memory_space<vmem>>, vector<16xf32>,
        %parallel_loop3A_493 = arith.index_cast %parallel_loop3A_416 : i32 to index
        %parallel_loop3A_494 = arith.constant 112 : index
        %parallel_loop3A_495 = tpu.vector_load %arg9[%parallel_loop3A_493, %parallel_loop3A_494] {strides = array<i32>} : memref<64x768xf32, #tpu.memory_space<vmem>>, vector<16xf32>,
        %parallel_loop3A_496 = arith.mulf %parallel_loop3A_495, %parallel_loop3A_419 : vector<16xf32>
        %parallel_loop3A_497 = arith.addf %parallel_loop3A_496, %parallel_loop3A_422 : vector<16xf32>
        %parallel_loop3A_498 = arith.mulf %parallel_loop3A_497, %get3A_206 : vector<16xf32>
        %parallel_loop3A_499 = arith.addf %parallel_loop3A_498, %get3A_238 : vector<16xf32>
        %parallel_loop3A_500 = arith.index_cast %parallel_loop3A_416 : i32 to index
        %parallel_loop3A_501 = arith.constant 112 : index
        %parallel_loop3A_502 = tpu.vector_load %arg9[%parallel_loop3A_500, %parallel_loop3A_501] {strides = array<i32>} : memref<64x768xf32, #tpu.memory_space<vmem>>, vector<16xf32>,
        tpu.vector_store %arg9[%parallel_loop3A_500, %parallel_loop3A_501], %parallel_loop3A_499 {strides = array<i32>} : memref<64x768xf32, #tpu.memory_space<vmem>>, vector<16xf32>,
        %parallel_loop3A_503 = arith.index_cast %parallel_loop3A_416 : i32 to index
        %parallel_loop3A_504 = arith.constant 128 : index
        %parallel_loop3A_505 = tpu.vector_load %arg9[%parallel_loop3A_503, %parallel_loop3A_504] {strides = array<i32>} : memref<64x768xf32, #tpu.memory_space<vmem>>, vector<16xf32>,
        %parallel_loop3A_506 = arith.mulf %parallel_loop3A_505, %parallel_loop3A_419 : vector<16xf32>
        %parallel_loop3A_507 = arith.addf %parallel_loop3A_506, %parallel_loop3A_422 : vector<16xf32>
        %parallel_loop3A_508 = arith.mulf %parallel_loop3A_507, %get3A_208 : vector<16xf32>
        %parallel_loop3A_509 = arith.addf %parallel_loop3A_508, %get3A_240 : vector<16xf32>
        %parallel_loop3A_510 = arith.index_cast %parallel_loop3A_416 : i32 to index
        %parallel_loop3A_511 = arith.constant 128 : index
        %parallel_loop3A_512 = tpu.vector_load %arg9[%parallel_loop3A_510, %parallel_loop3A_511] {strides = array<i32>} : memref<64x768xf32, #tpu.memory_space<vmem>>, vector<16xf32>,
        tpu.vector_store %arg9[%parallel_loop3A_510, %parallel_loop3A_511], %parallel_loop3A_509 {strides = array<i32>} : memref<64x768xf32, #tpu.memory_space<vmem>>, vector<16xf32>,
        %parallel_loop3A_513 = arith.index_cast %parallel_loop3A_416 : i32 to index
        %parallel_loop3A_514 = arith.constant 144 : index
        %parallel_loop3A_515 = tpu.vector_load %arg9[%parallel_loop3A_513, %parallel_loop3A_514] {strides = array<i32>} : memref<64x768xf32, #tpu.memory_space<vmem>>, vector<16xf32>,
        %parallel_loop3A_516 = arith.mulf %parallel_loop3A_515, %parallel_loop3A_419 : vector<16xf32>
        %parallel_loop3A_517 = arith.addf %parallel_loop3A_516, %parallel_loop3A_422 : vector<16xf32>
        %parallel_loop3A_518 = arith.mulf %parallel_loop3A_517, %get3A_210 : vector<16xf32>
        %parallel_loop3A_519 = arith.addf %parallel_loop3A_518, %get3A_242 : vector<16xf32>
        %parallel_loop3A_520 = arith.index_cast %parallel_loop3A_416 : i32 to index
        %parallel_loop3A_521 = arith.constant 144 : index
        %parallel_loop3A_522 = tpu.vector_load %arg9[%parallel_loop3A_520, %parallel_loop3A_521] {strides = array<i32>} : memref<64x768xf32, #tpu.memory_space<vmem>>, vector<16xf32>,
        tpu.vector_store %arg9[%parallel_loop3A_520, %parallel_loop3A_521], %parallel_loop3A_519 {strides = array<i32>} : memref<64x768xf32, #tpu.memory_space<vmem>>, vector<16xf32>,
        %parallel_loop3A_523 = arith.index_cast %parallel_loop3A_416 : i32 to index
        %parallel_loop3A_524 = arith.constant 160 : index
        %parallel_loop3A_525 = tpu.vector_load %arg9[%parallel_loop3A_523, %parallel_loop3A_524] {strides = array<i32>} : memref<64x768xf32, #tpu.memory_space<vmem>>, vector<16xf32>,
        %parallel_loop3A_526 = arith.mulf %parallel_loop3A_525, %parallel_loop3A_419 : vector<16xf32>
        %parallel_loop3A_527 = arith.addf %parallel_loop3A_526, %parallel_loop3A_422 : vector<16xf32>
        %parallel_loop3A_528 = arith.mulf %parallel_loop3A_527, %get3A_212 : vector<16xf32>
        %parallel_loop3A_529 = arith.addf %parallel_loop3A_528, %get3A_244 : vector<16xf32>
        %parallel_loop3A_530 = arith.index_cast %parallel_loop3A_416 : i32 to index
        %parallel_loop3A_531 = arith.constant 160 : index
        %parallel_loop3A_532 = tpu.vector_load %arg9[%parallel_loop3A_530, %parallel_loop3A_531] {strides = array<i32>} : memref<64x768xf32, #tpu.memory_space<vmem>>, vector<16xf32>,
        tpu.vector_store %arg9[%parallel_loop3A_530, %parallel_loop3A_531], %parallel_loop3A_529 {strides = array<i32>} : memref<64x768xf32, #tpu.memory_space<vmem>>, vector<16xf32>,
        %parallel_loop3A_533 = arith.index_cast %parallel_loop3A_416 : i32 to index
        %parallel_loop3A_534 = arith.constant 176 : index
        %parallel_loop3A_535 = tpu.vector_load %arg9[%parallel_loop3A_533, %parallel_loop3A_534] {strides = array<i32>} : memref<64x768xf32, #tpu.memory_space<vmem>>, vector<16xf32>,
        %parallel_loop3A_536 = arith.mulf %parallel_loop3A_535, %parallel_loop3A_419 : vector<16xf32>
        %parallel_loop3A_537 = arith.addf %parallel_loop3A_536, %parallel_loop3A_422 : vector<16xf32>
        %parallel_loop3A_538 = arith.mulf %parallel_loop3A_537, %get3A_214 : vector<16xf32>
        %parallel_loop3A_539 = arith.addf %parallel_loop3A_538, %get3A_246 : vector<16xf32>
        %parallel_loop3A_540 = arith.index_cast %parallel_loop3A_416 : i32 to index
        %parallel_loop3A_541 = arith.constant 176 : index
        %parallel_loop3A_542 = tpu.vector_load %arg9[%parallel_loop3A_540, %parallel_loop3A_541] {strides = array<i32>} : memref<64x768xf32, #tpu.memory_space<vmem>>, vector<16xf32>,
        tpu.vector_store %arg9[%parallel_loop3A_540, %parallel_loop3A_541], %parallel_loop3A_539 {strides = array<i32>} : memref<64x768xf32, #tpu.memory_space<vmem>>, vector<16xf32>,
        %parallel_loop3A_543 = arith.index_cast %parallel_loop3A_416 : i32 to index
        %parallel_loop3A_544 = arith.constant 192 : index
        %parallel_loop3A_545 = tpu.vector_load %arg9[%parallel_loop3A_543, %parallel_loop3A_544] {strides = array<i32>} : memref<64x768xf32, #tpu.memory_space<vmem>>, vector<16xf32>,
        %parallel_loop3A_546 = arith.mulf %parallel_loop3A_545, %parallel_loop3A_419 : vector<16xf32>
        %parallel_loop3A_547 = arith.addf %parallel_loop3A_546, %parallel_loop3A_422 : vector<16xf32>
        %parallel_loop3A_548 = arith.mulf %parallel_loop3A_547, %get3A_216 : vector<16xf32>
        %parallel_loop3A_549 = arith.addf %parallel_loop3A_548, %get3A_248 : vector<16xf32>
        %parallel_loop3A_550 = arith.index_cast %parallel_loop3A_416 : i32 to index
        %parallel_loop3A_551 = arith.constant 192 : index
        %parallel_loop3A_552 = tpu.vector_load %arg9[%parallel_loop3A_550, %parallel_loop3A_551] {strides = array<i32>} : memref<64x768xf32, #tpu.memory_space<vmem>>, vector<16xf32>,
        tpu.vector_store %arg9[%parallel_loop3A_550, %parallel_loop3A_551], %parallel_loop3A_549 {strides = array<i32>} : memref<64x768xf32, #tpu.memory_space<vmem>>, vector<16xf32>,
        %parallel_loop3A_553 = arith.index_cast %parallel_loop3A_416 : i32 to index
        %parallel_loop3A_554 = arith.constant 208 : index
        %parallel_loop3A_555 = tpu.vector_load %arg9[%parallel_loop3A_553, %parallel_loop3A_554] {strides = array<i32>} : memref<64x768xf32, #tpu.memory_space<vmem>>, vector<16xf32>,
        %parallel_loop3A_556 = arith.mulf %parallel_loop3A_555, %parallel_loop3A_419 : vector<16xf32>
        %parallel_loop3A_557 = arith.addf %parallel_loop3A_556, %parallel_loop3A_422 : vector<16xf32>
        %parallel_loop3A_558 = arith.mulf %parallel_loop3A_557, %get3A_218 : vector<16xf32>
        %parallel_loop3A_559 = arith.addf %parallel_loop3A_558, %get3A_250 : vector<16xf32>
        %parallel_loop3A_560 = arith.index_cast %parallel_loop3A_416 : i32 to index
        %parallel_loop3A_561 = arith.constant 208 : index
        %parallel_loop3A_562 = tpu.vector_load %arg9[%parallel_loop3A_560, %parallel_loop3A_561] {strides = array<i32>} : memref<64x768xf32, #tpu.memory_space<vmem>>, vector<16xf32>,
        tpu.vector_store %arg9[%parallel_loop3A_560, %parallel_loop3A_561], %parallel_loop3A_559 {strides = array<i32>} : memref<64x768xf32, #tpu.memory_space<vmem>>, vector<16xf32>,
        %parallel_loop3A_563 = arith.index_cast %parallel_loop3A_416 : i32 to index
        %parallel_loop3A_564 = arith.constant 224 : index
        %parallel_loop3A_565 = tpu.vector_load %arg9[%parallel_loop3A_563, %parallel_loop3A_564] {strides = array<i32>} : memref<64x768xf32, #tpu.memory_space<vmem>>, vector<16xf32>,
        %parallel_loop3A_566 = arith.mulf %parallel_loop3A_565, %parallel_loop3A_419 : vector<16xf32>
        %parallel_loop3A_567 = arith.addf %parallel_loop3A_566, %parallel_loop3A_422 : vector<16xf32>
        %parallel_loop3A_568 = arith.mulf %parallel_loop3A_567, %get3A_220 : vector<16xf32>
        %parallel_loop3A_569 = arith.addf %parallel_loop3A_568, %get3A_252 : vector<16xf32>
        %parallel_loop3A_570 = arith.index_cast %parallel_loop3A_416 : i32 to index
        %parallel_loop3A_571 = arith.constant 224 : index
        %parallel_loop3A_572 = tpu.vector_load %arg9[%parallel_loop3A_570, %parallel_loop3A_571] {strides = array<i32>} : memref<64x768xf32, #tpu.memory_space<vmem>>, vector<16xf32>,
        tpu.vector_store %arg9[%parallel_loop3A_570, %parallel_loop3A_571], %parallel_loop3A_569 {strides = array<i32>} : memref<64x768xf32, #tpu.memory_space<vmem>>, vector<16xf32>,
        %parallel_loop3A_573 = arith.index_cast %parallel_loop3A_416 : i32 to index
        %parallel_loop3A_574 = arith.constant 240 : index
        %parallel_loop3A_575 = tpu.vector_load %arg9[%parallel_loop3A_573, %parallel_loop3A_574] {strides = array<i32>} : memref<64x768xf32, #tpu.memory_space<vmem>>, vector<16xf32>,
        %parallel_loop3A_576 = arith.mulf %parallel_loop3A_575, %parallel_loop3A_419 : vector<16xf32>
        %parallel_loop3A_577 = arith.addf %parallel_loop3A_576, %parallel_loop3A_422 : vector<16xf32>
        %parallel_loop3A_578 = arith.mulf %parallel_loop3A_577, %get3A_222 : vector<16xf32>
        %parallel_loop3A_579 = arith.addf %parallel_loop3A_578, %get3A_254 : vector<16xf32>
        %parallel_loop3A_580 = arith.index_cast %parallel_loop3A_416 : i32 to index
        %parallel_loop3A_581 = arith.constant 240 : index
        %parallel_loop3A_582 = tpu.vector_load %arg9[%parallel_loop3A_580, %parallel_loop3A_581] {strides = array<i32>} : memref<64x768xf32, #tpu.memory_space<vmem>>, vector<16xf32>,
        tpu.vector_store %arg9[%parallel_loop3A_580, %parallel_loop3A_581], %parallel_loop3A_579 {strides = array<i32>} : memref<64x768xf32, #tpu.memory_space<vmem>>, vector<16xf32>,
      } {sc.loop_unroll_factor = 2 : i64, sc.parallel_access}
      %get3A_258 = arith.constant 256 : index
      %get3A_259 = tpu.vector_load %arg11[%get3A_258] {strides = array<i32>} : memref<768xf32, #tpu.memory_space<vmem>>, vector<16xf32>,
      %get3A_260 = arith.constant 272 : index
      %get3A_261 = tpu.vector_load %arg11[%get3A_260] {strides = array<i32>} : memref<768xf32, #tpu.memory_space<vmem>>, vector<16xf32>,
      %get3A_262 = arith.constant 288 : index
      %get3A_263 = tpu.vector_load %arg11[%get3A_262] {strides = array<i32>} : memref<768xf32, #tpu.memory_space<vmem>>, vector<16xf32>,
      %get3A_264 = arith.constant 304 : index
      %get3A_265 = tpu.vector_load %arg11[%get3A_264] {strides = array<i32>} : memref<768xf32, #tpu.memory_space<vmem>>, vector<16xf32>,
      %get3A_266 = arith.constant 320 : index
      %get3A_267 = tpu.vector_load %arg11[%get3A_266] {strides = array<i32>} : memref<768xf32, #tpu.memory_space<vmem>>, vector<16xf32>,
      %get3A_268 = arith.constant 336 : index
      %get3A_269 = tpu.vector_load %arg11[%get3A_268] {strides = array<i32>} : memref<768xf32, #tpu.memory_space<vmem>>, vector<16xf32>,
      %get3A_270 = arith.constant 352 : index
      %get3A_271 = tpu.vector_load %arg11[%get3A_270] {strides = array<i32>} : memref<768xf32, #tpu.memory_space<vmem>>, vector<16xf32>,
      %get3A_272 = arith.constant 368 : index
      %get3A_273 = tpu.vector_load %arg11[%get3A_272] {strides = array<i32>} : memref<768xf32, #tpu.memory_space<vmem>>, vector<16xf32>,
      %get3A_274 = arith.constant 384 : index
      %get3A_275 = tpu.vector_load %arg11[%get3A_274] {strides = array<i32>} : memref<768xf32, #tpu.memory_space<vmem>>, vector<16xf32>,
      %get3A_276 = arith.constant 400 : index
      %get3A_277 = tpu.vector_load %arg11[%get3A_276] {strides = array<i32>} : memref<768xf32, #tpu.memory_space<vmem>>, vector<16xf32>,
      %get3A_278 = arith.constant 416 : index
      %get3A_279 = tpu.vector_load %arg11[%get3A_278] {strides = array<i32>} : memref<768xf32, #tpu.memory_space<vmem>>, vector<16xf32>,
      %get3A_280 = arith.constant 432 : index
      %get3A_281 = tpu.vector_load %arg11[%get3A_280] {strides = array<i32>} : memref<768xf32, #tpu.memory_space<vmem>>, vector<16xf32>,
      %get3A_282 = arith.constant 448 : index
      %get3A_283 = tpu.vector_load %arg11[%get3A_282] {strides = array<i32>} : memref<768xf32, #tpu.memory_space<vmem>>, vector<16xf32>,
      %get3A_284 = arith.constant 464 : index
      %get3A_285 = tpu.vector_load %arg11[%get3A_284] {strides = array<i32>} : memref<768xf32, #tpu.memory_space<vmem>>, vector<16xf32>,
      %get3A_286 = arith.constant 480 : index
      %get3A_287 = tpu.vector_load %arg11[%get3A_286] {strides = array<i32>} : memref<768xf32, #tpu.memory_space<vmem>>, vector<16xf32>,
      %get3A_288 = arith.constant 496 : index
      %get3A_289 = tpu.vector_load %arg11[%get3A_288] {strides = array<i32>} : memref<768xf32, #tpu.memory_space<vmem>>, vector<16xf32>,
      %get3A_290 = arith.constant 256 : index
      %get3A_291 = tpu.vector_load %arg12[%get3A_290] {strides = array<i32>} : memref<768xf32, #tpu.memory_space<vmem>>, vector<16xf32>,
      %get3A_292 = arith.constant 272 : index
      %get3A_293 = tpu.vector_load %arg12[%get3A_292] {strides = array<i32>} : memref<768xf32, #tpu.memory_space<vmem>>, vector<16xf32>,
      %get3A_294 = arith.constant 288 : index
      %get3A_295 = tpu.vector_load %arg12[%get3A_294] {strides = array<i32>} : memref<768xf32, #tpu.memory_space<vmem>>, vector<16xf32>,
      %get3A_296 = arith.constant 304 : index
      %get3A_297 = tpu.vector_load %arg12[%get3A_296] {strides = array<i32>} : memref<768xf32, #tpu.memory_space<vmem>>, vector<16xf32>,
      %get3A_298 = arith.constant 320 : index
      %get3A_299 = tpu.vector_load %arg12[%get3A_298] {strides = array<i32>} : memref<768xf32, #tpu.memory_space<vmem>>, vector<16xf32>,
      %get3A_300 = arith.constant 336 : index
      %get3A_301 = tpu.vector_load %arg12[%get3A_300] {strides = array<i32>} : memref<768xf32, #tpu.memory_space<vmem>>, vector<16xf32>,
      %get3A_302 = arith.constant 352 : index
      %get3A_303 = tpu.vector_load %arg12[%get3A_302] {strides = array<i32>} : memref<768xf32, #tpu.memory_space<vmem>>, vector<16xf32>,
      %get3A_304 = arith.constant 368 : index
      %get3A_305 = tpu.vector_load %arg12[%get3A_304] {strides = array<i32>} : memref<768xf32, #tpu.memory_space<vmem>>, vector<16xf32>,
      %get3A_306 = arith.constant 384 : index
      %get3A_307 = tpu.vector_load %arg12[%get3A_306] {strides = array<i32>} : memref<768xf32, #tpu.memory_space<vmem>>, vector<16xf32>,
      %get3A_308 = arith.constant 400 : index
      %get3A_309 = tpu.vector_load %arg12[%get3A_308] {strides = array<i32>} : memref<768xf32, #tpu.memory_space<vmem>>, vector<16xf32>,
      %get3A_310 = arith.constant 416 : index
      %get3A_311 = tpu.vector_load %arg12[%get3A_310] {strides = array<i32>} : memref<768xf32, #tpu.memory_space<vmem>>, vector<16xf32>,
      %get3A_312 = arith.constant 432 : index
      %get3A_313 = tpu.vector_load %arg12[%get3A_312] {strides = array<i32>} : memref<768xf32, #tpu.memory_space<vmem>>, vector<16xf32>,
      %get3A_314 = arith.constant 448 : index
      %get3A_315 = tpu.vector_load %arg12[%get3A_314] {strides = array<i32>} : memref<768xf32, #tpu.memory_space<vmem>>, vector<16xf32>,
      %get3A_316 = arith.constant 464 : index
      %get3A_317 = tpu.vector_load %arg12[%get3A_316] {strides = array<i32>} : memref<768xf32, #tpu.memory_space<vmem>>, vector<16xf32>,
      %get3A_318 = arith.constant 480 : index
      %get3A_319 = tpu.vector_load %arg12[%get3A_318] {strides = array<i32>} : memref<768xf32, #tpu.memory_space<vmem>>, vector<16xf32>,
      %get3A_320 = arith.constant 496 : index
      %get3A_321 = tpu.vector_load %arg12[%get3A_320] {strides = array<i32>} : memref<768xf32, #tpu.memory_space<vmem>>, vector<16xf32>,
      %parallel_loop3A_322 = arith.constant 0 : i32
      %parallel_loop3A_323 = arith.constant 16 : i32
      %parallel_loop3A_324 = arith.constant 1 : i32
      scf.for %parallel_loop3A_415 = %parallel_loop3A_322 to %parallel_loop3A_323 step %parallel_loop3A_324  : i32 {
        %parallel_loop3A_416 = arith.addi %mul3A_189, %parallel_loop3A_415 : i32
        %parallel_loop3A_417 = arith.index_cast %parallel_loop3A_415 : i32 to index
        %parallel_loop3A_418 = arith.constant 0 : index
        %parallel_loop3A_419 = tpu.vector_load %arg13[%parallel_loop3A_417, %parallel_loop3A_418] {strides = array<i32>} : memref<16x16xf32, #tpu.memory_space<vmem>>, vector<16xf32>,
        %parallel_loop3A_420 = arith.index_cast %parallel_loop3A_415 : i32 to index
        %parallel_loop3A_421 = arith.constant 0 : index
        %parallel_loop3A_422 = tpu.vector_load %arg14[%parallel_loop3A_420, %parallel_loop3A_421] {strides = array<i32>} : memref<16x16xf32, #tpu.memory_space<vmem>>, vector<16xf32>,
        %parallel_loop3A_423 = arith.index_cast %parallel_loop3A_416 : i32 to index
        %parallel_loop3A_424 = arith.constant 256 : index
        %parallel_loop3A_425 = tpu.vector_load %arg9[%parallel_loop3A_423, %parallel_loop3A_424] {strides = array<i32>} : memref<64x768xf32, #tpu.memory_space<vmem>>, vector<16xf32>,
        %parallel_loop3A_426 = arith.mulf %parallel_loop3A_425, %parallel_loop3A_419 : vector<16xf32>
        %parallel_loop3A_427 = arith.addf %parallel_loop3A_426, %parallel_loop3A_422 : vector<16xf32>
        %parallel_loop3A_428 = arith.mulf %parallel_loop3A_427, %get3A_259 : vector<16xf32>
        %parallel_loop3A_429 = arith.addf %parallel_loop3A_428, %get3A_291 : vector<16xf32>
        %parallel_loop3A_430 = arith.index_cast %parallel_loop3A_416 : i32 to index
        %parallel_loop3A_431 = arith.constant 256 : index
        %parallel_loop3A_432 = tpu.vector_load %arg9[%parallel_loop3A_430, %parallel_loop3A_431] {strides = array<i32>} : memref<64x768xf32, #tpu.memory_space<vmem>>, vector<16xf32>,
        tpu.vector_store %arg9[%parallel_loop3A_430, %parallel_loop3A_431], %parallel_loop3A_429 {strides = array<i32>} : memref<64x768xf32, #tpu.memory_space<vmem>>, vector<16xf32>,
        %parallel_loop3A_433 = arith.index_cast %parallel_loop3A_416 : i32 to index
        %parallel_loop3A_434 = arith.constant 272 : index
        %parallel_loop3A_435 = tpu.vector_load %arg9[%parallel_loop3A_433, %parallel_loop3A_434] {strides = array<i32>} : memref<64x768xf32, #tpu.memory_space<vmem>>, vector<16xf32>,
        %parallel_loop3A_436 = arith.mulf %parallel_loop3A_435, %parallel_loop3A_419 : vector<16xf32>
        %parallel_loop3A_437 = arith.addf %parallel_loop3A_436, %parallel_loop3A_422 : vector<16xf32>
        %parallel_loop3A_438 = arith.mulf %parallel_loop3A_437, %get3A_261 : vector<16xf32>
        %parallel_loop3A_439 = arith.addf %parallel_loop3A_438, %get3A_293 : vector<16xf32>
        %parallel_loop3A_440 = arith.index_cast %parallel_loop3A_416 : i32 to index
        %parallel_loop3A_441 = arith.constant 272 : index
        %parallel_loop3A_442 = tpu.vector_load %arg9[%parallel_loop3A_440, %parallel_loop3A_441] {strides = array<i32>} : memref<64x768xf32, #tpu.memory_space<vmem>>, vector<16xf32>,
        tpu.vector_store %arg9[%parallel_loop3A_440, %parallel_loop3A_441], %parallel_loop3A_439 {strides = array<i32>} : memref<64x768xf32, #tpu.memory_space<vmem>>, vector<16xf32>,
        %parallel_loop3A_443 = arith.index_cast %parallel_loop3A_416 : i32 to index
        %parallel_loop3A_444 = arith.constant 288 : index
        %parallel_loop3A_445 = tpu.vector_load %arg9[%parallel_loop3A_443, %parallel_loop3A_444] {strides = array<i32>} : memref<64x768xf32, #tpu.memory_space<vmem>>, vector<16xf32>,
        %parallel_loop3A_446 = arith.mulf %parallel_loop3A_445, %parallel_loop3A_419 : vector<16xf32>
        %parallel_loop3A_447 = arith.addf %parallel_loop3A_446, %parallel_loop3A_422 : vector<16xf32>
        %parallel_loop3A_448 = arith.mulf %parallel_loop3A_447, %get3A_263 : vector<16xf32>
        %parallel_loop3A_449 = arith.addf %parallel_loop3A_448, %get3A_295 : vector<16xf32>
        %parallel_loop3A_450 = arith.index_cast %parallel_loop3A_416 : i32 to index
        %parallel_loop3A_451 = arith.constant 288 : index
        %parallel_loop3A_452 = tpu.vector_load %arg9[%parallel_loop3A_450, %parallel_loop3A_451] {strides = array<i32>} : memref<64x768xf32, #tpu.memory_space<vmem>>, vector<16xf32>,
        tpu.vector_store %arg9[%parallel_loop3A_450, %parallel_loop3A_451], %parallel_loop3A_449 {strides = array<i32>} : memref<64x768xf32, #tpu.memory_space<vmem>>, vector<16xf32>,
        %parallel_loop3A_453 = arith.index_cast %parallel_loop3A_416 : i32 to index
        %parallel_loop3A_454 = arith.constant 304 : index
        %parallel_loop3A_455 = tpu.vector_load %arg9[%parallel_loop3A_453, %parallel_loop3A_454] {strides = array<i32>} : memref<64x768xf32, #tpu.memory_space<vmem>>, vector<16xf32>,
        %parallel_loop3A_456 = arith.mulf %parallel_loop3A_455, %parallel_loop3A_419 : vector<16xf32>
        %parallel_loop3A_457 = arith.addf %parallel_loop3A_456, %parallel_loop3A_422 : vector<16xf32>
        %parallel_loop3A_458 = arith.mulf %parallel_loop3A_457, %get3A_265 : vector<16xf32>
        %parallel_loop3A_459 = arith.addf %parallel_loop3A_458, %get3A_297 : vector<16xf32>
        %parallel_loop3A_460 = arith.index_cast %parallel_loop3A_416 : i32 to index
        %parallel_loop3A_461 = arith.constant 304 : index
        %parallel_loop3A_462 = tpu.vector_load %arg9[%parallel_loop3A_460, %parallel_loop3A_461] {strides = array<i32>} : memref<64x768xf32, #tpu.memory_space<vmem>>, vector<16xf32>,
        tpu.vector_store %arg9[%parallel_loop3A_460, %parallel_loop3A_461], %parallel_loop3A_459 {strides = array<i32>} : memref<64x768xf32, #tpu.memory_space<vmem>>, vector<16xf32>,
        %parallel_loop3A_463 = arith.index_cast %parallel_loop3A_416 : i32 to index
        %parallel_loop3A_464 = arith.constant 320 : index
        %parallel_loop3A_465 = tpu.vector_load %arg9[%parallel_loop3A_463, %parallel_loop3A_464] {strides = array<i32>} : memref<64x768xf32, #tpu.memory_space<vmem>>, vector<16xf32>,
        %parallel_loop3A_466 = arith.mulf %parallel_loop3A_465, %parallel_loop3A_419 : vector<16xf32>
        %parallel_loop3A_467 = arith.addf %parallel_loop3A_466, %parallel_loop3A_422 : vector<16xf32>
        %parallel_loop3A_468 = arith.mulf %parallel_loop3A_467, %get3A_267 : vector<16xf32>
        %parallel_loop3A_469 = arith.addf %parallel_loop3A_468, %get3A_299 : vector<16xf32>
        %parallel_loop3A_470 = arith.index_cast %parallel_loop3A_416 : i32 to index
        %parallel_loop3A_471 = arith.constant 320 : index
        %parallel_loop3A_472 = tpu.vector_load %arg9[%parallel_loop3A_470, %parallel_loop3A_471] {strides = array<i32>} : memref<64x768xf32, #tpu.memory_space<vmem>>, vector<16xf32>,
        tpu.vector_store %arg9[%parallel_loop3A_470, %parallel_loop3A_471], %parallel_loop3A_469 {strides = array<i32>} : memref<64x768xf32, #tpu.memory_space<vmem>>, vector<16xf32>,
        %parallel_loop3A_473 = arith.index_cast %parallel_loop3A_416 : i32 to index
        %parallel_loop3A_474 = arith.constant 336 : index
        %parallel_loop3A_475 = tpu.vector_load %arg9[%parallel_loop3A_473, %parallel_loop3A_474] {strides = array<i32>} : memref<64x768xf32, #tpu.memory_space<vmem>>, vector<16xf32>,
        %parallel_loop3A_476 = arith.mulf %parallel_loop3A_475, %parallel_loop3A_419 : vector<16xf32>
        %parallel_loop3A_477 = arith.addf %parallel_loop3A_476, %parallel_loop3A_422 : vector<16xf32>
        %parallel_loop3A_478 = arith.mulf %parallel_loop3A_477, %get3A_269 : vector<16xf32>
        %parallel_loop3A_479 = arith.addf %parallel_loop3A_478, %get3A_301 : vector<16xf32>
        %parallel_loop3A_480 = arith.index_cast %parallel_loop3A_416 : i32 to index
        %parallel_loop3A_481 = arith.constant 336 : index
        %parallel_loop3A_482 = tpu.vector_load %arg9[%parallel_loop3A_480, %parallel_loop3A_481] {strides = array<i32>} : memref<64x768xf32, #tpu.memory_space<vmem>>, vector<16xf32>,
        tpu.vector_store %arg9[%parallel_loop3A_480, %parallel_loop3A_481], %parallel_loop3A_479 {strides = array<i32>} : memref<64x768xf32, #tpu.memory_space<vmem>>, vector<16xf32>,
        %parallel_loop3A_483 = arith.index_cast %parallel_loop3A_416 : i32 to index
        %parallel_loop3A_484 = arith.constant 352 : index
        %parallel_loop3A_485 = tpu.vector_load %arg9[%parallel_loop3A_483, %parallel_loop3A_484] {strides = array<i32>} : memref<64x768xf32, #tpu.memory_space<vmem>>, vector<16xf32>,
        %parallel_loop3A_486 = arith.mulf %parallel_loop3A_485, %parallel_loop3A_419 : vector<16xf32>
        %parallel_loop3A_487 = arith.addf %parallel_loop3A_486, %parallel_loop3A_422 : vector<16xf32>
        %parallel_loop3A_488 = arith.mulf %parallel_loop3A_487, %get3A_271 : vector<16xf32>
        %parallel_loop3A_489 = arith.addf %parallel_loop3A_488, %get3A_303 : vector<16xf32>
        %parallel_loop3A_490 = arith.index_cast %parallel_loop3A_416 : i32 to index
        %parallel_loop3A_491 = arith.constant 352 : index
        %parallel_loop3A_492 = tpu.vector_load %arg9[%parallel_loop3A_490, %parallel_loop3A_491] {strides = array<i32>} : memref<64x768xf32, #tpu.memory_space<vmem>>, vector<16xf32>,
        tpu.vector_store %arg9[%parallel_loop3A_490, %parallel_loop3A_491], %parallel_loop3A_489 {strides = array<i32>} : memref<64x768xf32, #tpu.memory_space<vmem>>, vector<16xf32>,
        %parallel_loop3A_493 = arith.index_cast %parallel_loop3A_416 : i32 to index
        %parallel_loop3A_494 = arith.constant 368 : index
        %parallel_loop3A_495 = tpu.vector_load %arg9[%parallel_loop3A_493, %parallel_loop3A_494] {strides = array<i32>} : memref<64x768xf32, #tpu.memory_space<vmem>>, vector<16xf32>,
        %parallel_loop3A_496 = arith.mulf %parallel_loop3A_495, %parallel_loop3A_419 : vector<16xf32>
        %parallel_loop3A_497 = arith.addf %parallel_loop3A_496, %parallel_loop3A_422 : vector<16xf32>
        %parallel_loop3A_498 = arith.mulf %parallel_loop3A_497, %get3A_273 : vector<16xf32>
        %parallel_loop3A_499 = arith.addf %parallel_loop3A_498, %get3A_305 : vector<16xf32>
        %parallel_loop3A_500 = arith.index_cast %parallel_loop3A_416 : i32 to index
        %parallel_loop3A_501 = arith.constant 368 : index
        %parallel_loop3A_502 = tpu.vector_load %arg9[%parallel_loop3A_500, %parallel_loop3A_501] {strides = array<i32>} : memref<64x768xf32, #tpu.memory_space<vmem>>, vector<16xf32>,
        tpu.vector_store %arg9[%parallel_loop3A_500, %parallel_loop3A_501], %parallel_loop3A_499 {strides = array<i32>} : memref<64x768xf32, #tpu.memory_space<vmem>>, vector<16xf32>,
        %parallel_loop3A_503 = arith.index_cast %parallel_loop3A_416 : i32 to index
        %parallel_loop3A_504 = arith.constant 384 : index
        %parallel_loop3A_505 = tpu.vector_load %arg9[%parallel_loop3A_503, %parallel_loop3A_504] {strides = array<i32>} : memref<64x768xf32, #tpu.memory_space<vmem>>, vector<16xf32>,
        %parallel_loop3A_506 = arith.mulf %parallel_loop3A_505, %parallel_loop3A_419 : vector<16xf32>
        %parallel_loop3A_507 = arith.addf %parallel_loop3A_506, %parallel_loop3A_422 : vector<16xf32>
        %parallel_loop3A_508 = arith.mulf %parallel_loop3A_507, %get3A_275 : vector<16xf32>
        %parallel_loop3A_509 = arith.addf %parallel_loop3A_508, %get3A_307 : vector<16xf32>
        %parallel_loop3A_510 = arith.index_cast %parallel_loop3A_416 : i32 to index
        %parallel_loop3A_511 = arith.constant 384 : index
        %parallel_loop3A_512 = tpu.vector_load %arg9[%parallel_loop3A_510, %parallel_loop3A_511] {strides = array<i32>} : memref<64x768xf32, #tpu.memory_space<vmem>>, vector<16xf32>,
        tpu.vector_store %arg9[%parallel_loop3A_510, %parallel_loop3A_511], %parallel_loop3A_509 {strides = array<i32>} : memref<64x768xf32, #tpu.memory_space<vmem>>, vector<16xf32>,
        %parallel_loop3A_513 = arith.index_cast %parallel_loop3A_416 : i32 to index
        %parallel_loop3A_514 = arith.constant 400 : index
        %parallel_loop3A_515 = tpu.vector_load %arg9[%parallel_loop3A_513, %parallel_loop3A_514] {strides = array<i32>} : memref<64x768xf32, #tpu.memory_space<vmem>>, vector<16xf32>,
        %parallel_loop3A_516 = arith.mulf %parallel_loop3A_515, %parallel_loop3A_419 : vector<16xf32>
        %parallel_loop3A_517 = arith.addf %parallel_loop3A_516, %parallel_loop3A_422 : vector<16xf32>
        %parallel_loop3A_518 = arith.mulf %parallel_loop3A_517, %get3A_277 : vector<16xf32>
        %parallel_loop3A_519 = arith.addf %parallel_loop3A_518, %get3A_309 : vector<16xf32>
        %parallel_loop3A_520 = arith.index_cast %parallel_loop3A_416 : i32 to index
        %parallel_loop3A_521 = arith.constant 400 : index
        %parallel_loop3A_522 = tpu.vector_load %arg9[%parallel_loop3A_520, %parallel_loop3A_521] {strides = array<i32>} : memref<64x768xf32, #tpu.memory_space<vmem>>, vector<16xf32>,
        tpu.vector_store %arg9[%parallel_loop3A_520, %parallel_loop3A_521], %parallel_loop3A_519 {strides = array<i32>} : memref<64x768xf32, #tpu.memory_space<vmem>>, vector<16xf32>,
        %parallel_loop3A_523 = arith.index_cast %parallel_loop3A_416 : i32 to index
        %parallel_loop3A_524 = arith.constant 416 : index
        %parallel_loop3A_525 = tpu.vector_load %arg9[%parallel_loop3A_523, %parallel_loop3A_524] {strides = array<i32>} : memref<64x768xf32, #tpu.memory_space<vmem>>, vector<16xf32>,
        %parallel_loop3A_526 = arith.mulf %parallel_loop3A_525, %parallel_loop3A_419 : vector<16xf32>
        %parallel_loop3A_527 = arith.addf %parallel_loop3A_526, %parallel_loop3A_422 : vector<16xf32>
        %parallel_loop3A_528 = arith.mulf %parallel_loop3A_527, %get3A_279 : vector<16xf32>
        %parallel_loop3A_529 = arith.addf %parallel_loop3A_528, %get3A_311 : vector<16xf32>
        %parallel_loop3A_530 = arith.index_cast %parallel_loop3A_416 : i32 to index
        %parallel_loop3A_531 = arith.constant 416 : index
        %parallel_loop3A_532 = tpu.vector_load %arg9[%parallel_loop3A_530, %parallel_loop3A_531] {strides = array<i32>} : memref<64x768xf32, #tpu.memory_space<vmem>>, vector<16xf32>,
        tpu.vector_store %arg9[%parallel_loop3A_530, %parallel_loop3A_531], %parallel_loop3A_529 {strides = array<i32>} : memref<64x768xf32, #tpu.memory_space<vmem>>, vector<16xf32>,
        %parallel_loop3A_533 = arith.index_cast %parallel_loop3A_416 : i32 to index
        %parallel_loop3A_534 = arith.constant 432 : index
        %parallel_loop3A_535 = tpu.vector_load %arg9[%parallel_loop3A_533, %parallel_loop3A_534] {strides = array<i32>} : memref<64x768xf32, #tpu.memory_space<vmem>>, vector<16xf32>,
        %parallel_loop3A_536 = arith.mulf %parallel_loop3A_535, %parallel_loop3A_419 : vector<16xf32>
        %parallel_loop3A_537 = arith.addf %parallel_loop3A_536, %parallel_loop3A_422 : vector<16xf32>
        %parallel_loop3A_538 = arith.mulf %parallel_loop3A_537, %get3A_281 : vector<16xf32>
        %parallel_loop3A_539 = arith.addf %parallel_loop3A_538, %get3A_313 : vector<16xf32>
        %parallel_loop3A_540 = arith.index_cast %parallel_loop3A_416 : i32 to index
        %parallel_loop3A_541 = arith.constant 432 : index
        %parallel_loop3A_542 = tpu.vector_load %arg9[%parallel_loop3A_540, %parallel_loop3A_541] {strides = array<i32>} : memref<64x768xf32, #tpu.memory_space<vmem>>, vector<16xf32>,
        tpu.vector_store %arg9[%parallel_loop3A_540, %parallel_loop3A_541], %parallel_loop3A_539 {strides = array<i32>} : memref<64x768xf32, #tpu.memory_space<vmem>>, vector<16xf32>,
        %parallel_loop3A_543 = arith.index_cast %parallel_loop3A_416 : i32 to index
        %parallel_loop3A_544 = arith.constant 448 : index
        %parallel_loop3A_545 = tpu.vector_load %arg9[%parallel_loop3A_543, %parallel_loop3A_544] {strides = array<i32>} : memref<64x768xf32, #tpu.memory_space<vmem>>, vector<16xf32>,
        %parallel_loop3A_546 = arith.mulf %parallel_loop3A_545, %parallel_loop3A_419 : vector<16xf32>
        %parallel_loop3A_547 = arith.addf %parallel_loop3A_546, %parallel_loop3A_422 : vector<16xf32>
        %parallel_loop3A_548 = arith.mulf %parallel_loop3A_547, %get3A_283 : vector<16xf32>
        %parallel_loop3A_549 = arith.addf %parallel_loop3A_548, %get3A_315 : vector<16xf32>
        %parallel_loop3A_550 = arith.index_cast %parallel_loop3A_416 : i32 to index
        %parallel_loop3A_551 = arith.constant 448 : index
        %parallel_loop3A_552 = tpu.vector_load %arg9[%parallel_loop3A_550, %parallel_loop3A_551] {strides = array<i32>} : memref<64x768xf32, #tpu.memory_space<vmem>>, vector<16xf32>,
        tpu.vector_store %arg9[%parallel_loop3A_550, %parallel_loop3A_551], %parallel_loop3A_549 {strides = array<i32>} : memref<64x768xf32, #tpu.memory_space<vmem>>, vector<16xf32>,
        %parallel_loop3A_553 = arith.index_cast %parallel_loop3A_416 : i32 to index
        %parallel_loop3A_554 = arith.constant 464 : index
        %parallel_loop3A_555 = tpu.vector_load %arg9[%parallel_loop3A_553, %parallel_loop3A_554] {strides = array<i32>} : memref<64x768xf32, #tpu.memory_space<vmem>>, vector<16xf32>,
        %parallel_loop3A_556 = arith.mulf %parallel_loop3A_555, %parallel_loop3A_419 : vector<16xf32>
        %parallel_loop3A_557 = arith.addf %parallel_loop3A_556, %parallel_loop3A_422 : vector<16xf32>
        %parallel_loop3A_558 = arith.mulf %parallel_loop3A_557, %get3A_285 : vector<16xf32>
        %parallel_loop3A_559 = arith.addf %parallel_loop3A_558, %get3A_317 : vector<16xf32>
        %parallel_loop3A_560 = arith.index_cast %parallel_loop3A_416 : i32 to index
        %parallel_loop3A_561 = arith.constant 464 : index
        %parallel_loop3A_562 = tpu.vector_load %arg9[%parallel_loop3A_560, %parallel_loop3A_561] {strides = array<i32>} : memref<64x768xf32, #tpu.memory_space<vmem>>, vector<16xf32>,
        tpu.vector_store %arg9[%parallel_loop3A_560, %parallel_loop3A_561], %parallel_loop3A_559 {strides = array<i32>} : memref<64x768xf32, #tpu.memory_space<vmem>>, vector<16xf32>,
        %parallel_loop3A_563 = arith.index_cast %parallel_loop3A_416 : i32 to index
        %parallel_loop3A_564 = arith.constant 480 : index
        %parallel_loop3A_565 = tpu.vector_load %arg9[%parallel_loop3A_563, %parallel_loop3A_564] {strides = array<i32>} : memref<64x768xf32, #tpu.memory_space<vmem>>, vector<16xf32>,
        %parallel_loop3A_566 = arith.mulf %parallel_loop3A_565, %parallel_loop3A_419 : vector<16xf32>
        %parallel_loop3A_567 = arith.addf %parallel_loop3A_566, %parallel_loop3A_422 : vector<16xf32>
        %parallel_loop3A_568 = arith.mulf %parallel_loop3A_567, %get3A_287 : vector<16xf32>
        %parallel_loop3A_569 = arith.addf %parallel_loop3A_568, %get3A_319 : vector<16xf32>
        %parallel_loop3A_570 = arith.index_cast %parallel_loop3A_416 : i32 to index
        %parallel_loop3A_571 = arith.constant 480 : index
        %parallel_loop3A_572 = tpu.vector_load %arg9[%parallel_loop3A_570, %parallel_loop3A_571] {strides = array<i32>} : memref<64x768xf32, #tpu.memory_space<vmem>>, vector<16xf32>,
        tpu.vector_store %arg9[%parallel_loop3A_570, %parallel_loop3A_571], %parallel_loop3A_569 {strides = array<i32>} : memref<64x768xf32, #tpu.memory_space<vmem>>, vector<16xf32>,
        %parallel_loop3A_573 = arith.index_cast %parallel_loop3A_416 : i32 to index
        %parallel_loop3A_574 = arith.constant 496 : index
        %parallel_loop3A_575 = tpu.vector_load %arg9[%parallel_loop3A_573, %parallel_loop3A_574] {strides = array<i32>} : memref<64x768xf32, #tpu.memory_space<vmem>>, vector<16xf32>,
        %parallel_loop3A_576 = arith.mulf %parallel_loop3A_575, %parallel_loop3A_419 : vector<16xf32>
        %parallel_loop3A_577 = arith.addf %parallel_loop3A_576, %parallel_loop3A_422 : vector<16xf32>
        %parallel_loop3A_578 = arith.mulf %parallel_loop3A_577, %get3A_289 : vector<16xf32>
        %parallel_loop3A_579 = arith.addf %parallel_loop3A_578, %get3A_321 : vector<16xf32>
        %parallel_loop3A_580 = arith.index_cast %parallel_loop3A_416 : i32 to index
        %parallel_loop3A_581 = arith.constant 496 : index
        %parallel_loop3A_582 = tpu.vector_load %arg9[%parallel_loop3A_580, %parallel_loop3A_581] {strides = array<i32>} : memref<64x768xf32, #tpu.memory_space<vmem>>, vector<16xf32>,
        tpu.vector_store %arg9[%parallel_loop3A_580, %parallel_loop3A_581], %parallel_loop3A_579 {strides = array<i32>} : memref<64x768xf32, #tpu.memory_space<vmem>>, vector<16xf32>,
      } {sc.loop_unroll_factor = 2 : i64, sc.parallel_access}
      %get3A_325 = arith.constant 512 : index
      %get3A_326 = tpu.vector_load %arg11[%get3A_325] {strides = array<i32>} : memref<768xf32, #tpu.memory_space<vmem>>, vector<16xf32>,
      %get3A_327 = arith.constant 528 : index
      %get3A_328 = tpu.vector_load %arg11[%get3A_327] {strides = array<i32>} : memref<768xf32, #tpu.memory_space<vmem>>, vector<16xf32>,
      %get3A_329 = arith.constant 544 : index
      %get3A_330 = tpu.vector_load %arg11[%get3A_329] {strides = array<i32>} : memref<768xf32, #tpu.memory_space<vmem>>, vector<16xf32>,
      %get3A_331 = arith.constant 560 : index
      %get3A_332 = tpu.vector_load %arg11[%get3A_331] {strides = array<i32>} : memref<768xf32, #tpu.memory_space<vmem>>, vector<16xf32>,
      %get3A_333 = arith.constant 576 : index
      %get3A_334 = tpu.vector_load %arg11[%get3A_333] {strides = array<i32>} : memref<768xf32, #tpu.memory_space<vmem>>, vector<16xf32>,
      %get3A_335 = arith.constant 592 : index
      %get3A_336 = tpu.vector_load %arg11[%get3A_335] {strides = array<i32>} : memref<768xf32, #tpu.memory_space<vmem>>, vector<16xf32>,
      %get3A_337 = arith.constant 608 : index
      %get3A_338 = tpu.vector_load %arg11[%get3A_337] {strides = array<i32>} : memref<768xf32, #tpu.memory_space<vmem>>, vector<16xf32>,
      %get3A_339 = arith.constant 624 : index
      %get3A_340 = tpu.vector_load %arg11[%get3A_339] {strides = array<i32>} : memref<768xf32, #tpu.memory_space<vmem>>, vector<16xf32>,
      %get3A_341 = arith.constant 640 : index
      %get3A_342 = tpu.vector_load %arg11[%get3A_341] {strides = array<i32>} : memref<768xf32, #tpu.memory_space<vmem>>, vector<16xf32>,
      %get3A_343 = arith.constant 656 : index
      %get3A_344 = tpu.vector_load %arg11[%get3A_343] {strides = array<i32>} : memref<768xf32, #tpu.memory_space<vmem>>, vector<16xf32>,
      %get3A_345 = arith.constant 672 : index
      %get3A_346 = tpu.vector_load %arg11[%get3A_345] {strides = array<i32>} : memref<768xf32, #tpu.memory_space<vmem>>, vector<16xf32>,
      %get3A_347 = arith.constant 688 : index
      %get3A_348 = tpu.vector_load %arg11[%get3A_347] {strides = array<i32>} : memref<768xf32, #tpu.memory_space<vmem>>, vector<16xf32>,
      %get3A_349 = arith.constant 704 : index
      %get3A_350 = tpu.vector_load %arg11[%get3A_349] {strides = array<i32>} : memref<768xf32, #tpu.memory_space<vmem>>, vector<16xf32>,
      %get3A_351 = arith.constant 720 : index
      %get3A_352 = tpu.vector_load %arg11[%get3A_351] {strides = array<i32>} : memref<768xf32, #tpu.memory_space<vmem>>, vector<16xf32>,
      %get3A_353 = arith.constant 736 : index
      %get3A_354 = tpu.vector_load %arg11[%get3A_353] {strides = array<i32>} : memref<768xf32, #tpu.memory_space<vmem>>, vector<16xf32>,
      %get3A_355 = arith.constant 752 : index
      %get3A_356 = tpu.vector_load %arg11[%get3A_355] {strides = array<i32>} : memref<768xf32, #tpu.memory_space<vmem>>, vector<16xf32>,
      %get3A_357 = arith.constant 512 : index
      %get3A_358 = tpu.vector_load %arg12[%get3A_357] {strides = array<i32>} : memref<768xf32, #tpu.memory_space<vmem>>, vector<16xf32>,
      %get3A_359 = arith.constant 528 : index
      %get3A_360 = tpu.vector_load %arg12[%get3A_359] {strides = array<i32>} : memref<768xf32, #tpu.memory_space<vmem>>, vector<16xf32>,
      %get3A_361 = arith.constant 544 : index
      %get3A_362 = tpu.vector_load %arg12[%get3A_361] {strides = array<i32>} : memref<768xf32, #tpu.memory_space<vmem>>, vector<16xf32>,
      %get3A_363 = arith.constant 560 : index
      %get3A_364 = tpu.vector_load %arg12[%get3A_363] {strides = array<i32>} : memref<768xf32, #tpu.memory_space<vmem>>, vector<16xf32>,
      %get3A_365 = arith.constant 576 : index
      %get3A_366 = tpu.vector_load %arg12[%get3A_365] {strides = array<i32>} : memref<768xf32, #tpu.memory_space<vmem>>, vector<16xf32>,
      %get3A_367 = arith.constant 592 : index
      %get3A_368 = tpu.vector_load %arg12[%get3A_367] {strides = array<i32>} : memref<768xf32, #tpu.memory_space<vmem>>, vector<16xf32>,
      %get3A_369 = arith.constant 608 : index
      %get3A_370 = tpu.vector_load %arg12[%get3A_369] {strides = array<i32>} : memref<768xf32, #tpu.memory_space<vmem>>, vector<16xf32>,
      %get3A_371 = arith.constant 624 : index
      %get3A_372 = tpu.vector_load %arg12[%get3A_371] {strides = array<i32>} : memref<768xf32, #tpu.memory_space<vmem>>, vector<16xf32>,
      %get3A_373 = arith.constant 640 : index
      %get3A_374 = tpu.vector_load %arg12[%get3A_373] {strides = array<i32>} : memref<768xf32, #tpu.memory_space<vmem>>, vector<16xf32>,
      %get3A_375 = arith.constant 656 : index
      %get3A_376 = tpu.vector_load %arg12[%get3A_375] {strides = array<i32>} : memref<768xf32, #tpu.memory_space<vmem>>, vector<16xf32>,
      %get3A_377 = arith.constant 672 : index
      %get3A_378 = tpu.vector_load %arg12[%get3A_377] {strides = array<i32>} : memref<768xf32, #tpu.memory_space<vmem>>, vector<16xf32>,
      %get3A_379 = arith.constant 688 : index
      %get3A_380 = tpu.vector_load %arg12[%get3A_379] {strides = array<i32>} : memref<768xf32, #tpu.memory_space<vmem>>, vector<16xf32>,
      %get3A_381 = arith.constant 704 : index
      %get3A_382 = tpu.vector_load %arg12[%get3A_381] {strides = array<i32>} : memref<768xf32, #tpu.memory_space<vmem>>, vector<16xf32>,
      %get3A_383 = arith.constant 720 : index
      %get3A_384 = tpu.vector_load %arg12[%get3A_383] {strides = array<i32>} : memref<768xf32, #tpu.memory_space<vmem>>, vector<16xf32>,
      %get3A_385 = arith.constant 736 : index
      %get3A_386 = tpu.vector_load %arg12[%get3A_385] {strides = array<i32>} : memref<768xf32, #tpu.memory_space<vmem>>, vector<16xf32>,
      %get3A_387 = arith.constant 752 : index
      %get3A_388 = tpu.vector_load %arg12[%get3A_387] {strides = array<i32>} : memref<768xf32, #tpu.memory_space<vmem>>, vector<16xf32>,
      %parallel_loop3A_389 = arith.constant 0 : i32
      %parallel_loop3A_390 = arith.constant 16 : i32
      %parallel_loop3A_391 = arith.constant 1 : i32
      scf.for %parallel_loop3A_415 = %parallel_loop3A_389 to %parallel_loop3A_390 step %parallel_loop3A_391  : i32 {
        %parallel_loop3A_416 = arith.addi %mul3A_189, %parallel_loop3A_415 : i32
        %parallel_loop3A_417 = arith.index_cast %parallel_loop3A_415 : i32 to index
        %parallel_loop3A_418 = arith.constant 0 : index
        %parallel_loop3A_419 = tpu.vector_load %arg13[%parallel_loop3A_417, %parallel_loop3A_418] {strides = array<i32>} : memref<16x16xf32, #tpu.memory_space<vmem>>, vector<16xf32>,
        %parallel_loop3A_420 = arith.index_cast %parallel_loop3A_415 : i32 to index
        %parallel_loop3A_421 = arith.constant 0 : index
        %parallel_loop3A_422 = tpu.vector_load %arg14[%parallel_loop3A_420, %parallel_loop3A_421] {strides = array<i32>} : memref<16x16xf32, #tpu.memory_space<vmem>>, vector<16xf32>,
        %parallel_loop3A_423 = arith.index_cast %parallel_loop3A_416 : i32 to index
        %parallel_loop3A_424 = arith.constant 512 : index
        %parallel_loop3A_425 = tpu.vector_load %arg9[%parallel_loop3A_423, %parallel_loop3A_424] {strides = array<i32>} : memref<64x768xf32, #tpu.memory_space<vmem>>, vector<16xf32>,
        %parallel_loop3A_426 = arith.mulf %parallel_loop3A_425, %parallel_loop3A_419 : vector<16xf32>
        %parallel_loop3A_427 = arith.addf %parallel_loop3A_426, %parallel_loop3A_422 : vector<16xf32>
        %parallel_loop3A_428 = arith.mulf %parallel_loop3A_427, %get3A_326 : vector<16xf32>
        %parallel_loop3A_429 = arith.addf %parallel_loop3A_428, %get3A_358 : vector<16xf32>
        %parallel_loop3A_430 = arith.index_cast %parallel_loop3A_416 : i32 to index
        %parallel_loop3A_431 = arith.constant 512 : index
        %parallel_loop3A_432 = tpu.vector_load %arg9[%parallel_loop3A_430, %parallel_loop3A_431] {strides = array<i32>} : memref<64x768xf32, #tpu.memory_space<vmem>>, vector<16xf32>,
        tpu.vector_store %arg9[%parallel_loop3A_430, %parallel_loop3A_431], %parallel_loop3A_429 {strides = array<i32>} : memref<64x768xf32, #tpu.memory_space<vmem>>, vector<16xf32>,
        %parallel_loop3A_433 = arith.index_cast %parallel_loop3A_416 : i32 to index
        %parallel_loop3A_434 = arith.constant 528 : index
        %parallel_loop3A_435 = tpu.vector_load %arg9[%parallel_loop3A_433, %parallel_loop3A_434] {strides = array<i32>} : memref<64x768xf32, #tpu.memory_space<vmem>>, vector<16xf32>,
        %parallel_loop3A_436 = arith.mulf %parallel_loop3A_435, %parallel_loop3A_419 : vector<16xf32>
        %parallel_loop3A_437 = arith.addf %parallel_loop3A_436, %parallel_loop3A_422 : vector<16xf32>
        %parallel_loop3A_438 = arith.mulf %parallel_loop3A_437, %get3A_328 : vector<16xf32>
        %parallel_loop3A_439 = arith.addf %parallel_loop3A_438, %get3A_360 : vector<16xf32>
        %parallel_loop3A_440 = arith.index_cast %parallel_loop3A_416 : i32 to index
        %parallel_loop3A_441 = arith.constant 528 : index
        %parallel_loop3A_442 = tpu.vector_load %arg9[%parallel_loop3A_440, %parallel_loop3A_441] {strides = array<i32>} : memref<64x768xf32, #tpu.memory_space<vmem>>, vector<16xf32>,
        tpu.vector_store %arg9[%parallel_loop3A_440, %parallel_loop3A_441], %parallel_loop3A_439 {strides = array<i32>} : memref<64x768xf32, #tpu.memory_space<vmem>>, vector<16xf32>,
        %parallel_loop3A_443 = arith.index_cast %parallel_loop3A_416 : i32 to index
        %parallel_loop3A_444 = arith.constant 544 : index
        %parallel_loop3A_445 = tpu.vector_load %arg9[%parallel_loop3A_443, %parallel_loop3A_444] {strides = array<i32>} : memref<64x768xf32, #tpu.memory_space<vmem>>, vector<16xf32>,
        %parallel_loop3A_446 = arith.mulf %parallel_loop3A_445, %parallel_loop3A_419 : vector<16xf32>
        %parallel_loop3A_447 = arith.addf %parallel_loop3A_446, %parallel_loop3A_422 : vector<16xf32>
        %parallel_loop3A_448 = arith.mulf %parallel_loop3A_447, %get3A_330 : vector<16xf32>
        %parallel_loop3A_449 = arith.addf %parallel_loop3A_448, %get3A_362 : vector<16xf32>
        %parallel_loop3A_450 = arith.index_cast %parallel_loop3A_416 : i32 to index
        %parallel_loop3A_451 = arith.constant 544 : index
        %parallel_loop3A_452 = tpu.vector_load %arg9[%parallel_loop3A_450, %parallel_loop3A_451] {strides = array<i32>} : memref<64x768xf32, #tpu.memory_space<vmem>>, vector<16xf32>,
        tpu.vector_store %arg9[%parallel_loop3A_450, %parallel_loop3A_451], %parallel_loop3A_449 {strides = array<i32>} : memref<64x768xf32, #tpu.memory_space<vmem>>, vector<16xf32>,
        %parallel_loop3A_453 = arith.index_cast %parallel_loop3A_416 : i32 to index
        %parallel_loop3A_454 = arith.constant 560 : index
        %parallel_loop3A_455 = tpu.vector_load %arg9[%parallel_loop3A_453, %parallel_loop3A_454] {strides = array<i32>} : memref<64x768xf32, #tpu.memory_space<vmem>>, vector<16xf32>,
        %parallel_loop3A_456 = arith.mulf %parallel_loop3A_455, %parallel_loop3A_419 : vector<16xf32>
        %parallel_loop3A_457 = arith.addf %parallel_loop3A_456, %parallel_loop3A_422 : vector<16xf32>
        %parallel_loop3A_458 = arith.mulf %parallel_loop3A_457, %get3A_332 : vector<16xf32>
        %parallel_loop3A_459 = arith.addf %parallel_loop3A_458, %get3A_364 : vector<16xf32>
        %parallel_loop3A_460 = arith.index_cast %parallel_loop3A_416 : i32 to index
        %parallel_loop3A_461 = arith.constant 560 : index
        %parallel_loop3A_462 = tpu.vector_load %arg9[%parallel_loop3A_460, %parallel_loop3A_461] {strides = array<i32>} : memref<64x768xf32, #tpu.memory_space<vmem>>, vector<16xf32>,
        tpu.vector_store %arg9[%parallel_loop3A_460, %parallel_loop3A_461], %parallel_loop3A_459 {strides = array<i32>} : memref<64x768xf32, #tpu.memory_space<vmem>>, vector<16xf32>,
        %parallel_loop3A_463 = arith.index_cast %parallel_loop3A_416 : i32 to index
        %parallel_loop3A_464 = arith.constant 576 : index
        %parallel_loop3A_465 = tpu.vector_load %arg9[%parallel_loop3A_463, %parallel_loop3A_464] {strides = array<i32>} : memref<64x768xf32, #tpu.memory_space<vmem>>, vector<16xf32>,
        %parallel_loop3A_466 = arith.mulf %parallel_loop3A_465, %parallel_loop3A_419 : vector<16xf32>
        %parallel_loop3A_467 = arith.addf %parallel_loop3A_466, %parallel_loop3A_422 : vector<16xf32>
        %parallel_loop3A_468 = arith.mulf %parallel_loop3A_467, %get3A_334 : vector<16xf32>
        %parallel_loop3A_469 = arith.addf %parallel_loop3A_468, %get3A_366 : vector<16xf32>
        %parallel_loop3A_470 = arith.index_cast %parallel_loop3A_416 : i32 to index
        %parallel_loop3A_471 = arith.constant 576 : index
        %parallel_loop3A_472 = tpu.vector_load %arg9[%parallel_loop3A_470, %parallel_loop3A_471] {strides = array<i32>} : memref<64x768xf32, #tpu.memory_space<vmem>>, vector<16xf32>,
        tpu.vector_store %arg9[%parallel_loop3A_470, %parallel_loop3A_471], %parallel_loop3A_469 {strides = array<i32>} : memref<64x768xf32, #tpu.memory_space<vmem>>, vector<16xf32>,
        %parallel_loop3A_473 = arith.index_cast %parallel_loop3A_416 : i32 to index
        %parallel_loop3A_474 = arith.constant 592 : index
        %parallel_loop3A_475 = tpu.vector_load %arg9[%parallel_loop3A_473, %parallel_loop3A_474] {strides = array<i32>} : memref<64x768xf32, #tpu.memory_space<vmem>>, vector<16xf32>,
        %parallel_loop3A_476 = arith.mulf %parallel_loop3A_475, %parallel_loop3A_419 : vector<16xf32>
        %parallel_loop3A_477 = arith.addf %parallel_loop3A_476, %parallel_loop3A_422 : vector<16xf32>
        %parallel_loop3A_478 = arith.mulf %parallel_loop3A_477, %get3A_336 : vector<16xf32>
        %parallel_loop3A_479 = arith.addf %parallel_loop3A_478, %get3A_368 : vector<16xf32>
        %parallel_loop3A_480 = arith.index_cast %parallel_loop3A_416 : i32 to index
        %parallel_loop3A_481 = arith.constant 592 : index
        %parallel_loop3A_482 = tpu.vector_load %arg9[%parallel_loop3A_480, %parallel_loop3A_481] {strides = array<i32>} : memref<64x768xf32, #tpu.memory_space<vmem>>, vector<16xf32>,
        tpu.vector_store %arg9[%parallel_loop3A_480, %parallel_loop3A_481], %parallel_loop3A_479 {strides = array<i32>} : memref<64x768xf32, #tpu.memory_space<vmem>>, vector<16xf32>,
        %parallel_loop3A_483 = arith.index_cast %parallel_loop3A_416 : i32 to index
        %parallel_loop3A_484 = arith.constant 608 : index
        %parallel_loop3A_485 = tpu.vector_load %arg9[%parallel_loop3A_483, %parallel_loop3A_484] {strides = array<i32>} : memref<64x768xf32, #tpu.memory_space<vmem>>, vector<16xf32>,
        %parallel_loop3A_486 = arith.mulf %parallel_loop3A_485, %parallel_loop3A_419 : vector<16xf32>
        %parallel_loop3A_487 = arith.addf %parallel_loop3A_486, %parallel_loop3A_422 : vector<16xf32>
        %parallel_loop3A_488 = arith.mulf %parallel_loop3A_487, %get3A_338 : vector<16xf32>
        %parallel_loop3A_489 = arith.addf %parallel_loop3A_488, %get3A_370 : vector<16xf32>
        %parallel_loop3A_490 = arith.index_cast %parallel_loop3A_416 : i32 to index
        %parallel_loop3A_491 = arith.constant 608 : index
        %parallel_loop3A_492 = tpu.vector_load %arg9[%parallel_loop3A_490, %parallel_loop3A_491] {strides = array<i32>} : memref<64x768xf32, #tpu.memory_space<vmem>>, vector<16xf32>,
        tpu.vector_store %arg9[%parallel_loop3A_490, %parallel_loop3A_491], %parallel_loop3A_489 {strides = array<i32>} : memref<64x768xf32, #tpu.memory_space<vmem>>, vector<16xf32>,
        %parallel_loop3A_493 = arith.index_cast %parallel_loop3A_416 : i32 to index
        %parallel_loop3A_494 = arith.constant 624 : index
        %parallel_loop3A_495 = tpu.vector_load %arg9[%parallel_loop3A_493, %parallel_loop3A_494] {strides = array<i32>} : memref<64x768xf32, #tpu.memory_space<vmem>>, vector<16xf32>,
        %parallel_loop3A_496 = arith.mulf %parallel_loop3A_495, %parallel_loop3A_419 : vector<16xf32>
        %parallel_loop3A_497 = arith.addf %parallel_loop3A_496, %parallel_loop3A_422 : vector<16xf32>
        %parallel_loop3A_498 = arith.mulf %parallel_loop3A_497, %get3A_340 : vector<16xf32>
        %parallel_loop3A_499 = arith.addf %parallel_loop3A_498, %get3A_372 : vector<16xf32>
        %parallel_loop3A_500 = arith.index_cast %parallel_loop3A_416 : i32 to index
        %parallel_loop3A_501 = arith.constant 624 : index
        %parallel_loop3A_502 = tpu.vector_load %arg9[%parallel_loop3A_500, %parallel_loop3A_501] {strides = array<i32>} : memref<64x768xf32, #tpu.memory_space<vmem>>, vector<16xf32>,
        tpu.vector_store %arg9[%parallel_loop3A_500, %parallel_loop3A_501], %parallel_loop3A_499 {strides = array<i32>} : memref<64x768xf32, #tpu.memory_space<vmem>>, vector<16xf32>,
        %parallel_loop3A_503 = arith.index_cast %parallel_loop3A_416 : i32 to index
        %parallel_loop3A_504 = arith.constant 640 : index
        %parallel_loop3A_505 = tpu.vector_load %arg9[%parallel_loop3A_503, %parallel_loop3A_504] {strides = array<i32>} : memref<64x768xf32, #tpu.memory_space<vmem>>, vector<16xf32>,
        %parallel_loop3A_506 = arith.mulf %parallel_loop3A_505, %parallel_loop3A_419 : vector<16xf32>
        %parallel_loop3A_507 = arith.addf %parallel_loop3A_506, %parallel_loop3A_422 : vector<16xf32>
        %parallel_loop3A_508 = arith.mulf %parallel_loop3A_507, %get3A_342 : vector<16xf32>
        %parallel_loop3A_509 = arith.addf %parallel_loop3A_508, %get3A_374 : vector<16xf32>
        %parallel_loop3A_510 = arith.index_cast %parallel_loop3A_416 : i32 to index
        %parallel_loop3A_511 = arith.constant 640 : index
        %parallel_loop3A_512 = tpu.vector_load %arg9[%parallel_loop3A_510, %parallel_loop3A_511] {strides = array<i32>} : memref<64x768xf32, #tpu.memory_space<vmem>>, vector<16xf32>,
        tpu.vector_store %arg9[%parallel_loop3A_510, %parallel_loop3A_511], %parallel_loop3A_509 {strides = array<i32>} : memref<64x768xf32, #tpu.memory_space<vmem>>, vector<16xf32>,
        %parallel_loop3A_513 = arith.index_cast %parallel_loop3A_416 : i32 to index
        %parallel_loop3A_514 = arith.constant 656 : index
        %parallel_loop3A_515 = tpu.vector_load %arg9[%parallel_loop3A_513, %parallel_loop3A_514] {strides = array<i32>} : memref<64x768xf32, #tpu.memory_space<vmem>>, vector<16xf32>,
        %parallel_loop3A_516 = arith.mulf %parallel_loop3A_515, %parallel_loop3A_419 : vector<16xf32>
        %parallel_loop3A_517 = arith.addf %parallel_loop3A_516, %parallel_loop3A_422 : vector<16xf32>
        %parallel_loop3A_518 = arith.mulf %parallel_loop3A_517, %get3A_344 : vector<16xf32>
        %parallel_loop3A_519 = arith.addf %parallel_loop3A_518, %get3A_376 : vector<16xf32>
        %parallel_loop3A_520 = arith.index_cast %parallel_loop3A_416 : i32 to index
        %parallel_loop3A_521 = arith.constant 656 : index
        %parallel_loop3A_522 = tpu.vector_load %arg9[%parallel_loop3A_520, %parallel_loop3A_521] {strides = array<i32>} : memref<64x768xf32, #tpu.memory_space<vmem>>, vector<16xf32>,
        tpu.vector_store %arg9[%parallel_loop3A_520, %parallel_loop3A_521], %parallel_loop3A_519 {strides = array<i32>} : memref<64x768xf32, #tpu.memory_space<vmem>>, vector<16xf32>,
        %parallel_loop3A_523 = arith.index_cast %parallel_loop3A_416 : i32 to index
        %parallel_loop3A_524 = arith.constant 672 : index
        %parallel_loop3A_525 = tpu.vector_load %arg9[%parallel_loop3A_523, %parallel_loop3A_524] {strides = array<i32>} : memref<64x768xf32, #tpu.memory_space<vmem>>, vector<16xf32>,
        %parallel_loop3A_526 = arith.mulf %parallel_loop3A_525, %parallel_loop3A_419 : vector<16xf32>
        %parallel_loop3A_527 = arith.addf %parallel_loop3A_526, %parallel_loop3A_422 : vector<16xf32>
        %parallel_loop3A_528 = arith.mulf %parallel_loop3A_527, %get3A_346 : vector<16xf32>
        %parallel_loop3A_529 = arith.addf %parallel_loop3A_528, %get3A_378 : vector<16xf32>
        %parallel_loop3A_530 = arith.index_cast %parallel_loop3A_416 : i32 to index
        %parallel_loop3A_531 = arith.constant 672 : index
        %parallel_loop3A_532 = tpu.vector_load %arg9[%parallel_loop3A_530, %parallel_loop3A_531] {strides = array<i32>} : memref<64x768xf32, #tpu.memory_space<vmem>>, vector<16xf32>,
        tpu.vector_store %arg9[%parallel_loop3A_530, %parallel_loop3A_531], %parallel_loop3A_529 {strides = array<i32>} : memref<64x768xf32, #tpu.memory_space<vmem>>, vector<16xf32>,
        %parallel_loop3A_533 = arith.index_cast %parallel_loop3A_416 : i32 to index
        %parallel_loop3A_534 = arith.constant 688 : index
        %parallel_loop3A_535 = tpu.vector_load %arg9[%parallel_loop3A_533, %parallel_loop3A_534] {strides = array<i32>} : memref<64x768xf32, #tpu.memory_space<vmem>>, vector<16xf32>,
        %parallel_loop3A_536 = arith.mulf %parallel_loop3A_535, %parallel_loop3A_419 : vector<16xf32>
        %parallel_loop3A_537 = arith.addf %parallel_loop3A_536, %parallel_loop3A_422 : vector<16xf32>
        %parallel_loop3A_538 = arith.mulf %parallel_loop3A_537, %get3A_348 : vector<16xf32>
        %parallel_loop3A_539 = arith.addf %parallel_loop3A_538, %get3A_380 : vector<16xf32>
        %parallel_loop3A_540 = arith.index_cast %parallel_loop3A_416 : i32 to index
        %parallel_loop3A_541 = arith.constant 688 : index
        %parallel_loop3A_542 = tpu.vector_load %arg9[%parallel_loop3A_540, %parallel_loop3A_541] {strides = array<i32>} : memref<64x768xf32, #tpu.memory_space<vmem>>, vector<16xf32>,
        tpu.vector_store %arg9[%parallel_loop3A_540, %parallel_loop3A_541], %parallel_loop3A_539 {strides = array<i32>} : memref<64x768xf32, #tpu.memory_space<vmem>>, vector<16xf32>,
        %parallel_loop3A_543 = arith.index_cast %parallel_loop3A_416 : i32 to index
        %parallel_loop3A_544 = arith.constant 704 : index
        %parallel_loop3A_545 = tpu.vector_load %arg9[%parallel_loop3A_543, %parallel_loop3A_544] {strides = array<i32>} : memref<64x768xf32, #tpu.memory_space<vmem>>, vector<16xf32>,
        %parallel_loop3A_546 = arith.mulf %parallel_loop3A_545, %parallel_loop3A_419 : vector<16xf32>
        %parallel_loop3A_547 = arith.addf %parallel_loop3A_546, %parallel_loop3A_422 : vector<16xf32>
        %parallel_loop3A_548 = arith.mulf %parallel_loop3A_547, %get3A_350 : vector<16xf32>
        %parallel_loop3A_549 = arith.addf %parallel_loop3A_548, %get3A_382 : vector<16xf32>
        %parallel_loop3A_550 = arith.index_cast %parallel_loop3A_416 : i32 to index
        %parallel_loop3A_551 = arith.constant 704 : index
        %parallel_loop3A_552 = tpu.vector_load %arg9[%parallel_loop3A_550, %parallel_loop3A_551] {strides = array<i32>} : memref<64x768xf32, #tpu.memory_space<vmem>>, vector<16xf32>,
        tpu.vector_store %arg9[%parallel_loop3A_550, %parallel_loop3A_551], %parallel_loop3A_549 {strides = array<i32>} : memref<64x768xf32, #tpu.memory_space<vmem>>, vector<16xf32>,
        %parallel_loop3A_553 = arith.index_cast %parallel_loop3A_416 : i32 to index
        %parallel_loop3A_554 = arith.constant 720 : index
        %parallel_loop3A_555 = tpu.vector_load %arg9[%parallel_loop3A_553, %parallel_loop3A_554] {strides = array<i32>} : memref<64x768xf32, #tpu.memory_space<vmem>>, vector<16xf32>,
        %parallel_loop3A_556 = arith.mulf %parallel_loop3A_555, %parallel_loop3A_419 : vector<16xf32>
        %parallel_loop3A_557 = arith.addf %parallel_loop3A_556, %parallel_loop3A_422 : vector<16xf32>
        %parallel_loop3A_558 = arith.mulf %parallel_loop3A_557, %get3A_352 : vector<16xf32>
        %parallel_loop3A_559 = arith.addf %parallel_loop3A_558, %get3A_384 : vector<16xf32>
        %parallel_loop3A_560 = arith.index_cast %parallel_loop3A_416 : i32 to index
        %parallel_loop3A_561 = arith.constant 720 : index
        %parallel_loop3A_562 = tpu.vector_load %arg9[%parallel_loop3A_560, %parallel_loop3A_561] {strides = array<i32>} : memref<64x768xf32, #tpu.memory_space<vmem>>, vector<16xf32>,
        tpu.vector_store %arg9[%parallel_loop3A_560, %parallel_loop3A_561], %parallel_loop3A_559 {strides = array<i32>} : memref<64x768xf32, #tpu.memory_space<vmem>>, vector<16xf32>,
        %parallel_loop3A_563 = arith.index_cast %parallel_loop3A_416 : i32 to index
        %parallel_loop3A_564 = arith.constant 736 : index
        %parallel_loop3A_565 = tpu.vector_load %arg9[%parallel_loop3A_563, %parallel_loop3A_564] {strides = array<i32>} : memref<64x768xf32, #tpu.memory_space<vmem>>, vector<16xf32>,
        %parallel_loop3A_566 = arith.mulf %parallel_loop3A_565, %parallel_loop3A_419 : vector<16xf32>
        %parallel_loop3A_567 = arith.addf %parallel_loop3A_566, %parallel_loop3A_422 : vector<16xf32>
        %parallel_loop3A_568 = arith.mulf %parallel_loop3A_567, %get3A_354 : vector<16xf32>
        %parallel_loop3A_569 = arith.addf %parallel_loop3A_568, %get3A_386 : vector<16xf32>
        %parallel_loop3A_570 = arith.index_cast %parallel_loop3A_416 : i32 to index
        %parallel_loop3A_571 = arith.constant 736 : index
        %parallel_loop3A_572 = tpu.vector_load %arg9[%parallel_loop3A_570, %parallel_loop3A_571] {strides = array<i32>} : memref<64x768xf32, #tpu.memory_space<vmem>>, vector<16xf32>,
        tpu.vector_store %arg9[%parallel_loop3A_570, %parallel_loop3A_571], %parallel_loop3A_569 {strides = array<i32>} : memref<64x768xf32, #tpu.memory_space<vmem>>, vector<16xf32>,
        %parallel_loop3A_573 = arith.index_cast %parallel_loop3A_416 : i32 to index
        %parallel_loop3A_574 = arith.constant 752 : index
        %parallel_loop3A_575 = tpu.vector_load %arg9[%parallel_loop3A_573, %parallel_loop3A_574] {strides = array<i32>} : memref<64x768xf32, #tpu.memory_space<vmem>>, vector<16xf32>,
        %parallel_loop3A_576 = arith.mulf %parallel_loop3A_575, %parallel_loop3A_419 : vector<16xf32>
        %parallel_loop3A_577 = arith.addf %parallel_loop3A_576, %parallel_loop3A_422 : vector<16xf32>
        %parallel_loop3A_578 = arith.mulf %parallel_loop3A_577, %get3A_356 : vector<16xf32>
        %parallel_loop3A_579 = arith.addf %parallel_loop3A_578, %get3A_388 : vector<16xf32>
        %parallel_loop3A_580 = arith.index_cast %parallel_loop3A_416 : i32 to index
        %parallel_loop3A_581 = arith.constant 752 : index
        %parallel_loop3A_582 = tpu.vector_load %arg9[%parallel_loop3A_580, %parallel_loop3A_581] {strides = array<i32>} : memref<64x768xf32, #tpu.memory_space<vmem>>, vector<16xf32>,
        tpu.vector_store %arg9[%parallel_loop3A_580, %parallel_loop3A_581], %parallel_loop3A_579 {strides = array<i32>} : memref<64x768xf32, #tpu.memory_space<vmem>>, vector<16xf32>,
      } {sc.loop_unroll_factor = 2 : i64, sc.parallel_access}
      %mul3A_392 = arith.constant 16 : i32
      %mul3A_393 = arith.muli %rem3A_161, %mul3A_392 : i32
      %mul3A_394 = arith.constant 16 : i32
      %mul3A_395 = arith.muli %scan3A_159, %mul3A_394 : i32
      %add3A_396 = arith.addi %mul3A_2, %mul3A_395 : i32
      %dma_start3A_397 = arith.constant 0 : i32
      %dma_start3A_398 = tpu.memref_slice %arg9[%mul3A_393, %dma_start3A_397] : memref<64x768xf32, #tpu.memory_space<vmem>> -> memref<16x768xf32, #tpu.memory_space<vmem>>
      %dma_start3A_399 = arith.constant 0 : i32
      %dma_start3A_400 = tpu.memref_slice %arg7[%add3A_396, %dma_start3A_399] : memref<32768x768xf32, #tpu.memory_space<hbm>> -> memref<16x768xf32, #tpu.memory_space<hbm>>
      %dma_start3A_401 = tpu.memref_slice %arg17[%rem3A_161] : memref<4x!tpu.dma_semaphore, #tpu.memory_space<semaphore_mem>> -> memref<1x!tpu.dma_semaphore, #tpu.memory_space<semaphore_mem>>
      %dma_start3A_402 = tpu.memref_squeeze %dma_start3A_401 : memref<1x!tpu.dma_semaphore, #tpu.memory_space<semaphore_mem>> -> memref<!tpu.dma_semaphore, #tpu.memory_space<semaphore_mem>>
      %dma_start3A_403 = arith.constant 0 : i32
      %dma_start3A_404 = tpu.memref_slice %arg7[%add3A_396, %dma_start3A_403] : memref<32768x768xf32, #tpu.memory_space<hbm>> -> memref<16x768xf32, #tpu.memory_space<hbm>>
      %dma_start3A_405 = arith.constant 0 : i32
      %dma_start3A_406 = tpu.memref_slice %arg9[%mul3A_393, %dma_start3A_405] : memref<64x768xf32, #tpu.memory_space<vmem>> -> memref<16x768xf32, #tpu.memory_space<vmem>>
      tpu.enqueue_dma source(%dma_start3A_406 : memref<16x768xf32, #tpu.memory_space<vmem>>) target(%dma_start3A_404 : memref<16x768xf32, #tpu.memory_space<hbm>>) target_semaphore(%dma_start3A_402 : memref<!tpu.dma_semaphore, #tpu.memory_space<semaphore_mem>>)
      %add3A_407 = arith.constant 4 : i32
      %add3A_408 = arith.addi %scan3A_159, %add3A_407 : i32
      %sub3A = arith.constant 1 : i32
      %sub3A_409 = arith.subi %add3A_408, %sub3A : i32
      %rem3A_410 = arith.constant 4 : i32
      %rem3A_411 = arith.remsi %sub3A_409, %rem3A_410 : i32
      %lt3A_412 = arith.constant 64 : i32
      %lt3A_413 = arith.cmpi slt, %sub3A_409, %lt3A_412 : i32
      %convert_element_type3A = arith.extui %lt3A_413 : i1 to i32
      %cond3A = arith.constant 0 : i32
      %cond3A_414 = arith.cmpi ne, %convert_element_type3A, %cond3A : i32
      scf.if %cond3A_414 {
        %ge3A = arith.constant 1 : i32
        %ge3A_415 = arith.cmpi sge, %scan3A_159, %ge3A : i32
        %convert_element_type3A_416 = arith.extui %ge3A_415 : i1 to i32
        %cond3A_417 = arith.constant 0 : i32
        %cond3A_418 = arith.cmpi ne, %convert_element_type3A_416, %cond3A_417 : i32
        scf.if %cond3A_418 {
          %mul3A_446 = arith.constant 16 : i32
          %mul3A_447 = arith.muli %rem3A_411, %mul3A_446 : i32
          %dma_wait3A_448 = arith.constant 0 : i32
          %dma_wait3A_449 = tpu.memref_slice %arg9[%mul3A_447, %dma_wait3A_448] : memref<64x768xf32, #tpu.memory_space<vmem>> -> memref<16x768xf32, #tpu.memory_space<vmem>>
          %dma_wait3A_450 = arith.constant 0 : i32
          %dma_wait3A_451 = arith.constant 0 : i32
          %dma_wait3A_452 = tpu.memref_slice %arg7[%dma_wait3A_450, %dma_wait3A_451] : memref<32768x768xf32, #tpu.memory_space<hbm>> -> memref<16x768xf32, #tpu.memory_space<hbm>>
          %dma_wait3A_453 = tpu.memref_slice %arg17[%rem3A_411] : memref<4x!tpu.dma_semaphore, #tpu.memory_space<semaphore_mem>> -> memref<1x!tpu.dma_semaphore, #tpu.memory_space<semaphore_mem>>
          %dma_wait3A_454 = tpu.memref_squeeze %dma_wait3A_453 : memref<1x!tpu.dma_semaphore, #tpu.memory_space<semaphore_mem>> -> memref<!tpu.dma_semaphore, #tpu.memory_space<semaphore_mem>>
          %dma_wait3A_455 = arith.constant 0 : i32
          %dma_wait3A_456 = arith.constant 0 : i32
          %dma_wait3A_457 = tpu.memref_slice %arg7[%dma_wait3A_455, %dma_wait3A_456] : memref<32768x768xf32, #tpu.memory_space<hbm>> -> memref<16x768xf32, #tpu.memory_space<hbm>>
          %dma_wait3A_458 = arith.constant 0 : i32
          %dma_wait3A_459 = tpu.memref_slice %arg9[%mul3A_447, %dma_wait3A_458] : memref<64x768xf32, #tpu.memory_space<vmem>> -> memref<16x768xf32, #tpu.memory_space<vmem>>
          tpu.wait_dma2 semaphore(%dma_wait3A_454 : memref<!tpu.dma_semaphore, #tpu.memory_space<semaphore_mem>>) src(%dma_wait3A_459 : memref<16x768xf32, #tpu.memory_space<vmem>>) dst(%dma_wait3A_457 : memref<16x768xf32, #tpu.memory_space<hbm>>)
        } else {
        }
        %rem3A_419 = arith.constant 4 : i32
        %rem3A_420 = arith.remsi %sub3A_409, %rem3A_419 : i32
        %mul3A_421 = arith.constant 16 : i32
        %mul3A_422 = arith.muli %rem3A_420, %mul3A_421 : i32
        %dma_start3A_423 = arith.constant 0 : i32
        %dma_start3A_424 = tpu.memref_slice %arg9[%mul3A_422, %dma_start3A_423] : memref<64x768xf32, #tpu.memory_space<vmem>> -> memref<16x768xf32, #tpu.memory_space<vmem>>
        %dma_start3A_425 = arith.constant 0 : i32
        %dma_start3A_426 = tpu.memref_slice %arg8[%sub3A_409, %dma_start3A_425] : memref<64x16xi32, #tpu.memory_space<vmem>> -> memref<1x16xi32, #tpu.memory_space<vmem>>
        %dma_start3A_427 = tpu.memref_squeeze %dma_start3A_426 : memref<1x16xi32, #tpu.memory_space<vmem>> -> memref<16xi32, #tpu.memory_space<vmem>>
        %dma_start3A_428 = arith.constant 0 : i32
        %dma_start3A_429 = arith.constant 0 : i32
        %dma_start3A_430 = tpu.memref_slice %arg3[%dma_start3A_428, %dma_start3A_429] : memref<100000x768xf32, #tpu.memory_space<hbm>> -> memref<100000x768xf32, #tpu.memory_space<hbm>>
        %dma_start3A_431 = tpu.memref_slice %arg15[%rem3A_420] : memref<4x!tpu.dma_semaphore, #tpu.memory_space<semaphore_mem>> -> memref<1x!tpu.dma_semaphore, #tpu.memory_space<semaphore_mem>>
        %dma_start3A_432 = tpu.memref_squeeze %dma_start3A_431 : memref<1x!tpu.dma_semaphore, #tpu.memory_space<semaphore_mem>> -> memref<!tpu.dma_semaphore, #tpu.memory_space<semaphore_mem>>
        tpu.enqueue_indirect_dma source(%dma_start3A_430 : memref<100000x768xf32, #tpu.memory_space<hbm>>) target(%dma_start3A_424 : memref<16x768xf32, #tpu.memory_space<vmem>>) offsets(%dma_start3A_427 : memref<16xi32, #tpu.memory_space<vmem>>) semaphore(%dma_start3A_432 : memref<!tpu.dma_semaphore, #tpu.memory_space<semaphore_mem>>)
        %mul3A_433 = arith.constant 16 : i32
        %mul3A_434 = arith.muli %sub3A_409, %mul3A_433 : i32
        %add3A_435 = arith.addi %select_n3A_11, %mul3A_434 : i32
        %dma_start3A_436 = arith.constant 0 : i32
        %dma_start3A_437 = tpu.memref_slice %arg10[%mul3A_422, %dma_start3A_436] : memref<64x768xf32, #tpu.memory_space<vmem>> -> memref<16x768xf32, #tpu.memory_space<vmem>>
        %dma_start3A_438 = arith.constant 0 : i32
        %dma_start3A_439 = tpu.memref_slice %arg4[%add3A_435, %dma_start3A_438] : memref<8192x768xf32, #tpu.memory_space<hbm>> -> memref<16x768xf32, #tpu.memory_space<hbm>>
        %dma_start3A_440 = tpu.memref_slice %arg16[%rem3A_420] : memref<4x!tpu.dma_semaphore, #tpu.memory_space<semaphore_mem>> -> memref<1x!tpu.dma_semaphore, #tpu.memory_space<semaphore_mem>>
        %dma_start3A_441 = tpu.memref_squeeze %dma_start3A_440 : memref<1x!tpu.dma_semaphore, #tpu.memory_space<semaphore_mem>> -> memref<!tpu.dma_semaphore, #tpu.memory_space<semaphore_mem>>
        %dma_start3A_442 = arith.constant 0 : i32
        %dma_start3A_443 = tpu.memref_slice %arg10[%mul3A_422, %dma_start3A_442] : memref<64x768xf32, #tpu.memory_space<vmem>> -> memref<16x768xf32, #tpu.memory_space<vmem>>
        %dma_start3A_444 = arith.constant 0 : i32
        %dma_start3A_445 = tpu.memref_slice %arg4[%add3A_435, %dma_start3A_444] : memref<8192x768xf32, #tpu.memory_space<hbm>> -> memref<16x768xf32, #tpu.memory_space<hbm>>
        tpu.enqueue_dma source(%dma_start3A_445 : memref<16x768xf32, #tpu.memory_space<hbm>>) target(%dma_start3A_443 : memref<16x768xf32, #tpu.memory_space<vmem>>) target_semaphore(%dma_start3A_441 : memref<!tpu.dma_semaphore, #tpu.memory_space<semaphore_mem>>)
      } else {
      }
    }
    %scan3A_99 = arith.constant 64 : i32
    %dma_wait3A = arith.constant 0 : i32
    %dma_wait3A_100 = arith.constant 0 : i32
    %dma_wait3A_101 = arith.constant 0 : i32
    %dma_wait3A_102 = tpu.memref_slice %arg9[%dma_wait3A_100, %dma_wait3A_101] : memref<64x768xf32, #tpu.memory_space<vmem>> -> memref<16x768xf32, #tpu.memory_space<vmem>>
    %dma_wait3A_103 = arith.constant 0 : i32
    %dma_wait3A_104 = arith.constant 0 : i32
    %dma_wait3A_105 = tpu.memref_slice %arg7[%dma_wait3A_103, %dma_wait3A_104] : memref<32768x768xf32, #tpu.memory_space<hbm>> -> memref<16x768xf32, #tpu.memory_space<hbm>>
    %dma_wait3A_106 = tpu.memref_slice %arg17[%dma_wait3A] : memref<4x!tpu.dma_semaphore, #tpu.memory_space<semaphore_mem>> -> memref<1x!tpu.dma_semaphore, #tpu.memory_space<semaphore_mem>>
    %dma_wait3A_107 = tpu.memref_squeeze %dma_wait3A_106 : memref<1x!tpu.dma_semaphore, #tpu.memory_space<semaphore_mem>> -> memref<!tpu.dma_semaphore, #tpu.memory_space<semaphore_mem>>
    %dma_wait3A_108 = arith.constant 0 : i32
    %dma_wait3A_109 = arith.constant 0 : i32
    %dma_wait3A_110 = tpu.memref_slice %arg7[%dma_wait3A_108, %dma_wait3A_109] : memref<32768x768xf32, #tpu.memory_space<hbm>> -> memref<16x768xf32, #tpu.memory_space<hbm>>
    %dma_wait3A_111 = arith.constant 0 : i32
    %dma_wait3A_112 = arith.constant 0 : i32
    %dma_wait3A_113 = tpu.memref_slice %arg9[%dma_wait3A_111, %dma_wait3A_112] : memref<64x768xf32, #tpu.memory_space<vmem>> -> memref<16x768xf32, #tpu.memory_space<vmem>>
    tpu.wait_dma2 semaphore(%dma_wait3A_107 : memref<!tpu.dma_semaphore, #tpu.memory_space<semaphore_mem>>) src(%dma_wait3A_113 : memref<16x768xf32, #tpu.memory_space<vmem>>) dst(%dma_wait3A_110 : memref<16x768xf32, #tpu.memory_space<hbm>>)
    %dma_wait3A_114 = arith.constant 1 : i32
    %dma_wait3A_115 = arith.constant 16 : i32
    %dma_wait3A_116 = arith.constant 0 : i32
    %dma_wait3A_117 = tpu.memref_slice %arg9[%dma_wait3A_115, %dma_wait3A_116] : memref<64x768xf32, #tpu.memory_space<vmem>> -> memref<16x768xf32, #tpu.memory_space<vmem>>
    %dma_wait3A_118 = arith.constant 0 : i32
    %dma_wait3A_119 = arith.constant 0 : i32
    %dma_wait3A_120 = tpu.memref_slice %arg7[%dma_wait3A_118, %dma_wait3A_119] : memref<32768x768xf32, #tpu.memory_space<hbm>> -> memref<16x768xf32, #tpu.memory_space<hbm>>
    %dma_wait3A_121 = tpu.memref_slice %arg17[%dma_wait3A_114] : memref<4x!tpu.dma_semaphore, #tpu.memory_space<semaphore_mem>> -> memref<1x!tpu.dma_semaphore, #tpu.memory_space<semaphore_mem>>
    %dma_wait3A_122 = tpu.memref_squeeze %dma_wait3A_121 : memref<1x!tpu.dma_semaphore, #tpu.memory_space<semaphore_mem>> -> memref<!tpu.dma_semaphore, #tpu.memory_space<semaphore_mem>>
    %dma_wait3A_123 = arith.constant 0 : i32
    %dma_wait3A_124 = arith.constant 0 : i32
    %dma_wait3A_125 = tpu.memref_slice %arg7[%dma_wait3A_123, %dma_wait3A_124] : memref<32768x768xf32, #tpu.memory_space<hbm>> -> memref<16x768xf32, #tpu.memory_space<hbm>>
    %dma_wait3A_126 = arith.constant 16 : i32
    %dma_wait3A_127 = arith.constant 0 : i32
    %dma_wait3A_128 = tpu.memref_slice %arg9[%dma_wait3A_126, %dma_wait3A_127] : memref<64x768xf32, #tpu.memory_space<vmem>> -> memref<16x768xf32, #tpu.memory_space<vmem>>
    tpu.wait_dma2 semaphore(%dma_wait3A_122 : memref<!tpu.dma_semaphore, #tpu.memory_space<semaphore_mem>>) src(%dma_wait3A_128 : memref<16x768xf32, #tpu.memory_space<vmem>>) dst(%dma_wait3A_125 : memref<16x768xf32, #tpu.memory_space<hbm>>)
    %dma_wait3A_129 = arith.constant 2 : i32
    %dma_wait3A_130 = arith.constant 32 : i32
    %dma_wait3A_131 = arith.constant 0 : i32
    %dma_wait3A_132 = tpu.memref_slice %arg9[%dma_wait3A_130, %dma_wait3A_131] : memref<64x768xf32, #tpu.memory_space<vmem>> -> memref<16x768xf32, #tpu.memory_space<vmem>>
    %dma_wait3A_133 = arith.constant 0 : i32
    %dma_wait3A_134 = arith.constant 0 : i32
    %dma_wait3A_135 = tpu.memref_slice %arg7[%dma_wait3A_133, %dma_wait3A_134] : memref<32768x768xf32, #tpu.memory_space<hbm>> -> memref<16x768xf32, #tpu.memory_space<hbm>>
    %dma_wait3A_136 = tpu.memref_slice %arg17[%dma_wait3A_129] : memref<4x!tpu.dma_semaphore, #tpu.memory_space<semaphore_mem>> -> memref<1x!tpu.dma_semaphore, #tpu.memory_space<semaphore_mem>>
    %dma_wait3A_137 = tpu.memref_squeeze %dma_wait3A_136 : memref<1x!tpu.dma_semaphore, #tpu.memory_space<semaphore_mem>> -> memref<!tpu.dma_semaphore, #tpu.memory_space<semaphore_mem>>
    %dma_wait3A_138 = arith.constant 0 : i32
    %dma_wait3A_139 = arith.constant 0 : i32
    %dma_wait3A_140 = tpu.memref_slice %arg7[%dma_wait3A_138, %dma_wait3A_139] : memref<32768x768xf32, #tpu.memory_space<hbm>> -> memref<16x768xf32, #tpu.memory_space<hbm>>
    %dma_wait3A_141 = arith.constant 32 : i32
    %dma_wait3A_142 = arith.constant 0 : i32
    %dma_wait3A_143 = tpu.memref_slice %arg9[%dma_wait3A_141, %dma_wait3A_142] : memref<64x768xf32, #tpu.memory_space<vmem>> -> memref<16x768xf32, #tpu.memory_space<vmem>>
    tpu.wait_dma2 semaphore(%dma_wait3A_137 : memref<!tpu.dma_semaphore, #tpu.memory_space<semaphore_mem>>) src(%dma_wait3A_143 : memref<16x768xf32, #tpu.memory_space<vmem>>) dst(%dma_wait3A_140 : memref<16x768xf32, #tpu.memory_space<hbm>>)
    %dma_wait3A_144 = arith.constant 3 : i32
    %dma_wait3A_145 = arith.constant 48 : i32
    %dma_wait3A_146 = arith.constant 0 : i32
    %dma_wait3A_147 = tpu.memref_slice %arg9[%dma_wait3A_145, %dma_wait3A_146] : memref<64x768xf32, #tpu.memory_space<vmem>> -> memref<16x768xf32, #tpu.memory_space<vmem>>
    %dma_wait3A_148 = arith.constant 0 : i32
    %dma_wait3A_149 = arith.constant 0 : i32
    %dma_wait3A_150 = tpu.memref_slice %arg7[%dma_wait3A_148, %dma_wait3A_149] : memref<32768x768xf32, #tpu.memory_space<hbm>> -> memref<16x768xf32, #tpu.memory_space<hbm>>
    %dma_wait3A_151 = tpu.memref_slice %arg17[%dma_wait3A_144] : memref<4x!tpu.dma_semaphore, #tpu.memory_space<semaphore_mem>> -> memref<1x!tpu.dma_semaphore, #tpu.memory_space<semaphore_mem>>
    %dma_wait3A_152 = tpu.memref_squeeze %dma_wait3A_151 : memref<1x!tpu.dma_semaphore, #tpu.memory_space<semaphore_mem>> -> memref<!tpu.dma_semaphore, #tpu.memory_space<semaphore_mem>>
    %dma_wait3A_153 = arith.constant 0 : i32
    %dma_wait3A_154 = arith.constant 0 : i32
    %dma_wait3A_155 = tpu.memref_slice %arg7[%dma_wait3A_153, %dma_wait3A_154] : memref<32768x768xf32, #tpu.memory_space<hbm>> -> memref<16x768xf32, #tpu.memory_space<hbm>>
    %dma_wait3A_156 = arith.constant 48 : i32
    %dma_wait3A_157 = arith.constant 0 : i32
    %dma_wait3A_158 = tpu.memref_slice %arg9[%dma_wait3A_156, %dma_wait3A_157] : memref<64x768xf32, #tpu.memory_space<vmem>> -> memref<16x768xf32, #tpu.memory_space<vmem>>
    tpu.wait_dma2 semaphore(%dma_wait3A_152 : memref<!tpu.dma_semaphore, #tpu.memory_space<semaphore_mem>>) src(%dma_wait3A_158 : memref<16x768xf32, #tpu.memory_space<vmem>>) dst(%dma_wait3A_155 : memref<16x768xf32, #tpu.memory_space<hbm>>)
    return
  }
}

</mosaic_0001>

<sc_bundles>
// kernel: _sc_embed_ln.3.cloned.1.call-start
scs
__scs_entry_jumppad:
0x0: {  	(pc) =	sbr.rel $0x88, $3  }
0x1: {  	(tag) =	ssettag $0x0;
	lr =	simm.s32 $0x1  }
0x2: {  	[smem:$0x3F9C] =	sst lr;
	_ =	strace $0xD0000000  }
0x3: {  	_ = 	snop  }
0x4: {  	_ = 	snop  }
0x5: {  	_ = 	snop  }
0x6: {  	_ = 	snop  }
0x7: {  	_ = 	snop  }
__scs_overlays_trampoline_lowered:
0x8: {  	[smem:$0x3FAB] =	sst s0  }
0x9: {  	[smem:$0x3FAC] =	sst s1  }
0xa: {  	[smem:$0x3FAD] =	sst s2  }
0xb: {  	[smem:$0x3FAE] =	sst s3  }
0xc: {  	[smem:$0x3FAF] =	sst s4  }
0xd: {  	[smem:$0x3FB0] =	sst s5  }
0xe: {  	[smem:$0x3FB1] =	sst s6  }
0xf: {  	[smem:$0x3FB2] =	sst s7  }
0x10: {  	[smem:$0x3FB3] =	sst s8  }
0x11: {  	[smem:$0x3FB4] =	sst s9;
	s0 =	simm.s32 @!p0 $0x0  }
0x12: {  	s1 =	sld [smem:$0x3F9A];
	s0 =	simm.s32 @p0 $0x1  }
0x13: {  	[smem:$0x3FB5] =	sst s0;
	s0 =	simm.s32 @!p1 $0x0  }
0x14: {  	s2 =	sld [smem:$0x3F99];
	s0 =	simm.s32 @p1 $0x1  }
0x15: {  	[smem:$0x3FB6] =	sst s0;
	s0 =	simm.s32 @!p2 $0x0  }
0x16: {  	s3 =	sld [smem:$0x3FDB];
	s0 =	simm.s32 @p2 $0x1  }
0x17: {  	s4 =	simm.s32 $0x1BF5;
	[smem:$0x3FB8] =	sst s0  }
0x18: {  	s0 =	sld [smem:$0x3F9B];
	_ =	swait.ge [sflag:s4], $0x0  }
0x19: {  	s7 =	sld [smem:$0x3F9C]  }
0x1a: {  	s8 =	sadd.s32 $0xFFFFE003, lr  }
0x1b: {  	s9 =	sadd.s32 $0xFFFFFEF7, lr;
	s5 =	simm.s32 $0xFFFFFFFF;
	p2 =	slt.u32 s8, $0xFFFFF086  }
0x1c: {  	p1 =	slt.u32 s9, $0xF7A;
	s5 =	simm.s32 @!p2 $0x0  }
0x1d: {  	s5 =	simm.s32 @p1 $0x1;
	p0 =	seq.s32 s7, s2  }
0x1e: {  	s7 =	smul.u32 @!p0 $0xF7A, s2;
	p2 =	seq.s32 @!p0 s5, $0x0  }
0x1f: {  	s9 =	smul.u32 $0xF7A, s1;
	s8 =	simm.s32 @!p0 $0x1BF5;
	p2 =	por !p2, p0  }
0x20: {  	[sflag:s8] =	ssyncset.s32 @!p0 $0xFFFFF086;
	s6 =	sadd.s32 @!p0 s3, s7;
	s7 =	simm.s32 @!p0 $0x108  }
0x21: {  	s3 =	sadd.s32 s3, s9;
	s6 =	sadd.s32 @!p0 $0x88, s6;
	s7 =	simm.s32 @p2 $0x1082  }
0x22: {  	[simem:s7], [sflag:s8] =	dma.local @!p0 [hbm:s6], $0xF7A  }
0x23: {  	s9 =	sor.u32 $0xD0000000, s2;
	s6 =	simm.s32 $0x108;
	_ =	swait.ge @!p0 [sflag:s8], $0x0  }
0x24: {  	s3 =	sadd.s32 $0x88, s3;
	s6 =	simm.s32 @!p1 $0x1082;
	[sflag:s4] =	ssyncset.s32 $0xFFFFF086  }
0x25: {  	[simem:s6], [sflag:s4] =	dma.local [hbm:s3], $0xF7A  }
0x26: {  	[smem:$0x3F9C] =	sst s1;
	(tag) =	ssettag s2;
	_ =	strace s9  }
0x27: {  	s1 =	sld [smem:$0x3FAC]  }
0x28: {  	s2 =	sld [smem:$0x3FAD]  }
0x29: {  	s4 =	sld [smem:$0x3FAF]  }
0x2a: {  	p0 =	seq.s32 s5, $0x0;
	s5 =	sld [smem:$0x3FB0]  }
0x2b: {  	s6 =	sld [smem:$0x3FB1]  }
0x2c: {  	s7 =	sld [smem:$0x3FB2]  }
0x2d: {  	s3 =	simm.s32 $0x108;
	s8 =	sld [smem:$0x3FB3]  }
0x2e: {  	s3 =	simm.s32 @!p0 $0x1082;
	s9 =	sld [smem:$0x3FB4]  }
0x2f: {  	lr =	sadd.s32 s0, s3;
	s0 =	sld [smem:$0x3FAB]  }
0x30: {  	s3 =	sld [smem:$0x3FAE]  }
0x31: {  	[smem:$0x3FB7] =	sst s10  }
0x32: {  	s10 =	sld [smem:$0x3FB5];
	_ =	sdelay $0x3  }
0x33: {  	p0 =	seq.s32 s10, $0x1;
	s10 =	sld [smem:$0x3FB7];
	_ =	sdelay $0x3  }
0x34: {  	[smem:$0x3FB7] =	sst s10  }
0x35: {  	s10 =	sld [smem:$0x3FB6];
	_ =	sdelay $0x3  }
0x36: {  	p1 =	seq.s32 s10, $0x1;
	s10 =	sld [smem:$0x3FB7];
	_ =	sdelay $0x3  }
0x37: {  	[smem:$0x3FB7] =	sst s10  }
0x38: {  	s10 =	sld [smem:$0x3FB8]  }
0x39: {  	_ = 	snop;
	(pc) =	sbr.ind lr, $3  }
0x3a: {  	_ = 	snop  }
0x3b: {  	_ = 	snop  }
0x3c: {  	p2 =	seq.s32 s10, $0x1;
	s10 =	sld [smem:$0x3FB7]  }
0x3d: {  	_ =	shalt  }
0x3e: {  	_ =	shalt  }
0x3f: {  	_ =	shalt  }
0x40: {  	_ =	shalt  }
0x41: {  	_ =	shalt  }
0x42: {  	_ =	shalt  }
0x43: {  	_ =	shalt  }
0x44: {  	_ =	shalt  }
0x45: {  	_ =	shalt  }
0x46: {  	_ =	shalt  }
0x47: {  	_ =	shalt  }
0x48: {  	_ =	shalt  }
0x49: {  	_ =	shalt  }
0x4a: {  	_ =	shalt  }
0x4b: {  	_ =	shalt  }
0x4c: {  	_ =	shalt  }
0x4d: {  	_ =	shalt  }
0x4e: {  	_ =	shalt  }
0x4f: {  	_ =	shalt  }
0x50: {  	_ =	shalt  }
0x51: {  	_ =	shalt  }
0x52: {  	_ =	shalt  }
0x53: {  	_ =	shalt  }
0x54: {  	_ =	shalt  }
0x55: {  	_ =	shalt  }
0x56: {  	_ =	shalt  }
0x57: {  	_ =	shalt  }
0x58: {  	_ =	shalt  }
0x59: {  	_ =	shalt  }
0x5a: {  	_ =	shalt  }
0x5b: {  	_ =	shalt  }
0x5c: {  	_ =	shalt  }
0x5d: {  	_ =	shalt  }
0x5e: {  	_ =	shalt  }
0x5f: {  	_ =	shalt  }
0x60: {  	_ =	shalt  }
0x61: {  	_ =	shalt  }
0x62: {  	_ =	shalt  }
0x63: {  	_ =	shalt  }
0x64: {  	_ =	shalt  }
0x65: {  	_ =	shalt  }
0x66: {  	_ =	shalt  }
0x67: {  	_ =	shalt  }
0x68: {  	_ =	shalt  }
0x69: {  	_ =	shalt  }
0x6a: {  	_ =	shalt  }
0x6b: {  	_ =	shalt  }
0x6c: {  	_ =	shalt  }
0x6d: {  	_ =	shalt  }
0x6e: {  	_ =	shalt  }
0x6f: {  	_ =	shalt  }
0x70: {  	_ =	shalt  }
0x71: {  	_ =	shalt  }
0x72: {  	_ =	shalt  }
0x73: {  	_ =	shalt  }
0x74: {  	_ =	shalt  }
0x75: {  	_ =	shalt  }
0x76: {  	_ =	shalt  }
0x77: {  	_ =	shalt  }
0x78: {  	_ =	shalt  }
0x79: {  	_ =	shalt  }
0x7a: {  	_ =	shalt  }
0x7b: {  	_ =	shalt  }
0x7c: {  	_ =	shalt  }
0x7d: {  	_ =	shalt  }
0x7e: {  	_ =	shalt  }
0x7f: {  	_ =	shalt  }
0x80: {  	_ =	shalt  }
0x81: {  	_ =	shalt  }
0x82: {  	_ =	shalt  }
0x83: {  	_ =	shalt  }
0x84: {  	_ =	shalt  }
0x85: {  	_ =	shalt  }
0x86: {  	_ =	shalt  }
0x87: {  	_ =	shalt  }
.Lfunc_end0:
.L_simem_size_0:
called_computation_lowered:
.L_overlay_start_0:
0x88: {  	s2 =	sld [smem:$0x3FD9]  }
0x89: {  	s3 =	sld [smem:$0x3FFE];
	_ =	sdelay $0x1  }
0x8a: {  	s1 =	srdreg.scid  }
0x8b: {  	s0 =	sand.u32 $0x1, s1  }
0x8c: {  	s17 =	sshll.u32 s0, $0xA;
	s2 =	sadd.s32 s3, s2  }
0x8d: {  	s2 =	sadd.s32 s2, s17  }
0x8e: {  	[smem:$0x3FC3] =	sst s2  }
0x8f: {  	_ = 	snop  }
0x90: {  	s2 =	sld [smem:$0x3FC8]  }
0x91: {  	s18 =	sld [smem:$0x3FC7]  }
0x92: {  	s4 =	sld [smem:$0x3FC6]  }
0x93: {  	s5 =	sld [smem:$0x3FC5]  }
0x94: {  	s6 =	sld [smem:$0x3FD0];
	(tm) =	ssettm $0x1  }
0x95: {  	s7 =	sld [smem:$0x3FFB];
	_ =	sdelay $0x3  }
0x96: {  	_ =	strace s7  }
0x97: {  	s7 =	sld [smem:$0x3FFC];
	_ =	sdelay $0x3  }
0x98: {  	_ =	strace s7  }
0x99: {  	s7 =	sld [smem:$0x3FFD];
	_ =	sdelay $0x3  }
0x9a: {  	_ =	strace s7  }
0x9b: {  	_ =	strace $0x8FFFFFFF  }
0x9c: {  	s19 =	sld [smem:$0x3FDB];
	_ =	sdelay $0x1  }
0x9d: {  	s8 =	simm.s32 $_scs_section_size  }
0x9e: {  	s9 =	simm.s32 $_size__tile_overlayer_lowered;
	s10 =	simm.s32 $_tile_overlayer_lowered  }
0x9f: {  	s22 =	simm.s32 $0x1BFF;
	s21 =	sshll.u32 s10, $0x1;
	s7 =	sadd.s32 s8, s19  }
0xa0: {  	s11 =	simm.s32 $0x0;
	s20 =	sshll.u32 s9, $0x1;
	s9 =	sadd.s32 s21, s7  }
0xa1: {  	[timem:s11], [sflag:s22] =	dma.local [hbm:s9], s20  }
0xa2: {  	_ =	swait.ge [sflag:s22], s20  }
0xa3: {  	s8 =	ssub.s32 $0x0, s20;
	[sflag:s22] =	ssyncset.done $0x0  }
0xa4: {  	[sflag:s22] =	ssyncadd.s32 s8;
	_ =	sdelay $0x1  }
0xa5: {  	s23 =	simm.s32 $0x1B8B  }
0xa6: {  	_ =	swait.ge [sflag:s23], $0x1  }
0xa7: {  	[sflag:s23] =	ssyncset.done $0x0  }
0xa8: {  	s25 =	simm.s32 $0x1B8E;
	s24 =	sld [smem:$0x3FFE];
	[sflag:s23] =	ssyncadd.s32 $0xFFFFFFFF  }
0xa9: {  	s26 =	simm.s32 $execute0_lowered;
	[smem:$0x3FD2] =	sst s25  }
0xaa: {  	s9 =	sshll.u32 s26, $0x1;
	_ =	strace $0x80000046;
	[dreg:$0x1] =	wrdreg $0xFFFFFFFF  }
0xab: {  	s28 =	simm.s32 $_size_execute0_lowered;
	s7 =	sadd.s32 s7, s9;
	[dreg:$0x0] =	wrdreg $0x0  }
0xac: {  	s9 =	sshll.u32 s28, $0x1;
	[dreg:$0x2] =	wrdreg s7  }
0xad: {  	[dreg:$0x3] =	wrdreg s9  }
0xae: {  	[dreg:$0x4] =	wrdreg $0xC0  }
0xaf: {  	_ =	task [dreg:s11], $0x5FFFF  }
0xb0: {  	[dreg:$0x1] =	wrdreg $0xFFFFFFFF  }
0xb1: {  	[dreg:$0x0] =	wrdreg $0x60  }
0xb2: {  	[dreg:$0x2] =	wrdreg s24  }
0xb3: {  	[dreg:$0x3] =	wrdreg s2  }
0xb4: {  	[dreg:$0x4] =	wrdreg s18  }
0xb5: {  	[dreg:$0x5] =	wrdreg s4  }
0xb6: {  	[dreg:$0x6] =	wrdreg s5  }
0xb7: {  	[dreg:$0x7] =	wrdreg s6  }
0xb8: {  	[dreg:$0x8] =	wrdreg $0x9  }
0xb9: {  	_ =	task.clear_ibuf [dreg:s11], $0x9FFFF;
	_ =	strace $0x90000046  }
0xba: {  	s29 =	simm.s32 $0x9;
	_ =	strace $0x80000048  }
0xbb: {  	_ =	swait.ge [sflag:s29], $0x1  }
0xbc: {  	[sflag:s29] =	ssyncadd.s32 $0xFFFFFFFF  }
0xbd: {  	_ =	strace $0x90000048  }
0xbe: {  	_ =	sfence  }
0xbf: {  	s30 =	sld [smem:$0x0];
	_ =	sdelay $0x2  }
0xc0: {  	s31 =	sshll.u32 s1, $0xD;
	s1 =	sshrl.u32 s1, $0x2  }
0xc1: {  	s3 =	sand.u32 $0x4000, s31;
	s1 =	sadd.s32 s1, s30  }
0xc2: {  	s0 =	sor.u32 s3, s0;
	s1 =	sshll.u32 s1, $0x11  }
0xc3: {  	s0 =	sor.u32 s1, s0  }
0xc4: {  	s0 =	sadd.s32 $0x8F2B, s0  }
0xc5: {  	[sflag:s0] =	ssyncadd.remote.s32 $0x1  }
0xc6: {  	_ =	sfence.sel $0xFFFF  }
0xc7: {  	[dreg:$0x0] =	wrdreg $0xFFFFFFFF;
	(pc) =	sbr.abs _section_cstart, $3  }
0xc8: {  	[dreg:$0x1] =	wrdreg $0xFFFFFFFF  }
0xc9: {  	_ =	task.clear_ibuf [dreg:s11], $0x2FFFF;
	_ =	strace $0x9FFFFFFF  }
0xca: {  	(tm) =	ssettm $0x7FFFFFFF  }
0xcb: {  	_ =	shalt  }
tec
execute0_lowered:
.L_overlay_start_1:
0x0: {  	(tag) =	ssettag $0x1  }
0x1: {  	s0 =	rddreg [dreg:$0x0];
	s3 =	srdreg.scid  }
0x2: {  	s1 =	rddreg [dreg:$0x1];
	s4 =	stileid.u32;
	s3 =	sand.u32 $0x1, s3  }
0x3: {  	s2 =	rddreg [dreg:$0x2];
	s4 =	sshll.u32 s4, $0xB;
	s5 =	sshll.u32 s3, $0xA  }
0x4: {  	s6 =	rddreg [dreg:$0x5];
	s9 =	simm.s32 $0x0;
	s7 =	sor.u32 s5, s4  }
0x5: {  	[smem:$0x7FF] =	sst s9;
	s3 =	ssub.s32 $0x2, s3;
	s8 =	sand.u32 $0x1C00, s7  }
0x6: {  	s29 =	sshrl.u32 s3, $0x1;
	s0 =	sadd.s32 s7, s0;
	s28 =	sshrl.u32 s8, $0x3  }
0x7: {  	s3 =	ssub.s32 s3, s29;
	s0 =	sadd.s32 $0x400, s0;
	s4 =	smul.u32 $0x300, s28  }
0x8: {  	v2 =	vlaneseq.u32;
	_ =	strace $0x80000047;
	s31 =	smax.u32 s3, $0x1;
	[dreg:$0x7] =	wrdreg s0  }
0x9: {  	v0 =	vand.u32 $0x7, v2;
	v1 =	vshrl.u32 v2, $0x3;
	[dreg:$0xb] =	wrdreg s31;
	s30 =	sadd.s32 s2, s4  }
0xa: {  	v63 =	vor.u32 $0x8, v2;
	[tilespmem:$0x1FFD0] =	vst v0;
	v62 =	vmul.u32 $0x8, v1;
	s4 =	sadd.s32 $0x600, s30;
	[dreg:$0x8] =	wrdreg s30  }
0xb: {  	s11 =	sadd.s32 $0x100, s1;
	[tilespmem:$0x1FFF0] =	vst v63;
	s0 =	sadd.s32 $0xC00, s30;
	[dreg:$0x9] =	wrdreg s4  }
0xc: {  	vm0 =	vmmov $0xffff;
	s13 =	sadd.s32 $0x200, s1;
	[tilespmem:$0x1FFE0] =	vst v62;
	[dreg:$0xa] =	wrdreg s0;
	s4 =	simm.s32 $0x0  }
.LBB2_1:
0xd: {  	[dreg:$0xc] =	wrdreg s4  }
0xe: {  	s0 =	rddreg [dreg:$0x7];
	s3 =	simm.s32 $0xD  }
0xf: {  	[tilespmem:s9], [sflag:$0xD] =	stream.linear.gather [hbm4b:s0+s9], $0x2000, $0x38;
	[tilespmem:$0x1B600] =	vst v63  }
0x10: {  	_ =	swait.ge [sflag:s3], $0x2000  }
0x11: {  	[sflag:s3] =	ssyncset.done $0x0  }
0x12: {  	[sflag:s3] =	ssyncadd.s32 $0xFFFFE000  }
0x13: {  	s22 =	simm.s32 $0x1A000;
	s21 =	rddreg [dreg:$0x3]  }
0x14: {  	[tilespmem:s22], [sflag:$0xD] =	stream.linear.gather [hbm4b:s21+s9], $0x300, $0x38;
	[tilespmem:$0x1B600] =	vst v63  }
0x15: {  	_ =	swait.ge [sflag:s3], $0x300  }
0x16: {  	[sflag:s3] =	ssyncset.done $0x0  }
0x17: {  	[sflag:s3] =	ssyncadd.s32 $0xFFFFFD00  }
0x18: {  	s24 =	simm.s32 $0x1A300;
	s23 =	rddreg [dreg:$0x4]  }
0x19: {  	[tilespmem:s24], [sflag:$0xD] =	stream.linear.gather [hbm4b:s23+s9], $0x300, $0x38;
	[tilespmem:$0x1B600] =	vst v63  }
0x1a: {  	_ =	swait.ge [sflag:s3], $0x300  }
0x1b: {  	[sflag:s3] =	ssyncset.done $0x0  }
0x1c: {  	[sflag:s3] =	ssyncadd.s32 $0xFFFFFD00  }
0x1d: {  	v3 =	vld [tilespmem:$0x0];
	_ =	sdelay $0x3  }
0x1e: {  	v0 =	vld [tilespmem:$0x1FFD0]  }
0x1f: {  	v4 =	vshrl.u32 v3, $0x3  }
0x20: {  	v1 =	vld [tilespmem:$0x1FFE0];
	v4 =	vmul.u32 $0x30, v4  }
0x21: {  	v3 =	vand.u32 $0x7, v3  }
0x22: {  	v3 =	vor.u32 v3, v4  }
0x23: {  	v4 =	vperm.xlane v3, v0  }
0x24: {  	v2 =	vld [tilespmem:$0x1FFF0]  }
0x25: {  	v4 =	vadd.s32 v1, v4;
	_ =	sdelay $0x3  }
0x26: {  	s25 =	simm.s32 $0x2000;
	v3 =	vperm.xlane v3, v2  }
0x27: {  	[tilespmem:s25], [sflag:$0x1] =	stream.indirect_vreg.gather [hbm4b:s1+s9], $0x80, v4, vm0, $0xb8;
	[tilespmem:$0x1B600] =	vst v63  }
0x28: {  	s26 =	simm.s32 $0x2800;
	v3 =	vadd.s32 v1, v3  }
0x29: {  	[tilespmem:s26], [sflag:$0x1] =	stream.indirect_vreg.gather [hbm4b:s11+s9], $0x80, v4, vm0, $0xb8;
	[tilespmem:$0x1B600] =	vst v63  }
0x2a: {  	s28 =	simm.s32 $0x3000  }
0x2b: {  	[tilespmem:s28], [sflag:$0x1] =	stream.indirect_vreg.gather [hbm4b:s13+s9], $0x80, v4, vm0, $0xb8;
	[tilespmem:$0x1B600] =	vst v63  }
0x2c: {  	s29 =	simm.s32 $0x3800  }
0x2d: {  	[tilespmem:s29], [sflag:$0x1] =	stream.indirect_vreg.gather [hbm4b:s1+s9], $0x80, v3, vm0, $0xb8;
	[tilespmem:$0x1B600] =	vst v63  }
0x2e: {  	s3 =	simm.s32 $0x4000  }
0x2f: {  	[tilespmem:s3], [sflag:$0x1] =	stream.indirect_vreg.gather [hbm4b:s11+s9], $0x80, v3, vm0, $0xb8;
	[tilespmem:$0x1B600] =	vst v63  }
0x30: {  	s4 =	simm.s32 $0x4800  }
0x31: {  	[tilespmem:s4], [sflag:$0x1] =	stream.indirect_vreg.gather [hbm4b:s13+s9], $0x80, v3, vm0, $0xb8;
	[tilespmem:$0x1B600] =	vst v63  }
0x32: {  	s10 =	simm.s32 $0xE000;
	s5 =	rddreg [dreg:$0x8]  }
0x33: {  	[tilespmem:s10], [sflag:$0x5] =	stream.linear.gather [hbm4b:s5+s9], $0x3000, $0x38;
	[tilespmem:$0x1B600] =	vst v63  }
0x34: {  	v3 =	vld [tilespmem:$0x80];
	_ =	sdelay $0x4  }
0x35: {  	v62 =	vshrl.u32 v3, $0x3  }
0x36: {  	v4 =	vmul.u32 $0x30, v62  }
0x37: {  	v3 =	vand.u32 $0x7, v3  }
0x38: {  	v3 =	vor.u32 v3, v4  }
0x39: {  	v4 =	vperm.xlane v3, v0;
	_ =	sdelay $0x1  }
0x3a: {  	v4 =	vadd.s32 v1, v4;
	_ =	sdelay $0x3  }
0x3b: {  	s12 =	simm.s32 $0x5000;
	v3 =	vperm.xlane v3, v2  }
0x3c: {  	[tilespmem:s12], [sflag:$0x2] =	stream.indirect_vreg.gather [hbm4b:s1+s9], $0x80, v4, vm0, $0xb8;
	[tilespmem:$0x1B600] =	vst v63  }
0x3d: {  	s14 =	simm.s32 $0x5800;
	v3 =	vadd.s32 v1, v3  }
0x3e: {  	[tilespmem:s14], [sflag:$0x2] =	stream.indirect_vreg.gather [hbm4b:s11+s9], $0x80, v4, vm0, $0xb8;
	[tilespmem:$0x1B600] =	vst v63  }
0x3f: {  	s15 =	simm.s32 $0x6000  }
0x40: {  	[tilespmem:s15], [sflag:$0x2] =	stream.indirect_vreg.gather [hbm4b:s13+s9], $0x80, v4, vm0, $0xb8;
	[tilespmem:$0x1B600] =	vst v63  }
0x41: {  	s16 =	simm.s32 $0x6800  }
0x42: {  	[tilespmem:s16], [sflag:$0x2] =	stream.indirect_vreg.gather [hbm4b:s1+s9], $0x80, v3, vm0, $0xb8;
	[tilespmem:$0x1B600] =	vst v63  }
0x43: {  	s17 =	simm.s32 $0x7000  }
0x44: {  	[tilespmem:s17], [sflag:$0x2] =	stream.indirect_vreg.gather [hbm4b:s11+s9], $0x80, v3, vm0, $0xb8;
	[tilespmem:$0x1B600] =	vst v63  }
0x45: {  	s18 =	simm.s32 $0x7800  }
0x46: {  	[tilespmem:s18], [sflag:$0x2] =	stream.indirect_vreg.gather [hbm4b:s13+s9], $0x80, v3, vm0, $0xb8;
	[tilespmem:$0x1B600] =	vst v63  }
0x47: {  	s20 =	simm.s32 $0x11000;
	s19 =	rddreg [dreg:$0x9]  }
0x48: {  	[tilespmem:s20], [sflag:$0x6] =	stream.linear.gather [hbm4b:s19+s9], $0x3000, $0x38;
	[tilespmem:$0x1B600] =	vst v63  }
0x49: {  	v3 =	vld [tilespmem:$0x100];
	_ =	sdelay $0x4  }
0x4a: {  	v63 =	vshrl.u32 v3, $0x3  }
0x4b: {  	v4 =	vmul.u32 $0x30, v63  }
0x4c: {  	v3 =	vand.u32 $0x7, v3  }
0x4d: {  	v3 =	vor.u32 v3, v4  }
0x4e: {  	v4 =	vperm.xlane v3, v0;
	_ =	sdelay $0x1  }
0x4f: {  	v4 =	vadd.s32 v1, v4;
	_ =	sdelay $0x3  }
0x50: {  	s21 =	simm.s32 $0x8000;
	v3 =	vperm.xlane v3, v2  }
0x51: {  	[tilespmem:s21], [sflag:$0x3] =	stream.indirect_vreg.gather [hbm4b:s1+s9], $0x80, v4, vm0, $0xb8;
	[tilespmem:$0x1B600] =	vst v63  }
0x52: {  	s22 =	simm.s32 $0x8800;
	v3 =	vadd.s32 v1, v3  }
0x53: {  	[tilespmem:s22], [sflag:$0x3] =	stream.indirect_vreg.gather [hbm4b:s11+s9], $0x80, v4, vm0, $0xb8;
	[tilespmem:$0x1B600] =	vst v63  }
0x54: {  	s23 =	simm.s32 $0x9000  }
0x55: {  	[tilespmem:s23], [sflag:$0x3] =	stream.indirect_vreg.gather [hbm4b:s13+s9], $0x80, v4, vm0, $0xb8;
	[tilespmem:$0x1B600] =	vst v63  }
0x56: {  	s24 =	simm.s32 $0x9800  }
0x57: {  	[tilespmem:s24], [sflag:$0x3] =	stream.indirect_vreg.gather [hbm4b:s1+s9], $0x80, v3, vm0, $0xb8;
	[tilespmem:$0x1B600] =	vst v63  }
0x58: {  	s25 =	simm.s32 $0xA000  }
0x59: {  	[tilespmem:s25], [sflag:$0x3] =	stream.indirect_vreg.gather [hbm4b:s11+s9], $0x80, v3, vm0, $0xb8;
	[tilespmem:$0x1B600] =	vst v63  }
0x5a: {  	s30 =	simm.s32 $0x0;
	s26 =	simm.s32 $0xA800  }
0x5b: {  	[tilespmem:s26], [sflag:$0x3] =	stream.indirect_vreg.gather [hbm4b:s13+s9], $0x80, v3, vm0, $0xb8;
	[tilespmem:$0x1B600] =	vst v63  }
0x5c: {  	s31 =	simm.s32 $0x0;
	s28 =	rddreg [dreg:$0xa];
	s29 =	simm.s32 $0x14000  }
0x5d: {  	[tilespmem:s29], [sflag:$0x7] =	stream.linear.gather [hbm4b:s28+s9], $0x3000, $0x38;
	[tilespmem:$0x1B600] =	vst v63  }
.LBB2_2:
0x5e: {  	s4 =	sand.u32 $0x3, s31  }
0x5f: {  	s0 =	sshll.u32 s30, $0x4;
	s3 =	sadd.s32 $0x1, s4  }
0x60: {  	s0 =	sand.u32 $0x30, s0;
	_ =	swait.ge [sflag:s3], $0x3000  }
0x61: {  	s5 =	sadd.s32 $0x0, s0;
	[sflag:s3] =	ssyncset.done $0x0  }
0x62: {  	s21 =	sadd.s32 $0x5, s4;
	s5 =	sshrl.u32 s5, $0x3;
	[sflag:s3] =	ssyncadd.s32 $0xFFFFD000  }
0x63: {  	s10 =	simm.s32 $0x80;
	s5 =	smul.u32 $0x1800, s5;
	_ =	swait.ge [sflag:s21], $0x3000  }
0x64: {  	s14 =	sand.u32 $0x380, s10;
	[sflag:s21] =	ssyncset.done $0x0  }
0x65: {  	s10 =	sor.u32 s14, s5;
	[sflag:s21] =	ssyncadd.s32 $0xFFFFD000  }
0x66: {  	v3 =	vld [tilespmem:s10+$0x2440]  }
0x67: {  	v4 =	vld [tilespmem:s10+$0xE440]  }
0x68: {  	v5 =	vld [tilespmem:s10+$0x2450]  }
0x69: {  	v6 =	vld [tilespmem:s10+$0xE450]  }
0x6a: {  	v7 =	vld [tilespmem:s10+$0x2460]  }
0x6b: {  	v8 =	vld [tilespmem:s10+$0x2430]  }
0x6c: {  	v9 =	vld [tilespmem:s10+$0x2420]  }
0x6d: {  	v10 =	vld [tilespmem:s10+$0x2410]  }
0x6e: {  	v11 =	vld [tilespmem:s10+$0x2070]  }
0x6f: {  	v12 =	vld [tilespmem:s10+$0x2060]  }
0x70: {  	v13 =	vld [tilespmem:s10+$0x2050]  }
0x71: {  	v14 =	vld [tilespmem:s10+$0x2040]  }
0x72: {  	v15 =	vld [tilespmem:s10+$0x2030]  }
0x73: {  	v17 =	vld [tilespmem:s10+$0x2020]  }
0x74: {  	v16 =	vld [tilespmem:s10+$0x2010]  }
0x75: {  	v18 =	vld [tilespmem:s10+$0x2000]  }
0x76: {  	v19 =	vld [tilespmem:s10+$0xE000]  }
0x77: {  	v20 =	vld [tilespmem:s10+$0xE010]  }
0x78: {  	v21 =	vld [tilespmem:s10+$0xE020]  }
0x79: {  	v22 =	vld [tilespmem:s10+$0xE030]  }
0x7a: {  	v23 =	vld [tilespmem:s10+$0xE040]  }
0x7b: {  	v24 =	vld [tilespmem:s10+$0xE050];
	v25 =	vadd.f32 v19, v18  }
0x7c: {  	v18 =	vld [tilespmem:s10+$0xE060];
	v16 =	vadd.f32 v20, v16  }
0x7d: {  	v19 =	vld [tilespmem:s10+$0xE070];
	v49 =	vadd.f32 v21, v17;
	[tilespmem:s10+$0x2000] =	vst v25  }
0x7e: {  	v17 =	vld [tilespmem:s10+$0xE410];
	v26 =	vadd.f32 v22, v15;
	[tilespmem:s10+$0x2010] =	vst v16  }
0x7f: {  	v15 =	vld [tilespmem:s10+$0xE420];
	v34 =	vadd.f32 v23, v14;
	[tilespmem:s10+$0x2020] =	vst v49  }
0x80: {  	v14 =	vld [tilespmem:s10+$0xE430];
	v32 =	vadd.f32 v24, v13;
	[tilespmem:s10+$0x2030] =	vst v26  }
0x81: {  	v13 =	vld [tilespmem:s10+$0xE460];
	v36 =	vadd.f32 v4, v3;
	[tilespmem:s10+$0x2040] =	vst v34  }
0x82: {  	v28 =	vadd.f32 v6, v5;
	[tilespmem:s10+$0x2050] =	vst v32;
	v40 =	vadd.f32 v18, v12;
	v12 =	vld [tilespmem:s10+$0x2470]  }
0x83: {  	[tilespmem:s10+$0x2440] =	vst v36;
	v39 =	vadd.f32 v19, v11;
	v11 =	vld [tilespmem:s10+$0xE470]  }
0x84: {  	s22 =	simm.s32 $0x0;
	[tilespmem:s10+$0x2450] =	vst v28;
	v38 =	vadd.f32 v17, v10;
	v10 =	vld [tilespmem:s10+$0x2400]  }
0x85: {  	s3 =	sand.u32 $0x300, s22;
	v35 =	vadd.f32 v15, v9;
	v15 =	vld [tilespmem:s10+$0xE400];
	[tilespmem:s10+$0x2060] =	vst v40  }
0x86: {  	s12 =	sor.u32 s3, s5;
	[tilespmem:s10+$0x2070] =	vst v39  }
0x87: {  	v33 =	vadd.f32 v14, v8;
	v14 =	vld [tilespmem:s12+$0x2000];
	[tilespmem:s10+$0x2410] =	vst v38  }
0x88: {  	v17 =	vld [tilespmem:s12+$0xE000];
	v9 =	vadd.f32 v13, v7;
	[tilespmem:s10+$0x2420] =	vst v35  }
0x89: {  	v18 =	vld [tilespmem:s12+$0x2010];
	[tilespmem:s10+$0x2430] =	vst v33;
	v7 =	vadd.f32 v11, v12  }
0x8a: {  	v13 =	vld [tilespmem:s12+$0xE010];
	[tilespmem:s10+$0x2460] =	vst v9;
	v57 =	vadd.f32 v15, v10  }
0x8b: {  	s16 =	sadd.s32 $0x800, s5;
	v12 =	vld [tilespmem:s12+$0x2020];
	[tilespmem:s10+$0x2470] =	vst v7  }
0x8c: {  	s18 =	sor.u32 s14, s16;
	v15 =	vld [tilespmem:s12+$0xE020];
	[tilespmem:s10+$0x2400] =	vst v57  }
0x8d: {  	v3 =	vld [tilespmem:s18+$0x2040]  }
0x8e: {  	v4 =	vld [tilespmem:s18+$0xE040]  }
0x8f: {  	v5 =	vld [tilespmem:s18+$0x2050]  }
0x90: {  	v6 =	vld [tilespmem:s18+$0xE050]  }
0x91: {  	v11 =	vld [tilespmem:s18+$0x2060]  }
0x92: {  	v8 =	vld [tilespmem:s18+$0x2030]  }
0x93: {  	v10 =	vld [tilespmem:s18+$0x2020]  }
0x94: {  	v19 =	vld [tilespmem:s18+$0x2010]  }
0x95: {  	v20 =	vld [tilespmem:s18+$0xE010]  }
0x96: {  	v21 =	vld [tilespmem:s18+$0xE020]  }
0x97: {  	v22 =	vld [tilespmem:s18+$0xE030]  }
0x98: {  	v23 =	vld [tilespmem:s18+$0xE060]  }
0x99: {  	v24 =	vld [tilespmem:s18+$0x2070]  }
0x9a: {  	v30 =	vadd.f32 v20, v19;
	v19 =	vld [tilespmem:s18+$0xE070]  }
0x9b: {  	v20 =	vld [tilespmem:s18+$0x2000];
	v29 =	vadd.f32 v21, v10  }
0x9c: {  	v21 =	vld [tilespmem:s18+$0xE000];
	v10 =	vadd.f32 v22, v8;
	[tilespmem:s18+$0x2010] =	vst v30  }
0x9d: {  	v8 =	vadd.f32 v4, v3;
	[tilespmem:s18+$0x2020] =	vst v29  }
0x9e: {  	v6 =	vadd.f32 v6, v5;
	[tilespmem:s18+$0x2030] =	vst v10  }
0x9f: {  	[tilespmem:s18+$0x2040] =	vst v8;
	v0 =	vadd.f32 v19, v24  }
0xa0: {  	v4 =	vadd.f32 v23, v11;
	[tilespmem:s18+$0x2050] =	vst v6;
	v31 =	vld [tilespmem:s12+$0x2030]  }
0xa1: {  	v23 =	vld [tilespmem:s12+$0xE030];
	[tilespmem:$0x1FF40] =	vst v0  }
0xa2: {  	v56 =	vadd.f32 v21, v20;
	[tilespmem:s18+$0x2060] =	vst v4  }
0xa3: {  	s15 =	sadd.s32 $0xC00, s5;
	[tilespmem:s18+$0x2070] =	vst v0  }
0xa4: {  	s19 =	sor.u32 s14, s15;
	[tilespmem:s18+$0x2000] =	vst v56  }
0xa5: {  	v5 =	vld [tilespmem:s19+$0x2040]  }
0xa6: {  	v11 =	vld [tilespmem:s19+$0xE040]  }
0xa7: {  	v19 =	vld [tilespmem:s19+$0x2050]  }
0xa8: {  	v24 =	vld [tilespmem:s19+$0xE050]  }
0xa9: {  	v41 =	vld [tilespmem:s19+$0x2060]  }
0xaa: {  	v20 =	vld [tilespmem:s19+$0x2030]  }
0xab: {  	v21 =	vld [tilespmem:s19+$0x2020]  }
0xac: {  	v22 =	vld [tilespmem:s19+$0x2010]  }
0xad: {  	v27 =	vld [tilespmem:s19+$0xE010]  }
0xae: {  	v44 =	vld [tilespmem:s19+$0xE020]  }
0xaf: {  	v45 =	vld [tilespmem:s19+$0xE030]  }
0xb0: {  	v46 =	vld [tilespmem:s19+$0xE060]  }
0xb1: {  	v47 =	vld [tilespmem:s19+$0x2070]  }
0xb2: {  	v48 =	vld [tilespmem:s19+$0x2000];
	v27 =	vadd.f32 v27, v22  }
0xb3: {  	v63 =	vld [tilespmem:s19+$0xE070];
	v22 =	vadd.f32 v44, v21  }
0xb4: {  	v50 =	vld [tilespmem:s19+$0xE000];
	v21 =	vadd.f32 v45, v20;
	[tilespmem:s19+$0x2010] =	vst v27  }
0xb5: {  	v20 =	vadd.f32 v11, v5;
	[tilespmem:s19+$0x2020] =	vst v22  }
0xb6: {  	v5 =	vadd.f32 v24, v19;
	[tilespmem:s19+$0x2030] =	vst v21  }
0xb7: {  	v37 =	vld [tilespmem:s12+$0x2040];
	v19 =	vadd.f32 v46, v41;
	[tilespmem:s19+$0x2040] =	vst v20  }
0xb8: {  	v42 =	vld [tilespmem:s12+$0xE040];
	v11 =	vadd.f32 v63, v47;
	[tilespmem:s19+$0x2050] =	vst v5  }
0xb9: {  	v43 =	vld [tilespmem:s12+$0x2050];
	v55 =	vadd.f32 v50, v48;
	[tilespmem:s19+$0x2060] =	vst v19  }
0xba: {  	s23 =	sadd.s32 $0x1000, s5;
	v52 =	vld [tilespmem:s12+$0x2060];
	[tilespmem:s19+$0x2070] =	vst v11  }
0xbb: {  	s20 =	sor.u32 s14, s23;
	v54 =	vld [tilespmem:s12+$0xE060];
	[tilespmem:s19+$0x2000] =	vst v55  }
0xbc: {  	v47 =	vld [tilespmem:s20+$0x2040]  }
0xbd: {  	v48 =	vld [tilespmem:s20+$0x2050]  }
0xbe: {  	v60 =	vld [tilespmem:s20+$0xE050]  }
0xbf: {  	v61 =	vld [tilespmem:s20+$0x2060]  }
0xc0: {  	v62 =	vld [tilespmem:s20+$0x2030]  }
0xc1: {  	v63 =	vld [tilespmem:s20+$0x2020]  }
0xc2: {  	v41 =	vld [tilespmem:s20+$0x2000]  }
0xc3: {  	v0 =	vld [tilespmem:s20+$0xE000]  }
0xc4: {  	v2 =	vld [tilespmem:s20+$0x2010]  }
0xc5: {  	v53 =	vadd.f32 v17, v14;
	v14 =	vld [tilespmem:s20+$0xE010]  }
0xc6: {  	v51 =	vadd.f32 v13, v18;
	v13 =	vld [tilespmem:s20+$0xE020]  }
0xc7: {  	v50 =	vadd.f32 v15, v12;
	v12 =	vld [tilespmem:s20+$0xE030]  }
0xc8: {  	v15 =	vld [tilespmem:s20+$0xE060]  }
0xc9: {  	v24 =	vadd.f32 v23, v31;
	v23 =	vadd.f32 v0, v41;
	v0 =	vld [tilespmem:s20+$0x2070]  }
0xca: {  	v41 =	vadd.f32 v14, v2;
	v2 =	vld [tilespmem:s20+$0xE070]  }
0xcb: {  	v18 =	vadd.f32 v13, v63;
	v13 =	vld [tilespmem:s20+$0xE040];
	[tilespmem:s20+$0x2000] =	vst v23  }
0xcc: {  	v58 =	vld [tilespmem:s12+$0x2400];
	v17 =	vadd.f32 v12, v62;
	[tilespmem:s20+$0x2010] =	vst v41  }
0xcd: {  	v59 =	vld [tilespmem:s12+$0xE400];
	v12 =	vadd.f32 v60, v48;
	[tilespmem:s20+$0x2020] =	vst v18  }
0xce: {  	v45 =	vld [tilespmem:s12+$0xE050];
	v15 =	vadd.f32 v15, v61;
	[tilespmem:s20+$0x2030] =	vst v17  }
0xcf: {  	v46 =	vld [tilespmem:s12+$0x2070];
	[tilespmem:s20+$0x2050] =	vst v12;
	v14 =	vadd.f32 v2, v0  }
0xd0: {  	v44 =	vld [tilespmem:s12+$0xE070];
	[tilespmem:s20+$0x2060] =	vst v15;
	v13 =	vadd.f32 v13, v47  }
0xd1: {  	s5 =	sadd.s32 $0x1400, s5;
	v31 =	vadd.f32 v42, v37;
	v37 =	vld [tilespmem:s12+$0x2440];
	[tilespmem:s20+$0x2070] =	vst v14  }
0xd2: {  	s18 =	sor.u32 s14, s5;
	v63 =	vld [tilespmem:s12+$0x2410];
	[tilespmem:s20+$0x2040] =	vst v13  }
0xd3: {  	[tilespmem:s12+$0x2000] =	vst v53;
	v3 =	vld [tilespmem:s18+$0x2000]  }
0xd4: {  	[tilespmem:s12+$0x2010] =	vst v51;
	v62 =	vld [tilespmem:s12+$0xE410]  }
0xd5: {  	[tilespmem:s12+$0x2020] =	vst v50;
	v60 =	vld [tilespmem:s12+$0x2420]  }
0xd6: {  	[tilespmem:s12+$0x2030] =	vst v24;
	v61 =	vld [tilespmem:s12+$0xE420]  }
0xd7: {  	[tilespmem:s12+$0x2040] =	vst v31;
	v0 =	vld [tilespmem:s12+$0x2430]  }
0xd8: {  	v2 =	vld [tilespmem:s12+$0xE430];
	[tilespmem:$0x1FF50] =	vst v3  }
0xd9: {  	v3 =	vld [tilespmem:s18+$0xE000]  }
0xda: {  	v48 =	vadd.f32 v45, v43  }
0xdb: {  	v47 =	vadd.f32 v54, v52  }
0xdc: {  	v1 =	vmul.f32 v16, v16;
	v42 =	vmul.f32 v25, v25;
	v45 =	vadd.f32 v44, v46;
	[tilespmem:s12+$0x2050] =	vst v48  }
0xdd: {  	v44 =	vadd.f32 v59, v58;
	v58 =	vadd.f32 $0.0e+00, v25;
	[tilespmem:s12+$0x2060] =	vst v47  }
0xde: {  	v1 =	vadd.f32 v1, v42;
	v54 =	vmul.f32 v49, v49;
	v52 =	vld [tilespmem:s12+$0xE440];
	[tilespmem:$0x1FF60] =	vst v3  }
0xdf: {  	v58 =	vadd.f32 v16, v58;
	v59 =	vld [tilespmem:s12+$0x2450]  }
0xe0: {  	v43 =	vmul.f32 v26, v26;
	v42 =	vadd.f32 v62, v63;
	v1 =	vadd.f32 v54, v1;
	[tilespmem:s12+$0x2070] =	vst v45;
	v46 =	vld [tilespmem:s12+$0xE450]  }
0xe1: {  	v25 =	vadd.f32 v61, v60;
	v16 =	vadd.f32 v2, v0;
	[tilespmem:s12+$0x2400] =	vst v44;
	v0 =	vld [tilespmem:s12+$0x2460]  }
0xe2: {  	v1 =	vadd.f32 v43, v1;
	v2 =	vmul.f32 v34, v34;
	[tilespmem:s12+$0x2410] =	vst v42;
	v3 =	vld [tilespmem:s18+$0x2010]  }
0xe3: {  	v49 =	vadd.f32 v49, v58;
	v37 =	vadd.f32 v52, v37;
	[tilespmem:s12+$0x2420] =	vst v25;
	v54 =	vld [tilespmem:s12+$0xE460]  }
0xe4: {  	v1 =	vadd.f32 v2, v1;
	v2 =	vmul.f32 v32, v32;
	[tilespmem:s12+$0x2430] =	vst v16;
	v58 =	vld [tilespmem:s12+$0x2470]  }
0xe5: {  	s24 =	sor.u32 s3, s16;
	v49 =	vadd.f32 v26, v49;
	v61 =	vld [tilespmem:s12+$0xE470];
	[tilespmem:s12+$0x2440] =	vst v37  }
0xe6: {  	v1 =	vadd.f32 v2, v1;
	v2 =	vmul.f32 v40, v40;
	v43 =	vld [tilespmem:s24+$0x2000]  }
0xe7: {  	v63 =	vadd.f32 v34, v49;
	v60 =	vld [tilespmem:s24+$0x2010];
	[tilespmem:$0x1FF70] =	vst v3  }
0xe8: {  	v34 =	vadd.f32 v54, v0;
	v0 =	vadd.f32 v2, v1;
	v2 =	vld [tilespmem:s18+$0xE010];
	_ =	sdelay $0x1  }
0xe9: {  	v46 =	vadd.f32 v46, v59;
	v1 =	vmul.f32 v39, v39;
	_ =	sdelay $0x1  }
0xea: {  	v49 =	vadd.f32 v32, v63;
	[tilespmem:s12+$0x2450] =	vst v46;
	v0 =	vadd.f32 v1, v0;
	v1 =	vmul.f32 v57, v57  }
0xeb: {  	v32 =	vadd.f32 v61, v58;
	v3 =	vld [tilespmem:s24+$0x2020];
	[tilespmem:$0x1FF80] =	vst v2  }
0xec: {  	v40 =	vadd.f32 v40, v49;
	v0 =	vadd.f32 v1, v0;
	v1 =	vmul.f32 v38, v38;
	[tilespmem:s12+$0x2460] =	vst v34  }
0xed: {  	v58 =	vld [tilespmem:s24+$0x2030];
	[tilespmem:s12+$0x2470] =	vst v32  }
0xee: {  	v39 =	vadd.f32 v39, v40;
	v0 =	vadd.f32 v1, v0;
	v1 =	vmul.f32 v35, v35;
	v52 =	vld [tilespmem:s24+$0xE000]  }
0xef: {  	v62 =	vld [tilespmem:s24+$0xE010]  }
0xf0: {  	v39 =	vadd.f32 v57, v39;
	v0 =	vadd.f32 v1, v0;
	v1 =	vmul.f32 v33, v33;
	v63 =	vld [tilespmem:s24+$0xE020]  }
0xf1: {  	v57 =	vld [tilespmem:s24+$0xE030]  }
0xf2: {  	v49 =	vmul.f32 v36, v36;
	v38 =	vadd.f32 v38, v39;
	v40 =	vld [tilespmem:s24+$0x2040];
	v0 =	vadd.f32 v1, v0  }
0xf3: {  	v2 =	vld [tilespmem:s24+$0xE040]  }
0xf4: {  	v35 =	vadd.f32 v35, v38;
	v59 =	vld [tilespmem:s24+$0xE060];
	v0 =	vadd.f32 v49, v0  }
0xf5: {  	v26 =	vadd.f32 v52, v43;
	v39 =	vadd.f32 v62, v60;
	v60 =	vld [tilespmem:s24+$0x2050];
	v43 =	vmul.f32 v28, v28  }
0xf6: {  	v49 =	vadd.f32 v33, v35;
	v38 =	vadd.f32 v63, v3;
	v3 =	vld [tilespmem:s24+$0xE050]  }
0xf7: {  	v35 =	vadd.f32 v57, v58;
	v57 =	vld [tilespmem:s24+$0x2060];
	v63 =	vmul.f32 v9, v9;
	[tilespmem:s24+$0x2000] =	vst v26;
	v0 =	vadd.f32 v43, v0  }
0xf8: {  	v33 =	vadd.f32 v2, v40;
	v2 =	vadd.f32 v36, v49;
	v40 =	vld [tilespmem:s24+$0x2070];
	[tilespmem:s24+$0x2010] =	vst v39  }
0xf9: {  	v49 =	vmul.f32 v7, v7;
	[tilespmem:s24+$0x2020] =	vst v38;
	v43 =	vld [tilespmem:s24+$0xE070];
	v0 =	vadd.f32 v63, v0  }
0xfa: {  	v54 =	vld [tilespmem:s18+$0x2020];
	[tilespmem:s24+$0x2030] =	vst v35;
	v2 =	vadd.f32 v28, v2  }
0xfb: {  	s25 =	sor.u32 s3, s15;
	v52 =	vld [tilespmem:s18+$0xE020];
	v58 =	vmul.f32 v56, v56;
	[tilespmem:s24+$0x2040] =	vst v33;
	v0 =	vadd.f32 v49, v0  }
0xfc: {  	v62 =	vld [tilespmem:s25+$0x2010];
	v2 =	vadd.f32 v9, v2;
	v36 =	vadd.f32 v3, v60  }
0xfd: {  	v9 =	vmul.f32 v30, v30;
	v3 =	vld [tilespmem:s25+$0x2000];
	v28 =	vadd.f32 v59, v57;
	v0 =	vadd.f32 v58, v0  }
0xfe: {  	v59 =	vld [tilespmem:s18+$0xE030];
	[tilespmem:s24+$0x2050] =	vst v36;
	v58 =	vadd.f32 v43, v40  }
0xff: {  	v2 =	vadd.f32 v7, v2;
	v57 =	vld [tilespmem:s25+$0x2020];
	[tilespmem:s24+$0x2060] =	vst v28;
	v0 =	vadd.f32 v9, v0;
	v9 =	vmul.f32 v29, v29  }
0x100: {  	v40 =	vld [tilespmem:s25+$0x2030];
	[tilespmem:s24+$0x2070] =	vst v58  }
0x101: {  	v2 =	vadd.f32 v56, v2;
	v60 =	vld [tilespmem:s25+$0xE000];
	v0 =	vadd.f32 v9, v0;
	v9 =	vmul.f32 v10, v10  }
0x102: {  	v61 =	vld [tilespmem:s25+$0xE010]  }
0x103: {  	v2 =	vadd.f32 v30, v2;
	v43 =	vld [tilespmem:s25+$0xE020];
	v0 =	vadd.f32 v9, v0;
	v9 =	vmul.f32 v8, v8  }
0x104: {  	v30 =	vld [tilespmem:s25+$0x2040]  }
0x105: {  	v1 =	vld [tilespmem:s25+$0xE040];
	v2 =	vadd.f32 v29, v2;
	v0 =	vadd.f32 v9, v0;
	v9 =	vmul.f32 v6, v6  }
0x106: {  	v29 =	vld [tilespmem:s25+$0xE030]  }
0x107: {  	v10 =	vadd.f32 v10, v2;
	v9 =	vadd.f32 v9, v0;
	v0 =	vld [tilespmem:$0x1FF40]  }
0x108: {  	v49 =	vld [tilespmem:s18+$0x2030]  }
0x109: {  	v8 =	vadd.f32 v8, v10;
	v10 =	vadd.f32 v61, v62;
	v61 =	vld [tilespmem:s25+$0x2050]  }
0x10a: {  	v7 =	vadd.f32 v60, v3;
	v3 =	vmul.f32 v4, v4;
	v43 =	vadd.f32 v43, v57;
	v57 =	vld [tilespmem:s25+$0xE050]  }
0x10b: {  	v62 =	vadd.f32 v6, v8;
	v8 =	vadd.f32 v29, v40;
	v29 =	vld [tilespmem:s25+$0x2060]  }
0x10c: {  	[tilespmem:s25+$0x2000] =	vst v7;
	v6 =	vadd.f32 v1, v30;
	v30 =	vld [tilespmem:s25+$0x2070];
	v3 =	vadd.f32 v3, v9;
	v9 =	vmul.f32 v0, v0  }
0x10d: {  	[tilespmem:s25+$0x2010] =	vst v10;
	v4 =	vadd.f32 v4, v62;
	v62 =	vld [tilespmem:s25+$0xE070]  }
0x10e: {  	[tilespmem:s25+$0x2020] =	vst v43;
	v1 =	vld [tilespmem:s25+$0xE060];
	v3 =	vadd.f32 v9, v3;
	v9 =	vmul.f32 v55, v55  }
0x10f: {  	v56 =	vld [tilespmem:s18+$0x2040];
	[tilespmem:s25+$0x2030] =	vst v8;
	v4 =	vadd.f32 v0, v4  }
0x110: {  	s10 =	sor.u32 s3, s23;
	v60 =	vld [tilespmem:s18+$0xE040];
	v40 =	vmul.f32 v27, v27;
	[tilespmem:s25+$0x2040] =	vst v6;
	v3 =	vadd.f32 v9, v3  }
0x111: {  	v63 =	vld [tilespmem:s10+$0x2010];
	v9 =	vadd.f32 v57, v61;
	v61 =	vadd.f32 v55, v4  }
0x112: {  	v0 =	vadd.f32 v62, v30;
	v57 =	vld [tilespmem:s10+$0x2000];
	v3 =	vadd.f32 v40, v3;
	v40 =	vmul.f32 v22, v22  }
0x113: {  	v4 =	vadd.f32 v1, v29;
	v55 =	vld [tilespmem:s18+$0x2050];
	[tilespmem:s25+$0x2050] =	vst v9;
	v27 =	vadd.f32 v27, v61  }
0x114: {  	v29 =	vmul.f32 v21, v21;
	v1 =	vadd.f32 v40, v3;
	v40 =	vld [tilespmem:s10+$0x2020];
	[tilespmem:$0x1FF90] =	vst v0  }
0x115: {  	v22 =	vadd.f32 v22, v27;
	[tilespmem:s25+$0x2060] =	vst v4  }
0x116: {  	v27 =	vadd.f32 $0.0e+00, v53;
	v1 =	vadd.f32 v29, v1;
	v29 =	vmul.f32 v20, v20;
	v30 =	vld [tilespmem:s10+$0x2030];
	[tilespmem:s25+$0x2070] =	vst v0  }
0x117: {  	v21 =	vadd.f32 v21, v22;
	v22 =	vmul.f32 v53, v53;
	v53 =	vmul.f32 v51, v51;
	v0 =	vld [tilespmem:s10+$0xE000]  }
0x118: {  	v27 =	vadd.f32 v51, v27;
	v2 =	vld [tilespmem:s10+$0xE010];
	v1 =	vadd.f32 v29, v1;
	v29 =	vmul.f32 v5, v5  }
0x119: {  	v51 =	vld [tilespmem:s10+$0xE020];
	v22 =	vadd.f32 v53, v22;
	v20 =	vadd.f32 v20, v21;
	v21 =	vmul.f32 v50, v50  }
0x11a: {  	v27 =	vadd.f32 v50, v27;
	v50 =	vld [tilespmem:s10+$0x2040];
	v1 =	vadd.f32 v29, v1;
	v29 =	vmul.f32 v19, v19  }
0x11b: {  	v21 =	vadd.f32 v21, v22;
	v20 =	vadd.f32 v5, v20;
	v22 =	vld [tilespmem:s10+$0xE040]  }
0x11c: {  	v53 =	vld [tilespmem:s10+$0xE030];
	v1 =	vadd.f32 v29, v1;
	v29 =	vmul.f32 v11, v11  }
0x11d: {  	v61 =	vld [tilespmem:s18+$0xE050];
	v5 =	vadd.f32 v0, v57;
	v19 =	vadd.f32 v19, v20  }
0x11e: {  	v62 =	vld [tilespmem:s18+$0x2060];
	v0 =	vmul.f32 v23, v23;
	v57 =	vadd.f32 v2, v63;
	v1 =	vadd.f32 v29, v1  }
0x11f: {  	v3 =	vld [tilespmem:s18+$0x2070];
	v20 =	vadd.f32 v51, v40;
	v11 =	vadd.f32 v11, v19  }
0x120: {  	v51 =	vld [tilespmem:s18+$0xE070];
	[tilespmem:s10+$0x2000] =	vst v5;
	v0 =	vadd.f32 v0, v1;
	v1 =	vadd.f32 v22, v50  }
0x121: {  	v40 =	vmul.f32 v41, v41;
	v63 =	vadd.f32 v53, v30;
	v53 =	vld [tilespmem:s10+$0x2050];
	[tilespmem:s10+$0x2010] =	vst v57  }
0x122: {  	v30 =	vadd.f32 v24, v27;
	v24 =	vmul.f32 v24, v24;
	v29 =	vld [tilespmem:s18+$0xE060];
	v11 =	vadd.f32 v23, v11;
	[tilespmem:$0x1FFC0] =	vst v1  }
0x123: {  	v22 =	vmul.f32 v18, v18;
	v0 =	vadd.f32 v40, v0;
	[tilespmem:s10+$0x2020] =	vst v20  }
0x124: {  	v19 =	vmul.f32 v31, v31;
	v21 =	vadd.f32 v24, v21;
	v11 =	vadd.f32 v41, v11;
	[tilespmem:s10+$0x2030] =	vst v63  }
0x125: {  	s3 =	sor.u32 s3, s5;
	v30 =	vadd.f32 v31, v30;
	v40 =	vld [tilespmem:s10+$0xE050];
	[tilespmem:s10+$0x2040] =	vst v1;
	v0 =	vadd.f32 v22, v0;
	v22 =	vmul.f32 v17, v17  }
0x126: {  	v19 =	vadd.f32 v19, v21;
	v1 =	vld [tilespmem:s3+$0x2010];
	v11 =	vadd.f32 v18, v11  }
0x127: {  	s26 =	sadd.s32 $0x2, s0;
	v21 =	vmul.f32 v48, v48;
	v27 =	vld [tilespmem:s10+$0x2060];
	v0 =	vadd.f32 v22, v0;
	v22 =	vmul.f32 v13, v13  }
0x128: {  	s12 =	sshrl.u32 s26, $0x3;
	v50 =	vmul.f32 v12, v12;
	v30 =	vadd.f32 v48, v30;
	v24 =	vld [tilespmem:s10+$0xE060];
	v17 =	vadd.f32 v17, v11  }
0x129: {  	s5 =	simm.s32 $0x180;
	s12 =	smul.u32 $0x1800, s12;
	v19 =	vadd.f32 v21, v19;
	v23 =	vld [tilespmem:s3+$0x2000];
	v0 =	vadd.f32 v22, v0;
	v22 =	vmul.f32 v47, v47  }
0x12a: {  	s28 =	sand.u32 $0x380, s5;
	v30 =	vadd.f32 v47, v30;
	v11 =	vld [tilespmem:$0x1FF50];
	v17 =	vadd.f32 v13, v17  }
0x12b: {  	s29 =	sor.u32 s28, s12;
	v13 =	vld [tilespmem:$0x1FF80];
	[tilespmem:$0x1FFA0] =	vst v1;
	v19 =	vadd.f32 v22, v19;
	v0 =	vadd.f32 v50, v0;
	v22 =	vmul.f32 v15, v15  }
0x12c: {  	v21 =	vld [tilespmem:s29+$0x2440]  }
0x12d: {  	v30 =	vadd.f32 v45, v30;
	v0 =	vadd.f32 v22, v0;
	v22 =	vld [tilespmem:$0x1FF60]  }
0x12e: {  	v45 =	vmul.f32 v45, v45;
	v2 =	vld [tilespmem:s29+$0xE440]  }
0x12f: {  	v30 =	vadd.f32 v44, v30;
	v18 =	vld [tilespmem:s29+$0x2450]  }
0x130: {  	v44 =	vmul.f32 v44, v44;
	v41 =	vld [tilespmem:s29+$0xE450];
	v19 =	vadd.f32 v45, v19  }
0x131: {  	v30 =	vadd.f32 v42, v30;
	v1 =	vld [tilespmem:s29+$0x2460];
	v17 =	vadd.f32 v12, v17  }
0x132: {  	v50 =	vmul.f32 v42, v42;
	v19 =	vadd.f32 v44, v19;
	v31 =	vadd.f32 v22, v11;
	v11 =	vld [tilespmem:$0x1FF70]  }
0x133: {  	v47 =	vld [tilespmem:s29+$0x2430];
	v30 =	vadd.f32 v25, v30  }
0x134: {  	v48 =	vld [tilespmem:s29+$0x2410];
	v25 =	vmul.f32 v25, v25;
	v15 =	vadd.f32 v15, v17;
	v17 =	vadd.f32 v50, v19  }
0x135: {  	v61 =	vadd.f32 v61, v55;
	v12 =	vadd.f32 v52, v54;
	v54 =	vld [tilespmem:s29+$0x2050];
	v22 =	vmul.f32 v14, v14  }
0x136: {  	v42 =	vld [tilespmem:s29+$0x2040];
	v30 =	vadd.f32 v16, v30;
	v16 =	vmul.f32 v16, v16;
	v17 =	vadd.f32 v25, v17  }
0x137: {  	v55 =	vld [tilespmem:s29+$0xE020];
	v0 =	vadd.f32 v22, v0;
	v22 =	vmul.f32 v31, v31;
	v13 =	vadd.f32 v13, v11  }
0x138: {  	v50 =	vld [tilespmem:s29+$0x2030]  }
0x139: {  	v16 =	vadd.f32 v16, v17;
	v17 =	vld [tilespmem:s29+$0xE030];
	v0 =	vadd.f32 v22, v0;
	v52 =	vmul.f32 v13, v13  }
0x13a: {  	v45 =	vld [tilespmem:s29+$0x2420];
	v15 =	vadd.f32 v14, v15  }
0x13b: {  	v44 =	vld [tilespmem:s29+$0x2070];
	v19 =	vmul.f32 v12, v12;
	v14 =	vadd.f32 v59, v49;
	v0 =	vadd.f32 v52, v0  }
0x13c: {  	v59 =	vld [tilespmem:s29+$0x2000];
	v52 =	vadd.f32 v31, v15  }
0x13d: {  	v15 =	vadd.f32 v60, v56;
	v56 =	vmul.f32 v14, v14;
	v60 =	vld [tilespmem:s29+$0xE000];
	v0 =	vadd.f32 v19, v0  }
0x13e: {  	v49 =	vld [tilespmem:s29+$0x2020];
	v17 =	vadd.f32 v17, v50  }
0x13f: {  	v50 =	vld [tilespmem:s29+$0xE410];
	v25 =	vadd.f32 v13, v52;
	v52 =	vmul.f32 v15, v15;
	v0 =	vadd.f32 v56, v0  }
0x140: {  	v19 =	vld [tilespmem:s29+$0x2010]  }
0x141: {  	v56 =	vld [tilespmem:s29+$0xE010];
	v0 =	vadd.f32 v52, v0;
	v52 =	vadd.f32 v12, v25  }
0x142: {  	v25 =	vadd.f32 v40, v53;
	v53 =	vadd.f32 v60, v59;
	v59 =	vld [tilespmem:s29+$0xE050]  }
0x143: {  	v62 =	vadd.f32 v29, v62;
	v29 =	vmul.f32 v61, v61;
	v40 =	vld [tilespmem:s29+$0xE040];
	v52 =	vadd.f32 v14, v52  }
0x144: {  	v22 =	vld [tilespmem:s29+$0x2060];
	v50 =	vadd.f32 v50, v48;
	v60 =	vadd.f32 v55, v49  }
0x145: {  	[tilespmem:s29+$0x2030] =	vst v17;
	v49 =	vld [tilespmem:s29+$0xE070];
	v0 =	vadd.f32 v29, v0;
	v52 =	vadd.f32 v15, v52  }
0x146: {  	[tilespmem:s29+$0x2410] =	vst v50;
	v29 =	vadd.f32 v56, v19;
	v56 =	vld [tilespmem:s29+$0xE060];
	v19 =	vadd.f32 v51, v3;
	v3 =	vmul.f32 v62, v62  }
0x147: {  	[tilespmem:s10+$0x2050] =	vst v25;
	v51 =	vadd.f32 v61, v52;
	v52 =	vadd.f32 v59, v54;
	v54 =	vld [tilespmem:s29+$0xE430]  }
0x148: {  	[tilespmem:s29+$0x2000] =	vst v53;
	v40 =	vadd.f32 v40, v42;
	v42 =	vld [tilespmem:s29+$0xE420];
	v0 =	vadd.f32 v3, v0;
	v3 =	vmul.f32 v19, v19  }
0x149: {  	v30 =	vadd.f32 v37, v30;
	[tilespmem:s29+$0x2020] =	vst v60;
	v59 =	vmul.f32 v37, v37;
	v37 =	vld [tilespmem:s29+$0xE400];
	v51 =	vadd.f32 v62, v51  }
0x14a: {  	[tilespmem:s29+$0x2010] =	vst v29;
	v55 =	vadd.f32 v49, v44;
	v0 =	vadd.f32 v3, v0;
	v3 =	vld [tilespmem:s29+$0x2470]  }
0x14b: {  	[tilespmem:s29+$0x2040] =	vst v40;
	v22 =	vadd.f32 v56, v22;
	v56 =	vld [tilespmem:s29+$0xE460];
	v44 =	vadd.f32 v19, v51  }
0x14c: {  	[tilespmem:s29+$0x2070] =	vst v55;
	v48 =	vadd.f32 v54, v47;
	v47 =	vadd.f32 v2, v21;
	v2 =	vld [tilespmem:s3+$0x2020]  }
0x14d: {  	v30 =	vadd.f32 v46, v30;
	[tilespmem:s29+$0x2050] =	vst v52;
	(xrf2) =	vadd.scan.msk.f32 $0xffff, v0;
	v0 =	vld [tilespmem:s29+$0x2400];
	v49 =	vadd.f32 v42, v45  }
0x14e: {  	[tilespmem:s29+$0x2060] =	vst v22;
	v51 =	vld [tilespmem:s29+$0xE470];
	v42 =	vmul.f32 v46, v46;
	v54 =	vadd.f32 v59, v16;
	(xrf2) =	vadd.scan.msk.f32 $0xffff, v44  }
0x14f: {  	v30 =	vadd.f32 v34, v30;
	v46 =	vadd.f32 v41, v18;
	[tilespmem:s29+$0x2420] =	vst v49  }
0x150: {  	v16 =	vld [tilespmem:s10+$0x2070];
	[tilespmem:s29+$0x2430] =	vst v48;
	v18 =	vadd.f32 v42, v54;
	v45 =	vadd.f32 v56, v1;
	v1 =	vmul.f32 v34, v34  }
0x151: {  	s16 =	simm.s32 $0x100;
	v21 =	vld [tilespmem:s10+$0xE070];
	[tilespmem:$0x1FFB0] =	vst v2  }
0x152: {  	s20 =	sand.u32 $0x300, s16;
	v59 =	vmul.f32 v32, v32;
	v1 =	vadd.f32 v1, v18;
	v18 =	vadd.f32 v32, v30;
	[tilespmem:s29+$0x2440] =	vst v47  }
0x153: {  	s15 =	sor.u32 s20, s12;
	v44 =	vadd.f32 v51, v3;
	v3 =	vadd.f32 v37, v0;
	[tilespmem:s29+$0x2450] =	vst v46  }
0x154: {  	v34 =	vld [tilespmem:s15+$0x2000];
	[tilespmem:s29+$0x2460] =	vst v45;
	v1 =	vadd.f32 v59, v1;
	v18 =	vadd.f32 v26, v18;
	v26 =	vmul.f32 v26, v26  }
0x155: {  	s17 =	sadd.s32 $0x800, s12;
	v42 =	vld [tilespmem:s15+$0xE000];
	[tilespmem:s29+$0x2470] =	vst v44  }
0x156: {  	s21 =	sor.u32 s28, s17;
	v51 =	vmul.f32 v39, v39;
	v32 =	vld [tilespmem:s15+$0x2010];
	[tilespmem:s29+$0x2400] =	vst v3;
	v1 =	vadd.f32 v26, v1;
	v18 =	vadd.f32 v39, v18  }
0x157: {  	v30 =	vld [tilespmem:s21+$0x2040];
	v37, _, _ =	vpop (xrf2)  }
0x158: {  	v41 =	vld [tilespmem:s21+$0xE040];
	v1 =	vadd.f32 v51, v1;
	v18 =	vadd.f32 v38, v18;
	v38 =	vmul.f32 v38, v38;
	v26, _, _ =	vpop (xrf2)  }
0x159: {  	v54 =	vmul.f32 v29, v29;
	v59 =	vld [tilespmem:s21+$0xE050];
	(v2sf) =	vpush v26, $0xF  }
0x15a: {  	v56 =	vld [tilespmem:s21+$0x2020];
	v26 =	vmul.f32 v53, v53;
	v1 =	vadd.f32 v38, v1;
	v38 =	vadd.f32 $0.0e+00, v53  }
0x15b: {  	v0 =	vld [tilespmem:s21+$0xE060];
	v53 =	vmul.f32 v35, v35;
	(v2sf) =	vpush v37, $0xF  }
0x15c: {  	v51 =	vld [tilespmem:s21+$0x2060];
	v37 =	vmul.f32 v60, v60;
	v26 =	vadd.f32 v54, v26;
	v29 =	vadd.f32 v29, v38  }
0x15d: {  	v18 =	vadd.f32 v35, v18;
	v1 =	vadd.f32 v53, v1;
	v53 =	vld [tilespmem:s21+$0xE010]  }
0x15e: {  	v35 =	vmul.f32 v17, v17;
	v26 =	vadd.f32 v37, v26;
	v37 =	vld [tilespmem:s21+$0x2010];
	v29 =	vadd.f32 v60, v29  }
0x15f: {  	v54 =	vld [tilespmem:s21+$0x2030];
	v38 =	vmul.f32 v33, v33;
	v18 =	vadd.f32 v33, v18  }
0x160: {  	v33 =	vmul.f32 v40, v40;
	v26 =	vadd.f32 v35, v26;
	v35 =	vld [tilespmem:s21+$0xE020];
	v17 =	vadd.f32 v17, v29  }
0x161: {  	v1 =	vadd.f32 v38, v1;
	v38 =	vmul.f32 v36, v36;
	v60 =	vld [tilespmem:s21+$0xE030];
	v18 =	vadd.f32 v36, v18  }
0x162: {  	v39 =	vld [tilespmem:s21+$0x2050];
	v36 =	vmul.f32 v52, v52;
	v26 =	vadd.f32 v33, v26;
	v17 =	vadd.f32 v40, v17  }
0x163: {  	v1 =	vadd.f32 v38, v1;
	v29 =	vld [tilespmem:s21+$0x2070];
	v37 =	vadd.f32 v53, v37  }
0x164: {  	v53 =	vmul.f32 v22, v22;
	v26 =	vadd.f32 v36, v26;
	v36 =	vld [tilespmem:s21+$0xE070];
	v38 =	vadd.f32 v52, v17  }
0x165: {  	v52 =	vadd.f32 v0, v51;
	v2 =	vadd.f32 v35, v56;
	v35 =	vld [tilespmem:s21+$0x2000]  }
0x166: {  	v40 =	vmul.f32 v55, v55;
	v56 =	vadd.f32 v60, v54;
	v60 =	vld [tilespmem:s21+$0xE000];
	[tilespmem:s21+$0x2010] =	vst v37;
	v26 =	vadd.f32 v53, v26  }
0x167: {  	v11 =	vld [tilespmem:s15+$0xE010];
	v0 =	vadd.f32 v28, v18;
	v18 =	vmul.f32 v28, v28;
	v54 =	vadd.f32 v41, v30;
	[tilespmem:s21+$0x2060] =	vst v52  }
0x168: {  	v33 =	vmul.f32 v3, v3;
	v17 =	vld [tilespmem:s15+$0x2020];
	v53 =	vadd.f32 v59, v39;
	[tilespmem:s21+$0x2020] =	vst v2;
	v26 =	vadd.f32 v40, v26  }
0x169: {  	v39 =	vld [tilespmem:s15+$0xE020];
	v22 =	vadd.f32 v22, v38;
	v1 =	vadd.f32 v18, v1;
	[tilespmem:s21+$0x2030] =	vst v56  }
0x16a: {  	v41 =	vmul.f32 v50, v50;
	v38 =	vld [tilespmem:s15+$0x2030];
	[tilespmem:s21+$0x2040] =	vst v54;
	v51 =	vadd.f32 v36, v29;
	v26 =	vadd.f32 v33, v26  }
0x16b: {  	v18 =	vmul.f32 v58, v58;
	v40 =	vld [tilespmem:s15+$0xE030];
	[tilespmem:s21+$0x2050] =	vst v53;
	v22 =	vadd.f32 v55, v22;
	v29 =	vadd.f32 v60, v35  }
0x16c: {  	s24 =	sadd.s32 $0xC00, s12;
	v0 =	vadd.f32 v58, v0;
	v58 =	vmul.f32 v49, v49;
	v33 =	vld [tilespmem:s15+$0x2040];
	[tilespmem:s21+$0x2070] =	vst v51;
	v28 =	vadd.f32 v41, v26  }
0x16d: {  	s22 =	sor.u32 s28, s24;
	v1 =	vadd.f32 v18, v1;
	v18 =	vmul.f32 v7, v7;
	v35 =	vld [tilespmem:s15+$0xE040];
	v3 =	vadd.f32 v3, v22;
	[tilespmem:s21+$0x2000] =	vst v29  }
0x16e: {  	v59 =	vmul.f32 v48, v48;
	v0 =	vadd.f32 v7, v0;
	v22 =	vld [tilespmem:s22+$0x2040];
	v7 =	vadd.f32 v58, v28  }
0x16f: {  	v1 =	vadd.f32 v18, v1;
	v18 =	vmul.f32 v10, v10;
	v3 =	vadd.f32 v50, v3;
	v30 =	vld [tilespmem:s22+$0xE040]  }
0x170: {  	v0 =	vadd.f32 v10, v0;
	v10 =	vmul.f32 v47, v47;
	v36 =	vld [tilespmem:s22+$0x2050];
	v7 =	vadd.f32 v59, v7  }
0x171: {  	v1 =	vadd.f32 v18, v1;
	v18 =	vmul.f32 v43, v43;
	v41 =	vld [tilespmem:s22+$0x2060];
	v3 =	vadd.f32 v49, v3  }
0x172: {  	v0 =	vadd.f32 v43, v0;
	v43 =	vld [tilespmem:s22+$0x2030];
	v7 =	vadd.f32 v10, v7;
	v10 =	vmul.f32 v46, v46  }
0x173: {  	v60 =	vld [tilespmem:s22+$0xE010];
	v1 =	vadd.f32 v18, v1;
	v18 =	vmul.f32 v8, v8;
	v3 =	vadd.f32 v48, v3  }
0x174: {  	v55 =	vld [tilespmem:s22+$0xE030];
	v0 =	vadd.f32 v8, v0;
	v8 =	vmul.f32 v45, v45;
	v7 =	vadd.f32 v10, v7  }
0x175: {  	v48 =	vld [tilespmem:s22+$0x2020];
	v1 =	vadd.f32 v18, v1;
	v3 =	vadd.f32 v47, v3  }
0x176: {  	v18 =	vmul.f32 v6, v6;
	v0 =	vadd.f32 v6, v0;
	v6 =	vadd.f32 v8, v7;
	v8 =	vld [tilespmem:s22+$0xE020]  }
0x177: {  	v28 =	vld [tilespmem:s22+$0xE050];
	v3 =	vadd.f32 v46, v3  }
0x178: {  	v38 =	vadd.f32 v40, v38;
	v1 =	vadd.f32 v18, v1;
	v18 =	vmul.f32 v9, v9;
	v10 =	vld [tilespmem:s22+$0x2010]  }
0x179: {  	v58 =	vld [tilespmem:s22+$0xE060];
	v43 =	vadd.f32 v55, v43;
	v3 =	vadd.f32 v45, v3  }
0x17a: {  	v22 =	vadd.f32 v30, v22;
	v1 =	vadd.f32 v18, v1;
	v18 =	vld [tilespmem:s22+$0x2070];
	v7 =	vmul.f32 v44, v44  }
0x17b: {  	v3 =	vadd.f32 v44, v3;
	v48 =	vadd.f32 v8, v48;
	v8 =	vld [tilespmem:s22+$0xE070]  }
0x17c: {  	v26 =	vld [tilespmem:s15+$0x2050];
	v36 =	vadd.f32 v28, v36;
	[tilespmem:s22+$0x2030] =	vst v43;
	v6 =	vadd.f32 v7, v6;
	v7 =	vmul.f32 v29, v29  }
0x17d: {  	v40 =	vld [tilespmem:s15+$0xE420];
	[tilespmem:s22+$0x2040] =	vst v22;
	v47 =	vadd.f32 v60, v10;
	v3 =	vadd.f32 v29, v3  }
0x17e: {  	v59 =	vld [tilespmem:s22+$0x2000];
	[tilespmem:s22+$0x2050] =	vst v36;
	v6 =	vadd.f32 v7, v6  }
0x17f: {  	v60 =	vld [tilespmem:s22+$0xE000];
	v7 =	vmul.f32 v37, v37;
	[tilespmem:s22+$0x2010] =	vst v47;
	v3 =	vadd.f32 v37, v3;
	v37 =	vadd.f32 v58, v41  }
0x180: {  	v0 =	vadd.f32 v9, v0;
	v9 =	vld [tilespmem:s15+$0x2060];
	[tilespmem:s22+$0x2020] =	vst v48;
	v18 =	vadd.f32 v8, v18  }
0x181: {  	v11 =	vadd.f32 v11, v32;
	v45 =	vld [tilespmem:s15+$0xE060];
	v6 =	vadd.f32 v7, v6;
	v7 =	vmul.f32 v2, v2;
	[tilespmem:s22+$0x2060] =	vst v37  }
0x182: {  	v17 =	vadd.f32 v39, v17;
	v33 =	vadd.f32 v35, v33;
	v44 =	vld [tilespmem:s15+$0xE070];
	[tilespmem:s22+$0x2070] =	vst v18  }
0x183: {  	v0 =	vadd.f32 v4, v0;
	v6 =	vadd.f32 v7, v6;
	v7 =	vmul.f32 v56, v56;
	v58 =	vld [tilespmem:$0x1FF90]  }
0x184: {  	v10 =	vld [tilespmem:s15+$0xE050];
	v2 =	vadd.f32 v2, v3;
	v41 =	vadd.f32 v60, v59  }
0x185: {  	s21 =	sadd.s32 $0x1000, s12;
	v3 =	vmul.f32 v4, v4;
	v4 =	vld [tilespmem:s15+$0x2400];
	v6 =	vadd.f32 v7, v6;
	v7 =	vmul.f32 v54, v54  }
0x186: {  	s23 =	sor.u32 s28, s21;
	v28 =	vadd.f32 v24, v27;
	v24 =	vadd.f32 v42, v34;
	v8 =	vld [tilespmem:s15+$0x2070];
	[tilespmem:s22+$0x2000] =	vst v41  }
0x187: {  	v55 =	vmul.f32 v53, v53;
	v27 =	vadd.f32 v21, v16;
	v7 =	vadd.f32 v7, v6;
	v46 =	vld [tilespmem:s23+$0x2040]  }
0x188: {  	v1 =	vadd.f32 v3, v1;
	v2 =	vadd.f32 v56, v2;
	v34 =	vld [tilespmem:s23+$0x2020];
	v3 =	vmul.f32 v58, v58  }
0x189: {  	v59 =	vmul.f32 v52, v52;
	v7 =	vadd.f32 v55, v7;
	v60 =	vld [tilespmem:s23+$0x2000];
	v0 =	vadd.f32 v58, v0  }
0x18a: {  	v2 =	vadd.f32 v54, v2;
	v21 =	vld [tilespmem:s23+$0xE000];
	v1 =	vadd.f32 v3, v1;
	v3 =	vmul.f32 v5, v5  }
0x18b: {  	v55 =	vld [tilespmem:s23+$0xE020];
	v29 =	vadd.f32 v5, v0;
	v0 =	vadd.f32 v59, v7;
	v5 =	vmul.f32 v51, v51  }
0x18c: {  	v49 =	vld [tilespmem:s23+$0x2050];
	v30 =	vadd.f32 v3, v1;
	v1 =	vadd.f32 v53, v2  }
0x18d: {  	v10 =	vadd.f32 v10, v26;
	v54 =	vld [tilespmem:s23+$0xE010];
	v0 =	vadd.f32 v5, v0;
	v3 =	vmul.f32 v41, v41  }
0x18e: {  	v56 =	vld [tilespmem:s23+$0xE030];
	v58 =	vadd.f32 $0.0e+00, v24;
	v1 =	vadd.f32 v52, v1  }
0x18f: {  	v21 =	vadd.f32 v21, v60;
	v53 =	vld [tilespmem:s23+$0x2010];
	v0 =	vadd.f32 v3, v0;
	v3 =	vmul.f32 v47, v47  }
0x190: {  	v16 =	vmul.f32 v24, v24;
	v34 =	vadd.f32 v55, v34;
	v5 =	vld [tilespmem:s23+$0x2030];
	v1 =	vadd.f32 v51, v1  }
0x191: {  	v7 =	vld [tilespmem:s23+$0xE050];
	v52 =	vmul.f32 v11, v11;
	v0 =	vadd.f32 v3, v0;
	v3 =	vmul.f32 v48, v48  }
0x192: {  	v60 =	vld [tilespmem:s23+$0x2070];
	v42 =	vadd.f32 v11, v58;
	v1 =	vadd.f32 v41, v1  }
0x193: {  	v16 =	vadd.f32 v52, v16;
	v52 =	vld [tilespmem:s23+$0xE070];
	v0 =	vadd.f32 v3, v0;
	v3 =	vmul.f32 v43, v43  }
0x194: {  	v59 =	vmul.f32 v22, v22;
	v2 =	vld [tilespmem:s23+$0x2060];
	v39 =	vadd.f32 v54, v53;
	v1 =	vadd.f32 v47, v1  }
0x195: {  	v54 =	vld [tilespmem:s23+$0xE040];
	v5 =	vadd.f32 v56, v5;
	v56 =	vmul.f32 v17, v17;
	v0 =	vadd.f32 v3, v0  }
0x196: {  	v58 =	vmul.f32 v38, v38;
	v7 =	vadd.f32 v7, v49;
	v3 =	vld [tilespmem:s23+$0xE060];
	v1 =	vadd.f32 v48, v1  }
0x197: {  	v6 =	vld [tilespmem:s15+$0xE400];
	v53 =	vmul.f32 v36, v36;
	v16 =	vadd.f32 v56, v16;
	v0 =	vadd.f32 v59, v0  }
0x198: {  	[tilespmem:s23+$0x2000] =	vst v21;
	v51 =	vld [tilespmem:s15+$0xE470];
	v32 =	vadd.f32 v52, v60;
	v1 =	vadd.f32 v43, v1  }
0x199: {  	v55 =	vmul.f32 v37, v37;
	[tilespmem:s23+$0x2020] =	vst v34;
	v47 =	vld [tilespmem:s15+$0xE410];
	v16 =	vadd.f32 v58, v16;
	v0 =	vadd.f32 v53, v0  }
0x19a: {  	[tilespmem:s23+$0x2050] =	vst v7;
	v41 =	vadd.f32 v54, v46;
	v46 =	vld [tilespmem:s15+$0xE430];
	v59 =	vmul.f32 v33, v33;
	v1 =	vadd.f32 v22, v1  }
0x19b: {  	[tilespmem:s23+$0x2010] =	vst v39;
	v48 =	vld [tilespmem:s15+$0x2470];
	v2 =	vadd.f32 v3, v2;
	v3 =	vmul.f32 v18, v18;
	v0 =	vadd.f32 v55, v0  }
0x19c: {  	[tilespmem:s23+$0x2030] =	vst v5;
	v60 =	vmul.f32 v10, v10;
	v43 =	vld [tilespmem:s15+$0x2410];
	v16 =	vadd.f32 v59, v16;
	v1 =	vadd.f32 v36, v1  }
0x19d: {  	[tilespmem:s23+$0x2070] =	vst v32;
	v22 =	vld [tilespmem:s15+$0x2420];
	v0 =	vadd.f32 v3, v0;
	v3 =	vmul.f32 v21, v21  }
0x19e: {  	s12 =	sadd.s32 $0x1400, s12;
	[tilespmem:s23+$0x2040] =	vst v41;
	v16 =	vadd.f32 v60, v16;
	v60 =	vld [tilespmem:s15+$0x2460];
	v1 =	vadd.f32 v37, v1  }
0x19f: {  	s22 =	sor.u32 s28, s12;
	[tilespmem:s23+$0x2060] =	vst v2;
	v36 =	vld [tilespmem:s15+$0x2430];
	v0 =	vadd.f32 v3, v0;
	v3 =	vmul.f32 v39, v39  }
0x1a0: {  	v35 =	vld [tilespmem:s22+$0x2000];
	v1 =	vadd.f32 v18, v1  }
0x1a1: {  	v42 =	vadd.f32 v17, v42;
	v49 =	vld [tilespmem:s22+$0x2010];
	v0 =	vadd.f32 v3, v0;
	v3 =	vmul.f32 v34, v34  }
0x1a2: {  	v9 =	vadd.f32 v45, v9;
	v26 =	vld [tilespmem:s22+$0x2020];
	v1 =	vadd.f32 v21, v1  }
0x1a3: {  	v42 =	vadd.f32 v38, v42;
	v52 =	vld [tilespmem:s22+$0xE020];
	v0 =	vadd.f32 v3, v0;
	v3 =	vmul.f32 v5, v5  }
0x1a4: {  	v44 =	vadd.f32 v44, v8;
	v53 =	vld [tilespmem:s22+$0x2030];
	v1 =	vadd.f32 v39, v1  }
0x1a5: {  	v42 =	vadd.f32 v33, v42;
	v55 =	vld [tilespmem:s22+$0xE030];
	v0 =	vadd.f32 v3, v0;
	v3 =	vmul.f32 v41, v41  }
0x1a6: {  	[tilespmem:s15+$0x2020] =	vst v17;
	v17 =	vadd.f32 v6, v4;
	v8 =	vld [tilespmem:s22+$0x2040];
	v1 =	vadd.f32 v34, v1  }
0x1a7: {  	v54 =	vmul.f32 v9, v9;
	v18 =	vld [tilespmem:s22+$0xE000];
	v0 =	vadd.f32 v3, v0;
	v3 =	vmul.f32 v7, v7  }
0x1a8: {  	[tilespmem:s15+$0x2030] =	vst v38;
	v38 =	vadd.f32 v51, v48;
	v59 =	vld [tilespmem:s22+$0x2070];
	v1 =	vadd.f32 v5, v1  }
0x1a9: {  	v16 =	vadd.f32 v54, v16;
	v21 =	vld [tilespmem:s22+$0xE010];
	v0 =	vadd.f32 v3, v0;
	v3 =	vmul.f32 v2, v2  }
0x1aa: {  	[tilespmem:s15+$0x2050] =	vst v10;
	v5 =	vadd.f32 v10, v42;
	v10 =	vld [tilespmem:s22+$0xE070];
	v1 =	vadd.f32 v41, v1  }
0x1ab: {  	v4 =	vmul.f32 v32, v32;
	v56 =	vld [tilespmem:s22+$0xE040];
	v22 =	vadd.f32 v40, v22;
	v0 =	vadd.f32 v3, v0  }
0x1ac: {  	[tilespmem:s15+$0x2000] =	vst v24;
	v24 =	vld [tilespmem:s22+$0x2050];
	v3 =	vadd.f32 v18, v35;
	v1 =	vadd.f32 v7, v1  }
0x1ad: {  	[tilespmem:s15+$0x2010] =	vst v11;
	v11 =	vld [tilespmem:s22+$0xE050];
	v7 =	vadd.f32 v9, v5;
	v0 =	vadd.f32 v4, v0  }
0x1ae: {  	[tilespmem:s15+$0x2040] =	vst v33;
	v58 =	vld [tilespmem:s22+$0x2060];
	v4 =	vadd.f32 v21, v49;
	v5 =	vmul.f32 v3, v3;
	v21 =	vadd.f32 v47, v43  }
0x1af: {  	[tilespmem:s15+$0x2060] =	vst v9;
	v37 =	vld [tilespmem:s15+$0x2440];
	v10 =	vadd.f32 v10, v59;
	v1 =	vadd.f32 v2, v1  }
0x1b0: {  	[tilespmem:s10+$0x2060] =	vst v28;
	v2 =	vld [tilespmem:s15+$0xE440];
	v0 =	vadd.f32 v5, v0;
	v5 =	vadd.f32 v52, v26  }
0x1b1: {  	[tilespmem:s10+$0x2070] =	vst v27;
	v9 =	vld [tilespmem:s15+$0x2450];
	v6 =	vmul.f32 v4, v4;
	v47 =	vadd.f32 v44, v7;
	v7 =	vadd.f32 v56, v8  }
0x1b2: {  	[tilespmem:s15+$0x2070] =	vst v44;
	v26 =	vld [tilespmem:s15+$0xE450];
	v1 =	vadd.f32 v32, v1;
	v32 =	vadd.f32 v46, v36  }
0x1b3: {  	[tilespmem:s15+$0x2400] =	vst v17;
	v0 =	vadd.f32 v6, v0;
	v43 =	vmul.f32 v5, v5;
	v6 =	vadd.f32 v55, v53;
	v46 =	vld [tilespmem:s15+$0xE460]  }
0x1b4: {  	[tilespmem:s15+$0x2420] =	vst v22;
	v18 =	vld [tilespmem:s22+$0xE060];
	v8 =	vadd.f32 v11, v24;
	v1 =	vadd.f32 v3, v1  }
0x1b5: {  	[tilespmem:s15+$0x2410] =	vst v21;
	v0 =	vadd.f32 v43, v0;
	v49 =	vmul.f32 v6, v6;
	v2 =	vadd.f32 v2, v37  }
0x1b6: {  	v56 =	vmul.f32 v17, v17;
	v17 =	vadd.f32 v17, v47;
	[tilespmem:s15+$0x2430] =	vst v32;
	v1 =	vadd.f32 v4, v1  }
0x1b7: {  	s16 =	sor.u32 s20, s17;
	v54 =	vld [tilespmem:s3+$0xE000];
	v26 =	vadd.f32 v26, v9;
	v9 =	vmul.f32 v7, v7;
	v0 =	vadd.f32 v49, v0;
	[tilespmem:s15+$0x2440] =	vst v2  }
0x1b8: {  	v53 =	vmul.f32 v44, v44;
	v34 =	vadd.f32 v46, v60;
	v1 =	vadd.f32 v5, v1;
	v52 =	vld [tilespmem:s16+$0x2000]  }
0x1b9: {  	v24 =	vmul.f32 v8, v8;
	v11 =	vld [tilespmem:s16+$0x2010];
	[tilespmem:s15+$0x2450] =	vst v26;
	v0 =	vadd.f32 v9, v0;
	v9 =	vadd.f32 v18, v58  }
0x1ba: {  	v16 =	vadd.f32 v53, v16;
	v18 =	vld [tilespmem:s16+$0x2020];
	[tilespmem:s15+$0x2460] =	vst v34;
	v1 =	vadd.f32 v6, v1  }
0x1bb: {  	v17 =	vadd.f32 v21, v17;
	v0 =	vadd.f32 v24, v0;
	v24 =	vmul.f32 v9, v9;
	v55 =	vld [tilespmem:s16+$0x2030];
	[tilespmem:s15+$0x2470] =	vst v38  }
0x1bc: {  	v16 =	vadd.f32 v56, v16;
	v59 =	vld [tilespmem:s16+$0xE000];
	v1 =	vadd.f32 v7, v1  }
0x1bd: {  	v60 =	vmul.f32 v21, v21;
	v45 =	vld [tilespmem:s16+$0xE010];
	v0 =	vadd.f32 v24, v0;
	v24 =	vmul.f32 v10, v10  }
0x1be: {  	v17 =	vadd.f32 v22, v17;
	v47 =	vld [tilespmem:s16+$0xE030];
	v1 =	vadd.f32 v8, v1  }
0x1bf: {  	v16 =	vadd.f32 v60, v16;
	v21 =	vld [tilespmem:s16+$0xE020];
	v0 =	vadd.f32 v24, v0;
	v24 =	vmul.f32 v22, v22  }
0x1c0: {  	v49 =	vld [tilespmem:s3+$0xE020];
	v17 =	vadd.f32 v32, v17;
	v1 =	vadd.f32 v9, v1  }
0x1c1: {  	v58 =	vld [tilespmem:s3+$0xE010];
	v22 =	vmul.f32 v32, v32;
	v16 =	vadd.f32 v24, v16;
	v48 =	vadd.f32 v59, v52  }
0x1c2: {  	v50 =	vld [tilespmem:s16+$0x2050];
	(xrf2) =	vadd.scan.msk.f32 $0xffff, v0;
	v11 =	vadd.f32 v45, v11;
	v1 =	vadd.f32 v10, v1  }
0x1c3: {  	v0 =	vld [tilespmem:s16+$0x2040];
	v33 =	vadd.f32 v47, v55;
	v16 =	vadd.f32 v22, v16;
	v22 =	vmul.f32 v2, v2;
	[tilespmem:s16+$0x2000] =	vst v48  }
0x1c4: {  	v2 =	vadd.f32 v2, v17;
	v17 =	vadd.f32 v21, v18;
	[tilespmem:s16+$0x2010] =	vst v11;
	(xrf2) =	vadd.scan.msk.f32 $0xffff, v1;
	v1 =	vld [tilespmem:s16+$0xE040]  }
0x1c5: {  	v51 =	vld [tilespmem:s16+$0x2060];
	[tilespmem:s16+$0x2030] =	vst v33  }
0x1c6: {  	v52 =	vld [tilespmem:s16+$0xE070];
	v2 =	vadd.f32 v26, v2;
	[tilespmem:s16+$0x2020] =	vst v17  }
0x1c7: {  	v21 =	vmul.f32 v26, v26;
	v16 =	vadd.f32 v22, v16;
	v22 =	vld [tilespmem:$0x1FFA0]  }
0x1c8: {  	v29 =	vadd.f32 v57, v29;
	v18 =	vld [tilespmem:s16+$0xE050];
	v2 =	vadd.f32 v34, v2  }
0x1c9: {  	v16 =	vadd.f32 v21, v16;
	v21 =	vmul.f32 v34, v34;
	v0 =	vadd.f32 v1, v0;
	v1 =	vld [tilespmem:s16+$0xE060]  }
0x1ca: {  	v29 =	vadd.f32 v20, v29;
	v26 =	vld [tilespmem:s16+$0x2070];
	v2 =	vadd.f32 v38, v2  }
0x1cb: {  	s25 =	spop (v2sf);
	v56 =	vld [tilespmem:s3+$0x2030];
	s15 =	sor.u32 s20, s24;
	v24 =	vadd.f32 v54, v23;
	v16 =	vadd.f32 v21, v16;
	v21 =	vmul.f32 v38, v38;
	[tilespmem:s16+$0x2040] =	vst v0  }
0x1cc: {  	s14 =	smul.f32 $1.302083370e-03, s25;
	s26 =	spop (v2sf);
	v46 =	vmul.f32 v57, v57;
	v23 =	vadd.f32 v58, v22;
	v2 =	vadd.f32 v48, v2;
	v53 =	vld [tilespmem:s15+$0x2000]  }
0x1cd: {  	s10 =	smul.f32 $1.302083370e-03, s26;
	v32 =	vmul.f32 v48, v48;
	[tilespmem:s3+$0x2000] =	vst v24;
	v18 =	vadd.f32 v18, v50;
	v16 =	vadd.f32 v21, v16;
	v55 =	vld [tilespmem:s15+$0x2010]  }
0x1ce: {  	s28 =	smul.f32 s14, s14;
	v57 =	vmul.f32 v11, v11;
	v54, _, _ =	vpop (xrf2);
	[tilespmem:s3+$0x2010] =	vst v23;
	v2 =	vadd.f32 v11, v2;
	v11 =	vld [tilespmem:s3+$0xE030];
	v1 =	vadd.f32 v1, v51  }
0x1cf: {  	v26 =	vadd.f32 v52, v26;
	v16 =	vadd.f32 v32, v16;
	v22 =	vld [tilespmem:$0x1FFB0];
	[tilespmem:s16+$0x2050] =	vst v18;
	v21, _, _ =	vpop (xrf2)  }
0x1d0: {  	s10 =	ssub.f32 s10, s28;
	(v2sf) =	vpush v21, $0xF;
	v21 =	vld [tilespmem:s15+$0x2020];
	[tilespmem:s16+$0x2060] =	vst v1  }
0x1d1: {  	v29 =	vadd.f32 v63, v29;
	v59 =	vmul.f32 v63, v63;
	v16 =	vadd.f32 v57, v16;
	v58 =	vld [tilespmem:s15+$0x2030];
	[tilespmem:s16+$0x2070] =	vst v26  }
0x1d2: {  	s10 =	sadd.f32 $9.999999740e-06, s10;
	v60 =	vmul.f32 v17, v17;
	v2 =	vadd.f32 v17, v2;
	(v2sf) =	vpush v54, $0xF;
	v63 =	vld [tilespmem:s15+$0xE000]  }
0x1d3: {  	v17 =	vld [tilespmem:s15+$0xE010]  }
0x1d4: {  	s29 =	sshra.s32 s10, $0x1;
	s17 =	smul.f32 $5.000000000e-01, s10;
	v44 =	vmul.f32 v33, v33;
	v16 =	vadd.f32 v60, v16;
	v2 =	vadd.f32 v33, v2;
	v45 =	vld [tilespmem:s15+$0xE020]  }
0x1d5: {  	s25 =	ssub.s32 $0x5F3759DF, s29;
	v20 =	vmul.f32 v20, v20;
	v30 =	vadd.f32 v46, v30;
	v22 =	vadd.f32 v49, v22;
	v47 =	vld [tilespmem:s15+$0xE030]  }
0x1d6: {  	v48 =	vmul.f32 v0, v0;
	s16 =	smul.f32 s25, s17;
	v16 =	vadd.f32 v44, v16;
	v49 =	vld [tilespmem:s15+$0x2040];
	v0 =	vadd.f32 v0, v2  }
0x1d7: {  	v20 =	vadd.f32 v20, v30;
	v2 =	vld [tilespmem:s15+$0xE040];
	[tilespmem:s3+$0x2020] =	vst v22  }
0x1d8: {  	v50 =	vmul.f32 v18, v18;
	s16 =	smul.f32 s25, s16;
	v16 =	vadd.f32 v48, v16;
	v0 =	vadd.f32 v18, v0;
	v42 =	vld [tilespmem:$0x1FFC0]  }
0x1d9: {  	v20 =	vadd.f32 v59, v20;
	v11 =	vadd.f32 v11, v56  }
0x1da: {  	s16 =	ssub.f32 $1.500000000e+00, s16;
	v16 =	vadd.f32 v50, v16;
	v0 =	vadd.f32 v1, v0  }
0x1db: {  	v51 =	vadd.f32 v63, v53;
	v17 =	vadd.f32 v17, v55  }
0x1dc: {  	v59 =	vld [tilespmem:s3+$0xE040];
	v1 =	vmul.f32 v1, v1;
	s26 =	smul.f32 s25, s16;
	v21 =	vadd.f32 v45, v21;
	v33 =	vadd.f32 v47, v58  }
0x1dd: {  	v54 =	vld [tilespmem:s15+$0x2060];
	v2 =	vadd.f32 v2, v49;
	v43 =	vmul.f32 v42, v42;
	v29 =	vadd.f32 v42, v29  }
0x1de: {  	v18 =	vld [tilespmem:s15+$0x2050];
	v0 =	vadd.f32 v26, v0;
	v26 =	vmul.f32 v26, v26;
	v1 =	vadd.f32 v1, v16;
	s10 =	smul.f32 s26, s17  }
0x1df: {  	v46 =	vmul.f32 v25, v25;
	v53 =	vld [tilespmem:s15+$0xE050];
	v20 =	vadd.f32 v43, v20;
	v25 =	vadd.f32 v25, v29  }
0x1e0: {  	v56 =	vld [tilespmem:s15+$0x2070];
	[tilespmem:s15+$0x2000] =	vst v51;
	v1 =	vadd.f32 v26, v1;
	v0 =	vadd.f32 v51, v0;
	v26 =	vmul.f32 v51, v51;
	s24 =	smul.f32 s10, s26;
	s28 =	spop (v2sf)  }
0x1e1: {  	v55 =	vld [tilespmem:s15+$0xE060];
	[tilespmem:s15+$0x2010] =	vst v17;
	v20 =	vadd.f32 v46, v20;
	v25 =	vadd.f32 v28, v25;
	v28 =	vmul.f32 v28, v28;
	s16 =	smul.f32 $1.302083370e-03, s28;
	s29 =	spop (v2sf)  }
0x1e2: {  	v16 =	vld [tilespmem:s15+$0xE070];
	[tilespmem:s15+$0x2020] =	vst v21;
	s10 =	sor.u32 s20, s21;
	v1 =	vadd.f32 v26, v1;
	v26 =	vmul.f32 v17, v17;
	v0 =	vadd.f32 v17, v0;
	s21 =	smul.f32 $1.302083370e-03, s29  }
0x1e3: {  	v52 =	vld [tilespmem:s3+$0x2040];
	[tilespmem:s15+$0x2030] =	vst v33;
	v20 =	vadd.f32 v28, v20;
	v25 =	vadd.f32 v27, v25;
	v27 =	vmul.f32 v27, v27;
	s25 =	smul.f32 s16, s16  }
0x1e4: {  	v60 =	vld [tilespmem:s3+$0x2050];
	[tilespmem:s15+$0x2040] =	vst v2;
	v18 =	vadd.f32 v53, v18;
	s24 =	ssub.f32 $1.500000000e+00, s24;
	v1 =	vadd.f32 v26, v1  }
0x1e5: {  	[tilespmem:s3+$0x2030] =	vst v11;
	v57 =	vld [tilespmem:s10+$0x2000];
	v26 =	vmul.f32 v21, v21;
	v0 =	vadd.f32 v21, v0;
	v20 =	vadd.f32 v27, v20;
	s21 =	ssub.f32 s21, s25  }
0x1e6: {  	v58 =	vld [tilespmem:s10+$0x2010];
	[tilespmem:s15+$0x2050] =	vst v18;
	s23 =	smul.f32 s24, s26;
	v27 =	vadd.f32 v55, v54;
	v25 =	vadd.f32 v24, v25;
	v24 =	vmul.f32 v24, v24  }
0x1e7: {  	[tilespmem:s18+$0x2000] =	vst v31;
	v16 =	vadd.f32 v16, v56;
	v17 =	vld [tilespmem:s10+$0x2020];
	v0 =	vadd.f32 v33, v0;
	s21 =	sadd.f32 $9.999999740e-06, s21  }
0x1e8: {  	v1 =	vadd.f32 v26, v1;
	v26 =	vmul.f32 v33, v33;
	s19 =	smul.f32 s23, s17;
	[tilespmem:s15+$0x2060] =	vst v27;
	v20 =	vadd.f32 v24, v20;
	v24 =	vld [tilespmem:s3+$0xE050]  }
0x1e9: {  	v0 =	vadd.f32 v2, v0;
	v25 =	vadd.f32 v23, v25;
	v23 =	vmul.f32 v23, v23;
	v21 =	vld [tilespmem:s10+$0x2030];
	[tilespmem:s15+$0x2070] =	vst v16;
	s17 =	sshra.s32 s21, $0x1;
	s15 =	smul.f32 $5.000000000e-01, s21  }
0x1ea: {  	[tilespmem:s18+$0x2010] =	vst v13;
	v1 =	vadd.f32 v26, v1;
	s19 =	smul.f32 s19, s23;
	v63 =	vld [tilespmem:s10+$0xE000];
	s25 =	ssub.s32 $0x5F3759DF, s17  }
0x1eb: {  	[tilespmem:s18+$0x2020] =	vst v12;
	v12 =	vmul.f32 v2, v2;
	v0 =	vadd.f32 v18, v0;
	v20 =	vadd.f32 v23, v20;
	v23 =	vld [tilespmem:s10+$0xE010];
	s24 =	smul.f32 s25, s15  }
0x1ec: {  	[tilespmem:s18+$0x2030] =	vst v14;
	v26 =	vadd.f32 v59, v52;
	s19 =	ssub.f32 $1.500000000e+00, s19;
	v13 =	vadd.f32 v22, v25;
	v22 =	vmul.f32 v22, v22;
	v2 =	vld [tilespmem:s10+$0xE020]  }
0x1ed: {  	[tilespmem:s18+$0x2040] =	vst v15;
	v1 =	vadd.f32 v12, v1;
	v12 =	vmul.f32 v18, v18;
	v15 =	vld [tilespmem:s10+$0x2040];
	v0 =	vadd.f32 v27, v0;
	s26 =	smul.f32 s25, s24  }
0x1ee: {  	s14 =	ssub.f32 $0.0e+00, s14;
	[tilespmem:s18+$0x2050] =	vst v61;
	v25 =	vld [tilespmem:s10+$0xE040];
	s19 =	smul.f32 s19, s23;
	v14 =	vadd.f32 v22, v20;
	v13 =	vadd.f32 v11, v13;
	v11 =	vmul.f32 v11, v11  }
0x1ef: {  	[tilespmem:s18+$0x2070] =	vst v19;
	v19 =	vmul.f32 v16, v16;
	v1 =	vadd.f32 v12, v1;
	v0 =	vadd.f32 v16, v0;
	s28 =	ssub.f32 $1.500000000e+00, s26  }
0x1f0: {  	[tilespmem:s18+$0x2060] =	vst v62;
	v20 =	vld [tilespmem:s10+$0xE030];
	s14 =	smul.f32 s19, s14;
	v24 =	vadd.f32 v24, v60;
	v18 =	vadd.f32 v11, v14;
	v14 =	vmul.f32 v27, v27  }
0x1f1: {  	s18 =	simm.s32 $0x1A680;
	[tilespmem:s3+$0x2040] =	vst v26;
	v12 =	vmov s19;
	v27 =	vadd.f32 v26, v13;
	v22 =	vadd.f32 v63, v57;
	s24 =	smul.f32 s25, s28  }
0x1f2: {  	[tilespmem:s18+$0x0] =	vst v12;
	v23 =	vadd.f32 v23, v58;
	v16 =	vmov s14;
	v1 =	vadd.f32 v14, v1  }
0x1f3: {  	s19 =	simm.s32 $0x1AE80;
	v11 =	vld [tilespmem:s10+$0x2050];
	v2 =	vadd.f32 v2, v17;
	v17 =	vmul.f32 v26, v26;
	v15 =	vadd.f32 v25, v15;
	[tilespmem:s3+$0x2050] =	vst v24;
	s29 =	smul.f32 s24, s15  }
0x1f4: {  	v14 =	vld [tilespmem:s10+$0xE050];
	[tilespmem:s19+$0x0] =	vst v16;
	v0 =	vadd.f32 v22, v0;
	v1 =	vadd.f32 v19, v1;
	v19 =	vmul.f32 v22, v22  }
0x1f5: {  	v13 =	vld [tilespmem:s10+$0x2060];
	[tilespmem:s10+$0x2000] =	vst v22;
	v12 =	vadd.f32 v20, v21;
	v17 =	vadd.f32 v17, v18;
	v18 =	vmul.f32 v24, v24;
	s21 =	smul.f32 s29, s24  }
0x1f6: {  	[tilespmem:s10+$0x2010] =	vst v23;
	v20 =	vld [tilespmem:s10+$0xE060];
	v22 =	vmul.f32 v23, v23;
	v0 =	vadd.f32 v23, v0;
	v1 =	vadd.f32 v19, v1  }
0x1f7: {  	s14 =	sor.u32 s20, s12;
	v16 =	vadd.f32 v24, v27;
	[tilespmem:s10+$0x2020] =	vst v2;
	v21 =	vld [tilespmem:s10+$0x2070];
	v17 =	vadd.f32 v18, v17;
	v18 =	vmul.f32 v12, v12;
	s12 =	ssub.f32 $1.500000000e+00, s21  }
0x1f8: {  	s23 =	simm.s32 $0x2;
	s20 =	simm.s32 $0x1AE80;
	v24 =	vld [tilespmem:s10+$0xE070];
	[tilespmem:s10+$0x2030] =	vst v12;
	v19 =	vmul.f32 v2, v2;
	v23 =	vadd.f32 v2, v0;
	v22 =	vadd.f32 v22, v1;
	s21 =	simm.s32 $0x1A680  }
.LBB2_3:
0x1f9: {  	s23 =	sadd.s32 $0x2, s23;
	[tilespmem:s10+$0x2040] =	vst v15;
	v0 =	vmul.f32 v15, v15;
	v1 =	vadd.f32 v14, v11;
	v11 =	vld [tilespmem:s14+$0x2000];
	s28 =	smul.f32 s12, s24  }
0x1fa: {  	s12 =	sadd.s32 s0, s23;
	p0 =	slt.u32 s23, $0xE;
	v2 =	vadd.f32 v19, v22;
	v14 =	vadd.f32 v12, v23;
	v12 =	vld [tilespmem:s14+$0x2010]  }
0x1fb: {  	s12 =	sshrl.u32 s12, $0x3;
	[tilespmem:s10+$0x2050] =	vst v1;
	v19 =	vmul.f32 v1, v1;
	v20 =	vadd.f32 v20, v13;
	s15 =	smul.f32 s28, s15;
	v22 =	vld [tilespmem:s3+$0x2060]  }
0x1fc: {  	s24 =	smul.u32 $0x1800, s12;
	v2 =	vadd.f32 v18, v2;
	v14 =	vadd.f32 v15, v14;
	v13 =	vld [tilespmem:s14+$0x2020]  }
0x1fd: {  	s5 =	sadd.s32 $0x100, s5;
	v15 =	vmul.f32 v20, v20;
	v18 =	vadd.f32 v24, v21;
	[tilespmem:s22+$0x2000] =	vst v3;
	s15 =	smul.f32 s15, s28;
	v3 =	vld [tilespmem:s3+$0xE060]  }
0x1fe: {  	s25 =	sand.u32 $0x380, s5;
	s12 =	sadd.s32 $0xFFFFFF80, s5;
	v0 =	vadd.f32 v0, v2;
	v1 =	vadd.f32 v1, v14;
	[tilespmem:s22+$0x2010] =	vst v4;
	v2 =	vld [tilespmem:s3+$0x2070]  }
0x1ff: {  	s26 =	sand.u32 $0x300, s12;
	s12 =	sor.u32 s25, s24;
	v4 =	vmul.f32 v18, v18;
	[tilespmem:s22+$0x2020] =	vst v5;
	s17 =	ssub.f32 $1.500000000e+00, s15;
	v5 =	vld [tilespmem:s3+$0xE070]  }
0x200: {  	s15 =	sor.u32 s26, s24;
	v21 =	vld [tilespmem:s12+$0x2440];
	v0 =	vadd.f32 v19, v0;
	v1 =	vadd.f32 v20, v1;
	[tilespmem:s22+$0x2030] =	vst v6  }
0x201: {  	s16 =	ssub.f32 $0.0e+00, s16;
	v6 =	vld [tilespmem:s12+$0xE440];
	[tilespmem:s22+$0x2040] =	vst v7;
	s17 =	smul.f32 s17, s28  }
0x202: {  	v19 =	vld [tilespmem:s12+$0x2450];
	v0 =	vadd.f32 v15, v0;
	v15 =	vadd.f32 v18, v1;
	[tilespmem:s22+$0x2050] =	vst v8  }
0x203: {  	v3 =	vadd.f32 v3, v22;
	v1 =	vld [tilespmem:s12+$0xE450];
	[tilespmem:s22+$0x2060] =	vst v9;
	s16 =	smul.f32 s17, s16  }
0x204: {  	s18 =	sadd.s32 $0x100, s18;
	v22 =	vld [tilespmem:s12+$0x2460];
	v14 =	vadd.f32 v4, v0;
	[tilespmem:s22+$0x2070] =	vst v10;
	v0 =	vmov s17;
	v2 =	vadd.f32 v5, v2  }
0x205: {  	s19 =	sadd.s32 $0x100, s19;
	v5 =	vadd.f32 v3, v16;
	v7 =	vmul.f32 v3, v3;
	v4 =	vld [tilespmem:s12+$0x2430];
	[tilespmem:s18+$0x0] =	vst v0;
	v0 =	vmov s16  }
0x206: {  	v8 =	vld [tilespmem:s12+$0x2420];
	[tilespmem:s19+$0x0] =	vst v0;
	v0 =	vmul.f32 v2, v2  }
0x207: {  	v7 =	vadd.f32 v7, v17;
	v5 =	vadd.f32 v2, v5;
	v9 =	vld [tilespmem:s12+$0x2410];
	[tilespmem:s10+$0x2060] =	vst v20  }
0x208: {  	v10 =	vld [tilespmem:s12+$0x2070];
	[tilespmem:s10+$0x2070] =	vst v18  }
0x209: {  	v0 =	vadd.f32 v0, v7;
	v16 =	vld [tilespmem:s12+$0x2060];
	[tilespmem:s3+$0x2060] =	vst v3;
	(xrf2) =	vadd.scan.msk.f32 $0xffff, v5  }
0x20a: {  	v3 =	vld [tilespmem:s12+$0x2050];
	[tilespmem:s3+$0x2070] =	vst v2;
	s3 =	smov.u32 s14  }
0x20b: {  	v2 =	vld [tilespmem:s12+$0x2040]  }
0x20c: {  	v5 =	vld [tilespmem:s12+$0x2030];
	(xrf2) =	vadd.scan.msk.f32 $0xffff, v0  }
0x20d: {  	v0 =	vld [tilespmem:s12+$0x2020]  }
0x20e: {  	v7 =	vld [tilespmem:s12+$0x2010]  }
0x20f: {  	v17 =	vld [tilespmem:s12+$0x2000]  }
0x210: {  	v18 =	vld [tilespmem:s12+$0xE000]  }
0x211: {  	v20 =	vld [tilespmem:s12+$0xE010]  }
0x212: {  	v23 =	vld [tilespmem:s12+$0xE020]  }
0x213: {  	v24 =	vld [tilespmem:s12+$0xE030];
	v25, _, _ =	vpop (xrf2)  }
0x214: {  	v26 =	vld [tilespmem:s12+$0xE040];
	(v2sf) =	vpush v25, $0xF  }
0x215: {  	v17 =	vadd.f32 v18, v17;
	v18 =	vld [tilespmem:s12+$0xE050]  }
0x216: {  	v20 =	vadd.f32 v20, v7;
	v7 =	vld [tilespmem:s12+$0xE060];
	v25, _, _ =	vpop (xrf2)  }
0x217: {  	[tilespmem:s12+$0x2000] =	vst v17;
	v0 =	vadd.f32 v23, v0;
	v23 =	vld [tilespmem:s12+$0xE070];
	(v2sf) =	vpush v25, $0xF  }
0x218: {  	[tilespmem:s12+$0x2010] =	vst v20;
	v24 =	vadd.f32 v24, v5;
	v5 =	vld [tilespmem:s12+$0xE410]  }
0x219: {  	[tilespmem:s12+$0x2020] =	vst v0;
	v2 =	vadd.f32 v26, v2;
	v25 =	vld [tilespmem:s12+$0xE420]  }
0x21a: {  	[tilespmem:s12+$0x2030] =	vst v24;
	v18 =	vadd.f32 v18, v3;
	v3 =	vld [tilespmem:s12+$0xE430]  }
0x21b: {  	[tilespmem:s12+$0x2040] =	vst v2;
	v16 =	vadd.f32 v7, v16;
	v26 =	vld [tilespmem:s12+$0xE460]  }
0x21c: {  	[tilespmem:s12+$0x2050] =	vst v18;
	v10 =	vadd.f32 v23, v10;
	v23 =	vld [tilespmem:s12+$0x2470]  }
0x21d: {  	[tilespmem:s12+$0x2060] =	vst v16;
	v9 =	vadd.f32 v5, v9;
	v27 =	vld [tilespmem:s12+$0xE470]  }
0x21e: {  	[tilespmem:s12+$0x2070] =	vst v10;
	v28 =	vld [tilespmem:s12+$0x2400];
	v8 =	vadd.f32 v25, v8  }
0x21f: {  	v25 =	vld [tilespmem:s12+$0xE400];
	[tilespmem:s12+$0x2410] =	vst v9;
	v7 =	vadd.f32 v3, v4  }
0x220: {  	v6 =	vadd.f32 v6, v21;
	v29 =	vld [tilespmem:s15+$0x2000];
	[tilespmem:s12+$0x2420] =	vst v8  }
0x221: {  	v5 =	vadd.f32 v1, v19;
	v21 =	vld [tilespmem:s15+$0xE000];
	[tilespmem:s12+$0x2430] =	vst v7  }
0x222: {  	v4 =	vadd.f32 v26, v22;
	v1 =	vld [tilespmem:s15+$0x2010];
	[tilespmem:s12+$0x2440] =	vst v6  }
0x223: {  	v22 =	vmul.f32 v17, v17;
	v26 =	vmul.f32 v20, v20;
	v3 =	vadd.f32 v27, v23;
	v19 =	vld [tilespmem:s15+$0xE010];
	[tilespmem:s12+$0x2450] =	vst v5;
	s10 =	spop (v2sf)  }
0x224: {  	s14 =	sadd.s32 $0x800, s24;
	v23 =	vld [tilespmem:s15+$0x2020];
	v25 =	vadd.f32 v25, v28;
	[tilespmem:s12+$0x2460] =	vst v4;
	s10 =	smul.f32 $1.302083370e-03, s10  }
0x225: {  	s16 =	sor.u32 s26, s14;
	s14 =	sor.u32 s25, s14;
	v22 =	vadd.f32 v26, v22;
	v26 =	vmul.f32 v0, v0;
	v27 =	vld [tilespmem:s15+$0xE020];
	[tilespmem:s12+$0x2470] =	vst v3  }
0x226: {  	v17 =	vadd.f32 $0.0e+00, v17;
	v21 =	vadd.f32 v21, v29;
	[tilespmem:s12+$0x2400] =	vst v25;
	v28 =	vld [tilespmem:s14+$0x2040];
	s12 =	smul.f32 s10, s10;
	s17 =	spop (v2sf)  }
0x227: {  	v22 =	vadd.f32 v26, v22;
	v26 =	vmul.f32 v24, v24;
	s10 =	ssub.f32 $0.0e+00, s10;
	v29 =	vld [tilespmem:s14+$0xE040];
	s17 =	smul.f32 $1.302083370e-03, s17  }
0x228: {  	v17 =	vadd.f32 v20, v17;
	[tilespmem:s15+$0x2000] =	vst v21;
	v30 =	vadd.f32 $0.0e+00, v21;
	v21 =	vmul.f32 v21, v21;
	v20 =	vld [tilespmem:s14+$0x2050]  }
0x229: {  	v1 =	vadd.f32 v19, v1;
	v19 =	vadd.f32 v26, v22;
	v22 =	vmul.f32 v2, v2;
	v26 =	vld [tilespmem:s14+$0xE050];
	s12 =	ssub.f32 s17, s12  }
0x22a: {  	v0 =	vadd.f32 v0, v17;
	v23 =	vadd.f32 v27, v23;
	v27 =	vld [tilespmem:s14+$0x2060]  }
0x22b: {  	v17 =	vadd.f32 v1, v30;
	v19 =	vadd.f32 v22, v19;
	v22 =	vmul.f32 v18, v18;
	[tilespmem:s15+$0x2010] =	vst v1;
	v30 =	vld [tilespmem:s14+$0x2030];
	s12 =	sadd.f32 $9.999999740e-06, s12  }
0x22c: {  	v0 =	vadd.f32 v24, v0;
	v1 =	vmul.f32 v1, v1;
	[tilespmem:s15+$0x2020] =	vst v23;
	v31 =	vmul.f32 v23, v23;
	v24 =	vld [tilespmem:s14+$0x2020]  }
0x22d: {  	v23 =	vadd.f32 v23, v17;
	v17 =	vadd.f32 v22, v19;
	v19 =	vmul.f32 v16, v16;
	v22 =	vld [tilespmem:s14+$0x2010];
	s17 =	sshra.s32 s12, $0x1;
	s28 =	smul.f32 $5.000000000e-01, s12  }
0x22e: {  	v0 =	vadd.f32 v2, v0;
	v1 =	vadd.f32 v1, v21;
	v2 =	vld [tilespmem:s14+$0xE010];
	s12 =	ssub.s32 $0x5F3759DF, s17  }
0x22f: {  	v17 =	vadd.f32 v19, v17;
	v19 =	vmul.f32 v10, v10;
	v21 =	vld [tilespmem:s14+$0xE020];
	s17 =	smul.f32 s12, s28  }
0x230: {  	v0 =	vadd.f32 v18, v0;
	v1 =	vadd.f32 v31, v1;
	v18 =	vld [tilespmem:s14+$0xE030]  }
0x231: {  	v17 =	vadd.f32 v19, v17;
	v19 =	vmul.f32 v25, v25;
	v31 =	vld [tilespmem:s14+$0xE060];
	s17 =	smul.f32 s12, s17  }
0x232: {  	v0 =	vadd.f32 v16, v0;
	v32 =	vld [tilespmem:s14+$0x2070]  }
0x233: {  	v16 =	vadd.f32 v19, v17;
	v17 =	vmul.f32 v9, v9;
	v2 =	vadd.f32 v2, v22;
	v19 =	vld [tilespmem:s14+$0xE070];
	s17 =	ssub.f32 $1.500000000e+00, s17  }
0x234: {  	v0 =	vadd.f32 v10, v0;
	v22 =	vld [tilespmem:s14+$0x2000];
	v21 =	vadd.f32 v21, v24  }
0x235: {  	v10 =	vadd.f32 v17, v16;
	v16 =	vmul.f32 v8, v8;
	v24 =	vld [tilespmem:s14+$0xE000];
	[tilespmem:s14+$0x2010] =	vst v2;
	v18 =	vadd.f32 v18, v30;
	s17 =	smul.f32 s12, s17  }
0x236: {  	v0 =	vadd.f32 v25, v0;
	v17 =	vadd.f32 v29, v28;
	v30 =	vld [tilespmem:s15+$0x2030];
	[tilespmem:s14+$0x2020] =	vst v21  }
0x237: {  	v29 =	vmul.f32 v7, v7;
	v28 =	vadd.f32 v16, v10;
	v16 =	vadd.f32 v26, v20;
	v25 =	vld [tilespmem:s15+$0xE030];
	[tilespmem:s14+$0x2030] =	vst v18;
	s12 =	smul.f32 s17, s28  }
0x238: {  	v0 =	vadd.f32 v9, v0;
	v10 =	vadd.f32 v31, v27;
	v20 =	vld [tilespmem:s15+$0x2040];
	[tilespmem:s14+$0x2040] =	vst v17  }
0x239: {  	v27 =	vadd.f32 v29, v28;
	v28 =	vmul.f32 v6, v6;
	v9 =	vadd.f32 v19, v32;
	v26 =	vld [tilespmem:s15+$0xE040];
	[tilespmem:s14+$0x2050] =	vst v16;
	s29 =	smul.f32 s12, s17  }
0x23a: {  	s22 =	sadd.s32 $0xC00, s24;
	v0 =	vadd.f32 v8, v0;
	v19 =	vld [tilespmem:s15+$0x2050];
	v8 =	vadd.f32 v24, v22;
	[tilespmem:s14+$0x2060] =	vst v10  }
0x23b: {  	s12 =	sor.u32 s26, s22;
	s22 =	sor.u32 s25, s22;
	v24 =	vadd.f32 v28, v27;
	v27 =	vmul.f32 v5, v5;
	v22 =	vld [tilespmem:s15+$0xE050];
	[tilespmem:s14+$0x2070] =	vst v9;
	s29 =	ssub.f32 $1.500000000e+00, s29  }
0x23c: {  	v0 =	vadd.f32 v7, v0;
	v25 =	vadd.f32 v25, v30;
	[tilespmem:s14+$0x2000] =	vst v8;
	v7 =	vld [tilespmem:s22+$0x2040]  }
0x23d: {  	v24 =	vadd.f32 v27, v24;
	v27 =	vmul.f32 v4, v4;
	v28 =	vld [tilespmem:s22+$0xE040];
	s14 =	smul.f32 s29, s17  }
0x23e: {  	v0 =	vadd.f32 v6, v0;
	[tilespmem:s15+$0x2030] =	vst v25;
	v23 =	vadd.f32 v25, v23;
	v25 =	vmul.f32 v25, v25;
	v6 =	vld [tilespmem:s22+$0x2050]  }
0x23f: {  	v20 =	vadd.f32 v26, v20;
	v24 =	vadd.f32 v27, v24;
	v26 =	vmul.f32 v3, v3;
	v27 =	vld [tilespmem:s22+$0xE050];
	s17 =	smul.f32 s14, s28  }
0x240: {  	v0 =	vadd.f32 v5, v0;
	v1 =	vadd.f32 v25, v1;
	v5 =	vld [tilespmem:s22+$0x2060]  }
0x241: {  	v23 =	vadd.f32 v20, v23;
	v24 =	vadd.f32 v26, v24;
	v25 =	vmul.f32 v8, v8;
	[tilespmem:s15+$0x2040] =	vst v20;
	v26 =	vld [tilespmem:s22+$0xE060];
	s17 =	smul.f32 s17, s14  }
0x242: {  	v0 =	vadd.f32 v4, v0;
	v19 =	vadd.f32 v22, v19;
	v20 =	vmul.f32 v20, v20;
	v4 =	vld [tilespmem:s22+$0x2030]  }
0x243: {  	v22 =	vadd.f32 v25, v24;
	v24 =	vmul.f32 v2, v2;
	v25 =	vld [tilespmem:s22+$0x2020];
	s17 =	ssub.f32 $1.500000000e+00, s17  }
0x244: {  	v0 =	vadd.f32 v3, v0;
	v23 =	vadd.f32 v19, v23;
	[tilespmem:s15+$0x2050] =	vst v19;
	v19 =	vmul.f32 v19, v19;
	v3 =	vld [tilespmem:s22+$0x2010]  }
0x245: {  	v1 =	vadd.f32 v20, v1;
	v20 =	vadd.f32 v24, v22;
	v22 =	vmul.f32 v21, v21;
	v24 =	vld [tilespmem:s22+$0xE010];
	s14 =	smul.f32 s17, s14  }
0x246: {  	v0 =	vadd.f32 v8, v0;
	v8 =	vld [tilespmem:s22+$0xE020]  }
0x247: {  	v1 =	vadd.f32 v19, v1;
	v19 =	vadd.f32 v22, v20;
	v20 =	vmul.f32 v18, v18;
	v22 =	vld [tilespmem:s22+$0xE030];
	s10 =	smul.f32 s14, s10  }
0x248: {  	v0 =	vadd.f32 v2, v0;
	v29 =	vmov s14;
	v2 =	vld [tilespmem:s22+$0x2070]  }
0x249: {  	v7 =	vadd.f32 v28, v7;
	v19 =	vadd.f32 v20, v19;
	v20 =	vmul.f32 v17, v17;
	v30 =	vld [tilespmem:s22+$0x2000];
	[tilespmem:s21+$0xFFFFFF80] =	vst v29;
	s21 =	smov.u32 s18  }
0x24a: {  	v0 =	vadd.f32 v21, v0;
	v21 =	vld [tilespmem:s22+$0xE000];
	v3 =	vadd.f32 v24, v3;
	v24 =	vmov s10  }
0x24b: {  	v19 =	vadd.f32 v20, v19;
	v20 =	vmul.f32 v16, v16;
	v8 =	vadd.f32 v8, v25;
	v25 =	vld [tilespmem:s22+$0xE070];
	[tilespmem:s20+$0xFFFFFF80] =	vst v24;
	s20 =	smov.u32 s19  }
0x24c: {  	v0 =	vadd.f32 v18, v0;
	v24 =	vld [tilespmem:s15+$0x2060];
	[tilespmem:s22+$0x2010] =	vst v3;
	v4 =	vadd.f32 v22, v4  }
0x24d: {  	v6 =	vadd.f32 v27, v6;
	v19 =	vadd.f32 v20, v19;
	v20 =	vmul.f32 v10, v10;
	v18 =	vld [tilespmem:s15+$0xE060];
	[tilespmem:s22+$0x2020] =	vst v8  }
0x24e: {  	v5 =	vadd.f32 v26, v5;
	v0 =	vadd.f32 v17, v0;
	v22 =	vld [tilespmem:s15+$0x2070];
	[tilespmem:s22+$0x2030] =	vst v4  }
0x24f: {  	v19 =	vadd.f32 v20, v19;
	v20 =	vmul.f32 v9, v9;
	v17 =	vld [tilespmem:s15+$0xE070];
	v21 =	vadd.f32 v21, v30;
	[tilespmem:s22+$0x2040] =	vst v7  }
0x250: {  	v0 =	vadd.f32 v16, v0;
	v26 =	vld [tilespmem:s15+$0x2400];
	[tilespmem:s22+$0x2050] =	vst v6;
	v2 =	vadd.f32 v25, v2  }
0x251: {  	s14 =	sadd.s32 $0x1000, s24;
	v19 =	vadd.f32 v20, v19;
	v16 =	vld [tilespmem:s15+$0xE400];
	v20 =	vmul.f32 v21, v21;
	[tilespmem:s22+$0x2060] =	vst v5  }
0x252: {  	s28 =	sor.u32 s25, s14;
	s10 =	sor.u32 s26, s14;
	v0 =	vadd.f32 v10, v0;
	v18 =	vadd.f32 v18, v24;
	v24 =	vld [tilespmem:s15+$0x2410];
	[tilespmem:s22+$0x2070] =	vst v2  }
0x253: {  	[tilespmem:s22+$0x2000] =	vst v21;
	v10 =	vadd.f32 v20, v19;
	v19 =	vmul.f32 v3, v3;
	v20 =	vld [tilespmem:s28+$0x2040]  }
0x254: {  	v0 =	vadd.f32 v9, v0;
	[tilespmem:s15+$0x2060] =	vst v18;
	v23 =	vadd.f32 v18, v23;
	v18 =	vmul.f32 v18, v18;
	v9 =	vld [tilespmem:s28+$0x2050]  }
0x255: {  	v17 =	vadd.f32 v17, v22;
	v10 =	vadd.f32 v19, v10;
	v19 =	vmul.f32 v8, v8;
	v22 =	vld [tilespmem:s28+$0xE050]  }
0x256: {  	v0 =	vadd.f32 v21, v0;
	v1 =	vadd.f32 v18, v1;
	v18 =	vld [tilespmem:s28+$0x2060]  }
0x257: {  	v21 =	vadd.f32 v17, v23;
	[tilespmem:s15+$0x2070] =	vst v17;
	v10 =	vadd.f32 v19, v10;
	v19 =	vmul.f32 v4, v4;
	v23 =	vld [tilespmem:s28+$0x2030]  }
0x258: {  	v0 =	vadd.f32 v3, v0;
	v16 =	vadd.f32 v16, v26;
	v17 =	vmul.f32 v17, v17;
	v3 =	vld [tilespmem:s28+$0x2020]  }
0x259: {  	v10 =	vadd.f32 v19, v10;
	v19 =	vmul.f32 v7, v7;
	v25 =	vld [tilespmem:s28+$0x2000]  }
0x25a: {  	v0 =	vadd.f32 v8, v0;
	v21 =	vadd.f32 v16, v21;
	[tilespmem:s15+$0x2400] =	vst v16;
	v16 =	vmul.f32 v16, v16;
	v8 =	vld [tilespmem:s28+$0xE000]  }
0x25b: {  	v1 =	vadd.f32 v17, v1;
	v17 =	vmul.f32 v6, v6;
	v10 =	vadd.f32 v19, v10;
	v19 =	vld [tilespmem:s28+$0x2010]  }
0x25c: {  	v0 =	vadd.f32 v4, v0;
	v4 =	vld [tilespmem:s28+$0xE010]  }
0x25d: {  	v1 =	vadd.f32 v16, v1;
	v16 =	vmul.f32 v5, v5;
	v10 =	vadd.f32 v17, v10;
	v17 =	vld [tilespmem:s28+$0xE020]  }
0x25e: {  	v0 =	vadd.f32 v7, v0;
	v7 =	vld [tilespmem:s28+$0xE030]  }
0x25f: {  	v10 =	vadd.f32 v16, v10;
	v16 =	vmul.f32 v2, v2;
	v8 =	vadd.f32 v8, v25;
	v25 =	vld [tilespmem:s28+$0xE060]  }
0x260: {  	v0 =	vadd.f32 v6, v0;
	v6 =	vld [tilespmem:s28+$0x2070]  }
0x261: {  	v10 =	vadd.f32 v16, v10;
	v16 =	vmul.f32 v8, v8;
	v4 =	vadd.f32 v4, v19;
	v19 =	vld [tilespmem:s28+$0xE070]  }
0x262: {  	v0 =	vadd.f32 v5, v0;
	[tilespmem:s28+$0x2000] =	vst v8;
	v3 =	vadd.f32 v17, v3;
	v5 =	vld [tilespmem:s28+$0xE040]  }
0x263: {  	v17 =	vld [tilespmem:s15+$0xE410];
	v10 =	vadd.f32 v16, v10;
	[tilespmem:s28+$0x2010] =	vst v4;
	v16 =	vmul.f32 v4, v4;
	v7 =	vadd.f32 v7, v23  }
0x264: {  	v0 =	vadd.f32 v2, v0;
	v2 =	vadd.f32 v22, v9;
	v23 =	vld [tilespmem:s15+$0x2420];
	[tilespmem:s28+$0x2020] =	vst v3  }
0x265: {  	v18 =	vadd.f32 v25, v18;
	v9 =	vld [tilespmem:s15+$0xE420];
	v10 =	vadd.f32 v16, v10;
	v16 =	vmul.f32 v3, v3;
	[tilespmem:s28+$0x2030] =	vst v7  }
0x266: {  	v0 =	vadd.f32 v8, v0;
	v22 =	vld [tilespmem:s15+$0x2430];
	[tilespmem:s28+$0x2050] =	vst v2;
	v6 =	vadd.f32 v19, v6  }
0x267: {  	s17 =	sadd.s32 $0x1400, s24;
	v8 =	vld [tilespmem:s15+$0xE430];
	v10 =	vadd.f32 v16, v10;
	v16 =	vmul.f32 v7, v7;
	v5 =	vadd.f32 v5, v20;
	[tilespmem:s28+$0x2060] =	vst v18  }
0x268: {  	s14 =	sor.u32 s26, s17;
	s22 =	sor.u32 s25, s17;
	v0 =	vadd.f32 v4, v0;
	v17 =	vadd.f32 v17, v24;
	v19 =	vld [tilespmem:s15+$0x2440];
	[tilespmem:s28+$0x2070] =	vst v6  }
0x269: {  	v4 =	vadd.f32 v16, v10;
	[tilespmem:s28+$0x2040] =	vst v5;
	v10 =	vmul.f32 v5, v5;
	v16 =	vld [tilespmem:s22+$0x2000]  }
0x26a: {  	v0 =	vadd.f32 v3, v0;
	[tilespmem:s15+$0x2410] =	vst v17;
	v20 =	vadd.f32 v17, v21;
	v17 =	vmul.f32 v17, v17;
	v3 =	vld [tilespmem:s22+$0xE000]  }
0x26b: {  	v9 =	vadd.f32 v9, v23;
	v4 =	vadd.f32 v10, v4;
	v10 =	vmul.f32 v2, v2;
	v21 =	vld [tilespmem:s22+$0x2010]  }
0x26c: {  	v0 =	vadd.f32 v7, v0;
	v1 =	vadd.f32 v17, v1;
	v7 =	vld [tilespmem:s22+$0xE010]  }
0x26d: {  	v17 =	vadd.f32 v9, v20;
	[tilespmem:s15+$0x2420] =	vst v9;
	v4 =	vadd.f32 v10, v4;
	v10 =	vmul.f32 v18, v18;
	v20 =	vld [tilespmem:s22+$0x2020]  }
0x26e: {  	v0 =	vadd.f32 v5, v0;
	v8 =	vadd.f32 v8, v22;
	v9 =	vmul.f32 v9, v9;
	v5 =	vld [tilespmem:s22+$0xE020]  }
0x26f: {  	v4 =	vadd.f32 v10, v4;
	v10 =	vmul.f32 v6, v6;
	v3 =	vadd.f32 v3, v16;
	v16 =	vld [tilespmem:s22+$0x2030]  }
0x270: {  	v0 =	vadd.f32 v2, v0;
	v17 =	vadd.f32 v8, v17;
	[tilespmem:s15+$0x2430] =	vst v8;
	v8 =	vmul.f32 v8, v8;
	v2 =	vld [tilespmem:s22+$0xE030]  }
0x271: {  	v10 =	vadd.f32 v10, v4;
	v22 =	vmul.f32 v3, v3;
	v4 =	vadd.f32 v7, v21;
	v7 =	vld [tilespmem:s22+$0x2040]  }
0x272: {  	v0 =	vadd.f32 v18, v0;
	v1 =	vadd.f32 v9, v1;
	v9 =	vld [tilespmem:s22+$0xE040]  }
0x273: {  	v10 =	vadd.f32 v22, v10;
	v18 =	vmul.f32 v4, v4;
	v5 =	vadd.f32 v5, v20;
	v20 =	vld [tilespmem:s22+$0x2050]  }
0x274: {  	v0 =	vadd.f32 v6, v0;
	v1 =	vadd.f32 v8, v1;
	v8 =	vld [tilespmem:s22+$0xE050]  }
0x275: {  	v10 =	vadd.f32 v18, v10;
	v18 =	vmul.f32 v5, v5;
	v6 =	vadd.f32 v2, v16;
	v2 =	vld [tilespmem:s22+$0x2060]  }
0x276: {  	v0 =	vadd.f32 v3, v0;
	v16 =	vld [tilespmem:s22+$0xE060]  }
0x277: {  	v10 =	vadd.f32 v18, v10;
	v18 =	vmul.f32 v6, v6;
	v7 =	vadd.f32 v9, v7;
	v21 =	vld [tilespmem:s22+$0x2070]  }
0x278: {  	v0 =	vadd.f32 v4, v0;
	v22 =	vld [tilespmem:s22+$0xE070]  }
0x279: {  	v23 =	vld [tilespmem:s15+$0xE440];
	v9 =	vadd.f32 v18, v10;
	v10 =	vmul.f32 v7, v7;
	v8 =	vadd.f32 v8, v20  }
0x27a: {  	v0 =	vadd.f32 v5, v0;
	v18 =	vld [tilespmem:s15+$0x2450]  }
0x27b: {  	v20 =	vld [tilespmem:s15+$0xE450];
	v10 =	vadd.f32 v10, v9;
	v24 =	vmul.f32 v8, v8;
	v9 =	vadd.f32 v16, v2  }
0x27c: {  	v0 =	vadd.f32 v6, v0;
	v2 =	vld [tilespmem:s15+$0x2460]  }
0x27d: {  	v16 =	vld [tilespmem:s15+$0xE460];
	v24 =	vadd.f32 v24, v10;
	v25 =	vmul.f32 v9, v9;
	v10 =	vadd.f32 v22, v21  }
0x27e: {  	v0 =	vadd.f32 v7, v0;
	v19 =	vadd.f32 v23, v19;
	v21 =	vld [tilespmem:s15+$0x2470]  }
0x27f: {  	v22 =	vld [tilespmem:s15+$0xE470];
	v23 =	vadd.f32 v25, v24;
	v24 =	vmul.f32 v10, v10  }
0x280: {  	v0 =	vadd.f32 v8, v0;
	[tilespmem:s15+$0x2440] =	vst v19;
	v25 =	vmul.f32 v19, v19;
	v18 =	vadd.f32 v20, v18;
	v20 =	vld [tilespmem:s16+$0x2000]  }
0x281: {  	v17 =	vadd.f32 v19, v17;
	v19 =	vld [tilespmem:s16+$0x2010];
	v23 =	vadd.f32 v24, v23  }
0x282: {  	v0 =	vadd.f32 v9, v0;
	[tilespmem:s15+$0x2450] =	vst v18;
	v24 =	vmul.f32 v18, v18;
	v2 =	vadd.f32 v16, v2;
	v16 =	vld [tilespmem:s3+$0xE000]  }
0x283: {  	v1 =	vadd.f32 v25, v1;
	v17 =	vadd.f32 v18, v17;
	v18 =	vld [tilespmem:s16+$0x2020];
	(xrf2) =	vadd.scan.msk.f32 $0xffff, v23  }
0x284: {  	v0 =	vadd.f32 v10, v0;
	[tilespmem:s15+$0x2460] =	vst v2;
	v23 =	vmul.f32 v2, v2;
	v21 =	vadd.f32 v22, v21;
	v22 =	vld [tilespmem:s3+$0xE010]  }
0x285: {  	v1 =	vadd.f32 v24, v1;
	v2 =	vadd.f32 v2, v17;
	v17 =	vld [tilespmem:s16+$0x2030]  }
0x286: {  	[tilespmem:s15+$0x2470] =	vst v21;
	v24 =	vmul.f32 v21, v21;
	(xrf2) =	vadd.scan.msk.f32 $0xffff, v0;
	v0 =	vld [tilespmem:s3+$0xE020]  }
0x287: {  	v1 =	vadd.f32 v23, v1;
	v2 =	vadd.f32 v21, v2;
	v21 =	vld [tilespmem:s16+$0xE000]  }
0x288: {  	v11 =	vadd.f32 v16, v11;
	v23 =	vld [tilespmem:s16+$0xE010]  }
0x289: {  	v1 =	vadd.f32 v24, v1;
	v16 =	vld [tilespmem:s16+$0xE020];
	v12 =	vadd.f32 v22, v12  }
0x28a: {  	v15 =	vadd.f32 v11, v15;
	v22 =	vld [tilespmem:s16+$0xE030];
	[tilespmem:s3+$0x2000] =	vst v11;
	v11 =	vmul.f32 v11, v11  }
0x28b: {  	v24 =	vld [tilespmem:s16+$0x2040];
	[tilespmem:s3+$0x2010] =	vst v12;
	v25 =	vmul.f32 v12, v12;
	v0 =	vadd.f32 v0, v13  }
0x28c: {  	v12 =	vadd.f32 v12, v15;
	v13 =	vadd.f32 v21, v20;
	v20 =	vld [tilespmem:s16+$0xE040]  }
0x28d: {  	v11 =	vadd.f32 v11, v14;
	v26 =	vadd.f32 v23, v19;
	v19 =	vld [tilespmem:s16+$0x2050];
	v21, _, _ =	vpop (xrf2);
	[tilespmem:s3+$0x2020] =	vst v0;
	v14 =	vmul.f32 v0, v0  }
0x28e: {  	[tilespmem:s16+$0x2000] =	vst v13;
	v2 =	vadd.f32 v13, v2;
	v13 =	vmul.f32 v13, v13;
	v16 =	vadd.f32 v16, v18;
	v18 =	vld [tilespmem:s16+$0xE050]  }
0x28f: {  	v0 =	vadd.f32 v0, v12;
	[tilespmem:s16+$0x2010] =	vst v26;
	v23 =	vmul.f32 v26, v26;
	v17 =	vadd.f32 v22, v17;
	v22 =	vld [tilespmem:s16+$0x2060]  }
0x290: {  	v1 =	vadd.f32 v13, v1;
	v2 =	vadd.f32 v26, v2;
	[tilespmem:s16+$0x2020] =	vst v16;
	v12 =	vmul.f32 v16, v16;
	v13 =	vld [tilespmem:s16+$0xE060];
	v15, _, _ =	vpop (xrf2)  }
0x291: {  	[tilespmem:s16+$0x2030] =	vst v17;
	v26 =	vmul.f32 v17, v17;
	v20 =	vadd.f32 v20, v24;
	v24 =	vld [tilespmem:s16+$0x2070];
	(v2sf) =	vpush v15, $0xF  }
0x292: {  	v2 =	vadd.f32 v16, v2;
	v15 =	vld [tilespmem:s16+$0xE070];
	(v2sf) =	vpush v21, $0xF  }
0x293: {  	v1 =	vadd.f32 v23, v1;
	[tilespmem:s16+$0x2040] =	vst v20;
	v16 =	vmul.f32 v20, v20;
	v18 =	vadd.f32 v18, v19;
	v19 =	vld [tilespmem:s12+$0x2000]  }
0x294: {  	v11 =	vadd.f32 v25, v11;
	v2 =	vadd.f32 v17, v2;
	v17 =	vld [tilespmem:s12+$0x2010]  }
0x295: {  	v1 =	vadd.f32 v12, v1;
	[tilespmem:s16+$0x2050] =	vst v18;
	v12 =	vmul.f32 v18, v18;
	v13 =	vadd.f32 v13, v22;
	v21 =	vld [tilespmem:s3+$0x2030]  }
0x296: {  	v11 =	vadd.f32 v14, v11;
	v2 =	vadd.f32 v20, v2;
	v20 =	vld [tilespmem:s12+$0x2020]  }
0x297: {  	v1 =	vadd.f32 v26, v1;
	[tilespmem:s16+$0x2060] =	vst v13;
	v14 =	vmul.f32 v13, v13;
	v15 =	vadd.f32 v15, v24;
	v22 =	vld [tilespmem:s3+$0xE030]  }
0x298: {  	v2 =	vadd.f32 v18, v2;
	v18 =	vld [tilespmem:s12+$0x2030]  }
0x299: {  	v1 =	vadd.f32 v16, v1;
	[tilespmem:s16+$0x2070] =	vst v15;
	v16 =	vmul.f32 v15, v15;
	v23 =	vld [tilespmem:s3+$0x2040]  }
0x29a: {  	v2 =	vadd.f32 v13, v2;
	v13 =	vld [tilespmem:s12+$0xE000]  }
0x29b: {  	v1 =	vadd.f32 v12, v1;
	v12 =	vld [tilespmem:s12+$0xE010]  }
0x29c: {  	v2 =	vadd.f32 v15, v2;
	v15 =	vld [tilespmem:s12+$0xE020];
	v21 =	vadd.f32 v22, v21  }
0x29d: {  	v1 =	vadd.f32 v14, v1;
	v14 =	vld [tilespmem:s12+$0xE030]  }
0x29e: {  	v22 =	vld [tilespmem:s12+$0x2040];
	[tilespmem:s3+$0x2030] =	vst v21;
	v0 =	vadd.f32 v21, v0;
	v21 =	vmul.f32 v21, v21  }
0x29f: {  	v1 =	vadd.f32 v16, v1;
	v13 =	vadd.f32 v13, v19;
	v16 =	vld [tilespmem:s12+$0xE040]  }
0x2a0: {  	v12 =	vadd.f32 v12, v17;
	v17 =	vld [tilespmem:s12+$0x2050];
	s15 =	spop (v2sf);
	v11 =	vadd.f32 v21, v11  }
0x2a1: {  	[tilespmem:s12+$0x2000] =	vst v13;
	v2 =	vadd.f32 v13, v2;
	v13 =	vmul.f32 v13, v13;
	v15 =	vadd.f32 v15, v20;
	v19 =	vld [tilespmem:s12+$0xE050];
	s16 =	smul.f32 $1.302083370e-03, s15;
	s15 =	spop (v2sf)  }
0x2a2: {  	[tilespmem:s12+$0x2010] =	vst v12;
	v20 =	vmul.f32 v12, v12;
	v14 =	vadd.f32 v14, v18;
	v18 =	vld [tilespmem:s12+$0x2060];
	s15 =	smul.f32 $1.302083370e-03, s15  }
0x2a3: {  	v1 =	vadd.f32 v13, v1;
	v2 =	vadd.f32 v12, v2;
	[tilespmem:s12+$0x2020] =	vst v15;
	v12 =	vmul.f32 v15, v15;
	v13 =	vld [tilespmem:s12+$0xE060];
	s17 =	smul.f32 s16, s16  }
0x2a4: {  	[tilespmem:s12+$0x2030] =	vst v14;
	v21 =	vmul.f32 v14, v14;
	v16 =	vadd.f32 v16, v22;
	v22 =	vld [tilespmem:s12+$0x2070]  }
0x2a5: {  	v1 =	vadd.f32 v20, v1;
	v2 =	vadd.f32 v15, v2;
	v15 =	vld [tilespmem:s12+$0xE070];
	s15 =	ssub.f32 s15, s17  }
0x2a6: {  	[tilespmem:s12+$0x2040] =	vst v16;
	v20 =	vmul.f32 v16, v16;
	v17 =	vadd.f32 v19, v17;
	v19 =	vld [tilespmem:s10+$0x2000]  }
0x2a7: {  	v1 =	vadd.f32 v12, v1;
	v2 =	vadd.f32 v14, v2;
	v12 =	vld [tilespmem:s10+$0x2010];
	s15 =	sadd.f32 $9.999999740e-06, s15  }
0x2a8: {  	[tilespmem:s12+$0x2050] =	vst v17;
	v14 =	vmul.f32 v17, v17;
	v13 =	vadd.f32 v13, v18;
	v18 =	vld [tilespmem:s3+$0xE040]  }
0x2a9: {  	v1 =	vadd.f32 v21, v1;
	v2 =	vadd.f32 v16, v2;
	v21 =	vld [tilespmem:s10+$0x2020];
	s17 =	sshra.s32 s15, $0x1;
	s15 =	smul.f32 $5.000000000e-01, s15  }
0x2aa: {  	[tilespmem:s12+$0x2060] =	vst v13;
	v16 =	vmul.f32 v13, v13;
	v15 =	vadd.f32 v15, v22;
	s17 =	ssub.s32 $0x5F3759DF, s17;
	v22 =	vld [tilespmem:s3+$0x2050]  }
0x2ab: {  	v1 =	vadd.f32 v20, v1;
	v2 =	vadd.f32 v17, v2;
	v17 =	vld [tilespmem:s10+$0x2030];
	s24 =	smul.f32 s17, s15  }
0x2ac: {  	[tilespmem:s12+$0x2070] =	vst v15;
	v20 =	vmul.f32 v15, v15;
	v24 =	vld [tilespmem:s3+$0xE050]  }
0x2ad: {  	v1 =	vadd.f32 v14, v1;
	v2 =	vadd.f32 v13, v2;
	v13 =	vld [tilespmem:s10+$0xE000];
	s12 =	smul.f32 s17, s24  }
0x2ae: {  	v18 =	vadd.f32 v18, v23;
	v14 =	vld [tilespmem:s10+$0xE010]  }
0x2af: {  	v1 =	vadd.f32 v16, v1;
	v2 =	vadd.f32 v15, v2;
	v15 =	vld [tilespmem:s10+$0xE020];
	s12 =	ssub.f32 $1.500000000e+00, s12  }
0x2b0: {  	v0 =	vadd.f32 v18, v0;
	v16 =	vmul.f32 v18, v18;
	v23 =	vld [tilespmem:s10+$0xE030];
	[tilespmem:s3+$0x2040] =	vst v18  }
0x2b1: {  	v1 =	vadd.f32 v20, v1;
	v25 =	vld [tilespmem:s10+$0x2040];
	s24 =	smul.f32 s17, s12;
	v18 =	vadd.f32 v24, v22  }
0x2b2: {  	v13 =	vadd.f32 v13, v19;
	v22 =	vld [tilespmem:s10+$0xE040];
	v19 =	vadd.f32 v16, v11  }
0x2b3: {  	v20 =	vadd.f32 v14, v12;
	v11 =	vld [tilespmem:s10+$0x2050];
	s12 =	smul.f32 s24, s15;
	[tilespmem:s3+$0x2050] =	vst v18;
	v16 =	vadd.f32 v18, v0;
	v0 =	vmul.f32 v18, v18  }
.Ltmp0:
0x2b4: {  	[tilespmem:s10+$0x2000] =	vst v13;
	v2 =	vadd.f32 v13, v2;
	v18 =	vmul.f32 v13, v13;
	v24 =	vadd.f32 v15, v21;
	v14 =	vld [tilespmem:s10+$0xE050];
	(pc) =	sbr.rel @p0 .LBB2_3-.Ltmp0, $4  }
0x2b5: {  	[tilespmem:s10+$0x2010] =	vst v20;
	v26 =	vmul.f32 v20, v20;
	v12 =	vadd.f32 v23, v17;
	v13 =	vld [tilespmem:s10+$0x2060];
	s12 =	smul.f32 s12, s24;
	v17 =	vadd.f32 v0, v19  }
0x2b6: {  	v0 =	vadd.f32 v18, v1;
	v1 =	vadd.f32 v20, v2;
	[tilespmem:s10+$0x2020] =	vst v24;
	v19 =	vmul.f32 v24, v24;
	v20 =	vld [tilespmem:s10+$0xE060]  }
0x2b7: {  	[tilespmem:s10+$0x2030] =	vst v12;
	v18 =	vmul.f32 v12, v12;
	v15 =	vadd.f32 v22, v25;
	v21 =	vld [tilespmem:s10+$0x2070];
	s12 =	ssub.f32 $1.500000000e+00, s12  }
0x2b8: {  	v22 =	vadd.f32 v26, v0;
	v23 =	vadd.f32 v24, v1;
	v24 =	vld [tilespmem:s10+$0xE070]  }
0x2b9: {  	_ =	sdelay $0x1  }
0x2ba: {  	[tilespmem:s10+$0x2040] =	vst v15;
	v0 =	vadd.f32 v14, v11  }
0x2bb: {  	v1 =	vld [tilespmem:s14+$0x2000];
	v11 =	vadd.f32 v20, v13  }
0x2bc: {  	v2 =	vld [tilespmem:s14+$0x2010];
	[tilespmem:s10+$0x2050] =	vst v0;
	v14 =	vadd.f32 v24, v21  }
0x2bd: {  	v13 =	vld [tilespmem:s14+$0x2020];
	[tilespmem:s10+$0x2060] =	vst v11  }
0x2be: {  	v12 =	vadd.f32 v12, v23;
	v23 =	vld [tilespmem:s3+$0x2060];
	[tilespmem:s10+$0x2070] =	vst v14  }
0x2bf: {  	v19 =	vadd.f32 v19, v22;
	v20 =	vld [tilespmem:s14+$0xE000]  }
0x2c0: {  	v21 =	vld [tilespmem:s14+$0xE010]  }
0x2c1: {  	v12 =	vadd.f32 v15, v12;
	v15 =	vmul.f32 v15, v15;
	v18 =	vadd.f32 v18, v19;
	v24 =	vld [tilespmem:s14+$0xE020]  }
0x2c2: {  	v19 =	vld [tilespmem:s14+$0xE040]  }
0x2c3: {  	v12 =	vadd.f32 v0, v12;
	v15 =	vadd.f32 v15, v18;
	v18 =	vld [tilespmem:s14+$0x2050]  }
0x2c4: {  	v0 =	vmul.f32 v0, v0;
	v1 =	vadd.f32 v20, v1;
	v20 =	vld [tilespmem:s14+$0x2030]  }
0x2c5: {  	v12 =	vadd.f32 v11, v12;
	v2 =	vadd.f32 v21, v2;
	v21 =	vld [tilespmem:s14+$0xE030]  }
0x2c6: {  	v11 =	vmul.f32 v11, v11;
	v0 =	vadd.f32 v0, v15;
	v15 =	vld [tilespmem:s3+$0xE060]  }
0x2c7: {  	v22 =	vld [tilespmem:s14+$0xE050];
	v12 =	vadd.f32 v14, v12  }
0x2c8: {  	v14 =	vmul.f32 v14, v14;
	v0 =	vadd.f32 v11, v0;
	v11 =	vld [tilespmem:s3+$0xE070]  }
0x2c9: {  	v13 =	vadd.f32 v24, v13;
	v24 =	vld [tilespmem:s3+$0x2070];
	v12 =	vadd.f32 v1, v12  }
0x2ca: {  	v0 =	vadd.f32 v14, v0;
	[tilespmem:s14+$0x2000] =	vst v1;
	v1 =	vmul.f32 v1, v1;
	v20 =	vadd.f32 v21, v20;
	v21 =	vld [tilespmem:s14+$0x2040]  }
0x2cb: {  	v45 =	vadd.f32 v15, v23;
	v12 =	vadd.f32 v2, v12  }
0x2cc: {  	v14 =	vadd.f32 v22, v18;
	[tilespmem:s14+$0x2010] =	vst v2;
	v2 =	vmul.f32 v2, v2;
	v0 =	vadd.f32 v1, v0  }
0x2cd: {  	v46 =	vld [tilespmem:s14+$0xE060];
	v16 =	vadd.f32 v45, v16;
	v12 =	vadd.f32 v13, v12  }
0x2ce: {  	v15 =	vld [tilespmem:s14+$0x2060];
	[tilespmem:s14+$0x2020] =	vst v13;
	v11 =	vadd.f32 v11, v24;
	v13 =	vmul.f32 v13, v13;
	v0 =	vadd.f32 v2, v0  }
0x2cf: {  	v18 =	vld [tilespmem:s14+$0x2070];
	v12 =	vadd.f32 v20, v12;
	v19 =	vadd.f32 v19, v21  }
0x2d0: {  	[tilespmem:s14+$0x2030] =	vst v20;
	v0 =	vadd.f32 v13, v0;
	v13 =	vmul.f32 v20, v20;
	v20 =	vld [tilespmem:s14+$0xE070];
	v21 =	vmul.f32 v45, v45  }
0x2d1: {  	v22 =	vmul.f32 v11, v11;
	v16 =	vadd.f32 v11, v16;
	v12 =	vadd.f32 v19, v12  }
0x2d2: {  	v0 =	vadd.f32 v13, v0;
	v17 =	vadd.f32 v21, v17;
	v13 =	vmul.f32 v19, v19  }
0x2d3: {  	v2 =	vadd.f32 v46, v15;
	(xrf2) =	vadd.scan.msk.f32 $0xffff, v16;
	v12 =	vadd.f32 v14, v12  }
0x2d4: {  	v15 =	vadd.f32 v22, v17;
	v0 =	vadd.f32 v13, v0;
	v13 =	vmul.f32 v14, v14  }
0x2d5: {  	[tilespmem:s14+$0x2050] =	vst v14;
	v14 =	vadd.f32 v20, v18;
	v12 =	vadd.f32 v2, v12  }
0x2d6: {  	(xrf2) =	vadd.scan.msk.f32 $0xffff, v15;
	v0 =	vadd.f32 v13, v0;
	v13 =	vmul.f32 v2, v2  }
0x2d7: {  	v12 =	vadd.f32 v14, v12  }
0x2d8: {  	v15 =	vmul.f32 v14, v14;
	v0 =	vadd.f32 v13, v0  }
0x2d9: {  	(xrf2) =	vadd.scan.msk.f32 $0xffff, v12  }
0x2da: {  	v0 =	vadd.f32 v15, v0;
	_ =	sdelay $0x1  }
0x2db: {  	(xrf2) =	vadd.scan.msk.f32 $0xffff, v0  }
0x2dc: {  	v47, _, _ =	vpop (xrf2)  }
0x2dd: {  	(v2sf) =	vpush v47, $0xF;
	_ =	sdelay $0x1  }
0x2de: {  	v48, _, _ =	vpop (xrf2)  }
0x2df: {  	(v2sf) =	vpush v48, $0xF;
	_ =	sdelay $0x1  }
0x2e0: {  	v49, _, _ =	vpop (xrf2)  }
0x2e1: {  	(v2sf) =	vpush v49, $0xF;
	_ =	sdelay $0x1  }
0x2e2: {  	v50, _, _ =	vpop (xrf2)  }
0x2e3: {  	(v2sf) =	vpush v50, $0xF;
	_ =	sdelay $0x5  }
0x2e4: {  	s5 =	spop (v2sf)  }
0x2e5: {  	s10 =	smul.f32 $1.302083370e-03, s5;
	_ =	sdelay $0x1  }
0x2e6: {  	s17 =	smul.f32 s10, s10;
	s25 =	spop (v2sf)  }
0x2e7: {  	s5 =	smul.f32 $1.302083370e-03, s25;
	_ =	sdelay $0x1  }
0x2e8: {  	s17 =	ssub.f32 s5, s17;
	s26 =	spop (v2sf)  }
0x2e9: {  	s5 =	smul.f32 $1.302083370e-03, s26  }
0x2ea: {  	s17 =	sadd.f32 $9.999999740e-06, s17  }
0x2eb: {  	s25 =	spop (v2sf);
	s23 =	smul.f32 s5, s5  }
0x2ec: {  	s25 =	smul.f32 $1.302083370e-03, s25  }
0x2ed: {  	s26 =	sshra.s32 s17, $0x1;
	s17 =	smul.f32 $5.000000000e-01, s17  }
0x2ee: {  	s26 =	ssub.s32 $0x5F3759DF, s26;
	s23 =	ssub.f32 s25, s23  }
0x2ef: {  	s28 =	smul.f32 s26, s17  }
0x2f0: {  	s12 =	smul.f32 s12, s24;
	s23 =	sadd.f32 $9.999999740e-06, s23  }
0x2f1: {  	s25 =	smul.f32 s26, s28  }
0x2f2: {  	s28 =	sshra.s32 s23, $0x1;
	s23 =	smul.f32 $5.000000000e-01, s23  }
0x2f3: {  	s15 =	smul.f32 s12, s15;
	s29 =	ssub.f32 $1.500000000e+00, s25;
	s25 =	ssub.s32 $0x5F3759DF, s28  }
0x2f4: {  	s28 =	smul.f32 s25, s23  }
0x2f5: {  	s24 =	smul.f32 s26, s29  }
0x2f6: {  	s26 =	smul.f32 s25, s28;
	_ =	sdelay $0x1  }
0x2f7: {  	s15 =	smul.f32 s15, s12;
	s26 =	ssub.f32 $1.500000000e+00, s26  }
0x2f8: {  	s29 =	smul.f32 s24, s17  }
0x2f9: {  	s25 =	smul.f32 s25, s26  }
0x2fa: {  	s28 =	smul.f32 s29, s24  }
0x2fb: {  	s29 =	smul.f32 s25, s23  }
0x2fc: {  	[tilespmem:s22+$0x2000] =	vst v3;
	s26 =	ssub.f32 $1.500000000e+00, s28  }
0x2fd: {  	[tilespmem:s22+$0x2010] =	vst v4;
	s15 =	ssub.f32 $1.500000000e+00, s15;
	s28 =	smul.f32 s29, s25  }
0x2fe: {  	[tilespmem:s22+$0x2020] =	vst v5;
	s24 =	smul.f32 s26, s24  }
0x2ff: {  	[tilespmem:s22+$0x2030] =	vst v6;
	s12 =	smul.f32 s15, s12;
	s29 =	ssub.f32 $1.500000000e+00, s28  }
0x300: {  	[tilespmem:s22+$0x2040] =	vst v7;
	s17 =	smul.f32 s24, s17  }
0x301: {  	[tilespmem:s22+$0x2050] =	vst v8;
	s15 =	smul.f32 s29, s25  }
0x302: {  	[tilespmem:s22+$0x2060] =	vst v9;
	s17 =	smul.f32 s17, s24  }
0x303: {  	[tilespmem:s22+$0x2070] =	vst v10;
	s23 =	smul.f32 s15, s23  }
0x304: {  	[tilespmem:s3+$0x2060] =	vst v45;
	s17 =	ssub.f32 $1.500000000e+00, s17  }
0x305: {  	s16 =	ssub.f32 $0.0e+00, s16;
	[tilespmem:s3+$0x2070] =	vst v11;
	s29 =	sadd.s32 $0x100, s19;
	s19 =	smul.f32 s23, s15  }
0x306: {  	[tilespmem:s14+$0x2060] =	vst v2;
	s10 =	ssub.f32 $0.0e+00, s10;
	s26 =	smul.f32 s17, s24  }
0x307: {  	s16 =	smul.f32 s12, s16;
	[tilespmem:s14+$0x2040] =	vst v19;
	s28 =	sadd.s32 $0x100, s18;
	s18 =	ssub.f32 $1.500000000e+00, s19  }
0x308: {  	v51 =	vmov s12;
	[tilespmem:s14+$0x2070] =	vst v14;
	s10 =	smul.f32 s26, s10  }
0x309: {  	v52 =	vmov s16;
	s22 =	ssub.f32 $0.0e+00, s5;
	[tilespmem:s28+$0x0] =	vst v51;
	s23 =	smul.f32 s18, s15  }
0x30a: {  	[tilespmem:s29+$0x0] =	vst v52;
	v53 =	vmov s26  }
0x30b: {  	[tilespmem:s21+$0xFFFFFF80] =	vst v53;
	v54 =	vmov s10;
	s3 =	smul.f32 s23, s22  }
0x30c: {  	[tilespmem:s20+$0xFFFFFF80] =	vst v54;
	v55 =	vmov s23  }
0x30d: {  	[tilespmem:s28+$0xFFFFFF80] =	vst v55;
	v56 =	vmov s3  }
0x30e: {  	[tilespmem:s29+$0xFFFFFF80] =	vst v56  }
0x30f: {  	v10 =	vld [tilespmem:$0x1A000]  }
0x310: {  	v21 =	vld [tilespmem:$0x1A010]  }
0x311: {  	v24 =	vld [tilespmem:$0x1A020]  }
0x312: {  	v0 =	vld [tilespmem:$0x1A030]  }
0x313: {  	v19 =	vld [tilespmem:$0x1A040]  }
0x314: {  	v34 =	vld [tilespmem:$0x1A050]  }
0x315: {  	v11 =	vld [tilespmem:$0x1A060]  }
0x316: {  	v33 =	vld [tilespmem:$0x1A070]  }
0x317: {  	v17 =	vld [tilespmem:$0x1A080]  }
0x318: {  	v28 =	vld [tilespmem:$0x1A090]  }
0x319: {  	v9 =	vld [tilespmem:$0x1A0A0]  }
0x31a: {  	v23 =	vld [tilespmem:$0x1A0B0]  }
0x31b: {  	v8 =	vld [tilespmem:$0x1A0C0]  }
0x31c: {  	v12 =	vld [tilespmem:$0x1A0D0]  }
0x31d: {  	v7 =	vld [tilespmem:$0x1A0E0]  }
0x31e: {  	v5 =	vld [tilespmem:$0x1A0F0]  }
0x31f: {  	v13 =	vld [tilespmem:$0x1A300]  }
0x320: {  	v25 =	vld [tilespmem:$0x1A310]  }
0x321: {  	v26 =	vld [tilespmem:$0x1A320]  }
0x322: {  	v4 =	vld [tilespmem:$0x1A330]  }
0x323: {  	v22 =	vld [tilespmem:$0x1A340]  }
0x324: {  	v6 =	vld [tilespmem:$0x1A350]  }
0x325: {  	v16 =	vld [tilespmem:$0x1A360]  }
0x326: {  	v35 =	vld [tilespmem:$0x1A370]  }
0x327: {  	v20 =	vld [tilespmem:$0x1A380]  }
0x328: {  	v32 =	vld [tilespmem:$0x1A390]  }
0x329: {  	s24 =	sadd.s32 $0x0, s0;
	v15 =	vld [tilespmem:$0x1A3A0]  }
0x32a: {  	s3 =	sshrl.u32 s24, $0x3;
	v27 =	vld [tilespmem:$0x1A3B0]  }
0x32b: {  	s10 =	simm.s32 $0x1AE80;
	s3 =	smul.u32 $0x6000, s3;
	v14 =	vld [tilespmem:$0x1A3C0];
	[tilespmem:$0x1FF30] =	vst v0  }
0x32c: {  	v38 =	vld [tilespmem:s10+$0xFFFFFF80]  }
0x32d: {  	s12 =	simm.s32 $0x1A680;
	s25 =	simm.s32 $0x80;
	s3 =	sshra.s32 s3, $0x2;
	v30 =	vld [tilespmem:s10+$0x0]  }
0x32e: {  	s28 =	sand.u32 $0x380, s25;
	s26 =	sadd.s32 $0x2000, s3;
	v31 =	vld [tilespmem:s12+$0x0]  }
0x32f: {  	s3 =	sor.u32 s28, s26;
	v43 =	vld [tilespmem:s12+$0xFFFFFF80]  }
0x330: {  	v2 =	vld [tilespmem:s3+$0x60]  }
0x331: {  	v36 =	vld [tilespmem:s3+$0x20]  }
0x332: {  	s29 =	simm.s32 $0x0;
	v37 =	vld [tilespmem:s3+$0x10]  }
0x333: {  	s5 =	sand.u32 $0x300, s29;
	v29 =	vld [tilespmem:s3+$0x0]  }
0x334: {  	s5 =	sor.u32 s5, s26;
	v39 =	vld [tilespmem:s3+$0x470]  }
0x335: {  	v40 =	vld [tilespmem:s5+$0x450]  }
0x336: {  	v41 =	vld [tilespmem:s3+$0x460]  }
0x337: {  	v42 =	vld [tilespmem:s5+$0x460]  }
0x338: {  	v45 =	vld [tilespmem:s5+$0x30]  }
0x339: {  	v46 =	vld [tilespmem:s5+$0x400]  }
0x33a: {  	v48 =	vld [tilespmem:s3+$0x430]  }
0x33b: {  	v49 =	vld [tilespmem:s5+$0x40];
	v2 =	vmul.f32 v2, v31  }
0x33c: {  	v60 =	vld [tilespmem:s5+$0x50];
	v39 =	vmul.f32 v39, v31;
	v40 =	vmul.f32 v40, v43  }
0x33d: {  	v44 =	vld [tilespmem:s5+$0x410];
	v52 =	vmul.f32 v41, v31;
	v57 =	vmul.f32 v29, v31  }
0x33e: {  	v0 =	vld [tilespmem:s3+$0x40];
	v58 =	vmul.f32 v42, v43;
	v37 =	vmul.f32 v37, v31  }
0x33f: {  	v1 =	vld [tilespmem:s3+$0x400];
	v59 =	vmul.f32 v45, v43;
	v46 =	vmul.f32 v46, v43  }
0x340: {  	v47 =	vld [tilespmem:s5+$0x0];
	v36 =	vmul.f32 v36, v31;
	v48 =	vmul.f32 v48, v31  }
0x341: {  	v54 =	vld [tilespmem:s3+$0x30];
	v45 =	vmul.f32 v60, v43;
	v49 =	vmul.f32 v49, v43;
	v29 =	vadd.f32 v39, v30  }
0x342: {  	v18 =	vld [tilespmem:$0x1A3D0];
	v44 =	vmul.f32 v44, v43;
	v39 =	vadd.f32 v40, v38;
	v50 =	vadd.f32 v57, v30  }
0x343: {  	v51 =	vld [tilespmem:s5+$0x470];
	v0 =	vmul.f32 v0, v31;
	v40 =	vadd.f32 v58, v38;
	v41 =	vadd.f32 v59, v38  }
0x344: {  	v53 =	vld [tilespmem:s5+$0x440];
	v1 =	vmul.f32 v1, v31;
	v37 =	vadd.f32 v37, v30;
	v42 =	vadd.f32 v46, v38  }
0x345: {  	v55 =	vld [tilespmem:s3+$0x50];
	v36 =	vadd.f32 v36, v30;
	v46 =	vmul.f32 v47, v43;
	v48 =	vadd.f32 v48, v30  }
0x346: {  	v63 =	vld [tilespmem:s5+$0x20];
	v60 =	vadd.f32 v45, v38;
	v59 =	vadd.f32 v44, v38;
	v44 =	vmul.f32 v54, v31  }
0x347: {  	v57 =	vld [tilespmem:s3+$0x70];
	v49 =	vadd.f32 v49, v38;
	v0 =	vadd.f32 v0, v30;
	v50 =	vmul.f32 v50, v10  }
0x348: {  	v3 =	vld [tilespmem:s3+$0x450];
	v2 =	vadd.f32 v2, v30;
	v1 =	vadd.f32 v1, v30;
	v61 =	vmul.f32 v37, v21  }
0x349: {  	v54 =	vld [tilespmem:s5+$0x70];
	v56 =	vmul.f32 v36, v24;
	v59 =	vmul.f32 v59, v28;
	v47 =	vadd.f32 v50, v13  }
0x34a: {  	v37 =	vld [tilespmem:$0x1A3E0];
	v0 =	vmul.f32 v0, v19;
	v2 =	vmul.f32 v2, v11;
	v58 =	vadd.f32 v61, v25  }
0x34b: {  	v36 =	vld [tilespmem:$0x1A3F0];
	v1 =	vmul.f32 v1, v17;
	v50 =	vmul.f32 v51, v43;
	v62 =	vadd.f32 v56, v26;
	[tilespmem:s3+$0x0] =	vst v47  }
0x34c: {  	v45 =	vadd.f32 v52, v30;
	v47 =	vmul.f32 v55, v31;
	[tilespmem:s3+$0x10] =	vst v58;
	v58 =	vmul.f32 v57, v31  }
0x34d: {  	v51 =	vmul.f32 v53, v43;
	v0 =	vadd.f32 v0, v22;
	v61 =	vadd.f32 v2, v16;
	[tilespmem:s3+$0x20] =	vst v62;
	v62 =	vld [tilespmem:s5+$0x430]  }
0x34e: {  	v2 =	vmul.f32 v54, v43;
	v53 =	vadd.f32 v58, v30;
	v47 =	vadd.f32 v47, v30  }
0x34f: {  	v52 =	vld [tilespmem:s5+$0x60];
	v56 =	vadd.f32 v59, v32;
	v55 =	vmul.f32 v63, v43;
	[tilespmem:s3+$0x60] =	vst v61;
	v61 =	vmul.f32 v3, v31  }
0x350: {  	v59 =	vadd.f32 v1, v20;
	v57 =	vld [tilespmem:s3+$0x410];
	v53 =	vmul.f32 v53, v33;
	v63 =	vmul.f32 v47, v34  }
0x351: {  	[tilespmem:s5+$0x410] =	vst v56;
	v56 =	vld [tilespmem:s5+$0x10];
	v58 =	vadd.f32 v55, v38;
	v47 =	vmul.f32 v60, v34;
	v60 =	vadd.f32 v2, v38  }
0x352: {  	s14 =	simm.s32 $0x0;
	s15 =	simm.s32 $0x180;
	[tilespmem:s3+$0x40] =	vst v0;
	v62 =	vmul.f32 v62, v43;
	v54 =	vadd.f32 v53, v35;
	v55 =	vadd.f32 v63, v6;
	v53 =	vld [tilespmem:s3+$0x420]  }
.LBB2_5:
0x353: {  	v1 =	vadd.f32 v50, v38  }
0x354: {  	s14 =	sadd.s32 $0x2, s14;
	v51 =	vadd.f32 v51, v38;
	v49 =	vmul.f32 v49, v19;
	v48 =	vmul.f32 v48, v23  }
0x355: {  	v46 =	vadd.f32 v46, v38;
	v42 =	vmul.f32 v42, v17;
	v0 =	vmul.f32 v58, v24;
	[tilespmem:s3+$0x400] =	vst v59;
	s16 =	sadd.s32 s0, s14  }
0x356: {  	s10 =	sadd.s32 $0x100, s10;
	v63 =	vadd.f32 v62, v38;
	[tilespmem:s3+$0x70] =	vst v54;
	v60 =	vmul.f32 v60, v33;
	v62 =	vadd.f32 v61, v30;
	v58 =	vld [tilespmem:s3+$0x440];
	s16 =	sshrl.u32 s16, $0x3  }
0x357: {  	s12 =	sadd.s32 $0x100, s12;
	[tilespmem:s3+$0x50] =	vst v55;
	v59 =	vld [tilespmem:s10+$0xFFFFFF80];
	v40 =	vmul.f32 v40, v7;
	v47 =	vadd.f32 v47, v6;
	v49 =	vadd.f32 v49, v22;
	s16 =	smul.u32 $0x6000, s16  }
0x358: {  	v61 =	vld [tilespmem:s12+$0x0];
	v54 =	vadd.f32 v60, v35;
	v50 =	vmul.f32 v52, v43;
	v52 =	vmul.f32 v63, v23  }
0x359: {  	s17 =	sadd.s32 $0xFFFFFF80, s15;
	v1 =	vmul.f32 v1, v5;
	v48 =	vadd.f32 v48, v27;
	v55 =	vmul.f32 v62, v12;
	v60 =	vld [tilespmem:s10+$0x0];
	s16 =	sshra.s32 s16, $0x2  }
0x35a: {  	s19 =	sand.u32 $0x380, s15;
	s17 =	sand.u32 $0x300, s17;
	v2 =	vmul.f32 v57, v31;
	v57 =	vld [tilespmem:s5+$0x420];
	[tilespmem:s5+$0x70] =	vst v54;
	v54 =	vmul.f32 v51, v8;
	v52 =	vadd.f32 v52, v27;
	s16 =	sadd.s32 $0x2000, s16  }
0x35b: {  	v42 =	vadd.f32 v42, v20;
	v56 =	vmul.f32 v56, v43;
	v55 =	vadd.f32 v55, v18;
	v51 =	vld [tilespmem:s12+$0xFFFFFF80];
	s18 =	sor.u32 s17, s16;
	s16 =	sor.u32 s19, s16  }
0x35c: {  	v53 =	vmul.f32 v53, v31;
	v2 =	vadd.f32 v2, v30;
	v54 =	vadd.f32 v54, v14;
	[tilespmem:s5+$0x430] =	vst v52;
	v52 =	vld [tilespmem:s16+$0x400]  }
0x35d: {  	v0 =	vadd.f32 v0, v26;
	v56 =	vadd.f32 v56, v38;
	v3 =	vmul.f32 v58, v31;
	[tilespmem:s3+$0x450] =	vst v55;
	v55 =	vld [tilespmem:s16+$0x60]  }
0x35e: {  	v1 =	vadd.f32 v1, v36;
	v53 =	vadd.f32 v53, v30;
	v2 =	vmul.f32 v2, v28;
	[tilespmem:s5+$0x440] =	vst v54;
	v54 =	vld [tilespmem:s16+$0x20]  }
0x35f: {  	v56 =	vmul.f32 v56, v21;
	[tilespmem:s3+$0x430] =	vst v48;
	v63 =	vmul.f32 v57, v43;
	v57 =	vadd.f32 v3, v30;
	v3 =	vld [tilespmem:$0x1FF30]  }
0x360: {  	v46 =	vmul.f32 v46, v10;
	v50 =	vadd.f32 v50, v38;
	v43 =	vld [tilespmem:s16+$0x460];
	v2 =	vadd.f32 v2, v32  }
0x361: {  	v62 =	vmul.f32 v53, v9;
	v56 =	vadd.f32 v56, v25;
	v48 =	vld [tilespmem:s18+$0x450];
	v63 =	vadd.f32 v63, v38  }
0x362: {  	v31 =	vmov v61;
	v30 =	vadd.f32 v44, v30;
	v44 =	vld [tilespmem:s18+$0x410];
	v61 =	vmul.f32 v57, v8;
	[tilespmem:s3+$0x410] =	vst v2  }
0x363: {  	v57 =	vmul.f32 v39, v12;
	v2 =	vadd.f32 v62, v15;
	[tilespmem:s5+$0x10] =	vst v56;
	v56 =	vld [tilespmem:s16+$0x470];
	v38 =	vmul.f32 v63, v9  }
0x364: {  	[tilespmem:s5+$0x20] =	vst v0;
	v63 =	vadd.f32 v46, v13;
	v55 =	vmul.f32 v55, v31;
	v52 =	vmul.f32 v52, v31  }
0x365: {  	v53 =	vld [tilespmem:s16+$0x40];
	v62 =	vmul.f32 v41, v3;
	[tilespmem:s3+$0x420] =	vst v2;
	v2 =	vadd.f32 v61, v14;
	v30 =	vmul.f32 v30, v3  }
0x366: {  	[tilespmem:s5+$0x40] =	vst v49;
	v41 =	vld [tilespmem:s16+$0x0];
	v61 =	vadd.f32 v40, v37;
	v54 =	vmul.f32 v54, v31;
	v39 =	vmul.f32 v48, v51  }
0x367: {  	v58 =	vld [tilespmem:s16+$0x10];
	[tilespmem:s5+$0x400] =	vst v42;
	v44 =	vmul.f32 v44, v51;
	v0 =	vadd.f32 v62, v4;
	v62 =	vmul.f32 v50, v11  }
0x368: {  	v40 =	vld [tilespmem:s18+$0x460];
	v50 =	vadd.f32 v38, v15;
	[tilespmem:s5+$0x460] =	vst v61;
	v61 =	vmul.f32 v43, v31;
	v49 =	vmul.f32 v56, v31  }
0x369: {  	v56 =	vld [tilespmem:s18+$0x400];
	v39 =	vadd.f32 v39, v59;
	v38 =	vmov v59;
	[tilespmem:s5+$0x30] =	vst v0;
	v46 =	vadd.f32 v62, v16  }
0x36a: {  	v59 =	vld [tilespmem:s16+$0x50];
	v62 =	vmul.f32 v45, v7;
	v0 =	vadd.f32 v57, v18;
	v57 =	vadd.f32 v30, v4;
	v30 =	vmovc v60  }
0x36b: {  	v45 =	vld [tilespmem:s18+$0x30];
	[tilespmem:s5+$0x0] =	vst v63;
	v63 =	vmul.f32 v29, v5;
	v29 =	vadd.f32 v49, v60;
	v41 =	vmul.f32 v41, v31  }
0x36c: {  	v49 =	vmul.f32 v58, v31;
	v55 =	vadd.f32 v55, v30;
	v52 =	vadd.f32 v52, v30;
	[tilespmem:s5+$0x60] =	vst v46;
	v46 =	vld [tilespmem:s16+$0x430]  }
0x36d: {  	[tilespmem:s5+$0x420] =	vst v50;
	v40 =	vmul.f32 v40, v51;
	v42 =	vadd.f32 v62, v37;
	v48 =	vld [tilespmem:s18+$0x0];
	v60 =	vadd.f32 v41, v30  }
0x36e: {  	[tilespmem:s5+$0x450] =	vst v0;
	v43 =	vadd.f32 v63, v36;
	v50 =	vld [tilespmem:s18+$0x50];
	v49 =	vadd.f32 v49, v30;
	v55 =	vmul.f32 v55, v11  }
0x36f: {  	[tilespmem:s3+$0x440] =	vst v2;
	v0 =	vld [tilespmem:s18+$0x40];
	v40 =	vadd.f32 v40, v38;
	v62 =	vmul.f32 v56, v51;
	v63 =	vmul.f32 v60, v10  }
0x370: {  	[tilespmem:s5+$0x50] =	vst v47;
	v56 =	vld [tilespmem:s18+$0x470];
	v60 =	vadd.f32 v54, v30;
	v47 =	vmul.f32 v49, v21;
	v45 =	vmul.f32 v45, v51  }
0x371: {  	[tilespmem:s3+$0x460] =	vst v42;
	v54 =	vld [tilespmem:s16+$0x30];
	v42 =	vadd.f32 v62, v38;
	v62 =	vmul.f32 v53, v31;
	v58 =	vmul.f32 v46, v31  }
0x372: {  	[tilespmem:s3+$0x470] =	vst v43;
	v46 =	vmul.f32 v48, v51;
	v3 =	vadd.f32 v63, v13;
	v2 =	vmul.f32 v60, v24;
	v60 =	vld [tilespmem:s16+$0x70]  }
0x373: {  	v47 =	vadd.f32 v47, v25;
	v41 =	vadd.f32 v45, v38;
	v45 =	vld [tilespmem:s18+$0x440];
	[tilespmem:s5+$0x470] =	vst v1;
	v1 =	vmul.f32 v50, v51  }
0x374: {  	[tilespmem:s3+$0x30] =	vst v57;
	s3 =	smov.u32 s16;
	v0 =	vmul.f32 v0, v51;
	v48 =	vadd.f32 v58, v30;
	v2 =	vadd.f32 v2, v26  }
0x375: {  	s5 =	smov.u32 s18;
	v50 =	vmul.f32 v56, v51;
	v56 =	vadd.f32 v44, v38;
	[tilespmem:s3+$0x10] =	vst v47;
	v47 =	vadd.f32 v62, v30  }
0x376: {  	v57 =	vld [tilespmem:s5+$0x20];
	v58 =	vmul.f32 v52, v17;
	v49 =	vadd.f32 v0, v38;
	v0 =	vmul.f32 v59, v31  }
0x377: {  	v53 =	vld [tilespmem:s5+$0x70];
	v1 =	vadd.f32 v1, v38;
	v44 =	vmul.f32 v54, v31;
	v54 =	vmul.f32 v56, v28  }
0x378: {  	v43 =	vmovc v51;
	v62 =	vld [tilespmem:s5+$0x430];
	v47 =	vmul.f32 v47, v19;
	v63 =	vmul.f32 v60, v31;
	v0 =	vadd.f32 v0, v30  }
0x379: {  	p0 =	slt.u32 s14, $0xE;
	v51 =	vmul.f32 v45, v43;
	v45 =	vadd.f32 v61, v30;
	v61 =	vld [tilespmem:s3+$0x450];
	v54 =	vadd.f32 v54, v32  }
.Ltmp1:
0x37a: {  	[tilespmem:s3+$0x20] =	vst v2;
	v60 =	vadd.f32 v47, v22;
	v47 =	vmul.f32 v1, v34;
	v2 =	vadd.f32 v63, v30;
	(pc) =	sbr.rel @p0 .LBB2_5-.Ltmp1, $4  }
0x37b: {  	[tilespmem:s3+$0x0] =	vst v3;
	v52 =	vld [tilespmem:s5+$0x60];
	v59 =	vadd.f32 v58, v20;
	v56 =	vmul.f32 v57, v43;
	v0 =	vmul.f32 v0, v34  }
0x37c: {  	v57 =	vld [tilespmem:s3+$0x410];
	v63 =	vadd.f32 v55, v16;
	v3 =	vmul.f32 v53, v43;
	[tilespmem:s5+$0x410] =	vst v54;
	v2 =	vmul.f32 v2, v33  }
0x37d: {  	v53 =	vld [tilespmem:s3+$0x420];
	v62 =	vmul.f32 v62, v43;
	[tilespmem:s3+$0x40] =	vst v60;
	v58 =	vadd.f32 v56, v38;
	v55 =	vadd.f32 v0, v6  }
0x37e: {  	s15 =	sadd.s32 $0x100, s15;
	v56 =	vld [tilespmem:s5+$0x10];
	v60 =	vadd.f32 v3, v38;
	[tilespmem:s3+$0x60] =	vst v63;
	v54 =	vadd.f32 v2, v35;
	v61 =	vmul.f32 v61, v31  }
0x37f: {  	_ =	sdelay $0x1  }
0x380: {  	v1 =	vadd.f32 v62, v38;
	v0 =	vmul.f32 v57, v31  }
0x381: {  	v2 =	vmul.f32 v60, v33;
	v3 =	vadd.f32 v61, v30  }
0x382: {  	[tilespmem:s3+$0x400] =	vst v59;
	v61 =	vadd.f32 v51, v38;
	v1 =	vmul.f32 v1, v23;
	v0 =	vadd.f32 v0, v30  }
0x383: {  	[tilespmem:s3+$0x50] =	vst v55;
	v2 =	vadd.f32 v2, v35;
	v3 =	vmul.f32 v3, v12;
	v34 =	vmul.f32 v56, v43  }
0x384: {  	[tilespmem:s3+$0x70] =	vst v54;
	v63 =	vmul.f32 v53, v31;
	v1 =	vadd.f32 v1, v27;
	v0 =	vmul.f32 v0, v28  }
0x385: {  	[tilespmem:s5+$0x70] =	vst v2;
	v2 =	vmul.f32 v61, v8;
	v3 =	vadd.f32 v3, v18;
	v28 =	vadd.f32 v34, v38  }
0x386: {  	v24 =	vmul.f32 v58, v24;
	[tilespmem:s5+$0x430] =	vst v1;
	v1 =	vadd.f32 v63, v30;
	v0 =	vadd.f32 v0, v32  }
0x387: {  	v53 =	vld [tilespmem:s3+$0x440];
	v2 =	vadd.f32 v2, v14;
	[tilespmem:s3+$0x450] =	vst v3;
	v21 =	vmul.f32 v28, v21  }
0x388: {  	v62 =	vld [tilespmem:s5+$0x420];
	v3 =	vadd.f32 v24, v26;
	v1 =	vmul.f32 v1, v9;
	[tilespmem:s3+$0x410] =	vst v0;
	v0 =	vmul.f32 v48, v23  }
0x389: {  	[tilespmem:s5+$0x440] =	vst v2;
	v23 =	vmul.f32 v52, v43;
	v21 =	vadd.f32 v21, v25  }
0x38a: {  	v2 =	vmul.f32 v49, v19;
	[tilespmem:s5+$0x20] =	vst v3;
	v1 =	vadd.f32 v1, v15;
	v0 =	vadd.f32 v0, v27  }
0x38b: {  	v17 =	vmul.f32 v42, v17;
	v3 =	vadd.f32 v23, v38;
	v23 =	vld [tilespmem:$0x1FF30];
	[tilespmem:s5+$0x10] =	vst v21;
	v21 =	vadd.f32 v46, v38  }
0x38c: {  	v2 =	vadd.f32 v2, v22;
	v22 =	vmul.f32 v40, v7;
	[tilespmem:s3+$0x420] =	vst v1;
	v1 =	vmul.f32 v53, v31  }
0x38d: {  	v17 =	vadd.f32 v17, v20;
	[tilespmem:s3+$0x430] =	vst v0;
	v0 =	vmul.f32 v62, v43;
	v10 =	vmul.f32 v21, v10  }
0x38e: {  	[tilespmem:s5+$0x40] =	vst v2;
	v2 =	vmul.f32 v3, v11;
	v3 =	vadd.f32 v22, v37;
	v1 =	vadd.f32 v1, v30  }
0x38f: {  	[tilespmem:s5+$0x400] =	vst v17;
	v11 =	vmul.f32 v39, v12;
	v10 =	vadd.f32 v10, v13  }
0x390: {  	v0 =	vadd.f32 v0, v38;
	v2 =	vadd.f32 v2, v16;
	[tilespmem:s5+$0x460] =	vst v3;
	v1 =	vmul.f32 v1, v8  }
0x391: {  	v3 =	vadd.f32 v11, v18;
	v19 =	vmul.f32 v41, v23;
	[tilespmem:s5+$0x0] =	vst v10  }
0x392: {  	v0 =	vmul.f32 v0, v9;
	[tilespmem:s5+$0x60] =	vst v2;
	v1 =	vadd.f32 v1, v14  }
0x393: {  	[tilespmem:s5+$0x450] =	vst v3;
	v3 =	vadd.f32 v44, v30;
	v19 =	vadd.f32 v19, v4  }
0x394: {  	v7 =	vmul.f32 v45, v7;
	v2 =	vmul.f32 v29, v5;
	v0 =	vadd.f32 v0, v15;
	[tilespmem:s3+$0x440] =	vst v1  }
0x395: {  	v8 =	vadd.f32 v50, v38;
	v1 =	vmul.f32 v3, v23;
	v3 =	vadd.f32 v47, v6;
	[tilespmem:s5+$0x30] =	vst v19  }
0x396: {  	[tilespmem:s5+$0x420] =	vst v0;
	v0 =	vadd.f32 v2, v36  }
0x397: {  	v2 =	vmul.f32 v8, v5;
	v5 =	vadd.f32 v7, v37;
	[tilespmem:s5+$0x50] =	vst v3  }
0x398: {  	v1 =	vadd.f32 v1, v4;
	[tilespmem:s3+$0x470] =	vst v0  }
0x399: {  	v0 =	vadd.f32 v2, v36;
	[tilespmem:s3+$0x460] =	vst v5  }
0x39a: {  	[tilespmem:s3+$0x30] =	vst v1  }
0x39b: {  	[tilespmem:s5+$0x470] =	vst v0  }
0x39c: {  	v19 =	vld [tilespmem:$0x1A100]  }
0x39d: {  	v20 =	vld [tilespmem:$0x1A110]  }
0x39e: {  	v21 =	vld [tilespmem:$0x1A120]  }
0x39f: {  	v22 =	vld [tilespmem:$0x1A130]  }
0x3a0: {  	v23 =	vld [tilespmem:$0x1A140]  }
0x3a1: {  	v24 =	vld [tilespmem:$0x1A150]  }
0x3a2: {  	v25 =	vld [tilespmem:$0x1A160]  }
0x3a3: {  	v26 =	vld [tilespmem:$0x1A170]  }
0x3a4: {  	v18 =	vld [tilespmem:$0x1A180]  }
0x3a5: {  	v15 =	vld [tilespmem:$0x1A190]  }
0x3a6: {  	v8 =	vld [tilespmem:$0x1A1A0]  }
0x3a7: {  	v7 =	vld [tilespmem:$0x1A1B0]  }
0x3a8: {  	v6 =	vld [tilespmem:$0x1A1C0]  }
0x3a9: {  	v5 =	vld [tilespmem:$0x1A1D0]  }
0x3aa: {  	v4 =	vld [tilespmem:$0x1A1E0]  }
0x3ab: {  	v3 =	vld [tilespmem:$0x1A1F0]  }
0x3ac: {  	v27 =	vld [tilespmem:$0x1A400]  }
0x3ad: {  	v28 =	vld [tilespmem:$0x1A410]  }
0x3ae: {  	v29 =	vld [tilespmem:$0x1A420]  }
0x3af: {  	v30 =	vld [tilespmem:$0x1A430]  }
0x3b0: {  	v31 =	vld [tilespmem:$0x1A440]  }
0x3b1: {  	v32 =	vld [tilespmem:$0x1A450]  }
0x3b2: {  	v33 =	vld [tilespmem:$0x1A460]  }
0x3b3: {  	v34 =	vld [tilespmem:$0x1A470]  }
0x3b4: {  	s20 =	sadd.s32 $0x0, s0;
	v17 =	vld [tilespmem:$0x1A480]  }
0x3b5: {  	s3 =	sshrl.u32 s20, $0x3;
	v16 =	vld [tilespmem:$0x1A490]  }
0x3b6: {  	s3 =	smul.u32 $0x6000, s3;
	v14 =	vld [tilespmem:$0x1A4A0]  }
0x3b7: {  	s15 =	simm.s32 $0x1AE80;
	v12 =	vld [tilespmem:$0x1A4B0]  }
0x3b8: {  	s21 =	simm.s32 $0x80;
	s16 =	simm.s32 $0x1A680;
	s12 =	sshra.s32 s3, $0x2;
	v38 =	vld [tilespmem:s15+$0x0]  }
0x3b9: {  	s10 =	sand.u32 $0x380, s21;
	v39 =	vld [tilespmem:s16+$0x0];
	s17 =	sadd.s32 $0x2800, s12  }
0x3ba: {  	v40 =	vld [tilespmem:s16+$0xFFFFFF80];
	s14 =	sor.u32 s10, s17  }
0x3bb: {  	v0 =	vld [tilespmem:s14+$0x0]  }
0x3bc: {  	v1 =	vld [tilespmem:s14+$0x10]  }
0x3bd: {  	v2 =	vld [tilespmem:s14+$0x20]  }
0x3be: {  	v54 =	vld [tilespmem:s14+$0x30]  }
0x3bf: {  	v55 =	vld [tilespmem:s14+$0x40]  }
0x3c0: {  	s22 =	simm.s32 $0x0;
	v56 =	vld [tilespmem:s14+$0x50]  }
0x3c1: {  	s3 =	sand.u32 $0x300, s22;
	v57 =	vld [tilespmem:s14+$0x60]  }
0x3c2: {  	s23 =	sor.u32 s3, s17;
	v58 =	vld [tilespmem:s14+$0x70]  }
0x3c3: {  	v59 =	vld [tilespmem:s23+$0x0]  }
0x3c4: {  	v60 =	vld [tilespmem:s23+$0x10];
	v0 =	vmul.f32 v0, v39  }
0x3c5: {  	v11 =	vld [tilespmem:$0x1A4C0];
	v1 =	vmul.f32 v1, v39;
	v2 =	vmul.f32 v2, v39  }
0x3c6: {  	v9 =	vld [tilespmem:$0x1A4D0];
	v35 =	vmul.f32 v54, v39;
	v36 =	vmul.f32 v55, v39  }
0x3c7: {  	v10 =	vld [tilespmem:$0x1A4E0];
	v37 =	vmul.f32 v56, v39;
	v62 =	vmul.f32 v57, v39;
	v0 =	vadd.f32 v0, v38  }
0x3c8: {  	v13 =	vld [tilespmem:$0x1A4F0];
	v41 =	vmul.f32 v58, v39;
	v59 =	vmul.f32 v59, v40;
	v1 =	vadd.f32 v1, v38  }
0x3c9: {  	s25 =	sadd.s32 $0x2, s0;
	s12 =	sadd.s32 $0x2C00, s12;
	v61 =	vld [tilespmem:s23+$0x30];
	v60 =	vmul.f32 v60, v40;
	v2 =	vadd.f32 v2, v38;
	v0 =	vmul.f32 v0, v19  }
0x3ca: {  	s24 =	sor.u32 s10, s12;
	s10 =	sshrl.u32 s25, $0x3;
	v63 =	vld [tilespmem:s23+$0x40];
	v35 =	vadd.f32 v35, v38;
	v36 =	vadd.f32 v36, v38;
	v1 =	vmul.f32 v1, v20  }
0x3cb: {  	s10 =	smul.u32 $0x6000, s10;
	v55 =	vld [tilespmem:s23+$0x50];
	v37 =	vadd.f32 v37, v38;
	v2 =	vmul.f32 v2, v21;
	v0 =	vadd.f32 v0, v27  }
0x3cc: {  	v41 =	vadd.f32 v41, v38;
	v54 =	vmul.f32 v35, v22;
	v35 =	vld [tilespmem:s15+$0xFFFFFF80];
	v1 =	vadd.f32 v1, v28  }
0x3cd: {  	v44 =	vld [tilespmem:s23+$0x20];
	s26 =	sshra.s32 s10, $0x2;
	s10 =	simm.s32 $0x180;
	v46 =	vadd.f32 v62, v38;
	v37 =	vmul.f32 v37, v24;
	v2 =	vadd.f32 v2, v29;
	[tilespmem:s14+$0x0] =	vst v0  }
0x3ce: {  	s28 =	sadd.s32 $0x2800, s26;
	s18 =	sand.u32 $0x380, s10;
	v57 =	vld [tilespmem:s23+$0x70];
	v36 =	vmul.f32 v36, v23;
	v41 =	vmul.f32 v41, v26;
	v48 =	vadd.f32 v54, v30;
	[tilespmem:s14+$0x10] =	vst v1  }
0x3cf: {  	s20 =	sor.u32 s18, s28;
	v56 =	vld [tilespmem:s23+$0x60];
	v61 =	vmul.f32 v61, v40;
	v46 =	vmul.f32 v46, v25;
	v58 =	vadd.f32 v37, v32;
	[tilespmem:s14+$0x20] =	vst v2  }
0x3d0: {  	v47 =	vld [tilespmem:s20+$0x10];
	v62 =	vmul.f32 v63, v40;
	v41 =	vadd.f32 v41, v34;
	v0 =	vadd.f32 v36, v31;
	[tilespmem:s14+$0x30] =	vst v48  }
0x3d1: {  	v63 =	vmul.f32 v55, v40;
	v1 =	vadd.f32 v46, v33;
	[tilespmem:s14+$0x50] =	vst v58;
	v42 =	vadd.f32 v60, v35;
	v60 =	vld [tilespmem:s20+$0x0]  }
0x3d2: {  	v2 =	vmul.f32 v44, v40;
	[tilespmem:s14+$0x70] =	vst v41;
	v37 =	vadd.f32 v59, v35;
	v43 =	vadd.f32 v61, v35;
	v61 =	vld [tilespmem:s20+$0x30]  }
0x3d3: {  	v48 =	vmul.f32 v57, v40;
	v49 =	vadd.f32 v63, v35;
	v63 =	vld [tilespmem:s20+$0x50];
	[tilespmem:s14+$0x40] =	vst v0  }
0x3d4: {  	v2 =	vadd.f32 v2, v35;
	[tilespmem:s14+$0x60] =	vst v1;
	v1 =	vadd.f32 v62, v35;
	v62 =	vld [tilespmem:s20+$0x40];
	v37 =	vmul.f32 v37, v19  }
0x3d5: {  	v0 =	vmul.f32 v56, v40;
	v42 =	vmul.f32 v42, v20;
	v50 =	vld [tilespmem:s24+$0x70]  }
0x3d6: {  	v36 =	vadd.f32 v48, v35;
	v51 =	vld [tilespmem:s24+$0x0];
	v2 =	vmul.f32 v2, v21;
	v37 =	vadd.f32 v37, v27  }
0x3d7: {  	v53 =	vld [tilespmem:s24+$0x10];
	v0 =	vadd.f32 v0, v35;
	v1 =	vmul.f32 v1, v23;
	v42 =	vadd.f32 v42, v28  }
0x3d8: {  	v54 =	vld [tilespmem:s24+$0x30];
	v36 =	vmul.f32 v36, v26;
	v2 =	vadd.f32 v2, v29;
	[tilespmem:s23+$0x0] =	vst v37  }
0x3d9: {  	v56 =	vld [tilespmem:s24+$0x50];
	v0 =	vmul.f32 v0, v25;
	v1 =	vadd.f32 v1, v31;
	[tilespmem:s23+$0x10] =	vst v42  }
0x3da: {  	s3 =	sor.u32 s3, s12;
	s12 =	simm.s32 $0x1A780;
	v43 =	vmul.f32 v43, v22;
	v41 =	vmul.f32 v49, v24;
	v55 =	vld [tilespmem:s24+$0x40];
	v36 =	vadd.f32 v36, v34;
	[tilespmem:s23+$0x20] =	vst v2  }
0x3db: {  	v37 =	vld [tilespmem:s12+$0x0];
	v0 =	vadd.f32 v0, v33;
	[tilespmem:s23+$0x40] =	vst v1;
	v1 =	vmul.f32 v50, v39  }
0x3dc: {  	s5 =	simm.s32 $0x1AF80;
	v52 =	vadd.f32 v43, v30;
	v41 =	vadd.f32 v41, v32;
	v2 =	vld [tilespmem:s24+$0x20];
	[tilespmem:s23+$0x70] =	vst v36;
	v43 =	vmul.f32 v53, v39  }
0x3dd: {  	v59 =	vmul.f32 v51, v39;
	v36 =	vld [tilespmem:s5+$0x0];
	[tilespmem:s23+$0x60] =	vst v0;
	v0 =	vadd.f32 v1, v38  }
0x3de: {  	[tilespmem:s23+$0x50] =	vst v41;
	v42 =	vmul.f32 v54, v39;
	v41 =	vmul.f32 v56, v39;
	v56 =	vld [tilespmem:s20+$0x20];
	v43 =	vadd.f32 v43, v38  }
0x3df: {  	[tilespmem:s23+$0x30] =	vst v52;
	v44 =	vmul.f32 v55, v39;
	v1 =	vld [tilespmem:s24+$0x60];
	v55 =	vadd.f32 v59, v38;
	v0 =	vmul.f32 v0, v3  }
0x3e0: {  	v42 =	vadd.f32 v42, v38;
	v57 =	vld [tilespmem:s3+$0x0];
	v43 =	vmul.f32 v43, v15;
	v59 =	vmul.f32 v60, v37  }
0x3e1: {  	v44 =	vadd.f32 v44, v38;
	v58 =	vld [tilespmem:s3+$0x10];
	v47 =	vmul.f32 v47, v37;
	v50 =	vmul.f32 v61, v37  }
0x3e2: {  	v41 =	vadd.f32 v41, v38;
	v51 =	vmul.f32 v62, v37;
	v52 =	vmul.f32 v63, v37  }
0x3e3: {  	v2 =	vmul.f32 v2, v39;
	v49 =	vmul.f32 v56, v37;
	v47 =	vadd.f32 v47, v36  }
0x3e4: {  	v50 =	vadd.f32 v50, v36;
	v63 =	vadd.f32 v51, v36;
	v1 =	vmul.f32 v1, v39  }
0x3e5: {  	v60 =	vld [tilespmem:s20+$0x70];
	v2 =	vadd.f32 v2, v38;
	v39 =	vmul.f32 v55, v18;
	v45 =	vmul.f32 v57, v40  }
0x3e6: {  	v49 =	vadd.f32 v49, v36;
	v46 =	vmul.f32 v58, v40;
	v47 =	vmul.f32 v47, v20  }
0x3e7: {  	s29 =	simm.s32 $0x100;
	v50 =	vmul.f32 v50, v22;
	v2 =	vmul.f32 v2, v8;
	v1 =	vadd.f32 v1, v38  }
0x3e8: {  	s19 =	sand.u32 $0x300, s29;
	v58 =	vld [tilespmem:s20+$0x60];
	v53 =	vadd.f32 v39, v17;
	v39 =	vadd.f32 v59, v36;
	v62 =	vmul.f32 v49, v21  }
0x3e9: {  	s15 =	sor.u32 s19, s28;
	v49 =	vmul.f32 v63, v23;
	v45 =	vadd.f32 v45, v35;
	v47 =	vadd.f32 v47, v28  }
0x3ea: {  	v54 =	vld [tilespmem:s15+$0x0];
	v48 =	vmul.f32 v60, v37;
	v46 =	vadd.f32 v46, v35;
	v59 =	vadd.f32 v50, v30  }
0x3eb: {  	v56 =	vld [tilespmem:s15+$0x20];
	v39 =	vmul.f32 v39, v19;
	v49 =	vadd.f32 v49, v31;
	v57 =	vmul.f32 v45, v18;
	[tilespmem:s20+$0x10] =	vst v47  }
0x3ec: {  	v55 =	vld [tilespmem:s15+$0x10];
	v48 =	vadd.f32 v48, v36;
	v2 =	vadd.f32 v2, v14;
	v46 =	vmul.f32 v46, v15;
	[tilespmem:s20+$0x30] =	vst v59  }
0x3ed: {  	v45 =	vmul.f32 v58, v37;
	v58 =	vadd.f32 v52, v36;
	v52 =	vld [tilespmem:s15+$0x50];
	[tilespmem:s20+$0x40] =	vst v49;
	v38 =	vadd.f32 v57, v17  }
0x3ee: {  	v42 =	vmul.f32 v42, v7;
	v61 =	vadd.f32 v39, v27;
	v39 =	vadd.f32 v62, v29;
	[tilespmem:s24+$0x20] =	vst v2;
	v57 =	vld [tilespmem:s15+$0x30]  }
0x3ef: {  	v48 =	vmul.f32 v48, v26;
	v46 =	vadd.f32 v46, v16;
	v45 =	vadd.f32 v45, v36;
	[tilespmem:s3+$0x0] =	vst v38;
	v38 =	vld [tilespmem:s12+$0xFFFFFF80]  }
0x3f0: {  	v44 =	vmul.f32 v44, v6;
	v0 =	vadd.f32 v0, v13;
	v60 =	vmul.f32 v58, v24;
	[tilespmem:s20+$0x20] =	vst v39;
	v39 =	vld [tilespmem:s5+$0xFFFFFF80]  }
0x3f1: {  	v43 =	vadd.f32 v43, v16;
	v62 =	vadd.f32 v48, v34;
	[tilespmem:s3+$0x10] =	vst v46;
	v46 =	vld [tilespmem:s15+$0x40];
	v45 =	vmul.f32 v45, v25  }
0x3f2: {  	v51 =	vld [tilespmem:s15+$0x60];
	v42 =	vadd.f32 v42, v12;
	v1 =	vmul.f32 v1, v4;
	[tilespmem:s20+$0x0] =	vst v61;
	v61 =	vadd.f32 v60, v32  }
0x3f3: {  	v41 =	vmul.f32 v41, v5;
	v44 =	vadd.f32 v44, v11;
	v50 =	vld [tilespmem:s15+$0x70];
	[tilespmem:s20+$0x70] =	vst v62;
	v45 =	vadd.f32 v45, v33  }
0x3f4: {  	s21 =	sadd.s32 $0x2C00, s26;
	v1 =	vadd.f32 v1, v10;
	v2 =	vld [tilespmem:s3+$0x50];
	[tilespmem:s20+$0x50] =	vst v61;
	v58 =	vmul.f32 v54, v38;
	v59 =	vmul.f32 v55, v38  }
0x3f5: {  	s14 =	sor.u32 s18, s21;
	v48 =	vadd.f32 v41, v9;
	[tilespmem:s20+$0x60] =	vst v45;
	v45 =	vld [tilespmem:s3+$0x20];
	v63 =	vmul.f32 v56, v38;
	v60 =	vmul.f32 v57, v38  }
0x3f6: {  	[tilespmem:s24+$0x70] =	vst v0;
	v61 =	vmul.f32 v46, v38;
	v62 =	vmul.f32 v52, v38;
	v47 =	vld [tilespmem:s14+$0x70];
	v0 =	vadd.f32 v58, v39  }
0x3f7: {  	v52 =	vld [tilespmem:s3+$0x30];
	v51 =	vmul.f32 v51, v38;
	v49 =	vadd.f32 v59, v39;
	v63 =	vadd.f32 v63, v39  }
0x3f8: {  	[tilespmem:s24+$0x10] =	vst v43;
	v50 =	vmul.f32 v50, v38;
	v57 =	vld [tilespmem:s3+$0x40];
	v60 =	vadd.f32 v60, v39;
	v61 =	vadd.f32 v61, v39  }
0x3f9: {  	[tilespmem:s24+$0x30] =	vst v42;
	v41 =	vld [tilespmem:s14+$0x0];
	v46 =	vadd.f32 v62, v39;
	v0 =	vmul.f32 v0, v19;
	v49 =	vmul.f32 v49, v20  }
0x3fa: {  	[tilespmem:s24+$0x0] =	vst v53;
	v42 =	vld [tilespmem:s14+$0x10];
	v50 =	vadd.f32 v50, v39;
	v62 =	vmul.f32 v63, v21;
	v53 =	vmul.f32 v60, v22  }
0x3fb: {  	[tilespmem:s24+$0x40] =	vst v44;
	v43 =	vld [tilespmem:s14+$0x20];
	v63 =	vadd.f32 v51, v39;
	v56 =	vmul.f32 v61, v23;
	v47 =	vmul.f32 v47, v37  }
0x3fc: {  	[tilespmem:s24+$0x60] =	vst v1;
	v58 =	vld [tilespmem:s3+$0x60];
	v46 =	vmul.f32 v46, v24;
	v50 =	vmul.f32 v50, v26;
	v0 =	vadd.f32 v0, v27  }
0x3fd: {  	[tilespmem:s24+$0x50] =	vst v48;
	v59 =	vld [tilespmem:s3+$0x70];
	v60 =	vmul.f32 v45, v40;
	v48 =	vadd.f32 v49, v28;
	v47 =	vadd.f32 v47, v36  }
0x3fe: {  	v44 =	vld [tilespmem:s14+$0x30];
	v55 =	vmul.f32 v57, v40;
	v1 =	vmul.f32 v63, v25;
	v51 =	vadd.f32 v53, v30;
	[tilespmem:s15+$0x0] =	vst v0  }
0x3ff: {  	v45 =	vld [tilespmem:s14+$0x40];
	v63 =	vadd.f32 v56, v31;
	v53 =	vadd.f32 v46, v32;
	[tilespmem:s15+$0x10] =	vst v48;
	v47 =	vmul.f32 v47, v3  }
0x400: {  	v50 =	vadd.f32 v50, v34;
	v56 =	vmul.f32 v52, v40;
	v46 =	vld [tilespmem:s14+$0x50];
	v0 =	vadd.f32 v62, v29;
	[tilespmem:s15+$0x30] =	vst v51  }
0x401: {  	v52 =	vmul.f32 v58, v40;
	v54 =	vadd.f32 v1, v33;
	[tilespmem:s15+$0x40] =	vst v63;
	v49 =	vadd.f32 v47, v13;
	v47 =	vld [tilespmem:s14+$0x60]  }
0x402: {  	s16 =	sor.u32 s19, s21;
	s18 =	simm.s32 $0x2;
	v51 =	vmul.f32 v2, v40;
	v48 =	vadd.f32 v60, v35;
	v40 =	vmul.f32 v59, v40;
	[tilespmem:s15+$0x20] =	vst v0  }
.LBB2_7:
0x403: {  	s18 =	sadd.s32 $0x2, s18;
	v0 =	vmul.f32 v41, v37;
	v1 =	vmul.f32 v42, v37;
	[tilespmem:s14+$0x70] =	vst v49;
	v2 =	vadd.f32 v56, v35  }
0x404: {  	v41 =	vmul.f32 v43, v37;
	v42 =	vmul.f32 v44, v37;
	v43 =	vadd.f32 v55, v35;
	s17 =	sadd.s32 s0, s18;
	p0 =	slt.u32 s18, $0xE;
	[tilespmem:s15+$0x50] =	vst v53  }
0x405: {  	v44 =	vmul.f32 v45, v37;
	v45 =	vmul.f32 v46, v37;
	v46 =	vadd.f32 v51, v35;
	s17 =	sshrl.u32 s17, $0x3;
	[tilespmem:s15+$0x60] =	vst v54  }
0x406: {  	v47 =	vmul.f32 v47, v37;
	v49 =	vadd.f32 v52, v35;
	s17 =	smul.u32 $0x6000, s17;
	[tilespmem:s15+$0x70] =	vst v50;
	v50 =	vadd.f32 v40, v35  }
0x407: {  	v48 =	vmul.f32 v48, v8;
	v0 =	vadd.f32 v0, v36;
	v1 =	vadd.f32 v1, v36;
	v40 =	vmovc v38;
	v51 =	vld [tilespmem:s16+$0x0]  }
0x408: {  	s5 =	sadd.s32 $0x100, s5;
	s10 =	sadd.s32 $0x100, s10;
	v41 =	vadd.f32 v41, v36;
	v42 =	vadd.f32 v42, v36;
	v2 =	vmul.f32 v2, v7;
	v35 =	vmovc v39;
	s19 =	sshra.s32 s17, $0x2;
	v38 =	vld [tilespmem:s16+$0x10]  }
0x409: {  	s12 =	sadd.s32 $0x100, s12;
	s20 =	sand.u32 $0x380, s10;
	v44 =	vadd.f32 v44, v36;
	v45 =	vadd.f32 v45, v36;
	v43 =	vmul.f32 v43, v6;
	s15 =	sadd.s32 $0x2800, s19;
	v39 =	vld [tilespmem:s5+$0x0]  }
0x40a: {  	v36 =	vadd.f32 v47, v36;
	v46 =	vmul.f32 v46, v5;
	v47 =	vmul.f32 v49, v4;
	s17 =	sadd.s32 $0xFFFFFF80, s10;
	v37 =	vld [tilespmem:s12+$0x0];
	s21 =	sor.u32 s20, s15  }
0x40b: {  	v48 =	vadd.f32 v48, v14;
	v0 =	vmul.f32 v0, v18;
	v50 =	vmul.f32 v50, v3;
	s22 =	sand.u32 $0x300, s17;
	v49 =	vld [tilespmem:s21+$0x0]  }
0x40c: {  	v1 =	vmul.f32 v1, v15;
	v2 =	vadd.f32 v2, v12;
	s15 =	sor.u32 s22, s15;
	v52 =	vld [tilespmem:s21+$0x10];
	v51 =	vmul.f32 v51, v40  }
0x40d: {  	v41 =	vmul.f32 v41, v8;
	v43 =	vadd.f32 v43, v11;
	v53 =	vld [tilespmem:s21+$0x20];
	v38 =	vmul.f32 v38, v40;
	[tilespmem:s3+$0x20] =	vst v48  }
0x40e: {  	v42 =	vmul.f32 v42, v7;
	v44 =	vmul.f32 v44, v6;
	v48 =	vld [tilespmem:s21+$0x30];
	v51 =	vadd.f32 v51, v35;
	[tilespmem:s3+$0x30] =	vst v2  }
0x40f: {  	v45 =	vmul.f32 v45, v5;
	v54 =	vmul.f32 v36, v4;
	v2 =	vld [tilespmem:s21+$0x40];
	v38 =	vadd.f32 v38, v35;
	[tilespmem:s3+$0x40] =	vst v43  }
0x410: {  	v46 =	vadd.f32 v46, v9;
	v47 =	vadd.f32 v47, v10;
	v36 =	vmovc v39;
	v43 =	vld [tilespmem:s21+$0x50];
	v51 =	vmul.f32 v51, v18  }
0x411: {  	v0 =	vadd.f32 v0, v17;
	v50 =	vadd.f32 v50, v13;
	v39 =	vld [tilespmem:s21+$0x60];
	v38 =	vmul.f32 v38, v15  }
0x412: {  	v1 =	vadd.f32 v1, v16;
	v49 =	vmul.f32 v49, v37;
	v55 =	vld [tilespmem:s21+$0x70];
	v51 =	vadd.f32 v51, v17;
	[tilespmem:s3+$0x50] =	vst v46  }
0x413: {  	v41 =	vadd.f32 v41, v14;
	v52 =	vmul.f32 v52, v37;
	v46 =	vld [tilespmem:s15+$0x0];
	v38 =	vadd.f32 v38, v16;
	[tilespmem:s3+$0x60] =	vst v47  }
0x414: {  	v49 =	vadd.f32 v49, v36;
	v53 =	vmul.f32 v53, v37;
	v48 =	vmul.f32 v48, v37;
	v47 =	vld [tilespmem:s15+$0x10];
	[tilespmem:s16+$0x0] =	vst v51  }
0x415: {  	v52 =	vadd.f32 v52, v36;
	v2 =	vmul.f32 v2, v37;
	v51 =	vld [tilespmem:s15+$0x20];
	v43 =	vmul.f32 v43, v37;
	[tilespmem:s16+$0x10] =	vst v38  }
0x416: {  	v38 =	vmul.f32 v49, v19;
	v49 =	vadd.f32 v53, v36;
	v56 =	vld [tilespmem:s15+$0x30];
	v39 =	vmul.f32 v39, v37;
	[tilespmem:s3+$0x70] =	vst v50;
	s3 =	smov.u32 s16  }
0x417: {  	v52 =	vmul.f32 v52, v20;
	v48 =	vadd.f32 v48, v36;
	v50 =	vld [tilespmem:s15+$0x40];
	v53 =	vmul.f32 v55, v37;
	[tilespmem:s14+$0x0] =	vst v0  }
0x418: {  	v2 =	vadd.f32 v2, v36;
	v38 =	vadd.f32 v38, v27;
	v49 =	vmul.f32 v49, v21;
	v0 =	vld [tilespmem:s15+$0x50];
	[tilespmem:s14+$0x10] =	vst v1  }
0x419: {  	v52 =	vadd.f32 v52, v28;
	v48 =	vmul.f32 v48, v22;
	v43 =	vadd.f32 v43, v36;
	v1 =	vld [tilespmem:s15+$0x60];
	[tilespmem:s14+$0x20] =	vst v41  }
0x41a: {  	v2 =	vmul.f32 v2, v23;
	v55 =	vadd.f32 v39, v36;
	v49 =	vadd.f32 v49, v29;
	v41 =	vld [tilespmem:s15+$0x70];
	[tilespmem:s21+$0x0] =	vst v38  }
0x41b: {  	v48 =	vadd.f32 v48, v30;
	v43 =	vmul.f32 v43, v24;
	v38 =	vld [tilespmem:s12+$0xFFFFFF80];
	[tilespmem:s21+$0x10] =	vst v52;
	v52 =	vadd.f32 v53, v36  }
0x41c: {  	v42 =	vadd.f32 v42, v12;
	v2 =	vadd.f32 v2, v31;
	v39 =	vld [tilespmem:s5+$0xFFFFFF80];
	[tilespmem:s21+$0x20] =	vst v49;
	v49 =	vmul.f32 v55, v25  }
0x41d: {  	v44 =	vadd.f32 v44, v11;
	v43 =	vadd.f32 v43, v32;
	[tilespmem:s21+$0x30] =	vst v48;
	v48 =	vmul.f32 v52, v26;
	v52 =	vld [tilespmem:s3+$0x20]  }
0x41e: {  	v45 =	vadd.f32 v45, v9;
	[tilespmem:s21+$0x40] =	vst v2;
	v2 =	vadd.f32 v49, v33;
	v49 =	vld [tilespmem:s3+$0x30]  }
0x41f: {  	v53 =	vadd.f32 v54, v10;
	[tilespmem:s21+$0x50] =	vst v43;
	v43 =	vadd.f32 v48, v34;
	v48 =	vld [tilespmem:s3+$0x40]  }
0x420: {  	s17 =	sadd.s32 $0x2C00, s19;
	v46 =	vmul.f32 v46, v38;
	v47 =	vmul.f32 v47, v38;
	[tilespmem:s21+$0x60] =	vst v2;
	v2 =	vld [tilespmem:s3+$0x50]  }
0x421: {  	s16 =	sor.u32 s22, s17;
	s17 =	sor.u32 s20, s17;
	v51 =	vmul.f32 v51, v38;
	v54 =	vmul.f32 v56, v38;
	[tilespmem:s21+$0x70] =	vst v43;
	v57 =	vld [tilespmem:s3+$0x60]  }
0x422: {  	v0 =	vmul.f32 v0, v38;
	v43 =	vadd.f32 v46, v39;
	v46 =	vmul.f32 v50, v38;
	v50 =	vld [tilespmem:s17+$0x70];
	[tilespmem:s14+$0x30] =	vst v42  }
0x423: {  	v1 =	vmul.f32 v1, v38;
	v42 =	vadd.f32 v47, v39;
	v47 =	vmul.f32 v41, v38;
	v58 =	vld [tilespmem:s3+$0x70];
	[tilespmem:s14+$0x40] =	vst v44  }
0x424: {  	v44 =	vmul.f32 v43, v19;
	v43 =	vadd.f32 v51, v39;
	v51 =	vadd.f32 v54, v39;
	v41 =	vld [tilespmem:s17+$0x0];
	[tilespmem:s14+$0x50] =	vst v45  }
0x425: {  	v0 =	vadd.f32 v0, v39;
	v45 =	vmul.f32 v42, v20;
	v46 =	vadd.f32 v46, v39;
	v42 =	vld [tilespmem:s17+$0x10];
	[tilespmem:s14+$0x60] =	vst v53;
	s14 =	smov.u32 s17  }
0x426: {  	v1 =	vadd.f32 v1, v39;
	v47 =	vadd.f32 v47, v39;
	v53 =	vmul.f32 v43, v21;
	v43 =	vld [tilespmem:s14+$0x20]  }
0x427: {  	v54 =	vadd.f32 v44, v27;
	v51 =	vmul.f32 v51, v22;
	v44 =	vld [tilespmem:s14+$0x30];
	v50 =	vmul.f32 v50, v37  }
0x428: {  	v0 =	vmul.f32 v0, v24;
	v55 =	vadd.f32 v45, v28;
	v56 =	vmul.f32 v46, v23;
	v45 =	vld [tilespmem:s14+$0x40]  }
0x429: {  	v1 =	vmul.f32 v1, v25;
	v59 =	vmul.f32 v47, v26;
	[tilespmem:s15+$0x0] =	vst v54;
	v46 =	vld [tilespmem:s14+$0x50];
	v50 =	vadd.f32 v50, v36  }
.Ltmp2:
0x42a: {  	v52 =	vmul.f32 v52, v40;
	v51 =	vadd.f32 v51, v30;
	v54 =	vadd.f32 v53, v29;
	[tilespmem:s15+$0x10] =	vst v55;
	v47 =	vld [tilespmem:s14+$0x60];
	(pc) =	sbr.rel @p0 .LBB2_7-.Ltmp2, $4  }
0x42b: {  	v60 =	vadd.f32 v56, v31;
	v53 =	vadd.f32 v0, v32;
	v0 =	vmul.f32 v50, v3  }
0x42c: {  	v56 =	vmul.f32 v49, v40;
	v50 =	vadd.f32 v59, v34;
	[tilespmem:s15+$0x20] =	vst v54;
	v54 =	vadd.f32 v1, v33  }
0x42d: {  	v55 =	vmul.f32 v48, v40;
	[tilespmem:s15+$0x30] =	vst v51;
	v49 =	vadd.f32 v0, v13;
	v51 =	vmul.f32 v2, v40  }
0x42e: {  	v48 =	vadd.f32 v52, v35;
	v52 =	vmul.f32 v57, v40;
	v40 =	vmul.f32 v58, v40;
	[tilespmem:s15+$0x40] =	vst v60  }
0x42f: {  	[tilespmem:s15+$0x50] =	vst v53  }
0x430: {  	[tilespmem:s15+$0x60] =	vst v54  }
0x431: {  	[tilespmem:s15+$0x70] =	vst v50  }
0x432: {  	v0 =	vld [tilespmem:s16+$0x0]  }
0x433: {  	v2 =	vmul.f32 v41, v37;
	v19 =	vmul.f32 v42, v37;
	v1 =	vld [tilespmem:s16+$0x10]  }
0x434: {  	v20 =	vadd.f32 v56, v35;
	v21 =	vmul.f32 v43, v37;
	v22 =	vmul.f32 v44, v37  }
0x435: {  	v23 =	vadd.f32 v55, v35;
	v24 =	vmul.f32 v45, v37;
	v25 =	vmul.f32 v46, v37  }
0x436: {  	v26 =	vadd.f32 v51, v35;
	v27 =	vmul.f32 v47, v37;
	v28 =	vadd.f32 v52, v35  }
0x437: {  	v29 =	vadd.f32 v40, v35;
	v30 =	vmul.f32 v48, v8;
	v0 =	vmul.f32 v0, v38  }
0x438: {  	v2 =	vadd.f32 v2, v36;
	v20 =	vmul.f32 v20, v7;
	v1 =	vmul.f32 v1, v38  }
0x439: {  	v19 =	vadd.f32 v19, v36;
	v23 =	vmul.f32 v23, v6;
	v0 =	vadd.f32 v0, v39  }
0x43a: {  	v20 =	vadd.f32 v20, v12;
	v2 =	vmul.f32 v2, v18;
	v1 =	vadd.f32 v1, v39  }
0x43b: {  	[tilespmem:s14+$0x70] =	vst v49;
	v21 =	vadd.f32 v21, v36;
	v23 =	vadd.f32 v23, v11;
	v0 =	vmul.f32 v0, v18  }
0x43c: {  	v22 =	vadd.f32 v22, v36;
	[tilespmem:s3+$0x30] =	vst v20;
	v2 =	vadd.f32 v2, v17;
	v1 =	vmul.f32 v1, v15  }
0x43d: {  	v24 =	vadd.f32 v24, v36;
	[tilespmem:s3+$0x40] =	vst v23;
	v18 =	vmul.f32 v29, v3;
	v0 =	vadd.f32 v0, v17  }
0x43e: {  	v30 =	vadd.f32 v30, v14;
	v23 =	vld [tilespmem:s16+$0x40];
	[tilespmem:s14+$0x0] =	vst v2;
	v15 =	vmul.f32 v19, v15;
	v1 =	vadd.f32 v1, v16  }
0x43f: {  	v18 =	vadd.f32 v18, v13;
	v17 =	vld [tilespmem:s16+$0x60];
	[tilespmem:s16+$0x0] =	vst v0;
	v0 =	vadd.f32 v25, v36;
	v25 =	vmul.f32 v26, v5  }
0x440: {  	v22 =	vmul.f32 v22, v7;
	v15 =	vadd.f32 v15, v16;
	[tilespmem:s16+$0x10] =	vst v1;
	v1 =	vadd.f32 v27, v36;
	v27 =	vld [tilespmem:s16+$0x20]  }
0x441: {  	v19 =	vmul.f32 v21, v8;
	v26 =	vmul.f32 v28, v4;
	[tilespmem:s3+$0x70] =	vst v18;
	v18 =	vld [tilespmem:s16+$0x70];
	v20 =	vadd.f32 v25, v9  }
0x442: {  	v24 =	vmul.f32 v24, v6;
	v2 =	vadd.f32 v22, v12;
	[tilespmem:s14+$0x10] =	vst v15;
	v25 =	vld [tilespmem:s16+$0x30];
	v0 =	vmul.f32 v0, v5  }
0x443: {  	v16 =	vadd.f32 v19, v14;
	v15 =	vmul.f32 v23, v38;
	v21 =	vadd.f32 v26, v10;
	[tilespmem:s3+$0x50] =	vst v20;
	v20 =	vld [tilespmem:s16+$0x50]  }
0x444: {  	[tilespmem:s14+$0x30] =	vst v2;
	v1 =	vmul.f32 v1, v4;
	v2 =	vmul.f32 v17, v38;
	v0 =	vadd.f32 v0, v9  }
0x445: {  	v15 =	vadd.f32 v15, v39;
	[tilespmem:s3+$0x60] =	vst v21;
	v21 =	vadd.f32 v24, v11;
	v19 =	vmul.f32 v27, v38  }
0x446: {  	v1 =	vadd.f32 v1, v10;
	v17 =	vmul.f32 v18, v38;
	[tilespmem:s14+$0x50] =	vst v0;
	v0 =	vadd.f32 v2, v39  }
0x447: {  	[tilespmem:s14+$0x20] =	vst v16;
	v2 =	vmul.f32 v15, v6;
	v22 =	vmul.f32 v25, v38;
	v19 =	vadd.f32 v19, v39  }
0x448: {  	[tilespmem:s14+$0x60] =	vst v1;
	v1 =	vadd.f32 v17, v39;
	v0 =	vmul.f32 v0, v4;
	v16 =	vmul.f32 v20, v38  }
0x449: {  	[tilespmem:s3+$0x20] =	vst v30;
	v2 =	vadd.f32 v2, v11;
	v20 =	vadd.f32 v22, v39;
	v8 =	vmul.f32 v19, v8  }
0x44a: {  	[tilespmem:s14+$0x40] =	vst v21;
	v1 =	vmul.f32 v1, v3;
	v0 =	vadd.f32 v0, v10;
	v16 =	vadd.f32 v16, v39  }
0x44b: {  	[tilespmem:s16+$0x40] =	vst v2;
	v7 =	vmul.f32 v20, v7;
	v6 =	vadd.f32 v8, v14  }
0x44c: {  	v1 =	vadd.f32 v1, v13;
	[tilespmem:s16+$0x60] =	vst v0;
	v5 =	vmul.f32 v16, v5  }
0x44d: {  	v7 =	vadd.f32 v7, v12;
	[tilespmem:s16+$0x20] =	vst v6  }
0x44e: {  	[tilespmem:s16+$0x70] =	vst v1;
	v3 =	vadd.f32 v5, v9  }
0x44f: {  	[tilespmem:s16+$0x30] =	vst v7  }
0x450: {  	[tilespmem:s16+$0x50] =	vst v3  }
0x451: {  	v19 =	vld [tilespmem:$0x1A200]  }
0x452: {  	v20 =	vld [tilespmem:$0x1A210]  }
0x453: {  	v21 =	vld [tilespmem:$0x1A220]  }
0x454: {  	v22 =	vld [tilespmem:$0x1A230]  }
0x455: {  	v23 =	vld [tilespmem:$0x1A240]  }
0x456: {  	v24 =	vld [tilespmem:$0x1A250]  }
0x457: {  	v25 =	vld [tilespmem:$0x1A260]  }
0x458: {  	v26 =	vld [tilespmem:$0x1A270]  }
0x459: {  	v18 =	vld [tilespmem:$0x1A280]  }
0x45a: {  	v15 =	vld [tilespmem:$0x1A290]  }
0x45b: {  	v8 =	vld [tilespmem:$0x1A2A0]  }
0x45c: {  	v7 =	vld [tilespmem:$0x1A2B0]  }
0x45d: {  	v6 =	vld [tilespmem:$0x1A2C0]  }
0x45e: {  	v5 =	vld [tilespmem:$0x1A2D0]  }
0x45f: {  	v4 =	vld [tilespmem:$0x1A2E0]  }
0x460: {  	v3 =	vld [tilespmem:$0x1A2F0]  }
0x461: {  	v27 =	vld [tilespmem:$0x1A500]  }
0x462: {  	v28 =	vld [tilespmem:$0x1A510]  }
0x463: {  	v29 =	vld [tilespmem:$0x1A520]  }
0x464: {  	v30 =	vld [tilespmem:$0x1A530]  }
0x465: {  	v31 =	vld [tilespmem:$0x1A540]  }
0x466: {  	v32 =	vld [tilespmem:$0x1A550]  }
0x467: {  	v33 =	vld [tilespmem:$0x1A560]  }
0x468: {  	s18 =	sadd.s32 $0x0, s0;
	v34 =	vld [tilespmem:$0x1A570]  }
0x469: {  	s3 =	sshrl.u32 s18, $0x3;
	v17 =	vld [tilespmem:$0x1A580]  }
0x46a: {  	s3 =	smul.u32 $0x6000, s3;
	v16 =	vld [tilespmem:$0x1A590]  }
0x46b: {  	v14 =	vld [tilespmem:$0x1A5A0]  }
0x46c: {  	s19 =	simm.s32 $0x1AE80;
	s5 =	simm.s32 $0x80;
	s12 =	sshra.s32 s3, $0x2;
	v13 =	vld [tilespmem:$0x1A5B0]  }
0x46d: {  	s20 =	simm.s32 $0x1A680;
	s10 =	sand.u32 $0x380, s5;
	s17 =	sadd.s32 $0x3000, s12;
	v38 =	vld [tilespmem:s19+$0x0]  }
0x46e: {  	s21 =	sor.u32 s10, s17;
	v39 =	vld [tilespmem:s20+$0x0]  }
0x46f: {  	v0 =	vld [tilespmem:s21+$0x0]  }
0x470: {  	v1 =	vld [tilespmem:s21+$0x10]  }
0x471: {  	v2 =	vld [tilespmem:s21+$0x20]  }
0x472: {  	v55 =	vld [tilespmem:s21+$0x30]  }
0x473: {  	v56 =	vld [tilespmem:s21+$0x40]  }
0x474: {  	s22 =	simm.s32 $0x0;
	v57 =	vld [tilespmem:s21+$0x50]  }
0x475: {  	s3 =	sand.u32 $0x300, s22;
	v58 =	vld [tilespmem:s21+$0x60]  }
0x476: {  	s23 =	sor.u32 s3, s17;
	v59 =	vld [tilespmem:s21+$0x70]  }
0x477: {  	v60 =	vld [tilespmem:s23+$0x0]  }
0x478: {  	v40 =	vld [tilespmem:s20+$0xFFFFFF80]  }
0x479: {  	v61 =	vld [tilespmem:s23+$0x10];
	v0 =	vmul.f32 v0, v39  }
0x47a: {  	v12 =	vld [tilespmem:$0x1A5C0];
	v1 =	vmul.f32 v1, v39;
	v2 =	vmul.f32 v2, v39  }
0x47b: {  	v11 =	vld [tilespmem:$0x1A5D0];
	v35 =	vmul.f32 v55, v39;
	v36 =	vmul.f32 v56, v39  }
0x47c: {  	v9 =	vld [tilespmem:$0x1A5E0];
	v37 =	vmul.f32 v57, v39;
	v54 =	vmul.f32 v58, v39;
	v0 =	vadd.f32 v0, v38  }
0x47d: {  	v10 =	vld [tilespmem:$0x1A5F0];
	v41 =	vmul.f32 v59, v39;
	v59 =	vmul.f32 v60, v40;
	v1 =	vadd.f32 v1, v38  }
0x47e: {  	s25 =	sadd.s32 $0x2, s0;
	s12 =	sadd.s32 $0x3400, s12;
	v62 =	vld [tilespmem:s23+$0x20];
	v60 =	vmul.f32 v61, v40;
	v2 =	vadd.f32 v2, v38;
	v0 =	vmul.f32 v0, v19  }
0x47f: {  	s24 =	sor.u32 s10, s12;
	s10 =	sshrl.u32 s25, $0x3;
	v63 =	vld [tilespmem:s23+$0x30];
	v35 =	vadd.f32 v35, v38;
	v36 =	vadd.f32 v36, v38;
	v1 =	vmul.f32 v1, v20  }
0x480: {  	s10 =	smul.u32 $0x6000, s10;
	v49 =	vld [tilespmem:s23+$0x50];
	v37 =	vadd.f32 v37, v38;
	v2 =	vmul.f32 v2, v21;
	v0 =	vadd.f32 v0, v27  }
0x481: {  	v41 =	vadd.f32 v41, v38;
	v56 =	vmul.f32 v35, v22;
	v35 =	vld [tilespmem:s19+$0xFFFFFF80];
	v1 =	vadd.f32 v1, v28  }
0x482: {  	s26 =	sshra.s32 s10, $0x2;
	s10 =	simm.s32 $0x180;
	v55 =	vld [tilespmem:s23+$0x40];
	v46 =	vadd.f32 v54, v38;
	v37 =	vmul.f32 v37, v24;
	v2 =	vadd.f32 v2, v29;
	[tilespmem:s21+$0x0] =	vst v0  }
0x483: {  	s28 =	sadd.s32 $0x3000, s26;
	s18 =	sand.u32 $0x380, s10;
	v57 =	vld [tilespmem:s23+$0x70];
	v36 =	vmul.f32 v36, v23;
	v41 =	vmul.f32 v41, v26;
	v48 =	vadd.f32 v56, v30;
	[tilespmem:s21+$0x10] =	vst v1  }
0x484: {  	v50 =	vld [tilespmem:s23+$0x60];
	s20 =	sor.u32 s18, s28;
	v61 =	vmul.f32 v63, v40;
	v46 =	vmul.f32 v46, v25;
	v58 =	vadd.f32 v37, v32;
	[tilespmem:s21+$0x20] =	vst v2  }
0x485: {  	v47 =	vld [tilespmem:s20+$0x10];
	v63 =	vmul.f32 v49, v40;
	v41 =	vadd.f32 v41, v34;
	v0 =	vadd.f32 v36, v31;
	[tilespmem:s21+$0x30] =	vst v48  }
0x486: {  	v1 =	vadd.f32 v46, v33;
	v2 =	vmul.f32 v62, v40;
	[tilespmem:s21+$0x50] =	vst v58;
	v42 =	vadd.f32 v60, v35;
	v60 =	vld [tilespmem:s20+$0x0]  }
0x487: {  	v62 =	vmul.f32 v55, v40;
	[tilespmem:s21+$0x70] =	vst v41;
	v37 =	vadd.f32 v59, v35;
	v43 =	vadd.f32 v61, v35;
	v61 =	vld [tilespmem:s20+$0x30]  }
0x488: {  	v48 =	vmul.f32 v57, v40;
	v49 =	vadd.f32 v63, v35;
	v63 =	vld [tilespmem:s20+$0x50];
	[tilespmem:s21+$0x40] =	vst v0  }
0x489: {  	v2 =	vadd.f32 v2, v35;
	[tilespmem:s21+$0x60] =	vst v1;
	v1 =	vadd.f32 v62, v35;
	v62 =	vld [tilespmem:s20+$0x40];
	v37 =	vmul.f32 v37, v19  }
0x48a: {  	v0 =	vmul.f32 v50, v40;
	v42 =	vmul.f32 v42, v20;
	v50 =	vld [tilespmem:s24+$0x70]  }
0x48b: {  	v36 =	vadd.f32 v48, v35;
	v51 =	vld [tilespmem:s24+$0x0];
	v2 =	vmul.f32 v2, v21;
	v37 =	vadd.f32 v37, v27  }
0x48c: {  	v53 =	vld [tilespmem:s24+$0x10];
	v0 =	vadd.f32 v0, v35;
	v1 =	vmul.f32 v1, v23;
	v42 =	vadd.f32 v42, v28  }
0x48d: {  	v54 =	vld [tilespmem:s24+$0x30];
	v36 =	vmul.f32 v36, v26;
	v2 =	vadd.f32 v2, v29;
	[tilespmem:s23+$0x0] =	vst v37  }
0x48e: {  	v56 =	vld [tilespmem:s24+$0x50];
	v0 =	vmul.f32 v0, v25;
	v1 =	vadd.f32 v1, v31;
	[tilespmem:s23+$0x10] =	vst v42  }
0x48f: {  	s3 =	sor.u32 s3, s12;
	s12 =	simm.s32 $0x1A780;
	v43 =	vmul.f32 v43, v22;
	v41 =	vmul.f32 v49, v24;
	v55 =	vld [tilespmem:s24+$0x40];
	v36 =	vadd.f32 v36, v34;
	[tilespmem:s23+$0x20] =	vst v2  }
0x490: {  	v37 =	vld [tilespmem:s12+$0x0];
	v0 =	vadd.f32 v0, v33;
	[tilespmem:s23+$0x40] =	vst v1;
	v1 =	vmul.f32 v50, v39  }
0x491: {  	s5 =	simm.s32 $0x1AF80;
	v52 =	vadd.f32 v43, v30;
	v41 =	vadd.f32 v41, v32;
	v2 =	vld [tilespmem:s24+$0x20];
	[tilespmem:s23+$0x70] =	vst v36;
	v43 =	vmul.f32 v53, v39  }
0x492: {  	v59 =	vmul.f32 v51, v39;
	v36 =	vld [tilespmem:s5+$0x0];
	[tilespmem:s23+$0x60] =	vst v0;
	v0 =	vadd.f32 v1, v38  }
0x493: {  	[tilespmem:s23+$0x50] =	vst v41;
	v42 =	vmul.f32 v54, v39;
	v41 =	vmul.f32 v56, v39;
	v56 =	vld [tilespmem:s20+$0x20];
	v43 =	vadd.f32 v43, v38  }
0x494: {  	[tilespmem:s23+$0x30] =	vst v52;
	v44 =	vmul.f32 v55, v39;
	v1 =	vld [tilespmem:s24+$0x60];
	v55 =	vadd.f32 v59, v38;
	v0 =	vmul.f32 v0, v3  }
0x495: {  	v42 =	vadd.f32 v42, v38;
	v57 =	vld [tilespmem:s3+$0x0];
	v43 =	vmul.f32 v43, v15;
	v59 =	vmul.f32 v60, v37  }
0x496: {  	v44 =	vadd.f32 v44, v38;
	v58 =	vld [tilespmem:s3+$0x10];
	v47 =	vmul.f32 v47, v37;
	v50 =	vmul.f32 v61, v37  }
0x497: {  	v41 =	vadd.f32 v41, v38;
	v51 =	vmul.f32 v62, v37;
	v52 =	vmul.f32 v63, v37  }
0x498: {  	v2 =	vmul.f32 v2, v39;
	v49 =	vmul.f32 v56, v37;
	v47 =	vadd.f32 v47, v36  }
0x499: {  	v50 =	vadd.f32 v50, v36;
	v63 =	vadd.f32 v51, v36;
	v1 =	vmul.f32 v1, v39  }
0x49a: {  	v60 =	vld [tilespmem:s20+$0x70];
	v2 =	vadd.f32 v2, v38;
	v39 =	vmul.f32 v55, v18;
	v45 =	vmul.f32 v57, v40  }
0x49b: {  	v49 =	vadd.f32 v49, v36;
	v46 =	vmul.f32 v58, v40;
	v47 =	vmul.f32 v47, v20  }
0x49c: {  	s29 =	simm.s32 $0x100;
	v50 =	vmul.f32 v50, v22;
	v2 =	vmul.f32 v2, v8;
	v1 =	vadd.f32 v1, v38  }
0x49d: {  	s19 =	sand.u32 $0x300, s29;
	v58 =	vld [tilespmem:s20+$0x60];
	v53 =	vadd.f32 v39, v17;
	v39 =	vadd.f32 v59, v36;
	v62 =	vmul.f32 v49, v21  }
0x49e: {  	s15 =	sor.u32 s19, s28;
	v49 =	vmul.f32 v63, v23;
	v45 =	vadd.f32 v45, v35;
	v47 =	vadd.f32 v47, v28  }
0x49f: {  	v54 =	vld [tilespmem:s15+$0x0];
	v48 =	vmul.f32 v60, v37;
	v46 =	vadd.f32 v46, v35;
	v59 =	vadd.f32 v50, v30  }
0x4a0: {  	v56 =	vld [tilespmem:s15+$0x20];
	v39 =	vmul.f32 v39, v19;
	v49 =	vadd.f32 v49, v31;
	v57 =	vmul.f32 v45, v18;
	[tilespmem:s20+$0x10] =	vst v47  }
0x4a1: {  	v55 =	vld [tilespmem:s15+$0x10];
	v48 =	vadd.f32 v48, v36;
	v2 =	vadd.f32 v2, v14;
	v46 =	vmul.f32 v46, v15;
	[tilespmem:s20+$0x30] =	vst v59  }
0x4a2: {  	v45 =	vmul.f32 v58, v37;
	v58 =	vadd.f32 v52, v36;
	v52 =	vld [tilespmem:s15+$0x50];
	[tilespmem:s20+$0x40] =	vst v49;
	v38 =	vadd.f32 v57, v17  }
0x4a3: {  	v42 =	vmul.f32 v42, v7;
	v61 =	vadd.f32 v39, v27;
	v39 =	vadd.f32 v62, v29;
	[tilespmem:s24+$0x20] =	vst v2;
	v57 =	vld [tilespmem:s15+$0x30]  }
0x4a4: {  	v48 =	vmul.f32 v48, v26;
	v46 =	vadd.f32 v46, v16;
	v45 =	vadd.f32 v45, v36;
	[tilespmem:s3+$0x0] =	vst v38;
	v38 =	vld [tilespmem:s12+$0xFFFFFF80]  }
0x4a5: {  	v44 =	vmul.f32 v44, v6;
	v0 =	vadd.f32 v0, v10;
	v60 =	vmul.f32 v58, v24;
	[tilespmem:s20+$0x20] =	vst v39;
	v39 =	vld [tilespmem:s5+$0xFFFFFF80]  }
0x4a6: {  	v43 =	vadd.f32 v43, v16;
	v62 =	vadd.f32 v48, v34;
	[tilespmem:s3+$0x10] =	vst v46;
	v46 =	vld [tilespmem:s15+$0x40];
	v45 =	vmul.f32 v45, v25  }
0x4a7: {  	v51 =	vld [tilespmem:s15+$0x60];
	v42 =	vadd.f32 v42, v13;
	v1 =	vmul.f32 v1, v4;
	[tilespmem:s20+$0x0] =	vst v61;
	v61 =	vadd.f32 v60, v32  }
0x4a8: {  	v41 =	vmul.f32 v41, v5;
	v44 =	vadd.f32 v44, v12;
	v50 =	vld [tilespmem:s15+$0x70];
	[tilespmem:s20+$0x70] =	vst v62;
	v45 =	vadd.f32 v45, v33  }
0x4a9: {  	s21 =	sadd.s32 $0x3400, s26;
	v1 =	vadd.f32 v1, v9;
	v2 =	vld [tilespmem:s3+$0x50];
	[tilespmem:s20+$0x50] =	vst v61;
	v58 =	vmul.f32 v54, v38;
	v59 =	vmul.f32 v55, v38  }
0x4aa: {  	s14 =	sor.u32 s18, s21;
	v48 =	vadd.f32 v41, v11;
	[tilespmem:s20+$0x60] =	vst v45;
	v45 =	vld [tilespmem:s3+$0x20];
	v63 =	vmul.f32 v56, v38;
	v60 =	vmul.f32 v57, v38  }
0x4ab: {  	[tilespmem:s24+$0x70] =	vst v0;
	v61 =	vmul.f32 v46, v38;
	v62 =	vmul.f32 v52, v38;
	v47 =	vld [tilespmem:s14+$0x70];
	v0 =	vadd.f32 v58, v39  }
0x4ac: {  	v52 =	vld [tilespmem:s3+$0x30];
	v51 =	vmul.f32 v51, v38;
	v49 =	vadd.f32 v59, v39;
	v63 =	vadd.f32 v63, v39  }
0x4ad: {  	[tilespmem:s24+$0x10] =	vst v43;
	v50 =	vmul.f32 v50, v38;
	v57 =	vld [tilespmem:s3+$0x40];
	v60 =	vadd.f32 v60, v39;
	v61 =	vadd.f32 v61, v39  }
0x4ae: {  	[tilespmem:s24+$0x30] =	vst v42;
	v41 =	vld [tilespmem:s14+$0x0];
	v46 =	vadd.f32 v62, v39;
	v0 =	vmul.f32 v0, v19;
	v49 =	vmul.f32 v49, v20  }
0x4af: {  	[tilespmem:s24+$0x0] =	vst v53;
	v42 =	vld [tilespmem:s14+$0x10];
	v50 =	vadd.f32 v50, v39;
	v62 =	vmul.f32 v63, v21;
	v53 =	vmul.f32 v60, v22  }
0x4b0: {  	[tilespmem:s24+$0x40] =	vst v44;
	v43 =	vld [tilespmem:s14+$0x20];
	v63 =	vadd.f32 v51, v39;
	v56 =	vmul.f32 v61, v23;
	v47 =	vmul.f32 v47, v37  }
0x4b1: {  	[tilespmem:s24+$0x60] =	vst v1;
	v58 =	vld [tilespmem:s3+$0x60];
	v46 =	vmul.f32 v46, v24;
	v50 =	vmul.f32 v50, v26;
	v0 =	vadd.f32 v0, v27  }
0x4b2: {  	[tilespmem:s24+$0x50] =	vst v48;
	v59 =	vld [tilespmem:s3+$0x70];
	v60 =	vmul.f32 v45, v40;
	v48 =	vadd.f32 v49, v28;
	v47 =	vadd.f32 v47, v36  }
0x4b3: {  	v44 =	vld [tilespmem:s14+$0x30];
	v55 =	vmul.f32 v57, v40;
	v1 =	vmul.f32 v63, v25;
	v51 =	vadd.f32 v53, v30;
	[tilespmem:s15+$0x0] =	vst v0  }
0x4b4: {  	v45 =	vld [tilespmem:s14+$0x40];
	v63 =	vadd.f32 v56, v31;
	v53 =	vadd.f32 v46, v32;
	[tilespmem:s15+$0x10] =	vst v48;
	v47 =	vmul.f32 v47, v3  }
0x4b5: {  	v50 =	vadd.f32 v50, v34;
	v56 =	vmul.f32 v52, v40;
	v46 =	vld [tilespmem:s14+$0x50];
	v0 =	vadd.f32 v62, v29;
	[tilespmem:s15+$0x30] =	vst v51  }
0x4b6: {  	v52 =	vmul.f32 v58, v40;
	v54 =	vadd.f32 v1, v33;
	[tilespmem:s15+$0x40] =	vst v63;
	v49 =	vadd.f32 v47, v10;
	v47 =	vld [tilespmem:s14+$0x60]  }
0x4b7: {  	s18 =	simm.s32 $0x2;
	s16 =	sor.u32 s19, s21;
	v51 =	vmul.f32 v2, v40;
	v48 =	vadd.f32 v60, v35;
	v40 =	vmul.f32 v59, v40;
	[tilespmem:s15+$0x20] =	vst v0  }
.LBB2_9:
0x4b8: {  	s18 =	sadd.s32 $0x2, s18;
	v0 =	vmul.f32 v41, v37;
	v1 =	vmul.f32 v42, v37;
	[tilespmem:s14+$0x70] =	vst v49;
	v2 =	vadd.f32 v56, v35  }
0x4b9: {  	v41 =	vmul.f32 v43, v37;
	v42 =	vmul.f32 v44, v37;
	v43 =	vadd.f32 v55, v35;
	s17 =	sadd.s32 s0, s18;
	p0 =	slt.u32 s18, $0xE;
	[tilespmem:s15+$0x50] =	vst v53  }
0x4ba: {  	v44 =	vmul.f32 v45, v37;
	v45 =	vmul.f32 v46, v37;
	v46 =	vadd.f32 v51, v35;
	s17 =	sshrl.u32 s17, $0x3;
	[tilespmem:s15+$0x60] =	vst v54  }
0x4bb: {  	v47 =	vmul.f32 v47, v37;
	v49 =	vadd.f32 v52, v35;
	s17 =	smul.u32 $0x6000, s17;
	[tilespmem:s15+$0x70] =	vst v50;
	v50 =	vadd.f32 v40, v35  }
0x4bc: {  	v48 =	vmul.f32 v48, v8;
	v0 =	vadd.f32 v0, v36;
	v1 =	vadd.f32 v1, v36;
	v40 =	vmovc v38;
	v51 =	vld [tilespmem:s16+$0x0]  }
0x4bd: {  	s5 =	sadd.s32 $0x100, s5;
	s10 =	sadd.s32 $0x100, s10;
	v41 =	vadd.f32 v41, v36;
	v42 =	vadd.f32 v42, v36;
	v2 =	vmul.f32 v2, v7;
	v35 =	vmovc v39;
	s19 =	sshra.s32 s17, $0x2;
	v38 =	vld [tilespmem:s16+$0x10]  }
0x4be: {  	s12 =	sadd.s32 $0x100, s12;
	s20 =	sand.u32 $0x380, s10;
	v44 =	vadd.f32 v44, v36;
	v45 =	vadd.f32 v45, v36;
	v43 =	vmul.f32 v43, v6;
	s15 =	sadd.s32 $0x3000, s19;
	v39 =	vld [tilespmem:s5+$0x0]  }
0x4bf: {  	v36 =	vadd.f32 v47, v36;
	v46 =	vmul.f32 v46, v5;
	v47 =	vmul.f32 v49, v4;
	s17 =	sadd.s32 $0xFFFFFF80, s10;
	v37 =	vld [tilespmem:s12+$0x0];
	s21 =	sor.u32 s20, s15  }
0x4c0: {  	v48 =	vadd.f32 v48, v14;
	v0 =	vmul.f32 v0, v18;
	v50 =	vmul.f32 v50, v3;
	s22 =	sand.u32 $0x300, s17;
	v49 =	vld [tilespmem:s21+$0x0]  }
0x4c1: {  	v1 =	vmul.f32 v1, v15;
	v2 =	vadd.f32 v2, v13;
	s15 =	sor.u32 s22, s15;
	v52 =	vld [tilespmem:s21+$0x10];
	v51 =	vmul.f32 v51, v40  }
0x4c2: {  	v41 =	vmul.f32 v41, v8;
	v43 =	vadd.f32 v43, v12;
	v53 =	vld [tilespmem:s21+$0x20];
	v38 =	vmul.f32 v38, v40;
	[tilespmem:s3+$0x20] =	vst v48  }
0x4c3: {  	v42 =	vmul.f32 v42, v7;
	v44 =	vmul.f32 v44, v6;
	v48 =	vld [tilespmem:s21+$0x30];
	v51 =	vadd.f32 v51, v35;
	[tilespmem:s3+$0x30] =	vst v2  }
0x4c4: {  	v45 =	vmul.f32 v45, v5;
	v54 =	vmul.f32 v36, v4;
	v2 =	vld [tilespmem:s21+$0x40];
	v38 =	vadd.f32 v38, v35;
	[tilespmem:s3+$0x40] =	vst v43  }
0x4c5: {  	v46 =	vadd.f32 v46, v11;
	v47 =	vadd.f32 v47, v9;
	v36 =	vmovc v39;
	v43 =	vld [tilespmem:s21+$0x50];
	v51 =	vmul.f32 v51, v18  }
0x4c6: {  	v0 =	vadd.f32 v0, v17;
	v50 =	vadd.f32 v50, v10;
	v39 =	vld [tilespmem:s21+$0x60];
	v38 =	vmul.f32 v38, v15  }
0x4c7: {  	v1 =	vadd.f32 v1, v16;
	v49 =	vmul.f32 v49, v37;
	v55 =	vld [tilespmem:s21+$0x70];
	v51 =	vadd.f32 v51, v17;
	[tilespmem:s3+$0x50] =	vst v46  }
0x4c8: {  	v41 =	vadd.f32 v41, v14;
	v52 =	vmul.f32 v52, v37;
	v46 =	vld [tilespmem:s15+$0x0];
	v38 =	vadd.f32 v38, v16;
	[tilespmem:s3+$0x60] =	vst v47  }
0x4c9: {  	v49 =	vadd.f32 v49, v36;
	v53 =	vmul.f32 v53, v37;
	v48 =	vmul.f32 v48, v37;
	v47 =	vld [tilespmem:s15+$0x10];
	[tilespmem:s16+$0x0] =	vst v51  }
0x4ca: {  	v52 =	vadd.f32 v52, v36;
	v2 =	vmul.f32 v2, v37;
	v51 =	vld [tilespmem:s15+$0x20];
	v43 =	vmul.f32 v43, v37;
	[tilespmem:s16+$0x10] =	vst v38  }
0x4cb: {  	v38 =	vmul.f32 v49, v19;
	v49 =	vadd.f32 v53, v36;
	v56 =	vld [tilespmem:s15+$0x30];
	v39 =	vmul.f32 v39, v37;
	[tilespmem:s3+$0x70] =	vst v50;
	s3 =	smov.u32 s16  }
0x4cc: {  	v52 =	vmul.f32 v52, v20;
	v48 =	vadd.f32 v48, v36;
	v50 =	vld [tilespmem:s15+$0x40];
	v53 =	vmul.f32 v55, v37;
	[tilespmem:s14+$0x0] =	vst v0  }
0x4cd: {  	v2 =	vadd.f32 v2, v36;
	v38 =	vadd.f32 v38, v27;
	v49 =	vmul.f32 v49, v21;
	v0 =	vld [tilespmem:s15+$0x50];
	[tilespmem:s14+$0x10] =	vst v1  }
0x4ce: {  	v52 =	vadd.f32 v52, v28;
	v48 =	vmul.f32 v48, v22;
	v43 =	vadd.f32 v43, v36;
	v1 =	vld [tilespmem:s15+$0x60];
	[tilespmem:s14+$0x20] =	vst v41  }
0x4cf: {  	v2 =	vmul.f32 v2, v23;
	v55 =	vadd.f32 v39, v36;
	v49 =	vadd.f32 v49, v29;
	v41 =	vld [tilespmem:s15+$0x70];
	[tilespmem:s21+$0x0] =	vst v38  }
0x4d0: {  	v48 =	vadd.f32 v48, v30;
	v43 =	vmul.f32 v43, v24;
	v38 =	vld [tilespmem:s12+$0xFFFFFF80];
	[tilespmem:s21+$0x10] =	vst v52;
	v52 =	vadd.f32 v53, v36  }
0x4d1: {  	v42 =	vadd.f32 v42, v13;
	v2 =	vadd.f32 v2, v31;
	v39 =	vld [tilespmem:s5+$0xFFFFFF80];
	[tilespmem:s21+$0x20] =	vst v49;
	v49 =	vmul.f32 v55, v25  }
0x4d2: {  	v44 =	vadd.f32 v44, v12;
	v43 =	vadd.f32 v43, v32;
	[tilespmem:s21+$0x30] =	vst v48;
	v48 =	vmul.f32 v52, v26;
	v52 =	vld [tilespmem:s3+$0x20]  }
0x4d3: {  	v45 =	vadd.f32 v45, v11;
	[tilespmem:s21+$0x40] =	vst v2;
	v2 =	vadd.f32 v49, v33;
	v49 =	vld [tilespmem:s3+$0x30]  }
0x4d4: {  	v53 =	vadd.f32 v54, v9;
	[tilespmem:s21+$0x50] =	vst v43;
	v43 =	vadd.f32 v48, v34;
	v48 =	vld [tilespmem:s3+$0x40]  }
0x4d5: {  	s17 =	sadd.s32 $0x3400, s19;
	v46 =	vmul.f32 v46, v38;
	v47 =	vmul.f32 v47, v38;
	[tilespmem:s21+$0x60] =	vst v2;
	v2 =	vld [tilespmem:s3+$0x50]  }
0x4d6: {  	s16 =	sor.u32 s22, s17;
	s17 =	sor.u32 s20, s17;
	v51 =	vmul.f32 v51, v38;
	v54 =	vmul.f32 v56, v38;
	[tilespmem:s21+$0x70] =	vst v43;
	v57 =	vld [tilespmem:s3+$0x60]  }
0x4d7: {  	v0 =	vmul.f32 v0, v38;
	v43 =	vadd.f32 v46, v39;
	v46 =	vmul.f32 v50, v38;
	v50 =	vld [tilespmem:s17+$0x70];
	[tilespmem:s14+$0x30] =	vst v42  }
0x4d8: {  	v1 =	vmul.f32 v1, v38;
	v42 =	vadd.f32 v47, v39;
	v47 =	vmul.f32 v41, v38;
	v58 =	vld [tilespmem:s3+$0x70];
	[tilespmem:s14+$0x40] =	vst v44  }
0x4d9: {  	v44 =	vmul.f32 v43, v19;
	v43 =	vadd.f32 v51, v39;
	v51 =	vadd.f32 v54, v39;
	v41 =	vld [tilespmem:s17+$0x0];
	[tilespmem:s14+$0x50] =	vst v45  }
0x4da: {  	v0 =	vadd.f32 v0, v39;
	v45 =	vmul.f32 v42, v20;
	v46 =	vadd.f32 v46, v39;
	v42 =	vld [tilespmem:s17+$0x10];
	[tilespmem:s14+$0x60] =	vst v53;
	s14 =	smov.u32 s17  }
0x4db: {  	v1 =	vadd.f32 v1, v39;
	v47 =	vadd.f32 v47, v39;
	v53 =	vmul.f32 v43, v21;
	v43 =	vld [tilespmem:s14+$0x20]  }
0x4dc: {  	v54 =	vadd.f32 v44, v27;
	v51 =	vmul.f32 v51, v22;
	v44 =	vld [tilespmem:s14+$0x30];
	v50 =	vmul.f32 v50, v37  }
0x4dd: {  	v0 =	vmul.f32 v0, v24;
	v55 =	vadd.f32 v45, v28;
	v56 =	vmul.f32 v46, v23;
	v45 =	vld [tilespmem:s14+$0x40]  }
0x4de: {  	v1 =	vmul.f32 v1, v25;
	v59 =	vmul.f32 v47, v26;
	[tilespmem:s15+$0x0] =	vst v54;
	v46 =	vld [tilespmem:s14+$0x50];
	v50 =	vadd.f32 v50, v36  }
.Ltmp3:
0x4df: {  	v52 =	vmul.f32 v52, v40;
	v51 =	vadd.f32 v51, v30;
	v54 =	vadd.f32 v53, v29;
	[tilespmem:s15+$0x10] =	vst v55;
	v47 =	vld [tilespmem:s14+$0x60];
	(pc) =	sbr.rel @p0 .LBB2_9-.Ltmp3, $4  }
0x4e0: {  	v60 =	vadd.f32 v56, v31;
	v53 =	vadd.f32 v0, v32;
	v0 =	vmul.f32 v50, v3  }
0x4e1: {  	v56 =	vmul.f32 v49, v40;
	v50 =	vadd.f32 v59, v34;
	[tilespmem:s15+$0x20] =	vst v54;
	v54 =	vadd.f32 v1, v33  }
0x4e2: {  	v55 =	vmul.f32 v48, v40;
	[tilespmem:s15+$0x30] =	vst v51;
	v49 =	vadd.f32 v0, v10;
	v51 =	vmul.f32 v2, v40  }
0x4e3: {  	v48 =	vadd.f32 v52, v35;
	v52 =	vmul.f32 v57, v40;
	v40 =	vmul.f32 v58, v40;
	[tilespmem:s15+$0x40] =	vst v60  }
0x4e4: {  	v2 =	vmul.f32 v41, v37;
	v19 =	vmul.f32 v42, v37  }
0x4e5: {  	v20 =	vadd.f32 v56, v35;
	v21 =	vmul.f32 v43, v37;
	v22 =	vmul.f32 v44, v37  }
0x4e6: {  	[tilespmem:s15+$0x50] =	vst v53;
	v23 =	vadd.f32 v55, v35;
	v24 =	vmul.f32 v45, v37;
	v26 =	vadd.f32 v51, v35  }
0x4e7: {  	[tilespmem:s15+$0x60] =	vst v54;
	v25 =	vmul.f32 v46, v37;
	v28 =	vadd.f32 v52, v35;
	v29 =	vadd.f32 v40, v35  }
0x4e8: {  	[tilespmem:s15+$0x70] =	vst v50;
	v27 =	vmul.f32 v47, v37;
	v2 =	vadd.f32 v2, v36;
	v19 =	vadd.f32 v19, v36  }
0x4e9: {  	v0 =	vld [tilespmem:s16+$0x0];
	v30 =	vmul.f32 v48, v8;
	v21 =	vadd.f32 v21, v36;
	v22 =	vadd.f32 v22, v36  }
0x4ea: {  	v1 =	vld [tilespmem:s16+$0x10];
	v20 =	vmul.f32 v20, v7;
	v24 =	vadd.f32 v24, v36;
	v23 =	vmul.f32 v23, v6  }
0x4eb: {  	v33 =	vld [tilespmem:s16+$0x20];
	v62 =	vadd.f32 v25, v36;
	v63 =	vmul.f32 v26, v5;
	v30 =	vadd.f32 v30, v14  }
0x4ec: {  	[tilespmem:s14+$0x70] =	vst v49;
	v42 =	vld [tilespmem:s16+$0x40];
	v31 =	vadd.f32 v27, v36;
	v32 =	vmul.f32 v28, v4;
	v20 =	vadd.f32 v20, v13  }
0x4ed: {  	v43 =	vld [tilespmem:s16+$0x50];
	v34 =	vmul.f32 v29, v3;
	v23 =	vadd.f32 v23, v12;
	v2 =	vmul.f32 v2, v18;
	[tilespmem:s3+$0x20] =	vst v30  }
0x4ee: {  	v36 =	vld [tilespmem:s16+$0x30];
	v35 =	vadd.f32 v63, v11;
	v37 =	vmul.f32 v19, v15;
	v40 =	vmul.f32 v21, v8;
	[tilespmem:s3+$0x30] =	vst v20  }
0x4ef: {  	v22 =	vmul.f32 v22, v7;
	v24 =	vmul.f32 v24, v6;
	v41 =	vadd.f32 v32, v9;
	[tilespmem:s3+$0x40] =	vst v23  }
0x4f0: {  	v0 =	vmul.f32 v0, v38;
	v1 =	vmul.f32 v1, v38;
	[tilespmem:s3+$0x50] =	vst v35;
	v2 =	vadd.f32 v2, v17  }
0x4f1: {  	v44 =	vld [tilespmem:s16+$0x60];
	v45 =	vadd.f32 v40, v14;
	v47 =	vmul.f32 v33, v38;
	v48 =	vadd.f32 v22, v13;
	[tilespmem:s3+$0x60] =	vst v41  }
0x4f2: {  	v46 =	vld [tilespmem:s16+$0x70];
	v49 =	vadd.f32 v24, v12;
	v51 =	vmul.f32 v42, v38;
	v0 =	vadd.f32 v0, v39;
	[tilespmem:s14+$0x0] =	vst v2  }
0x4f3: {  	v52 =	vmul.f32 v43, v38;
	v50 =	vmul.f32 v36, v38;
	v1 =	vadd.f32 v1, v39;
	[tilespmem:s14+$0x20] =	vst v45  }
0x4f4: {  	v19 =	vadd.f32 v47, v39;
	[tilespmem:s14+$0x30] =	vst v48;
	v0 =	vmul.f32 v0, v18;
	v18 =	vadd.f32 v34, v10  }
0x4f5: {  	[tilespmem:s14+$0x40] =	vst v49;
	v53 =	vadd.f32 v50, v39;
	v1 =	vmul.f32 v1, v15;
	v15 =	vadd.f32 v37, v16  }
0x4f6: {  	v54 =	vmul.f32 v44, v38;
	v55 =	vmul.f32 v19, v8;
	v0 =	vadd.f32 v0, v17;
	[tilespmem:s3+$0x70] =	vst v18  }
0x4f7: {  	v56 =	vmul.f32 v46, v38;
	v57 =	vmul.f32 v53, v7;
	v1 =	vadd.f32 v1, v16;
	[tilespmem:s14+$0x10] =	vst v15  }
0x4f8: {  	v15 =	vadd.f32 v51, v39;
	v60 =	vadd.f32 v55, v14;
	[tilespmem:s16+$0x0] =	vst v0;
	v0 =	vmul.f32 v62, v5  }
0x4f9: {  	v16 =	vadd.f32 v52, v39;
	v7 =	vadd.f32 v57, v13;
	[tilespmem:s16+$0x10] =	vst v1;
	v1 =	vmul.f32 v31, v4  }
0x4fa: {  	v58 =	vadd.f32 v54, v39;
	v59 =	vmul.f32 v15, v6;
	[tilespmem:s16+$0x20] =	vst v60;
	v0 =	vadd.f32 v0, v11  }
0x4fb: {  	v61 =	vadd.f32 v56, v39;
	v62 =	vmul.f32 v16, v5;
	[tilespmem:s16+$0x30] =	vst v7;
	v1 =	vadd.f32 v1, v9  }
0x4fc: {  	s0 =	sshll.u32 s31, $0x4;
	v2 =	vadd.f32 v59, v12;
	[tilespmem:s14+$0x50] =	vst v0;
	v0 =	vmul.f32 v58, v4  }
0x4fd: {  	s0 =	sadd.s32 s7, s0;
	v63 =	vadd.f32 v62, v11;
	[tilespmem:s14+$0x60] =	vst v1;
	v1 =	vmul.f32 v61, v3  }
0x4fe: {  	s28 =	smul.u32 $0xC000, s4;
	s0 =	sshrl.u32 s0, $0x3;
	[tilespmem:s16+$0x40] =	vst v2;
	v0 =	vadd.f32 v0, v9  }
0x4ff: {  	s0 =	smul.u32 $0x300, s0;
	[tilespmem:s16+$0x50] =	vst v63;
	v1 =	vadd.f32 v1, v10  }
0x500: {  	s29 =	sadd.s32 $0x9, s4;
	s3 =	sshrl.u32 s28, $0x2;
	[tilespmem:s16+$0x60] =	vst v0  }
0x501: {  	p0 =	sgt.u32 s31, $0x3C;
	s0 =	sadd.s32 s6, s0;
	s3 =	sadd.s32 $0x2000, s3;
	[tilespmem:s16+$0x70] =	vst v1  }
0x502: {  	[hbm4b:s0+s9] =	stream.linear.scatter [tilespmem:s3], [sflag:s29], $0x3000, $0x38;
	[tilespmem:$0x1B600] =	vst v63  }
0x503: {  	p1 =	seq.s32 @!p0 s31, $0x0;
	s0 =	sadd.s32 $0x3, s31  }
0x504: {  	p1 =	por p1, p0;
	s3 =	sand.u32 $0x3, s0  }
0x505: {  	s4 =	sadd.s32 @!p1 $0x9, s3  }
0x506: {  	_ =	swait.ge @!p1 [sflag:s4], $0x3000  }
0x507: {  	s5 =	sshll.u32 @!p0 s0, $0x7;
	[sflag:s4] =	ssyncset.done @!p1 $0x0  }
0x508: {  	[sflag:s4] =	ssyncadd.s32 @!p1 $0xFFFFD000;
	s4 =	sand.u32 @!p0 $0x3FFFFF80, s5  }
0x509: {  	v0 =	vld @!p0 [tilespmem:s4+$0x0];
	_ =	sdelay $0x4  }
0x50a: {  	v1 =	vshrl.u32 @!p0 v0, $0x3  }
0x50b: {  	v1 =	vmul.u32 @!p0 $0x30, v1  }
0x50c: {  	v2 =	vlaneseq.u32 @!p0;
	v0 =	vand.u32 @!p0 $0x7, v0  }
0x50d: {  	v3 =	vshrl.u32 @!p0 v2, $0x3;
	v0 =	vor.u32 @!p0 v0, v1;
	v1 =	vand.u32 @!p0 $0x7, v2  }
0x50e: {  	v3 =	vmul.u32 @!p0 $0x8, v3;
	v1 =	vperm.xlane @!p0 v0, v1;
	_ =	sdelay $0x1  }
0x50f: {  	v1 =	vadd.s32 @!p0 v3, v1;
	_ =	sdelay $0x1  }
0x510: {  	s4 =	smul.u32 @!p0 $0x3000, s3  }
0x511: {  	v2 =	vor.u32 @!p0 $0x8, v2  }
0x512: {  	vm1 =	vmmov @!p0 $0xffff;
	s12 =	simm.s32 @!p0 $0x0;
	s5 =	sadd.s32 @!p0 $0x1, s3;
	s10 =	sadd.s32 @!p0 $0x2000, s4;
	v0 =	vperm.xlane @!p0 v0, v2  }
0x513: {  	[tilespmem:s10], [sflag:s5] =	stream.indirect_vreg.gather @!p0 [hbm4b:s1+s12], $0x80, v1, vm1, $0xb8;
	[tilespmem:$0x1B600] =	vst v63  }
0x514: {  	v0 =	vadd.s32 @!p0 v3, v0;
	s10 =	sadd.s32 @!p0 $0x2800, s4  }
0x515: {  	[tilespmem:s10], [sflag:s5] =	stream.indirect_vreg.gather @!p0 [hbm4b:s11+s12], $0x80, v1, vm1, $0xb8;
	[tilespmem:$0x1B600] =	vst v63  }
0x516: {  	s0 =	sshll.u32 @!p0 s0, $0x4;
	s10 =	sadd.s32 @!p0 $0x3000, s4  }
0x517: {  	[tilespmem:s10], [sflag:s5] =	stream.indirect_vreg.gather @!p0 [hbm4b:s13+s12], $0x80, v1, vm1, $0xb8;
	[tilespmem:$0x1B600] =	vst v63  }
0x518: {  	s0 =	sadd.s32 @!p0 s8, s0;
	s10 =	sadd.s32 @!p0 $0x3800, s4  }
0x519: {  	[tilespmem:s10], [sflag:s5] =	stream.indirect_vreg.gather @!p0 [hbm4b:s1+s12], $0x80, v0, vm1, $0xb8;
	[tilespmem:$0x1B600] =	vst v63  }
0x51a: {  	s0 =	sshrl.u32 @!p0 s0, $0x3;
	s10 =	sadd.s32 @!p0 $0x4000, s4  }
0x51b: {  	[tilespmem:s10], [sflag:s5] =	stream.indirect_vreg.gather @!p0 [hbm4b:s11+s12], $0x80, v0, vm1, $0xb8;
	[tilespmem:$0x1B600] =	vst v63  }
0x51c: {  	s31 =	sadd.s32 $0x1, s31;
	s0 =	smul.u32 @!p0 $0x300, s0;
	s10 =	sadd.s32 @!p0 $0x4800, s4  }
0x51d: {  	[tilespmem:s10], [sflag:s5] =	stream.indirect_vreg.gather @!p0 [hbm4b:s13+s12], $0x80, v0, vm1, $0xb8;
	[tilespmem:$0x1B600] =	vst v63  }
0x51e: {  	s3 =	sadd.s32 @!p0 $0x5, s3;
	s0 =	sadd.s32 @!p0 s2, s0;
	s4 =	sadd.s32 @!p0 $0xE000, s4  }
0x51f: {  	[tilespmem:s4], [sflag:s3] =	stream.linear.gather @!p0 [hbm4b:s0+s12], $0x3000, $0x38;
	[tilespmem:$0x1B600] =	vst v63  }
0x520: {  	p0 =	sne.s32 s31, $0x40  }
.Ltmp4:
0x521: {  	_ = 	snop;
	(pc) =	sbr.rel @p0 .LBB2_2-.Ltmp4, $2  }
0x522: {  	_ =	sdelay $0x2  }
0x523: {  	s30 =	sadd.s32 $0x1, s30  }
0x524: {  	s0 =	simm.s32 $0x9  }
0x525: {  	_ =	swait.ge [sflag:s0], $0x3000  }
0x526: {  	[sflag:s0] =	ssyncset.done $0x0  }
0x527: {  	s29 =	simm.s32 $0xA;
	[sflag:s0] =	ssyncadd.s32 $0xFFFFD000  }
0x528: {  	_ =	swait.ge [sflag:s29], $0x3000  }
0x529: {  	[sflag:s29] =	ssyncset.done $0x0  }
0x52a: {  	s30 =	simm.s32 $0xB;
	[sflag:s29] =	ssyncadd.s32 $0xFFFFD000  }
0x52b: {  	_ =	swait.ge [sflag:s30], $0x3000  }
0x52c: {  	[sflag:s30] =	ssyncset.done $0x0  }
0x52d: {  	s3 =	simm.s32 $0xC;
	[sflag:s30] =	ssyncadd.s32 $0xFFFFD000  }
0x52e: {  	_ =	swait.ge [sflag:s3], $0x3000  }
0x52f: {  	s4 =	rddreg [dreg:$0xc]  }
0x530: {  	s31 =	rddreg [dreg:$0xb];
	s4 =	sadd.s32 $0x1, s4  }
0x531: {  	p0 =	sne.s32 s4, s31  }
.Ltmp5:
0x532: {  	_ = 	snop;
	(pc) =	sbr.rel @p0 .LBB2_1-.Ltmp5, $3  }
0x533: {  	_ =	sdelay $0x1  }
0x534: {  	[sflag:s3] =	ssyncset.done $0x0  }
0x535: {  	[sflag:s3] =	ssyncadd.s32 $0xFFFFD000  }
0x536: {  	_ =	sfence.sel $0x180000  }
0x537: {  	[bflag:$0x0] =	sbarrier.arrive $0xFFFF  }
0x538: {  	_ =	strace $0x90000047  }
0x539: {  	s0 =	stileid.u32;
	[bflag:$0x2] =	sbarrier.arrive $0xFFFF  }
0x53a: {  	p0 =	sne.s32 s0, $0x0;
	s0 =	rddreg [dreg:$0x6]  }
0x53b: {  	s0 =	sadd.s32 @!p0 $0x100000, s0  }
0x53c: {  	[sflag:s0] =	ssyncadd.tile.s32 @!p0 $0x1;
	_ =	shalt  }
.Lfunc_end2:
_tile_overlayer_lowered:
.L_overlay_start_2:
0x53d: {  	(tag) =	ssettag $0x2  }
0x53e: {  	s0 =	rddreg [dreg:$0x0];
	s2 =	stileid.u32  }
0x53f: {  	s1 =	rddreg [dreg:$0x1];
	p0 =	sne.s32 s2, $0x0  }
0x540: {  	s3 =	rddreg [dreg:$0x2];
	[bflag:$0x3] =	sbarrier.arrive $0xFFFF;
	s2 =	simm.s32 @!p0 $0x1C0D  }
0x541: {  	[timem:s3], [sflag:s2] =	dma.local @!p0 [hbm:s0], s1  }
0x542: {  	s0 =	simm.s32 @!p0 $0xD  }
0x543: {  	_ =	swait.ge @!p0 [sflag:s0], s1  }
0x544: {  	s1 =	ssub.s32 @!p0 $0x0, s1;
	[sflag:s0] =	ssyncset.done @!p0 $0x0  }
0x545: {  	[sflag:s0] =	ssyncadd.s32 @!p0 s1  }
0x546: {  	[bflag:$0x3] =	sbarrier.arrive $0xFFFF  }
0x547: {  	_ =	shalt  }

</sc_bundles>
